<compile_context>
chip_gen: v7x
topology: tpu7x:2x2x1
jax: 0.10.2.dev20260603
libtpu: 0.0.44.dev20260713+nightly
codegen_flags: <defaults>
</compile_context>

<pallas_src>
import functools

import jax
import jax.numpy as jnp
from jax import lax
from jax.experimental import pallas as pl
from jax.experimental.pallas import tpu as pltpu
from jax.experimental.pallas import tpu_sc as plsc

NC = 2
NS = 16
NW = NC * NS
L = 16


def _mm1_body(ff_ref, w_ref, b_ref, p_ref, q_ref, r_ref):
    y = jnp.dot(ff_ref[...], w_ref[...], preferred_element_type=jnp.float32)
    y = y + b_ref[...]
    d = p_ref.shape[1]
    p_ref[...] = y[:, :d]
    q_ref[...] = y[:, d:2 * d]
    r_ref[...] = y[:, 2 * d:]


def _mm2_body(u_ref, den_ref, r_ref, w_ref, o_ref):
    agg = u_ref[...] / (den_ref[:, :1] + 1e-9)
    y = jnp.dot(agg, w_ref[...], preferred_element_type=jnp.float32)
    o_ref[...] = jnp.maximum(y + r_ref[...], 0.0)


def _make_sc_kernel(n, e, d, rows_per, blk):
    n_pad = NW * rows_per
    nchunk = d // L
    nscan = blk // L
    nblk = e // blk

    mesh = plsc.VectorSubcoreMesh(core_axis_name="c", subcore_axis_name="s")

    def body(p_hbm, q_hbm, src_hbm, dst_hbm, wa_hbm, ba_hbm,
             u_hbm, den_hbm,
             acc_u, acc_d, wa_v, ba_v, srcb, dstb, srcb2, dstb2, csrc, cdst,
             prows, qrows, prows2, qrows2, sem1, sem2, sem3, sem4, sem5, sem6):
        wid = lax.axis_index("s") * NC + lax.axis_index("c")
        base = wid * rows_per

        def zrow(r, _):
            def zch(ch, _):
                acc_u[r, pl.ds(ch * L, L)] = jnp.zeros((L,), jnp.float32)
                return 0
            lax.fori_loop(0, nchunk, zch, 0)
            acc_d[pl.ds(r * L, L)] = jnp.zeros((L,), jnp.float32)
            return 0
        lax.fori_loop(0, rows_per, zrow, 0)

        def zcomp(i, _):
            csrc[pl.ds(i * L, L)] = jnp.zeros((L,), jnp.int32)
            cdst[pl.ds(i * L, L)] = jnp.full((L,), base, jnp.int32)
            return 0
        lax.fori_loop(0, (4 * blk + 3 * L) // L, zcomp, 0)

        pltpu.sync_copy(wa_hbm, wa_v)
        pltpu.sync_copy(ba_hbm, ba_v)
        ba = ba_v[...]
        onehot0 = (lax.iota(jnp.int32, L) == 0).astype(jnp.float32)

        def fire_ids(b, sb, db, s):
            off = b * blk
            pltpu.async_copy(src_hbm.at[pl.ds(off, blk)], sb, s)
            pltpu.async_copy(dst_hbm.at[pl.ds(off, blk)], db, s)

        def wait_ids(sb, db, s):
            pltpu.make_async_copy(src_hbm.at[pl.ds(0, blk)], sb, s).wait()
            pltpu.make_async_copy(dst_hbm.at[pl.ds(0, blk)], db, s).wait()

        def scan_block(sb, db, cnt0):
            def scan(i, cnt):
                sv = sb[pl.ds(i * L, L)]
                dv = db[pl.ds(i * L, L)]
                msk = (dv >= base) & (dv < base + rows_per)
                plsc.store_compressed(csrc.at[pl.ds(cnt, L)], sv, mask=msk)
                plsc.store_compressed(cdst.at[pl.ds(cnt, L)], dv, mask=msk)
                return cnt + plsc.all_reduce_population_count(msk)[0]
            return lax.fori_loop(0, nscan, scan, cnt0, unroll=4)

        def fire_rows(g, pb, qb, s1, s2):
            pltpu.async_copy(p_hbm.at[csrc.at[pl.ds(g * L, L)]], pb, s1)
            pltpu.async_copy(q_hbm.at[cdst.at[pl.ds(g * L, L)]], qb, s2)

        def wait_rows(pb, qb, s1, s2):
            pltpu.make_async_copy(p_hbm.at[csrc.at[pl.ds(0, L)]],
                                  pb, s1).wait()
            pltpu.make_async_copy(q_hbm.at[cdst.at[pl.ds(0, L)]],
                                  qb, s2).wait()

        def process(g, cnt, pb, qb):
            def edge(i, _):
                j = g * L + i
                rloc = cdst[pl.ds(j, L)][0] - base
                ms = []
                acc = jnp.zeros((L,), jnp.float32)
                for ch in range(nchunk):
                    o = ch * L
                    m = jnp.maximum(pb[i, pl.ds(o, L)]
                                    + qb[i, pl.ds(o, L)], 0.0)
                    ms.append(m)
                    acc = acc + m * wa_v[pl.ds(o, L)]
                logit = jnp.sum(acc)
                valid = jnp.where(j < cnt, 1.0, 0.0)
                exv = jnp.exp(jnp.full((L,), logit, jnp.float32) + ba)
                exv = exv * valid
                for ch in range(nchunk):
                    plsc.addupdate(acc_u.at[rloc, pl.ds(ch * L, L)],
                                   exv * ms[ch])
                plsc.addupdate(acc_d.at[pl.ds(rloc * L, L)], exv * onehot0)
                return 0
            lax.fori_loop(0, L, edge, 0, unroll=2)

        def process_groups(cnt):
            ngroups = (cnt + (L - 1)) // L

            @pl.when(ngroups > 0)
            def _():
                fire_rows(0, prows, qrows, sem1, sem2)

            def pair(p, _):
                g0 = 2 * p

                @pl.when(g0 + 1 < ngroups)
                def _():
                    fire_rows(g0 + 1, prows2, qrows2, sem3, sem4)
                wait_rows(prows, qrows, sem1, sem2)
                process(g0, cnt, prows, qrows)

                @pl.when(g0 + 2 < ngroups)
                def _():
                    fire_rows(g0 + 2, prows, qrows, sem1, sem2)

                @pl.when(g0 + 1 < ngroups)
                def _():
                    wait_rows(prows2, qrows2, sem3, sem4)
                    process(g0 + 1, cnt, prows2, qrows2)
                return 0
            lax.fori_loop(0, (ngroups + 1) // 2, pair, 0)

        fire_ids(0, srcb, dstb, sem5)

        fire_ids(1, srcb2, dstb2, sem6)

        def blkquad(p, _):
            b0 = 4 * p
            wait_ids(srcb, dstb, sem5)
            cnt1 = scan_block(srcb, dstb, 0)
            wait_ids(srcb2, dstb2, sem6)
            cnt2 = scan_block(srcb2, dstb2, cnt1)
            fire_ids(b0 + 2, srcb, dstb, sem5)
            fire_ids(b0 + 3, srcb2, dstb2, sem6)
            wait_ids(srcb, dstb, sem5)
            cnt3 = scan_block(srcb, dstb, cnt2)
            wait_ids(srcb2, dstb2, sem6)
            cnt = scan_block(srcb2, dstb2, cnt3)

            @pl.when(b0 + 4 < nblk)
            def _():
                fire_ids(b0 + 4, srcb, dstb, sem5)
                fire_ids(b0 + 5, srcb2, dstb2, sem6)
            process_groups(cnt)
            return 0
        lax.fori_loop(0, nblk // 4, blkquad, 0)

        pltpu.sync_copy(acc_u, u_hbm.at[pl.ds(base, rows_per)])
        pltpu.sync_copy(acc_d, den_hbm.at[pl.ds(base * L, rows_per * L)])

    return pl.kernel(
        body,
        out_type=[jax.ShapeDtypeStruct((n_pad, d), jnp.float32),
                  jax.ShapeDtypeStruct((n_pad * L,), jnp.float32)],
        mesh=mesh,
        compiler_params=pltpu.CompilerParams(needs_layout_passes=False, disable_bounds_checks=True),
        scratch_types=[
            pltpu.VMEM((rows_per, d), jnp.float32),
            pltpu.VMEM((rows_per * L,), jnp.float32),
            pltpu.VMEM((d,), jnp.float32),
            pltpu.VMEM((L,), jnp.float32),
            pltpu.VMEM((blk,), jnp.int32),
            pltpu.VMEM((blk,), jnp.int32),
            pltpu.VMEM((blk,), jnp.int32),
            pltpu.VMEM((blk,), jnp.int32),
            pltpu.VMEM((4 * blk + 3 * L,), jnp.int32),
            pltpu.VMEM((4 * blk + 3 * L,), jnp.int32),
            pltpu.VMEM((L, d), jnp.float32),
            pltpu.VMEM((L, d), jnp.float32),
            pltpu.VMEM((L, d), jnp.float32),
            pltpu.VMEM((L, d), jnp.float32),
            pltpu.SemaphoreType.DMA,
            pltpu.SemaphoreType.DMA,
            pltpu.SemaphoreType.DMA,
            pltpu.SemaphoreType.DMA,
            pltpu.SemaphoreType.DMA,
            pltpu.SemaphoreType.DMA,
        ],
    )


def kernel(ff, edge_index, W_edge, b_edge, W_attn, b_attn, W_node, b_node):
    n, d = ff.shape
    e = edge_index.shape[1]
    rows_per = (-(-n // NW) + 7) // 8 * 8
    blk = 1600
    assert e % blk == 0 and (e // blk) % 4 == 0 and d % L == 0 and blk % L == 0

    w_cat = jnp.concatenate(
        [W_edge[:d, :], W_edge[d:, :], W_node[:d, :]], axis=1)
    b_cat = jnp.concatenate(
        [jnp.zeros((d,), jnp.float32), b_edge, b_node])[None, :]
    rb = 400
    grid = (n // rb,)
    P, Q, R = pl.pallas_call(
        _mm1_body,
        grid=grid,
        in_specs=[
            pl.BlockSpec((rb, d), lambda i: (i, 0)),
            pl.BlockSpec((d, 3 * d), lambda i: (0, 0)),
            pl.BlockSpec((1, 3 * d), lambda i: (0, 0)),
        ],
        out_specs=[
            pl.BlockSpec((rb, d), lambda i: (i, 0)),
            pl.BlockSpec((rb, d), lambda i: (i, 0)),
            pl.BlockSpec((rb, d), lambda i: (i, 0)),
        ],
        out_shape=[jax.ShapeDtypeStruct((n, d), jnp.float32)] * 3,
    )(ff, w_cat, b_cat)

    sc = _make_sc_kernel(n, e, d, rows_per, blk)
    wa = W_attn[:, 0]
    ba16 = jnp.full((L,), b_attn[0], jnp.float32)
    U, den_flat = sc(P, Q, edge_index[0], edge_index[1], wa, ba16)
    den = den_flat.reshape(-1, L)

    out = pl.pallas_call(
        _mm2_body,
        grid=grid,
        in_specs=[
            pl.BlockSpec((rb, d), lambda i: (i, 0)),
            pl.BlockSpec((rb, L), lambda i: (i, 0)),
            pl.BlockSpec((rb, d), lambda i: (i, 0)),
            pl.BlockSpec((d, d), lambda i: (0, 0)),
        ],
        out_specs=pl.BlockSpec((rb, d), lambda i: (i, 0)),
        out_shape=jax.ShapeDtypeStruct((n, d), jnp.float32),
    )(U[:n], den[:n], R, W_node[d:, :])
    return out

# --- scband reference (transcript-rebuilt; emitter-appended) ---
"""Pipeline reference for scband-func-gc-34256659153248 (READ-ONLY COPY).

The authoritative reference and input builder live on the scoring server;
editing this copy changes nothing except your own understanding.
"""

import jax, jax.numpy as jnp
import numpy as np

N = 10000   # func_group nodes
E = 160000  # f2f edges
D = 256     # feature dim


def setup_inputs(seed: int = 0) -> dict:
    key = jax.random.key(seed)
    k1, k2, k3, k4, k5 = jax.random.split(key, 5)
    ff = jax.random.normal(k1, (N, D), dtype=jnp.float32)
    edge_index = jax.random.randint(k2, (2, E), 0, N, dtype=jnp.int32)
    # MPNN sub-module parameters
    # f_edge_model: MLP([h_src, h_dst]) -> message, (2D -> D), ReLU
    W_edge = jax.random.normal(k3, (2 * D, D), dtype=jnp.float32) / np.sqrt(2 * D)
    b_edge = jnp.zeros((D,), dtype=jnp.float32)
    # f_attn_model: message -> scalar attention logit, (D -> 1)
    W_attn = jax.random.normal(k4, (D, 1), dtype=jnp.float32) / np.sqrt(D)
    b_attn = jnp.zeros((1,), dtype=jnp.float32)
    # f_node_model: MLP([h, aggregated]) -> updated node, (2D -> D), ReLU
    W_node = jax.random.normal(k5, (2 * D, D), dtype=jnp.float32) / np.sqrt(2 * D)
    b_node = jnp.zeros((D,), dtype=jnp.float32)
    return {
        "ff": ff,
        "edge_index": edge_index,
        "W_edge": W_edge,
        "b_edge": b_edge,
        "W_attn": W_attn,
        "b_attn": b_attn,
        "W_node": W_node,
        "b_node": b_node,
    }


def reference(ff, edge_index, W_edge, b_edge, W_attn, b_attn, W_node, b_node):
    src = edge_index[0]
    dst = edge_index[1]
    # f_edge_model: per-edge message from concatenated endpoint features (gather)
    h_cat = jnp.concatenate([jnp.take(ff, src, axis=0), jnp.take(ff, dst, axis=0)], axis=-1)
    m = jax.nn.relu(h_cat @ W_edge + b_edge)
    # f_attn_model: scalar logit per edge, softmax over incoming edges of each dst node
    logits = jnp.squeeze(m @ W_attn + b_attn, axis=-1)
    mx = jax.ops.segment_max(logits, dst, num_segments=N)
    mx = jnp.where(jnp.isfinite(mx), mx, 0.0)
    ex = jnp.exp(logits - jnp.take(mx, dst, axis=0))
    denom = jax.ops.segment_sum(ex, dst, num_segments=N)
    alpha = ex / (jnp.take(denom, dst, axis=0) + 1e-9)
    # attention-weighted scatter-add aggregation to dst nodes
    agg = jax.ops.segment_sum(alpha[:, None] * m, dst, num_segments=N)
    # f_node_model: node update from [old feat, aggregated messages]
    out = jax.nn.relu(jnp.concatenate([ff, agg], axis=-1) @ W_node + b_node)
    return out

if __name__ == "__main__":
    import jax
    _d = setup_inputs()
    print(jax.jit(kernel)(*tuple(_d.values())))

</pallas_src>

<mosaic_0001>
#map = affine_map<(d0, d1) -> (0, 0)>
#map1 = affine_map<(d0, d1) -> (0)>
module attributes {stable_mosaic.version = 14 : i64} {
  func.func @body(%arg0: i32, %arg1: i32, %arg2: memref<10000x256xf32, #tpu.memory_space<hbm>>, %arg3: memref<10000x256xf32, #tpu.memory_space<hbm>>, %arg4: memref<160000xi32, #tpu.memory_space<hbm>>, %arg5: memref<160000xi32, #tpu.memory_space<hbm>>, %arg6: memref<256xf32, #tpu.memory_space<hbm>>, %arg7: memref<16xf32, #tpu.memory_space<hbm>>, %arg8: memref<10240x256xf32, #tpu.memory_space<hbm>>, %arg9: memref<163840xf32, #tpu.memory_space<hbm>>, %arg10: memref<320x256xf32, #tpu.memory_space<vmem>>, %arg11: memref<5120xf32, #tpu.memory_space<vmem>>, %arg12: memref<256xf32, #tpu.memory_space<vmem>>, %arg13: memref<16xf32, #tpu.memory_space<vmem>>, %arg14: memref<1600xi32, #tpu.memory_space<vmem>>, %arg15: memref<1600xi32, #tpu.memory_space<vmem>>, %arg16: memref<1600xi32, #tpu.memory_space<vmem>>, %arg17: memref<1600xi32, #tpu.memory_space<vmem>>, %arg18: memref<6448xi32, #tpu.memory_space<vmem>>, %arg19: memref<6448xi32, #tpu.memory_space<vmem>>, %arg20: memref<16x256xf32, #tpu.memory_space<vmem>>, %arg21: memref<16x256xf32, #tpu.memory_space<vmem>>, %arg22: memref<16x256xf32, #tpu.memory_space<vmem>>, %arg23: memref<16x256xf32, #tpu.memory_space<vmem>>, %arg24: memref<!tpu.dma_semaphore, #tpu.memory_space<semaphore_mem>>, %arg25: memref<!tpu.dma_semaphore, #tpu.memory_space<semaphore_mem>>, %arg26: memref<!tpu.dma_semaphore, #tpu.memory_space<semaphore_mem>>, %arg27: memref<!tpu.dma_semaphore, #tpu.memory_space<semaphore_mem>>, %arg28: memref<!tpu.dma_semaphore, #tpu.memory_space<semaphore_mem>>, %arg29: memref<!tpu.dma_semaphore, #tpu.memory_space<semaphore_mem>>) attributes {dimension_semantics = [#tpu.dimension_semantics<core_parallel>, #tpu.dimension_semantics<subcore_parallel>], iteration_bounds = array<i64: 2, 16>, scalar_prefetch = 0 : i64, scratch_operands = 20 : i64, tpu.core_type = #tpu.core_type<sc_vector_subcore>, window_params = [{transform_indices = #map}, {transform_indices = #map}, {transform_indices = #map1}, {transform_indices = #map1}, {transform_indices = #map1}, {transform_indices = #map1}, {transform_indices = #map}, {transform_indices = #map1}]} {
    %mul3A = arith.constant 2 : i32
    %mul3A_0 = arith.muli %arg1, %mul3A : i32
    %add3A = arith.addi %mul3A_0, %arg0 : i32
    %mul3A_1 = arith.constant 320 : i32
    %mul3A_2 = arith.muli %add3A, %mul3A_1 : i32
    %scan3A = arith.constant 0 : i32
    %scan3A_3 = arith.constant 0 : i32
    %scan3A_4 = arith.constant 320 : i32
    %scan3A_5 = arith.addi %scan3A_3, %scan3A_4 : i32
    %scan3A_6 = arith.constant 1 : i32
    %scan3A_7 = scf.for %scan3A_44 = %scan3A_3 to %scan3A_5 step %scan3A_6 iter_args(%scan3A_45 = %scan3A) -> (i32)  : i32 {
      %scan3A_46 = arith.constant 0 : i32
      %scan3A_47 = arith.constant 0 : i32
      %scan3A_48 = arith.constant 16 : i32
      %scan3A_49 = arith.addi %scan3A_47, %scan3A_48 : i32
      %scan3A_50 = arith.constant 1 : i32
      %scan3A_51 = scf.for %scan3A_58 = %scan3A_47 to %scan3A_49 step %scan3A_50 iter_args(%scan3A_59 = %scan3A_46) -> (i32)  : i32 {
        %broadcast_in_dim3A_60 = arith.constant 0.000000e+00 : f32
        %broadcast_in_dim3A_61 = vector.broadcast %broadcast_in_dim3A_60 : f32 to vector<16xf32>
        %mul3A_62 = arith.constant 16 : i32
        %mul3A_63 = arith.muli %scan3A_58, %mul3A_62 : i32
        %swap3A_64 = arith.index_cast %scan3A_44 : i32 to index
        %swap3A_65 = arith.index_cast %mul3A_63 : i32 to index
        %swap3A_66 = tpu.vector_load %arg10[%swap3A_64, %swap3A_65] {strides = array<i32>} : memref<320x256xf32, #tpu.memory_space<vmem>>, vector<16xf32>,
        tpu.vector_store %arg10[%swap3A_64, %swap3A_65], %broadcast_in_dim3A_61 {strides = array<i32>} : memref<320x256xf32, #tpu.memory_space<vmem>>, vector<16xf32>,
        %scan3A_67 = arith.constant 0 : i32
        scf.yield %scan3A_67 : i32
      }
      %scan3A_52 = arith.constant 16 : i32
      %broadcast_in_dim3A = arith.constant 0.000000e+00 : f32
      %broadcast_in_dim3A_53 = vector.broadcast %broadcast_in_dim3A : f32 to vector<16xf32>
      %mul3A_54 = arith.constant 16 : i32
      %mul3A_55 = arith.muli %scan3A_44, %mul3A_54 : i32
      %swap3A = arith.index_cast %mul3A_55 : i32 to index
      %swap3A_56 = tpu.vector_load %arg11[%swap3A] {strides = array<i32>} : memref<5120xf32, #tpu.memory_space<vmem>>, vector<16xf32>,
      tpu.vector_store %arg11[%swap3A], %broadcast_in_dim3A_53 {strides = array<i32>} : memref<5120xf32, #tpu.memory_space<vmem>>, vector<16xf32>,
      %scan3A_57 = arith.constant 0 : i32
      scf.yield %scan3A_57 : i32
    }
    %scan3A_8 = arith.constant 320 : i32
    %scan3A_9 = arith.constant 0 : i32
    %scan3A_10 = arith.constant 0 : i32
    %scan3A_11 = arith.constant 403 : i32
    %scan3A_12 = arith.addi %scan3A_10, %scan3A_11 : i32
    %scan3A_13 = arith.constant 1 : i32
    %scan3A_14 = scf.for %scan3A_44 = %scan3A_10 to %scan3A_12 step %scan3A_13 iter_args(%scan3A_45 = %scan3A_9) -> (i32)  : i32 {
      %broadcast_in_dim3A = arith.constant 0 : i32
      %broadcast_in_dim3A_46 = vector.broadcast %broadcast_in_dim3A : i32 to vector<16xi32>
      %mul3A_47 = arith.constant 16 : i32
      %mul3A_48 = arith.muli %scan3A_44, %mul3A_47 : i32
      %swap3A = arith.index_cast %mul3A_48 : i32 to index
      %swap3A_49 = tpu.vector_load %arg18[%swap3A] {strides = array<i32>} : memref<6448xi32, #tpu.memory_space<vmem>>, vector<16xi32>,
      tpu.vector_store %arg18[%swap3A], %broadcast_in_dim3A_46 {strides = array<i32>} : memref<6448xi32, #tpu.memory_space<vmem>>, vector<16xi32>,
      %broadcast_in_dim3A_50 = vector.broadcast %mul3A_2 : i32 to vector<16xi32>
      %mul3A_51 = arith.constant 16 : i32
      %mul3A_52 = arith.muli %scan3A_44, %mul3A_51 : i32
      %swap3A_53 = arith.index_cast %mul3A_52 : i32 to index
      %swap3A_54 = tpu.vector_load %arg19[%swap3A_53] {strides = array<i32>} : memref<6448xi32, #tpu.memory_space<vmem>>, vector<16xi32>,
      tpu.vector_store %arg19[%swap3A_53], %broadcast_in_dim3A_50 {strides = array<i32>} : memref<6448xi32, #tpu.memory_space<vmem>>, vector<16xi32>,
      %scan3A_55 = arith.constant 0 : i32
      scf.yield %scan3A_55 : i32
    }
    %scan3A_15 = arith.constant 403 : i32
    "tpu.region"() ({
      %run_scoped3A = tpu.sem_alloc : memref<!tpu.dma_semaphore, #tpu.memory_space<semaphore_mem>>
      tpu.enqueue_dma source(%arg6 : memref<256xf32, #tpu.memory_space<hbm>>) target(%arg12 : memref<256xf32, #tpu.memory_space<vmem>>) target_semaphore(%run_scoped3A : memref<!tpu.dma_semaphore, #tpu.memory_space<semaphore_mem>>)
      tpu.wait_dma2 semaphore(%run_scoped3A : memref<!tpu.dma_semaphore, #tpu.memory_space<semaphore_mem>>) src(%arg6 : memref<256xf32, #tpu.memory_space<hbm>>) dst(%arg12 : memref<256xf32, #tpu.memory_space<vmem>>)
      tpu.yield
    }) : () -> ()
    "tpu.region"() ({
      %run_scoped3A = tpu.sem_alloc : memref<!tpu.dma_semaphore, #tpu.memory_space<semaphore_mem>>
      tpu.enqueue_dma source(%arg7 : memref<16xf32, #tpu.memory_space<hbm>>) target(%arg13 : memref<16xf32, #tpu.memory_space<vmem>>) target_semaphore(%run_scoped3A : memref<!tpu.dma_semaphore, #tpu.memory_space<semaphore_mem>>)
      tpu.wait_dma2 semaphore(%run_scoped3A : memref<!tpu.dma_semaphore, #tpu.memory_space<semaphore_mem>>) src(%arg7 : memref<16xf32, #tpu.memory_space<hbm>>) dst(%arg13 : memref<16xf32, #tpu.memory_space<vmem>>)
      tpu.yield
    }) : () -> ()
    %get3A = arith.constant 0 : index
    %get3A_16 = tpu.vector_load %arg13[%get3A] {strides = array<i32>} : memref<16xf32, #tpu.memory_space<vmem>>, vector<16xf32>,
    %iota3A = tpu.iota {dimensions = array<i32: 0>} : vector<16xi32>
    %eq3A = arith.constant 0 : i32
    %eq3A_17 = vector.broadcast %eq3A : i32 to vector<16xi32>
    %eq3A_18 = arith.cmpi eq, %iota3A, %eq3A_17 : vector<16xi32>
    %convert_element_type3A = arith.extui %eq3A_18 : vector<16xi1> to vector<16xi32>
    %convert_element_type3A_19 = arith.sitofp %convert_element_type3A : vector<16xi32> to vector<16xf32>
    %dma_start3A = arith.constant 0 : i32
    %dma_start3A_20 = tpu.memref_slice %arg4[%dma_start3A] : memref<160000xi32, #tpu.memory_space<hbm>> -> memref<1600xi32, #tpu.memory_space<hbm>>
    %dma_start3A_21 = arith.constant 0 : i32
    %dma_start3A_22 = tpu.memref_slice %arg4[%dma_start3A_21] : memref<160000xi32, #tpu.memory_space<hbm>> -> memref<1600xi32, #tpu.memory_space<hbm>>
    tpu.enqueue_dma source(%dma_start3A_22 : memref<1600xi32, #tpu.memory_space<hbm>>) target(%arg14 : memref<1600xi32, #tpu.memory_space<vmem>>) target_semaphore(%arg28 : memref<!tpu.dma_semaphore, #tpu.memory_space<semaphore_mem>>)
    %dma_start3A_23 = arith.constant 0 : i32
    %dma_start3A_24 = tpu.memref_slice %arg5[%dma_start3A_23] : memref<160000xi32, #tpu.memory_space<hbm>> -> memref<1600xi32, #tpu.memory_space<hbm>>
    %dma_start3A_25 = arith.constant 0 : i32
    %dma_start3A_26 = tpu.memref_slice %arg5[%dma_start3A_25] : memref<160000xi32, #tpu.memory_space<hbm>> -> memref<1600xi32, #tpu.memory_space<hbm>>
    tpu.enqueue_dma source(%dma_start3A_26 : memref<1600xi32, #tpu.memory_space<hbm>>) target(%arg15 : memref<1600xi32, #tpu.memory_space<vmem>>) target_semaphore(%arg28 : memref<!tpu.dma_semaphore, #tpu.memory_space<semaphore_mem>>)
    %dma_start3A_27 = arith.constant 1600 : i32
    %dma_start3A_28 = tpu.memref_slice %arg4[%dma_start3A_27] : memref<160000xi32, #tpu.memory_space<hbm>> -> memref<1600xi32, #tpu.memory_space<hbm>>
    %dma_start3A_29 = arith.constant 1600 : i32
    %dma_start3A_30 = tpu.memref_slice %arg4[%dma_start3A_29] : memref<160000xi32, #tpu.memory_space<hbm>> -> memref<1600xi32, #tpu.memory_space<hbm>>
    tpu.enqueue_dma source(%dma_start3A_30 : memref<1600xi32, #tpu.memory_space<hbm>>) target(%arg16 : memref<1600xi32, #tpu.memory_space<vmem>>) target_semaphore(%arg29 : memref<!tpu.dma_semaphore, #tpu.memory_space<semaphore_mem>>)
    %dma_start3A_31 = arith.constant 1600 : i32
    %dma_start3A_32 = tpu.memref_slice %arg5[%dma_start3A_31] : memref<160000xi32, #tpu.memory_space<hbm>> -> memref<1600xi32, #tpu.memory_space<hbm>>
    %dma_start3A_33 = arith.constant 1600 : i32
    %dma_start3A_34 = tpu.memref_slice %arg5[%dma_start3A_33] : memref<160000xi32, #tpu.memory_space<hbm>> -> memref<1600xi32, #tpu.memory_space<hbm>>
    tpu.enqueue_dma source(%dma_start3A_34 : memref<1600xi32, #tpu.memory_space<hbm>>) target(%arg17 : memref<1600xi32, #tpu.memory_space<vmem>>) target_semaphore(%arg29 : memref<!tpu.dma_semaphore, #tpu.memory_space<semaphore_mem>>)
    %scan3A_35 = arith.constant 0 : i32
    %scan3A_36 = arith.constant 0 : i32
    %scan3A_37 = arith.constant 25 : i32
    %scan3A_38 = arith.addi %scan3A_36, %scan3A_37 : i32
    %scan3A_39 = arith.constant 1 : i32
    %scan3A_40 = scf.for %scan3A_44 = %scan3A_36 to %scan3A_38 step %scan3A_39 iter_args(%scan3A_45 = %scan3A_35) -> (i32)  : i32 {
      %mul3A_46 = arith.constant 4 : i32
      %mul3A_47 = arith.muli %mul3A_46, %scan3A_44 : i32
      %dma_wait3A = arith.constant 0 : i32
      %dma_wait3A_48 = tpu.memref_slice %arg4[%dma_wait3A] : memref<160000xi32, #tpu.memory_space<hbm>> -> memref<1600xi32, #tpu.memory_space<hbm>>
      %dma_wait3A_49 = arith.constant 0 : i32
      %dma_wait3A_50 = tpu.memref_slice %arg4[%dma_wait3A_49] : memref<160000xi32, #tpu.memory_space<hbm>> -> memref<1600xi32, #tpu.memory_space<hbm>>
      tpu.wait_dma2 semaphore(%arg28 : memref<!tpu.dma_semaphore, #tpu.memory_space<semaphore_mem>>) src(%dma_wait3A_50 : memref<1600xi32, #tpu.memory_space<hbm>>) dst(%arg14 : memref<1600xi32, #tpu.memory_space<vmem>>)
      %dma_wait3A_51 = arith.constant 0 : i32
      %dma_wait3A_52 = tpu.memref_slice %arg5[%dma_wait3A_51] : memref<160000xi32, #tpu.memory_space<hbm>> -> memref<1600xi32, #tpu.memory_space<hbm>>
      %dma_wait3A_53 = arith.constant 0 : i32
      %dma_wait3A_54 = tpu.memref_slice %arg5[%dma_wait3A_53] : memref<160000xi32, #tpu.memory_space<hbm>> -> memref<1600xi32, #tpu.memory_space<hbm>>
      tpu.wait_dma2 semaphore(%arg28 : memref<!tpu.dma_semaphore, #tpu.memory_space<semaphore_mem>>) src(%dma_wait3A_54 : memref<1600xi32, #tpu.memory_space<hbm>>) dst(%arg15 : memref<1600xi32, #tpu.memory_space<vmem>>)
      %scan3A_55 = arith.constant 0 : i32
      %scan3A_56 = arith.constant 0 : i32
      %scan3A_57 = arith.constant 100 : i32
      %scan3A_58 = arith.addi %scan3A_56, %scan3A_57 : i32
      %scan3A_59 = arith.constant 4 : i32
      %scan3A_60 = scf.for %scan3A_185 = %scan3A_56 to %scan3A_58 step %scan3A_59 iter_args(%scan3A_186 = %scan3A_55) -> (i32)  : i32 {
        %mul3A_187 = arith.constant 16 : i32
        %mul3A_188 = arith.muli %scan3A_185, %mul3A_187 : i32
        %get3A_189 = arith.index_cast %mul3A_188 : i32 to index
        %get3A_190 = tpu.vector_load %arg14[%get3A_189] {strides = array<i32>} : memref<1600xi32, #tpu.memory_space<vmem>>, vector<16xi32>,
        %mul3A_191 = arith.constant 16 : i32
        %mul3A_192 = arith.muli %scan3A_185, %mul3A_191 : i32
        %get3A_193 = arith.index_cast %mul3A_192 : i32 to index
        %get3A_194 = tpu.vector_load %arg15[%get3A_193] {strides = array<i32>} : memref<1600xi32, #tpu.memory_space<vmem>>, vector<16xi32>,
        %ge3A = vector.broadcast %mul3A_2 : i32 to vector<16xi32>
        %ge3A_195 = arith.cmpi sge, %get3A_194, %ge3A : vector<16xi32>
        %add3A_196 = arith.constant 320 : i32
        %add3A_197 = arith.addi %mul3A_2, %add3A_196 : i32
        %lt3A_198 = vector.broadcast %add3A_197 : i32 to vector<16xi32>
        %lt3A_199 = arith.cmpi slt, %get3A_194, %lt3A_198 : vector<16xi32>
        %and3A_200 = arith.andi %ge3A_195, %lt3A_199 : vector<16xi1>
        %swap3A = arith.index_cast %scan3A_186 : i32 to index
        %swap3A_201 = tpu.vector_load %arg18[%swap3A] masked %and3A_200 {strides = array<i32>} : memref<6448xi32, #tpu.memory_space<vmem>>, vector<16xi32>, vector<16xi1>
        tpu.vector_store %arg18[%swap3A], %get3A_190 masked %and3A_200 {strides = array<i32>} : memref<6448xi32, #tpu.memory_space<vmem>>, vector<16xi32>, vector<16xi1>
        %swap3A_202 = arith.index_cast %scan3A_186 : i32 to index
        %swap3A_203 = tpu.vector_load %arg19[%swap3A_202] masked %and3A_200 {strides = array<i32>} : memref<6448xi32, #tpu.memory_space<vmem>>, vector<16xi32>, vector<16xi1>
        tpu.vector_store %arg19[%swap3A_202], %get3A_194 masked %and3A_200 {strides = array<i32>} : memref<6448xi32, #tpu.memory_space<vmem>>, vector<16xi32>, vector<16xi1>
        %all_reduce_population_count3A = tpu.all_reduce %and3A_200 {dim = 0 : i64, kind = #tpu.reduction_kind<sum>} : vector<16xi1> -> vector<16xi32>
        %slice3A = vector.extract_strided_slice %all_reduce_population_count3A {offsets = [0], sizes = [1], strides = [1]} : vector<16xi32> to vector<1xi32>
        %squeeze3A = vector.extract %slice3A[0] : i32 from vector<1xi32>
        %add3A_204 = arith.addi %scan3A_186, %squeeze3A : i32
        %scan3A_205 = arith.constant 1 : i32
        %scan3A_206 = arith.addi %scan3A_185, %scan3A_205 : i32
        %mul3A_207 = arith.constant 16 : i32
        %mul3A_208 = arith.muli %scan3A_206, %mul3A_207 : i32
        %get3A_209 = arith.index_cast %mul3A_208 : i32 to index
        %get3A_210 = tpu.vector_load %arg14[%get3A_209] {strides = array<i32>} : memref<1600xi32, #tpu.memory_space<vmem>>, vector<16xi32>,
        %mul3A_211 = arith.constant 16 : i32
        %mul3A_212 = arith.muli %scan3A_206, %mul3A_211 : i32
        %get3A_213 = arith.index_cast %mul3A_212 : i32 to index
        %get3A_214 = tpu.vector_load %arg15[%get3A_213] {strides = array<i32>} : memref<1600xi32, #tpu.memory_space<vmem>>, vector<16xi32>,
        %ge3A_215 = vector.broadcast %mul3A_2 : i32 to vector<16xi32>
        %ge3A_216 = arith.cmpi sge, %get3A_214, %ge3A_215 : vector<16xi32>
        %add3A_217 = arith.constant 320 : i32
        %add3A_218 = arith.addi %mul3A_2, %add3A_217 : i32
        %lt3A_219 = vector.broadcast %add3A_218 : i32 to vector<16xi32>
        %lt3A_220 = arith.cmpi slt, %get3A_214, %lt3A_219 : vector<16xi32>
        %and3A_221 = arith.andi %ge3A_216, %lt3A_220 : vector<16xi1>
        %swap3A_222 = arith.index_cast %add3A_204 : i32 to index
        %swap3A_223 = tpu.vector_load %arg18[%swap3A_222] masked %and3A_221 {strides = array<i32>} : memref<6448xi32, #tpu.memory_space<vmem>>, vector<16xi32>, vector<16xi1>
        tpu.vector_store %arg18[%swap3A_222], %get3A_210 masked %and3A_221 {strides = array<i32>} : memref<6448xi32, #tpu.memory_space<vmem>>, vector<16xi32>, vector<16xi1>
        %swap3A_224 = arith.index_cast %add3A_204 : i32 to index
        %swap3A_225 = tpu.vector_load %arg19[%swap3A_224] masked %and3A_221 {strides = array<i32>} : memref<6448xi32, #tpu.memory_space<vmem>>, vector<16xi32>, vector<16xi1>
        tpu.vector_store %arg19[%swap3A_224], %get3A_214 masked %and3A_221 {strides = array<i32>} : memref<6448xi32, #tpu.memory_space<vmem>>, vector<16xi32>, vector<16xi1>
        %all_reduce_population_count3A_226 = tpu.all_reduce %and3A_221 {dim = 0 : i64, kind = #tpu.reduction_kind<sum>} : vector<16xi1> -> vector<16xi32>
        %slice3A_227 = vector.extract_strided_slice %all_reduce_population_count3A_226 {offsets = [0], sizes = [1], strides = [1]} : vector<16xi32> to vector<1xi32>
        %squeeze3A_228 = vector.extract %slice3A_227[0] : i32 from vector<1xi32>
        %add3A_229 = arith.addi %add3A_204, %squeeze3A_228 : i32
        %scan3A_230 = arith.constant 2 : i32
        %scan3A_231 = arith.addi %scan3A_185, %scan3A_230 : i32
        %mul3A_232 = arith.constant 16 : i32
        %mul3A_233 = arith.muli %scan3A_231, %mul3A_232 : i32
        %get3A_234 = arith.index_cast %mul3A_233 : i32 to index
        %get3A_235 = tpu.vector_load %arg14[%get3A_234] {strides = array<i32>} : memref<1600xi32, #tpu.memory_space<vmem>>, vector<16xi32>,
        %mul3A_236 = arith.constant 16 : i32
        %mul3A_237 = arith.muli %scan3A_231, %mul3A_236 : i32
        %get3A_238 = arith.index_cast %mul3A_237 : i32 to index
        %get3A_239 = tpu.vector_load %arg15[%get3A_238] {strides = array<i32>} : memref<1600xi32, #tpu.memory_space<vmem>>, vector<16xi32>,
        %ge3A_240 = vector.broadcast %mul3A_2 : i32 to vector<16xi32>
        %ge3A_241 = arith.cmpi sge, %get3A_239, %ge3A_240 : vector<16xi32>
        %add3A_242 = arith.constant 320 : i32
        %add3A_243 = arith.addi %mul3A_2, %add3A_242 : i32
        %lt3A_244 = vector.broadcast %add3A_243 : i32 to vector<16xi32>
        %lt3A_245 = arith.cmpi slt, %get3A_239, %lt3A_244 : vector<16xi32>
        %and3A_246 = arith.andi %ge3A_241, %lt3A_245 : vector<16xi1>
        %swap3A_247 = arith.index_cast %add3A_229 : i32 to index
        %swap3A_248 = tpu.vector_load %arg18[%swap3A_247] masked %and3A_246 {strides = array<i32>} : memref<6448xi32, #tpu.memory_space<vmem>>, vector<16xi32>, vector<16xi1>
        tpu.vector_store %arg18[%swap3A_247], %get3A_235 masked %and3A_246 {strides = array<i32>} : memref<6448xi32, #tpu.memory_space<vmem>>, vector<16xi32>, vector<16xi1>
        %swap3A_249 = arith.index_cast %add3A_229 : i32 to index
        %swap3A_250 = tpu.vector_load %arg19[%swap3A_249] masked %and3A_246 {strides = array<i32>} : memref<6448xi32, #tpu.memory_space<vmem>>, vector<16xi32>, vector<16xi1>
        tpu.vector_store %arg19[%swap3A_249], %get3A_239 masked %and3A_246 {strides = array<i32>} : memref<6448xi32, #tpu.memory_space<vmem>>, vector<16xi32>, vector<16xi1>
        %all_reduce_population_count3A_251 = tpu.all_reduce %and3A_246 {dim = 0 : i64, kind = #tpu.reduction_kind<sum>} : vector<16xi1> -> vector<16xi32>
        %slice3A_252 = vector.extract_strided_slice %all_reduce_population_count3A_251 {offsets = [0], sizes = [1], strides = [1]} : vector<16xi32> to vector<1xi32>
        %squeeze3A_253 = vector.extract %slice3A_252[0] : i32 from vector<1xi32>
        %add3A_254 = arith.addi %add3A_229, %squeeze3A_253 : i32
        %scan3A_255 = arith.constant 3 : i32
        %scan3A_256 = arith.addi %scan3A_185, %scan3A_255 : i32
        %mul3A_257 = arith.constant 16 : i32
        %mul3A_258 = arith.muli %scan3A_256, %mul3A_257 : i32
        %get3A_259 = arith.index_cast %mul3A_258 : i32 to index
        %get3A_260 = tpu.vector_load %arg14[%get3A_259] {strides = array<i32>} : memref<1600xi32, #tpu.memory_space<vmem>>, vector<16xi32>,
        %mul3A_261 = arith.constant 16 : i32
        %mul3A_262 = arith.muli %scan3A_256, %mul3A_261 : i32
        %get3A_263 = arith.index_cast %mul3A_262 : i32 to index
        %get3A_264 = tpu.vector_load %arg15[%get3A_263] {strides = array<i32>} : memref<1600xi32, #tpu.memory_space<vmem>>, vector<16xi32>,
        %ge3A_265 = vector.broadcast %mul3A_2 : i32 to vector<16xi32>
        %ge3A_266 = arith.cmpi sge, %get3A_264, %ge3A_265 : vector<16xi32>
        %add3A_267 = arith.constant 320 : i32
        %add3A_268 = arith.addi %mul3A_2, %add3A_267 : i32
        %lt3A_269 = vector.broadcast %add3A_268 : i32 to vector<16xi32>
        %lt3A_270 = arith.cmpi slt, %get3A_264, %lt3A_269 : vector<16xi32>
        %and3A_271 = arith.andi %ge3A_266, %lt3A_270 : vector<16xi1>
        %swap3A_272 = arith.index_cast %add3A_254 : i32 to index
        %swap3A_273 = tpu.vector_load %arg18[%swap3A_272] masked %and3A_271 {strides = array<i32>} : memref<6448xi32, #tpu.memory_space<vmem>>, vector<16xi32>, vector<16xi1>
        tpu.vector_store %arg18[%swap3A_272], %get3A_260 masked %and3A_271 {strides = array<i32>} : memref<6448xi32, #tpu.memory_space<vmem>>, vector<16xi32>, vector<16xi1>
        %swap3A_274 = arith.index_cast %add3A_254 : i32 to index
        %swap3A_275 = tpu.vector_load %arg19[%swap3A_274] masked %and3A_271 {strides = array<i32>} : memref<6448xi32, #tpu.memory_space<vmem>>, vector<16xi32>, vector<16xi1>
        tpu.vector_store %arg19[%swap3A_274], %get3A_264 masked %and3A_271 {strides = array<i32>} : memref<6448xi32, #tpu.memory_space<vmem>>, vector<16xi32>, vector<16xi1>
        %all_reduce_population_count3A_276 = tpu.all_reduce %and3A_271 {dim = 0 : i64, kind = #tpu.reduction_kind<sum>} : vector<16xi1> -> vector<16xi32>
        %slice3A_277 = vector.extract_strided_slice %all_reduce_population_count3A_276 {offsets = [0], sizes = [1], strides = [1]} : vector<16xi32> to vector<1xi32>
        %squeeze3A_278 = vector.extract %slice3A_277[0] : i32 from vector<1xi32>
        %add3A_279 = arith.addi %add3A_254, %squeeze3A_278 : i32
        scf.yield %add3A_279 : i32
      }
      %scan3A_61 = arith.constant 100 : i32
      %dma_wait3A_62 = arith.constant 0 : i32
      %dma_wait3A_63 = tpu.memref_slice %arg4[%dma_wait3A_62] : memref<160000xi32, #tpu.memory_space<hbm>> -> memref<1600xi32, #tpu.memory_space<hbm>>
      %dma_wait3A_64 = arith.constant 0 : i32
      %dma_wait3A_65 = tpu.memref_slice %arg4[%dma_wait3A_64] : memref<160000xi32, #tpu.memory_space<hbm>> -> memref<1600xi32, #tpu.memory_space<hbm>>
      tpu.wait_dma2 semaphore(%arg29 : memref<!tpu.dma_semaphore, #tpu.memory_space<semaphore_mem>>) src(%dma_wait3A_65 : memref<1600xi32, #tpu.memory_space<hbm>>) dst(%arg16 : memref<1600xi32, #tpu.memory_space<vmem>>)
      %dma_wait3A_66 = arith.constant 0 : i32
      %dma_wait3A_67 = tpu.memref_slice %arg5[%dma_wait3A_66] : memref<160000xi32, #tpu.memory_space<hbm>> -> memref<1600xi32, #tpu.memory_space<hbm>>
      %dma_wait3A_68 = arith.constant 0 : i32
      %dma_wait3A_69 = tpu.memref_slice %arg5[%dma_wait3A_68] : memref<160000xi32, #tpu.memory_space<hbm>> -> memref<1600xi32, #tpu.memory_space<hbm>>
      tpu.wait_dma2 semaphore(%arg29 : memref<!tpu.dma_semaphore, #tpu.memory_space<semaphore_mem>>) src(%dma_wait3A_69 : memref<1600xi32, #tpu.memory_space<hbm>>) dst(%arg17 : memref<1600xi32, #tpu.memory_space<vmem>>)
      %scan3A_70 = arith.constant 0 : i32
      %scan3A_71 = arith.constant 100 : i32
      %scan3A_72 = arith.addi %scan3A_70, %scan3A_71 : i32
      %scan3A_73 = arith.constant 4 : i32
      %scan3A_74 = scf.for %scan3A_185 = %scan3A_70 to %scan3A_72 step %scan3A_73 iter_args(%scan3A_186 = %scan3A_60) -> (i32)  : i32 {
        %mul3A_187 = arith.constant 16 : i32
        %mul3A_188 = arith.muli %scan3A_185, %mul3A_187 : i32
        %get3A_189 = arith.index_cast %mul3A_188 : i32 to index
        %get3A_190 = tpu.vector_load %arg16[%get3A_189] {strides = array<i32>} : memref<1600xi32, #tpu.memory_space<vmem>>, vector<16xi32>,
        %mul3A_191 = arith.constant 16 : i32
        %mul3A_192 = arith.muli %scan3A_185, %mul3A_191 : i32
        %get3A_193 = arith.index_cast %mul3A_192 : i32 to index
        %get3A_194 = tpu.vector_load %arg17[%get3A_193] {strides = array<i32>} : memref<1600xi32, #tpu.memory_space<vmem>>, vector<16xi32>,
        %ge3A = vector.broadcast %mul3A_2 : i32 to vector<16xi32>
        %ge3A_195 = arith.cmpi sge, %get3A_194, %ge3A : vector<16xi32>
        %add3A_196 = arith.constant 320 : i32
        %add3A_197 = arith.addi %mul3A_2, %add3A_196 : i32
        %lt3A_198 = vector.broadcast %add3A_197 : i32 to vector<16xi32>
        %lt3A_199 = arith.cmpi slt, %get3A_194, %lt3A_198 : vector<16xi32>
        %and3A_200 = arith.andi %ge3A_195, %lt3A_199 : vector<16xi1>
        %swap3A = arith.index_cast %scan3A_186 : i32 to index
        %swap3A_201 = tpu.vector_load %arg18[%swap3A] masked %and3A_200 {strides = array<i32>} : memref<6448xi32, #tpu.memory_space<vmem>>, vector<16xi32>, vector<16xi1>
        tpu.vector_store %arg18[%swap3A], %get3A_190 masked %and3A_200 {strides = array<i32>} : memref<6448xi32, #tpu.memory_space<vmem>>, vector<16xi32>, vector<16xi1>
        %swap3A_202 = arith.index_cast %scan3A_186 : i32 to index
        %swap3A_203 = tpu.vector_load %arg19[%swap3A_202] masked %and3A_200 {strides = array<i32>} : memref<6448xi32, #tpu.memory_space<vmem>>, vector<16xi32>, vector<16xi1>
        tpu.vector_store %arg19[%swap3A_202], %get3A_194 masked %and3A_200 {strides = array<i32>} : memref<6448xi32, #tpu.memory_space<vmem>>, vector<16xi32>, vector<16xi1>
        %all_reduce_population_count3A = tpu.all_reduce %and3A_200 {dim = 0 : i64, kind = #tpu.reduction_kind<sum>} : vector<16xi1> -> vector<16xi32>
        %slice3A = vector.extract_strided_slice %all_reduce_population_count3A {offsets = [0], sizes = [1], strides = [1]} : vector<16xi32> to vector<1xi32>
        %squeeze3A = vector.extract %slice3A[0] : i32 from vector<1xi32>
        %add3A_204 = arith.addi %scan3A_186, %squeeze3A : i32
        %scan3A_205 = arith.constant 1 : i32
        %scan3A_206 = arith.addi %scan3A_185, %scan3A_205 : i32
        %mul3A_207 = arith.constant 16 : i32
        %mul3A_208 = arith.muli %scan3A_206, %mul3A_207 : i32
        %get3A_209 = arith.index_cast %mul3A_208 : i32 to index
        %get3A_210 = tpu.vector_load %arg16[%get3A_209] {strides = array<i32>} : memref<1600xi32, #tpu.memory_space<vmem>>, vector<16xi32>,
        %mul3A_211 = arith.constant 16 : i32
        %mul3A_212 = arith.muli %scan3A_206, %mul3A_211 : i32
        %get3A_213 = arith.index_cast %mul3A_212 : i32 to index
        %get3A_214 = tpu.vector_load %arg17[%get3A_213] {strides = array<i32>} : memref<1600xi32, #tpu.memory_space<vmem>>, vector<16xi32>,
        %ge3A_215 = vector.broadcast %mul3A_2 : i32 to vector<16xi32>
        %ge3A_216 = arith.cmpi sge, %get3A_214, %ge3A_215 : vector<16xi32>
        %add3A_217 = arith.constant 320 : i32
        %add3A_218 = arith.addi %mul3A_2, %add3A_217 : i32
        %lt3A_219 = vector.broadcast %add3A_218 : i32 to vector<16xi32>
        %lt3A_220 = arith.cmpi slt, %get3A_214, %lt3A_219 : vector<16xi32>
        %and3A_221 = arith.andi %ge3A_216, %lt3A_220 : vector<16xi1>
        %swap3A_222 = arith.index_cast %add3A_204 : i32 to index
        %swap3A_223 = tpu.vector_load %arg18[%swap3A_222] masked %and3A_221 {strides = array<i32>} : memref<6448xi32, #tpu.memory_space<vmem>>, vector<16xi32>, vector<16xi1>
        tpu.vector_store %arg18[%swap3A_222], %get3A_210 masked %and3A_221 {strides = array<i32>} : memref<6448xi32, #tpu.memory_space<vmem>>, vector<16xi32>, vector<16xi1>
        %swap3A_224 = arith.index_cast %add3A_204 : i32 to index
        %swap3A_225 = tpu.vector_load %arg19[%swap3A_224] masked %and3A_221 {strides = array<i32>} : memref<6448xi32, #tpu.memory_space<vmem>>, vector<16xi32>, vector<16xi1>
        tpu.vector_store %arg19[%swap3A_224], %get3A_214 masked %and3A_221 {strides = array<i32>} : memref<6448xi32, #tpu.memory_space<vmem>>, vector<16xi32>, vector<16xi1>
        %all_reduce_population_count3A_226 = tpu.all_reduce %and3A_221 {dim = 0 : i64, kind = #tpu.reduction_kind<sum>} : vector<16xi1> -> vector<16xi32>
        %slice3A_227 = vector.extract_strided_slice %all_reduce_population_count3A_226 {offsets = [0], sizes = [1], strides = [1]} : vector<16xi32> to vector<1xi32>
        %squeeze3A_228 = vector.extract %slice3A_227[0] : i32 from vector<1xi32>
        %add3A_229 = arith.addi %add3A_204, %squeeze3A_228 : i32
        %scan3A_230 = arith.constant 2 : i32
        %scan3A_231 = arith.addi %scan3A_185, %scan3A_230 : i32
        %mul3A_232 = arith.constant 16 : i32
        %mul3A_233 = arith.muli %scan3A_231, %mul3A_232 : i32
        %get3A_234 = arith.index_cast %mul3A_233 : i32 to index
        %get3A_235 = tpu.vector_load %arg16[%get3A_234] {strides = array<i32>} : memref<1600xi32, #tpu.memory_space<vmem>>, vector<16xi32>,
        %mul3A_236 = arith.constant 16 : i32
        %mul3A_237 = arith.muli %scan3A_231, %mul3A_236 : i32
        %get3A_238 = arith.index_cast %mul3A_237 : i32 to index
        %get3A_239 = tpu.vector_load %arg17[%get3A_238] {strides = array<i32>} : memref<1600xi32, #tpu.memory_space<vmem>>, vector<16xi32>,
        %ge3A_240 = vector.broadcast %mul3A_2 : i32 to vector<16xi32>
        %ge3A_241 = arith.cmpi sge, %get3A_239, %ge3A_240 : vector<16xi32>
        %add3A_242 = arith.constant 320 : i32
        %add3A_243 = arith.addi %mul3A_2, %add3A_242 : i32
        %lt3A_244 = vector.broadcast %add3A_243 : i32 to vector<16xi32>
        %lt3A_245 = arith.cmpi slt, %get3A_239, %lt3A_244 : vector<16xi32>
        %and3A_246 = arith.andi %ge3A_241, %lt3A_245 : vector<16xi1>
        %swap3A_247 = arith.index_cast %add3A_229 : i32 to index
        %swap3A_248 = tpu.vector_load %arg18[%swap3A_247] masked %and3A_246 {strides = array<i32>} : memref<6448xi32, #tpu.memory_space<vmem>>, vector<16xi32>, vector<16xi1>
        tpu.vector_store %arg18[%swap3A_247], %get3A_235 masked %and3A_246 {strides = array<i32>} : memref<6448xi32, #tpu.memory_space<vmem>>, vector<16xi32>, vector<16xi1>
        %swap3A_249 = arith.index_cast %add3A_229 : i32 to index
        %swap3A_250 = tpu.vector_load %arg19[%swap3A_249] masked %and3A_246 {strides = array<i32>} : memref<6448xi32, #tpu.memory_space<vmem>>, vector<16xi32>, vector<16xi1>
        tpu.vector_store %arg19[%swap3A_249], %get3A_239 masked %and3A_246 {strides = array<i32>} : memref<6448xi32, #tpu.memory_space<vmem>>, vector<16xi32>, vector<16xi1>
        %all_reduce_population_count3A_251 = tpu.all_reduce %and3A_246 {dim = 0 : i64, kind = #tpu.reduction_kind<sum>} : vector<16xi1> -> vector<16xi32>
        %slice3A_252 = vector.extract_strided_slice %all_reduce_population_count3A_251 {offsets = [0], sizes = [1], strides = [1]} : vector<16xi32> to vector<1xi32>
        %squeeze3A_253 = vector.extract %slice3A_252[0] : i32 from vector<1xi32>
        %add3A_254 = arith.addi %add3A_229, %squeeze3A_253 : i32
        %scan3A_255 = arith.constant 3 : i32
        %scan3A_256 = arith.addi %scan3A_185, %scan3A_255 : i32
        %mul3A_257 = arith.constant 16 : i32
        %mul3A_258 = arith.muli %scan3A_256, %mul3A_257 : i32
        %get3A_259 = arith.index_cast %mul3A_258 : i32 to index
        %get3A_260 = tpu.vector_load %arg16[%get3A_259] {strides = array<i32>} : memref<1600xi32, #tpu.memory_space<vmem>>, vector<16xi32>,
        %mul3A_261 = arith.constant 16 : i32
        %mul3A_262 = arith.muli %scan3A_256, %mul3A_261 : i32
        %get3A_263 = arith.index_cast %mul3A_262 : i32 to index
        %get3A_264 = tpu.vector_load %arg17[%get3A_263] {strides = array<i32>} : memref<1600xi32, #tpu.memory_space<vmem>>, vector<16xi32>,
        %ge3A_265 = vector.broadcast %mul3A_2 : i32 to vector<16xi32>
        %ge3A_266 = arith.cmpi sge, %get3A_264, %ge3A_265 : vector<16xi32>
        %add3A_267 = arith.constant 320 : i32
        %add3A_268 = arith.addi %mul3A_2, %add3A_267 : i32
        %lt3A_269 = vector.broadcast %add3A_268 : i32 to vector<16xi32>
        %lt3A_270 = arith.cmpi slt, %get3A_264, %lt3A_269 : vector<16xi32>
        %and3A_271 = arith.andi %ge3A_266, %lt3A_270 : vector<16xi1>
        %swap3A_272 = arith.index_cast %add3A_254 : i32 to index
        %swap3A_273 = tpu.vector_load %arg18[%swap3A_272] masked %and3A_271 {strides = array<i32>} : memref<6448xi32, #tpu.memory_space<vmem>>, vector<16xi32>, vector<16xi1>
        tpu.vector_store %arg18[%swap3A_272], %get3A_260 masked %and3A_271 {strides = array<i32>} : memref<6448xi32, #tpu.memory_space<vmem>>, vector<16xi32>, vector<16xi1>
        %swap3A_274 = arith.index_cast %add3A_254 : i32 to index
        %swap3A_275 = tpu.vector_load %arg19[%swap3A_274] masked %and3A_271 {strides = array<i32>} : memref<6448xi32, #tpu.memory_space<vmem>>, vector<16xi32>, vector<16xi1>
        tpu.vector_store %arg19[%swap3A_274], %get3A_264 masked %and3A_271 {strides = array<i32>} : memref<6448xi32, #tpu.memory_space<vmem>>, vector<16xi32>, vector<16xi1>
        %all_reduce_population_count3A_276 = tpu.all_reduce %and3A_271 {dim = 0 : i64, kind = #tpu.reduction_kind<sum>} : vector<16xi1> -> vector<16xi32>
        %slice3A_277 = vector.extract_strided_slice %all_reduce_population_count3A_276 {offsets = [0], sizes = [1], strides = [1]} : vector<16xi32> to vector<1xi32>
        %squeeze3A_278 = vector.extract %slice3A_277[0] : i32 from vector<1xi32>
        %add3A_279 = arith.addi %add3A_254, %squeeze3A_278 : i32
        scf.yield %add3A_279 : i32
      }
      %scan3A_75 = arith.constant 100 : i32
      %add3A_76 = arith.constant 2 : i32
      %add3A_77 = arith.addi %mul3A_47, %add3A_76 : i32
      %mul3A_78 = arith.constant 1600 : i32
      %mul3A_79 = arith.muli %add3A_77, %mul3A_78 : i32
      %dma_start3A_80 = tpu.memref_slice %arg4[%mul3A_79] : memref<160000xi32, #tpu.memory_space<hbm>> -> memref<1600xi32, #tpu.memory_space<hbm>>
      %dma_start3A_81 = tpu.memref_slice %arg4[%mul3A_79] : memref<160000xi32, #tpu.memory_space<hbm>> -> memref<1600xi32, #tpu.memory_space<hbm>>
      tpu.enqueue_dma source(%dma_start3A_81 : memref<1600xi32, #tpu.memory_space<hbm>>) target(%arg14 : memref<1600xi32, #tpu.memory_space<vmem>>) target_semaphore(%arg28 : memref<!tpu.dma_semaphore, #tpu.memory_space<semaphore_mem>>)
      %dma_start3A_82 = tpu.memref_slice %arg5[%mul3A_79] : memref<160000xi32, #tpu.memory_space<hbm>> -> memref<1600xi32, #tpu.memory_space<hbm>>
      %dma_start3A_83 = tpu.memref_slice %arg5[%mul3A_79] : memref<160000xi32, #tpu.memory_space<hbm>> -> memref<1600xi32, #tpu.memory_space<hbm>>
      tpu.enqueue_dma source(%dma_start3A_83 : memref<1600xi32, #tpu.memory_space<hbm>>) target(%arg15 : memref<1600xi32, #tpu.memory_space<vmem>>) target_semaphore(%arg28 : memref<!tpu.dma_semaphore, #tpu.memory_space<semaphore_mem>>)
      %add3A_84 = arith.constant 3 : i32
      %add3A_85 = arith.addi %mul3A_47, %add3A_84 : i32
      %mul3A_86 = arith.constant 1600 : i32
      %mul3A_87 = arith.muli %add3A_85, %mul3A_86 : i32
      %dma_start3A_88 = tpu.memref_slice %arg4[%mul3A_87] : memref<160000xi32, #tpu.memory_space<hbm>> -> memref<1600xi32, #tpu.memory_space<hbm>>
      %dma_start3A_89 = tpu.memref_slice %arg4[%mul3A_87] : memref<160000xi32, #tpu.memory_space<hbm>> -> memref<1600xi32, #tpu.memory_space<hbm>>
      tpu.enqueue_dma source(%dma_start3A_89 : memref<1600xi32, #tpu.memory_space<hbm>>) target(%arg16 : memref<1600xi32, #tpu.memory_space<vmem>>) target_semaphore(%arg29 : memref<!tpu.dma_semaphore, #tpu.memory_space<semaphore_mem>>)
      %dma_start3A_90 = tpu.memref_slice %arg5[%mul3A_87] : memref<160000xi32, #tpu.memory_space<hbm>> -> memref<1600xi32, #tpu.memory_space<hbm>>
      %dma_start3A_91 = tpu.memref_slice %arg5[%mul3A_87] : memref<160000xi32, #tpu.memory_space<hbm>> -> memref<1600xi32, #tpu.memory_space<hbm>>
      tpu.enqueue_dma source(%dma_start3A_91 : memref<1600xi32, #tpu.memory_space<hbm>>) target(%arg17 : memref<1600xi32, #tpu.memory_space<vmem>>) target_semaphore(%arg29 : memref<!tpu.dma_semaphore, #tpu.memory_space<semaphore_mem>>)
      %dma_wait3A_92 = arith.constant 0 : i32
      %dma_wait3A_93 = tpu.memref_slice %arg4[%dma_wait3A_92] : memref<160000xi32, #tpu.memory_space<hbm>> -> memref<1600xi32, #tpu.memory_space<hbm>>
      %dma_wait3A_94 = arith.constant 0 : i32
      %dma_wait3A_95 = tpu.memref_slice %arg4[%dma_wait3A_94] : memref<160000xi32, #tpu.memory_space<hbm>> -> memref<1600xi32, #tpu.memory_space<hbm>>
      tpu.wait_dma2 semaphore(%arg28 : memref<!tpu.dma_semaphore, #tpu.memory_space<semaphore_mem>>) src(%dma_wait3A_95 : memref<1600xi32, #tpu.memory_space<hbm>>) dst(%arg14 : memref<1600xi32, #tpu.memory_space<vmem>>)
      %dma_wait3A_96 = arith.constant 0 : i32
      %dma_wait3A_97 = tpu.memref_slice %arg5[%dma_wait3A_96] : memref<160000xi32, #tpu.memory_space<hbm>> -> memref<1600xi32, #tpu.memory_space<hbm>>
      %dma_wait3A_98 = arith.constant 0 : i32
      %dma_wait3A_99 = tpu.memref_slice %arg5[%dma_wait3A_98] : memref<160000xi32, #tpu.memory_space<hbm>> -> memref<1600xi32, #tpu.memory_space<hbm>>
      tpu.wait_dma2 semaphore(%arg28 : memref<!tpu.dma_semaphore, #tpu.memory_space<semaphore_mem>>) src(%dma_wait3A_99 : memref<1600xi32, #tpu.memory_space<hbm>>) dst(%arg15 : memref<1600xi32, #tpu.memory_space<vmem>>)
      %scan3A_100 = arith.constant 0 : i32
      %scan3A_101 = arith.constant 100 : i32
      %scan3A_102 = arith.addi %scan3A_100, %scan3A_101 : i32
      %scan3A_103 = arith.constant 4 : i32
      %scan3A_104 = scf.for %scan3A_185 = %scan3A_100 to %scan3A_102 step %scan3A_103 iter_args(%scan3A_186 = %scan3A_74) -> (i32)  : i32 {
        %mul3A_187 = arith.constant 16 : i32
        %mul3A_188 = arith.muli %scan3A_185, %mul3A_187 : i32
        %get3A_189 = arith.index_cast %mul3A_188 : i32 to index
        %get3A_190 = tpu.vector_load %arg14[%get3A_189] {strides = array<i32>} : memref<1600xi32, #tpu.memory_space<vmem>>, vector<16xi32>,
        %mul3A_191 = arith.constant 16 : i32
        %mul3A_192 = arith.muli %scan3A_185, %mul3A_191 : i32
        %get3A_193 = arith.index_cast %mul3A_192 : i32 to index
        %get3A_194 = tpu.vector_load %arg15[%get3A_193] {strides = array<i32>} : memref<1600xi32, #tpu.memory_space<vmem>>, vector<16xi32>,
        %ge3A = vector.broadcast %mul3A_2 : i32 to vector<16xi32>
        %ge3A_195 = arith.cmpi sge, %get3A_194, %ge3A : vector<16xi32>
        %add3A_196 = arith.constant 320 : i32
        %add3A_197 = arith.addi %mul3A_2, %add3A_196 : i32
        %lt3A_198 = vector.broadcast %add3A_197 : i32 to vector<16xi32>
        %lt3A_199 = arith.cmpi slt, %get3A_194, %lt3A_198 : vector<16xi32>
        %and3A_200 = arith.andi %ge3A_195, %lt3A_199 : vector<16xi1>
        %swap3A = arith.index_cast %scan3A_186 : i32 to index
        %swap3A_201 = tpu.vector_load %arg18[%swap3A] masked %and3A_200 {strides = array<i32>} : memref<6448xi32, #tpu.memory_space<vmem>>, vector<16xi32>, vector<16xi1>
        tpu.vector_store %arg18[%swap3A], %get3A_190 masked %and3A_200 {strides = array<i32>} : memref<6448xi32, #tpu.memory_space<vmem>>, vector<16xi32>, vector<16xi1>
        %swap3A_202 = arith.index_cast %scan3A_186 : i32 to index
        %swap3A_203 = tpu.vector_load %arg19[%swap3A_202] masked %and3A_200 {strides = array<i32>} : memref<6448xi32, #tpu.memory_space<vmem>>, vector<16xi32>, vector<16xi1>
        tpu.vector_store %arg19[%swap3A_202], %get3A_194 masked %and3A_200 {strides = array<i32>} : memref<6448xi32, #tpu.memory_space<vmem>>, vector<16xi32>, vector<16xi1>
        %all_reduce_population_count3A = tpu.all_reduce %and3A_200 {dim = 0 : i64, kind = #tpu.reduction_kind<sum>} : vector<16xi1> -> vector<16xi32>
        %slice3A = vector.extract_strided_slice %all_reduce_population_count3A {offsets = [0], sizes = [1], strides = [1]} : vector<16xi32> to vector<1xi32>
        %squeeze3A = vector.extract %slice3A[0] : i32 from vector<1xi32>
        %add3A_204 = arith.addi %scan3A_186, %squeeze3A : i32
        %scan3A_205 = arith.constant 1 : i32
        %scan3A_206 = arith.addi %scan3A_185, %scan3A_205 : i32
        %mul3A_207 = arith.constant 16 : i32
        %mul3A_208 = arith.muli %scan3A_206, %mul3A_207 : i32
        %get3A_209 = arith.index_cast %mul3A_208 : i32 to index
        %get3A_210 = tpu.vector_load %arg14[%get3A_209] {strides = array<i32>} : memref<1600xi32, #tpu.memory_space<vmem>>, vector<16xi32>,
        %mul3A_211 = arith.constant 16 : i32
        %mul3A_212 = arith.muli %scan3A_206, %mul3A_211 : i32
        %get3A_213 = arith.index_cast %mul3A_212 : i32 to index
        %get3A_214 = tpu.vector_load %arg15[%get3A_213] {strides = array<i32>} : memref<1600xi32, #tpu.memory_space<vmem>>, vector<16xi32>,
        %ge3A_215 = vector.broadcast %mul3A_2 : i32 to vector<16xi32>
        %ge3A_216 = arith.cmpi sge, %get3A_214, %ge3A_215 : vector<16xi32>
        %add3A_217 = arith.constant 320 : i32
        %add3A_218 = arith.addi %mul3A_2, %add3A_217 : i32
        %lt3A_219 = vector.broadcast %add3A_218 : i32 to vector<16xi32>
        %lt3A_220 = arith.cmpi slt, %get3A_214, %lt3A_219 : vector<16xi32>
        %and3A_221 = arith.andi %ge3A_216, %lt3A_220 : vector<16xi1>
        %swap3A_222 = arith.index_cast %add3A_204 : i32 to index
        %swap3A_223 = tpu.vector_load %arg18[%swap3A_222] masked %and3A_221 {strides = array<i32>} : memref<6448xi32, #tpu.memory_space<vmem>>, vector<16xi32>, vector<16xi1>
        tpu.vector_store %arg18[%swap3A_222], %get3A_210 masked %and3A_221 {strides = array<i32>} : memref<6448xi32, #tpu.memory_space<vmem>>, vector<16xi32>, vector<16xi1>
        %swap3A_224 = arith.index_cast %add3A_204 : i32 to index
        %swap3A_225 = tpu.vector_load %arg19[%swap3A_224] masked %and3A_221 {strides = array<i32>} : memref<6448xi32, #tpu.memory_space<vmem>>, vector<16xi32>, vector<16xi1>
        tpu.vector_store %arg19[%swap3A_224], %get3A_214 masked %and3A_221 {strides = array<i32>} : memref<6448xi32, #tpu.memory_space<vmem>>, vector<16xi32>, vector<16xi1>
        %all_reduce_population_count3A_226 = tpu.all_reduce %and3A_221 {dim = 0 : i64, kind = #tpu.reduction_kind<sum>} : vector<16xi1> -> vector<16xi32>
        %slice3A_227 = vector.extract_strided_slice %all_reduce_population_count3A_226 {offsets = [0], sizes = [1], strides = [1]} : vector<16xi32> to vector<1xi32>
        %squeeze3A_228 = vector.extract %slice3A_227[0] : i32 from vector<1xi32>
        %add3A_229 = arith.addi %add3A_204, %squeeze3A_228 : i32
        %scan3A_230 = arith.constant 2 : i32
        %scan3A_231 = arith.addi %scan3A_185, %scan3A_230 : i32
        %mul3A_232 = arith.constant 16 : i32
        %mul3A_233 = arith.muli %scan3A_231, %mul3A_232 : i32
        %get3A_234 = arith.index_cast %mul3A_233 : i32 to index
        %get3A_235 = tpu.vector_load %arg14[%get3A_234] {strides = array<i32>} : memref<1600xi32, #tpu.memory_space<vmem>>, vector<16xi32>,
        %mul3A_236 = arith.constant 16 : i32
        %mul3A_237 = arith.muli %scan3A_231, %mul3A_236 : i32
        %get3A_238 = arith.index_cast %mul3A_237 : i32 to index
        %get3A_239 = tpu.vector_load %arg15[%get3A_238] {strides = array<i32>} : memref<1600xi32, #tpu.memory_space<vmem>>, vector<16xi32>,
        %ge3A_240 = vector.broadcast %mul3A_2 : i32 to vector<16xi32>
        %ge3A_241 = arith.cmpi sge, %get3A_239, %ge3A_240 : vector<16xi32>
        %add3A_242 = arith.constant 320 : i32
        %add3A_243 = arith.addi %mul3A_2, %add3A_242 : i32
        %lt3A_244 = vector.broadcast %add3A_243 : i32 to vector<16xi32>
        %lt3A_245 = arith.cmpi slt, %get3A_239, %lt3A_244 : vector<16xi32>
        %and3A_246 = arith.andi %ge3A_241, %lt3A_245 : vector<16xi1>
        %swap3A_247 = arith.index_cast %add3A_229 : i32 to index
        %swap3A_248 = tpu.vector_load %arg18[%swap3A_247] masked %and3A_246 {strides = array<i32>} : memref<6448xi32, #tpu.memory_space<vmem>>, vector<16xi32>, vector<16xi1>
        tpu.vector_store %arg18[%swap3A_247], %get3A_235 masked %and3A_246 {strides = array<i32>} : memref<6448xi32, #tpu.memory_space<vmem>>, vector<16xi32>, vector<16xi1>
        %swap3A_249 = arith.index_cast %add3A_229 : i32 to index
        %swap3A_250 = tpu.vector_load %arg19[%swap3A_249] masked %and3A_246 {strides = array<i32>} : memref<6448xi32, #tpu.memory_space<vmem>>, vector<16xi32>, vector<16xi1>
        tpu.vector_store %arg19[%swap3A_249], %get3A_239 masked %and3A_246 {strides = array<i32>} : memref<6448xi32, #tpu.memory_space<vmem>>, vector<16xi32>, vector<16xi1>
        %all_reduce_population_count3A_251 = tpu.all_reduce %and3A_246 {dim = 0 : i64, kind = #tpu.reduction_kind<sum>} : vector<16xi1> -> vector<16xi32>
        %slice3A_252 = vector.extract_strided_slice %all_reduce_population_count3A_251 {offsets = [0], sizes = [1], strides = [1]} : vector<16xi32> to vector<1xi32>
        %squeeze3A_253 = vector.extract %slice3A_252[0] : i32 from vector<1xi32>
        %add3A_254 = arith.addi %add3A_229, %squeeze3A_253 : i32
        %scan3A_255 = arith.constant 3 : i32
        %scan3A_256 = arith.addi %scan3A_185, %scan3A_255 : i32
        %mul3A_257 = arith.constant 16 : i32
        %mul3A_258 = arith.muli %scan3A_256, %mul3A_257 : i32
        %get3A_259 = arith.index_cast %mul3A_258 : i32 to index
        %get3A_260 = tpu.vector_load %arg14[%get3A_259] {strides = array<i32>} : memref<1600xi32, #tpu.memory_space<vmem>>, vector<16xi32>,
        %mul3A_261 = arith.constant 16 : i32
        %mul3A_262 = arith.muli %scan3A_256, %mul3A_261 : i32
        %get3A_263 = arith.index_cast %mul3A_262 : i32 to index
        %get3A_264 = tpu.vector_load %arg15[%get3A_263] {strides = array<i32>} : memref<1600xi32, #tpu.memory_space<vmem>>, vector<16xi32>,
        %ge3A_265 = vector.broadcast %mul3A_2 : i32 to vector<16xi32>
        %ge3A_266 = arith.cmpi sge, %get3A_264, %ge3A_265 : vector<16xi32>
        %add3A_267 = arith.constant 320 : i32
        %add3A_268 = arith.addi %mul3A_2, %add3A_267 : i32
        %lt3A_269 = vector.broadcast %add3A_268 : i32 to vector<16xi32>
        %lt3A_270 = arith.cmpi slt, %get3A_264, %lt3A_269 : vector<16xi32>
        %and3A_271 = arith.andi %ge3A_266, %lt3A_270 : vector<16xi1>
        %swap3A_272 = arith.index_cast %add3A_254 : i32 to index
        %swap3A_273 = tpu.vector_load %arg18[%swap3A_272] masked %and3A_271 {strides = array<i32>} : memref<6448xi32, #tpu.memory_space<vmem>>, vector<16xi32>, vector<16xi1>
        tpu.vector_store %arg18[%swap3A_272], %get3A_260 masked %and3A_271 {strides = array<i32>} : memref<6448xi32, #tpu.memory_space<vmem>>, vector<16xi32>, vector<16xi1>
        %swap3A_274 = arith.index_cast %add3A_254 : i32 to index
        %swap3A_275 = tpu.vector_load %arg19[%swap3A_274] masked %and3A_271 {strides = array<i32>} : memref<6448xi32, #tpu.memory_space<vmem>>, vector<16xi32>, vector<16xi1>
        tpu.vector_store %arg19[%swap3A_274], %get3A_264 masked %and3A_271 {strides = array<i32>} : memref<6448xi32, #tpu.memory_space<vmem>>, vector<16xi32>, vector<16xi1>
        %all_reduce_population_count3A_276 = tpu.all_reduce %and3A_271 {dim = 0 : i64, kind = #tpu.reduction_kind<sum>} : vector<16xi1> -> vector<16xi32>
        %slice3A_277 = vector.extract_strided_slice %all_reduce_population_count3A_276 {offsets = [0], sizes = [1], strides = [1]} : vector<16xi32> to vector<1xi32>
        %squeeze3A_278 = vector.extract %slice3A_277[0] : i32 from vector<1xi32>
        %add3A_279 = arith.addi %add3A_254, %squeeze3A_278 : i32
        scf.yield %add3A_279 : i32
      }
      %scan3A_105 = arith.constant 100 : i32
      %dma_wait3A_106 = arith.constant 0 : i32
      %dma_wait3A_107 = tpu.memref_slice %arg4[%dma_wait3A_106] : memref<160000xi32, #tpu.memory_space<hbm>> -> memref<1600xi32, #tpu.memory_space<hbm>>
      %dma_wait3A_108 = arith.constant 0 : i32
      %dma_wait3A_109 = tpu.memref_slice %arg4[%dma_wait3A_108] : memref<160000xi32, #tpu.memory_space<hbm>> -> memref<1600xi32, #tpu.memory_space<hbm>>
      tpu.wait_dma2 semaphore(%arg29 : memref<!tpu.dma_semaphore, #tpu.memory_space<semaphore_mem>>) src(%dma_wait3A_109 : memref<1600xi32, #tpu.memory_space<hbm>>) dst(%arg16 : memref<1600xi32, #tpu.memory_space<vmem>>)
      %dma_wait3A_110 = arith.constant 0 : i32
      %dma_wait3A_111 = tpu.memref_slice %arg5[%dma_wait3A_110] : memref<160000xi32, #tpu.memory_space<hbm>> -> memref<1600xi32, #tpu.memory_space<hbm>>
      %dma_wait3A_112 = arith.constant 0 : i32
      %dma_wait3A_113 = tpu.memref_slice %arg5[%dma_wait3A_112] : memref<160000xi32, #tpu.memory_space<hbm>> -> memref<1600xi32, #tpu.memory_space<hbm>>
      tpu.wait_dma2 semaphore(%arg29 : memref<!tpu.dma_semaphore, #tpu.memory_space<semaphore_mem>>) src(%dma_wait3A_113 : memref<1600xi32, #tpu.memory_space<hbm>>) dst(%arg17 : memref<1600xi32, #tpu.memory_space<vmem>>)
      %scan3A_114 = arith.constant 0 : i32
      %scan3A_115 = arith.constant 100 : i32
      %scan3A_116 = arith.addi %scan3A_114, %scan3A_115 : i32
      %scan3A_117 = arith.constant 4 : i32
      %scan3A_118 = scf.for %scan3A_185 = %scan3A_114 to %scan3A_116 step %scan3A_117 iter_args(%scan3A_186 = %scan3A_104) -> (i32)  : i32 {
        %mul3A_187 = arith.constant 16 : i32
        %mul3A_188 = arith.muli %scan3A_185, %mul3A_187 : i32
        %get3A_189 = arith.index_cast %mul3A_188 : i32 to index
        %get3A_190 = tpu.vector_load %arg16[%get3A_189] {strides = array<i32>} : memref<1600xi32, #tpu.memory_space<vmem>>, vector<16xi32>,
        %mul3A_191 = arith.constant 16 : i32
        %mul3A_192 = arith.muli %scan3A_185, %mul3A_191 : i32
        %get3A_193 = arith.index_cast %mul3A_192 : i32 to index
        %get3A_194 = tpu.vector_load %arg17[%get3A_193] {strides = array<i32>} : memref<1600xi32, #tpu.memory_space<vmem>>, vector<16xi32>,
        %ge3A = vector.broadcast %mul3A_2 : i32 to vector<16xi32>
        %ge3A_195 = arith.cmpi sge, %get3A_194, %ge3A : vector<16xi32>
        %add3A_196 = arith.constant 320 : i32
        %add3A_197 = arith.addi %mul3A_2, %add3A_196 : i32
        %lt3A_198 = vector.broadcast %add3A_197 : i32 to vector<16xi32>
        %lt3A_199 = arith.cmpi slt, %get3A_194, %lt3A_198 : vector<16xi32>
        %and3A_200 = arith.andi %ge3A_195, %lt3A_199 : vector<16xi1>
        %swap3A = arith.index_cast %scan3A_186 : i32 to index
        %swap3A_201 = tpu.vector_load %arg18[%swap3A] masked %and3A_200 {strides = array<i32>} : memref<6448xi32, #tpu.memory_space<vmem>>, vector<16xi32>, vector<16xi1>
        tpu.vector_store %arg18[%swap3A], %get3A_190 masked %and3A_200 {strides = array<i32>} : memref<6448xi32, #tpu.memory_space<vmem>>, vector<16xi32>, vector<16xi1>
        %swap3A_202 = arith.index_cast %scan3A_186 : i32 to index
        %swap3A_203 = tpu.vector_load %arg19[%swap3A_202] masked %and3A_200 {strides = array<i32>} : memref<6448xi32, #tpu.memory_space<vmem>>, vector<16xi32>, vector<16xi1>
        tpu.vector_store %arg19[%swap3A_202], %get3A_194 masked %and3A_200 {strides = array<i32>} : memref<6448xi32, #tpu.memory_space<vmem>>, vector<16xi32>, vector<16xi1>
        %all_reduce_population_count3A = tpu.all_reduce %and3A_200 {dim = 0 : i64, kind = #tpu.reduction_kind<sum>} : vector<16xi1> -> vector<16xi32>
        %slice3A = vector.extract_strided_slice %all_reduce_population_count3A {offsets = [0], sizes = [1], strides = [1]} : vector<16xi32> to vector<1xi32>
        %squeeze3A = vector.extract %slice3A[0] : i32 from vector<1xi32>
        %add3A_204 = arith.addi %scan3A_186, %squeeze3A : i32
        %scan3A_205 = arith.constant 1 : i32
        %scan3A_206 = arith.addi %scan3A_185, %scan3A_205 : i32
        %mul3A_207 = arith.constant 16 : i32
        %mul3A_208 = arith.muli %scan3A_206, %mul3A_207 : i32
        %get3A_209 = arith.index_cast %mul3A_208 : i32 to index
        %get3A_210 = tpu.vector_load %arg16[%get3A_209] {strides = array<i32>} : memref<1600xi32, #tpu.memory_space<vmem>>, vector<16xi32>,
        %mul3A_211 = arith.constant 16 : i32
        %mul3A_212 = arith.muli %scan3A_206, %mul3A_211 : i32
        %get3A_213 = arith.index_cast %mul3A_212 : i32 to index
        %get3A_214 = tpu.vector_load %arg17[%get3A_213] {strides = array<i32>} : memref<1600xi32, #tpu.memory_space<vmem>>, vector<16xi32>,
        %ge3A_215 = vector.broadcast %mul3A_2 : i32 to vector<16xi32>
        %ge3A_216 = arith.cmpi sge, %get3A_214, %ge3A_215 : vector<16xi32>
        %add3A_217 = arith.constant 320 : i32
        %add3A_218 = arith.addi %mul3A_2, %add3A_217 : i32
        %lt3A_219 = vector.broadcast %add3A_218 : i32 to vector<16xi32>
        %lt3A_220 = arith.cmpi slt, %get3A_214, %lt3A_219 : vector<16xi32>
        %and3A_221 = arith.andi %ge3A_216, %lt3A_220 : vector<16xi1>
        %swap3A_222 = arith.index_cast %add3A_204 : i32 to index
        %swap3A_223 = tpu.vector_load %arg18[%swap3A_222] masked %and3A_221 {strides = array<i32>} : memref<6448xi32, #tpu.memory_space<vmem>>, vector<16xi32>, vector<16xi1>
        tpu.vector_store %arg18[%swap3A_222], %get3A_210 masked %and3A_221 {strides = array<i32>} : memref<6448xi32, #tpu.memory_space<vmem>>, vector<16xi32>, vector<16xi1>
        %swap3A_224 = arith.index_cast %add3A_204 : i32 to index
        %swap3A_225 = tpu.vector_load %arg19[%swap3A_224] masked %and3A_221 {strides = array<i32>} : memref<6448xi32, #tpu.memory_space<vmem>>, vector<16xi32>, vector<16xi1>
        tpu.vector_store %arg19[%swap3A_224], %get3A_214 masked %and3A_221 {strides = array<i32>} : memref<6448xi32, #tpu.memory_space<vmem>>, vector<16xi32>, vector<16xi1>
        %all_reduce_population_count3A_226 = tpu.all_reduce %and3A_221 {dim = 0 : i64, kind = #tpu.reduction_kind<sum>} : vector<16xi1> -> vector<16xi32>
        %slice3A_227 = vector.extract_strided_slice %all_reduce_population_count3A_226 {offsets = [0], sizes = [1], strides = [1]} : vector<16xi32> to vector<1xi32>
        %squeeze3A_228 = vector.extract %slice3A_227[0] : i32 from vector<1xi32>
        %add3A_229 = arith.addi %add3A_204, %squeeze3A_228 : i32
        %scan3A_230 = arith.constant 2 : i32
        %scan3A_231 = arith.addi %scan3A_185, %scan3A_230 : i32
        %mul3A_232 = arith.constant 16 : i32
        %mul3A_233 = arith.muli %scan3A_231, %mul3A_232 : i32
        %get3A_234 = arith.index_cast %mul3A_233 : i32 to index
        %get3A_235 = tpu.vector_load %arg16[%get3A_234] {strides = array<i32>} : memref<1600xi32, #tpu.memory_space<vmem>>, vector<16xi32>,
        %mul3A_236 = arith.constant 16 : i32
        %mul3A_237 = arith.muli %scan3A_231, %mul3A_236 : i32
        %get3A_238 = arith.index_cast %mul3A_237 : i32 to index
        %get3A_239 = tpu.vector_load %arg17[%get3A_238] {strides = array<i32>} : memref<1600xi32, #tpu.memory_space<vmem>>, vector<16xi32>,
        %ge3A_240 = vector.broadcast %mul3A_2 : i32 to vector<16xi32>
        %ge3A_241 = arith.cmpi sge, %get3A_239, %ge3A_240 : vector<16xi32>
        %add3A_242 = arith.constant 320 : i32
        %add3A_243 = arith.addi %mul3A_2, %add3A_242 : i32
        %lt3A_244 = vector.broadcast %add3A_243 : i32 to vector<16xi32>
        %lt3A_245 = arith.cmpi slt, %get3A_239, %lt3A_244 : vector<16xi32>
        %and3A_246 = arith.andi %ge3A_241, %lt3A_245 : vector<16xi1>
        %swap3A_247 = arith.index_cast %add3A_229 : i32 to index
        %swap3A_248 = tpu.vector_load %arg18[%swap3A_247] masked %and3A_246 {strides = array<i32>} : memref<6448xi32, #tpu.memory_space<vmem>>, vector<16xi32>, vector<16xi1>
        tpu.vector_store %arg18[%swap3A_247], %get3A_235 masked %and3A_246 {strides = array<i32>} : memref<6448xi32, #tpu.memory_space<vmem>>, vector<16xi32>, vector<16xi1>
        %swap3A_249 = arith.index_cast %add3A_229 : i32 to index
        %swap3A_250 = tpu.vector_load %arg19[%swap3A_249] masked %and3A_246 {strides = array<i32>} : memref<6448xi32, #tpu.memory_space<vmem>>, vector<16xi32>, vector<16xi1>
        tpu.vector_store %arg19[%swap3A_249], %get3A_239 masked %and3A_246 {strides = array<i32>} : memref<6448xi32, #tpu.memory_space<vmem>>, vector<16xi32>, vector<16xi1>
        %all_reduce_population_count3A_251 = tpu.all_reduce %and3A_246 {dim = 0 : i64, kind = #tpu.reduction_kind<sum>} : vector<16xi1> -> vector<16xi32>
        %slice3A_252 = vector.extract_strided_slice %all_reduce_population_count3A_251 {offsets = [0], sizes = [1], strides = [1]} : vector<16xi32> to vector<1xi32>
        %squeeze3A_253 = vector.extract %slice3A_252[0] : i32 from vector<1xi32>
        %add3A_254 = arith.addi %add3A_229, %squeeze3A_253 : i32
        %scan3A_255 = arith.constant 3 : i32
        %scan3A_256 = arith.addi %scan3A_185, %scan3A_255 : i32
        %mul3A_257 = arith.constant 16 : i32
        %mul3A_258 = arith.muli %scan3A_256, %mul3A_257 : i32
        %get3A_259 = arith.index_cast %mul3A_258 : i32 to index
        %get3A_260 = tpu.vector_load %arg16[%get3A_259] {strides = array<i32>} : memref<1600xi32, #tpu.memory_space<vmem>>, vector<16xi32>,
        %mul3A_261 = arith.constant 16 : i32
        %mul3A_262 = arith.muli %scan3A_256, %mul3A_261 : i32
        %get3A_263 = arith.index_cast %mul3A_262 : i32 to index
        %get3A_264 = tpu.vector_load %arg17[%get3A_263] {strides = array<i32>} : memref<1600xi32, #tpu.memory_space<vmem>>, vector<16xi32>,
        %ge3A_265 = vector.broadcast %mul3A_2 : i32 to vector<16xi32>
        %ge3A_266 = arith.cmpi sge, %get3A_264, %ge3A_265 : vector<16xi32>
        %add3A_267 = arith.constant 320 : i32
        %add3A_268 = arith.addi %mul3A_2, %add3A_267 : i32
        %lt3A_269 = vector.broadcast %add3A_268 : i32 to vector<16xi32>
        %lt3A_270 = arith.cmpi slt, %get3A_264, %lt3A_269 : vector<16xi32>
        %and3A_271 = arith.andi %ge3A_266, %lt3A_270 : vector<16xi1>
        %swap3A_272 = arith.index_cast %add3A_254 : i32 to index
        %swap3A_273 = tpu.vector_load %arg18[%swap3A_272] masked %and3A_271 {strides = array<i32>} : memref<6448xi32, #tpu.memory_space<vmem>>, vector<16xi32>, vector<16xi1>
        tpu.vector_store %arg18[%swap3A_272], %get3A_260 masked %and3A_271 {strides = array<i32>} : memref<6448xi32, #tpu.memory_space<vmem>>, vector<16xi32>, vector<16xi1>
        %swap3A_274 = arith.index_cast %add3A_254 : i32 to index
        %swap3A_275 = tpu.vector_load %arg19[%swap3A_274] masked %and3A_271 {strides = array<i32>} : memref<6448xi32, #tpu.memory_space<vmem>>, vector<16xi32>, vector<16xi1>
        tpu.vector_store %arg19[%swap3A_274], %get3A_264 masked %and3A_271 {strides = array<i32>} : memref<6448xi32, #tpu.memory_space<vmem>>, vector<16xi32>, vector<16xi1>
        %all_reduce_population_count3A_276 = tpu.all_reduce %and3A_271 {dim = 0 : i64, kind = #tpu.reduction_kind<sum>} : vector<16xi1> -> vector<16xi32>
        %slice3A_277 = vector.extract_strided_slice %all_reduce_population_count3A_276 {offsets = [0], sizes = [1], strides = [1]} : vector<16xi32> to vector<1xi32>
        %squeeze3A_278 = vector.extract %slice3A_277[0] : i32 from vector<1xi32>
        %add3A_279 = arith.addi %add3A_254, %squeeze3A_278 : i32
        scf.yield %add3A_279 : i32
      }
      %scan3A_119 = arith.constant 100 : i32
      %add3A_120 = arith.constant 4 : i32
      %add3A_121 = arith.addi %mul3A_47, %add3A_120 : i32
      %lt3A = arith.constant 100 : i32
      %lt3A_122 = arith.cmpi slt, %add3A_121, %lt3A : i32
      %convert_element_type3A_123 = arith.extui %lt3A_122 : i1 to i32
      %cond3A = arith.constant 0 : i32
      %cond3A_124 = arith.cmpi ne, %convert_element_type3A_123, %cond3A : i32
      scf.if %cond3A_124 {
        %add3A_185 = arith.constant 4 : i32
        %add3A_186 = arith.addi %mul3A_47, %add3A_185 : i32
        %mul3A_187 = arith.constant 1600 : i32
        %mul3A_188 = arith.muli %add3A_186, %mul3A_187 : i32
        %dma_start3A_189 = tpu.memref_slice %arg4[%mul3A_188] : memref<160000xi32, #tpu.memory_space<hbm>> -> memref<1600xi32, #tpu.memory_space<hbm>>
        %dma_start3A_190 = tpu.memref_slice %arg4[%mul3A_188] : memref<160000xi32, #tpu.memory_space<hbm>> -> memref<1600xi32, #tpu.memory_space<hbm>>
        tpu.enqueue_dma source(%dma_start3A_190 : memref<1600xi32, #tpu.memory_space<hbm>>) target(%arg14 : memref<1600xi32, #tpu.memory_space<vmem>>) target_semaphore(%arg28 : memref<!tpu.dma_semaphore, #tpu.memory_space<semaphore_mem>>)
        %dma_start3A_191 = tpu.memref_slice %arg5[%mul3A_188] : memref<160000xi32, #tpu.memory_space<hbm>> -> memref<1600xi32, #tpu.memory_space<hbm>>
        %dma_start3A_192 = tpu.memref_slice %arg5[%mul3A_188] : memref<160000xi32, #tpu.memory_space<hbm>> -> memref<1600xi32, #tpu.memory_space<hbm>>
        tpu.enqueue_dma source(%dma_start3A_192 : memref<1600xi32, #tpu.memory_space<hbm>>) target(%arg15 : memref<1600xi32, #tpu.memory_space<vmem>>) target_semaphore(%arg28 : memref<!tpu.dma_semaphore, #tpu.memory_space<semaphore_mem>>)
        %add3A_193 = arith.constant 5 : i32
        %add3A_194 = arith.addi %mul3A_47, %add3A_193 : i32
        %mul3A_195 = arith.constant 1600 : i32
        %mul3A_196 = arith.muli %add3A_194, %mul3A_195 : i32
        %dma_start3A_197 = tpu.memref_slice %arg4[%mul3A_196] : memref<160000xi32, #tpu.memory_space<hbm>> -> memref<1600xi32, #tpu.memory_space<hbm>>
        %dma_start3A_198 = tpu.memref_slice %arg4[%mul3A_196] : memref<160000xi32, #tpu.memory_space<hbm>> -> memref<1600xi32, #tpu.memory_space<hbm>>
        tpu.enqueue_dma source(%dma_start3A_198 : memref<1600xi32, #tpu.memory_space<hbm>>) target(%arg16 : memref<1600xi32, #tpu.memory_space<vmem>>) target_semaphore(%arg29 : memref<!tpu.dma_semaphore, #tpu.memory_space<semaphore_mem>>)
        %dma_start3A_199 = tpu.memref_slice %arg5[%mul3A_196] : memref<160000xi32, #tpu.memory_space<hbm>> -> memref<1600xi32, #tpu.memory_space<hbm>>
        %dma_start3A_200 = tpu.memref_slice %arg5[%mul3A_196] : memref<160000xi32, #tpu.memory_space<hbm>> -> memref<1600xi32, #tpu.memory_space<hbm>>
        tpu.enqueue_dma source(%dma_start3A_200 : memref<1600xi32, #tpu.memory_space<hbm>>) target(%arg17 : memref<1600xi32, #tpu.memory_space<vmem>>) target_semaphore(%arg29 : memref<!tpu.dma_semaphore, #tpu.memory_space<semaphore_mem>>)
      } else {
      }
      %add3A_125 = arith.constant 15 : i32
      %add3A_126 = arith.addi %scan3A_118, %add3A_125 : i32
      %jit3A = arith.constant 16 : i32
      %div3A = arith.divsi %add3A_126, %jit3A : i32
      %sign3A = arith.constant 0 : i32
      %sign3A_127 = arith.cmpi sgt, %add3A_126, %sign3A : i32
      %sign3A_128 = arith.extui %sign3A_127 : i1 to i32
      %sign3A_129 = arith.constant 0 : i32
      %sign3A_130 = arith.cmpi slt, %add3A_126, %sign3A_129 : i32
      %sign3A_131 = arith.extui %sign3A_130 : i1 to i32
      %sign3A_132 = arith.subi %sign3A_128, %sign3A_131 : i32
      %sign3A_133 = arith.constant 0 : i32
      %sign3A_134 = arith.cmpi sgt, %jit3A, %sign3A_133 : i32
      %sign3A_135 = arith.extui %sign3A_134 : i1 to i32
      %sign3A_136 = arith.constant 0 : i32
      %sign3A_137 = arith.cmpi slt, %jit3A, %sign3A_136 : i32
      %sign3A_138 = arith.extui %sign3A_137 : i1 to i32
      %sign3A_139 = arith.subi %sign3A_135, %sign3A_138 : i32
      %ne3A = arith.cmpi ne, %sign3A_132, %sign3A_139 : i32
      %rem3A = arith.remsi %add3A_126, %jit3A : i32
      %ne3A_140 = arith.constant 0 : i32
      %ne3A_141 = arith.cmpi ne, %rem3A, %ne3A_140 : i32
      %and3A = arith.andi %ne3A, %ne3A_141 : i1
      %sub3A = arith.constant 1 : i32
      %sub3A_142 = arith.subi %div3A, %sub3A : i32
      %select_n3A = arith.select %and3A, %sub3A_142, %div3A : i32
      %gt3A = arith.constant 0 : i32
      %gt3A_143 = arith.cmpi sgt, %select_n3A, %gt3A : i32
      %convert_element_type3A_144 = arith.extui %gt3A_143 : i1 to i32
      %cond3A_145 = arith.constant 0 : i32
      %cond3A_146 = arith.cmpi ne, %convert_element_type3A_144, %cond3A_145 : i32
      scf.if %cond3A_146 {
        %dma_start3A_185 = arith.constant 0 : i32
        %dma_start3A_186 = tpu.memref_slice %arg18[%dma_start3A_185] : memref<6448xi32, #tpu.memory_space<vmem>> -> memref<16xi32, #tpu.memory_space<vmem>>
        %dma_start3A_187 = arith.constant 0 : i32
        %dma_start3A_188 = arith.constant 0 : i32
        %dma_start3A_189 = tpu.memref_slice %arg2[%dma_start3A_187, %dma_start3A_188] : memref<10000x256xf32, #tpu.memory_space<hbm>> -> memref<10000x256xf32, #tpu.memory_space<hbm>>
        tpu.enqueue_indirect_dma source(%dma_start3A_189 : memref<10000x256xf32, #tpu.memory_space<hbm>>) target(%arg20 : memref<16x256xf32, #tpu.memory_space<vmem>>) offsets(%dma_start3A_186 : memref<16xi32, #tpu.memory_space<vmem>>) semaphore(%arg24 : memref<!tpu.dma_semaphore, #tpu.memory_space<semaphore_mem>>)
        %dma_start3A_190 = arith.constant 0 : i32
        %dma_start3A_191 = tpu.memref_slice %arg19[%dma_start3A_190] : memref<6448xi32, #tpu.memory_space<vmem>> -> memref<16xi32, #tpu.memory_space<vmem>>
        %dma_start3A_192 = arith.constant 0 : i32
        %dma_start3A_193 = arith.constant 0 : i32
        %dma_start3A_194 = tpu.memref_slice %arg3[%dma_start3A_192, %dma_start3A_193] : memref<10000x256xf32, #tpu.memory_space<hbm>> -> memref<10000x256xf32, #tpu.memory_space<hbm>>
        tpu.enqueue_indirect_dma source(%dma_start3A_194 : memref<10000x256xf32, #tpu.memory_space<hbm>>) target(%arg21 : memref<16x256xf32, #tpu.memory_space<vmem>>) offsets(%dma_start3A_191 : memref<16xi32, #tpu.memory_space<vmem>>) semaphore(%arg25 : memref<!tpu.dma_semaphore, #tpu.memory_space<semaphore_mem>>)
      } else {
      }
      %add3A_147 = arith.constant 1 : i32
      %add3A_148 = arith.addi %select_n3A, %add3A_147 : i32
      %jit3A_149 = arith.constant 2 : i32
      %div3A_150 = arith.divsi %add3A_148, %jit3A_149 : i32
      %sign3A_151 = arith.constant 0 : i32
      %sign3A_152 = arith.cmpi sgt, %add3A_148, %sign3A_151 : i32
      %sign3A_153 = arith.extui %sign3A_152 : i1 to i32
      %sign3A_154 = arith.constant 0 : i32
      %sign3A_155 = arith.cmpi slt, %add3A_148, %sign3A_154 : i32
      %sign3A_156 = arith.extui %sign3A_155 : i1 to i32
      %sign3A_157 = arith.subi %sign3A_153, %sign3A_156 : i32
      %sign3A_158 = arith.constant 0 : i32
      %sign3A_159 = arith.cmpi sgt, %jit3A_149, %sign3A_158 : i32
      %sign3A_160 = arith.extui %sign3A_159 : i1 to i32
      %sign3A_161 = arith.constant 0 : i32
      %sign3A_162 = arith.cmpi slt, %jit3A_149, %sign3A_161 : i32
      %sign3A_163 = arith.extui %sign3A_162 : i1 to i32
      %sign3A_164 = arith.subi %sign3A_160, %sign3A_163 : i32
      %ne3A_165 = arith.cmpi ne, %sign3A_157, %sign3A_164 : i32
      %rem3A_166 = arith.remsi %add3A_148, %jit3A_149 : i32
      %ne3A_167 = arith.constant 0 : i32
      %ne3A_168 = arith.cmpi ne, %rem3A_166, %ne3A_167 : i32
      %and3A_169 = arith.andi %ne3A_165, %ne3A_168 : i1
      %sub3A_170 = arith.constant 1 : i32
      %sub3A_171 = arith.subi %div3A_150, %sub3A_170 : i32
      %select_n3A_172 = arith.select %and3A_169, %sub3A_171, %div3A_150 : i32
      %while3A = arith.constant 0 : i32
      %while3A_173 = arith.constant 0 : i32
      %while3A_174 = arith.subi %select_n3A_172, %while3A : i32
      %while3A_175 = arith.addi %while3A, %while3A_174 : i32
      %while3A_176 = arith.constant 1 : i32
      %while3A_177 = arith.divsi %while3A_174, %while3A_176 : i32
      %while3A_178 = arith.muli %while3A_177, %while3A_176 : i32
      %while3A_179 = arith.addi %while3A, %while3A_178 : i32
      %while3A_180 = arith.constant 1 : i32
      %while3A_181 = scf.for %while3A_185 = %while3A to %while3A_179 step %while3A_180 iter_args(%while3A_186 = %while3A_173) -> (i32)  : i32 {
        %mul3A_187 = arith.constant 2 : i32
        %mul3A_188 = arith.muli %mul3A_187, %while3A_185 : i32
        %add3A_189 = arith.constant 1 : i32
        %add3A_190 = arith.addi %mul3A_188, %add3A_189 : i32
        %lt3A_191 = arith.cmpi slt, %add3A_190, %select_n3A : i32
        %convert_element_type3A_192 = arith.extui %lt3A_191 : i1 to i32
        %cond3A_193 = arith.constant 0 : i32
        %cond3A_194 = arith.cmpi ne, %convert_element_type3A_192, %cond3A_193 : i32
        scf.if %cond3A_194 {
          %add3A_225 = arith.constant 1 : i32
          %add3A_226 = arith.addi %mul3A_188, %add3A_225 : i32
          %mul3A_227 = arith.constant 16 : i32
          %mul3A_228 = arith.muli %add3A_226, %mul3A_227 : i32
          %dma_start3A_229 = tpu.memref_slice %arg18[%mul3A_228] : memref<6448xi32, #tpu.memory_space<vmem>> -> memref<16xi32, #tpu.memory_space<vmem>>
          %dma_start3A_230 = arith.constant 0 : i32
          %dma_start3A_231 = arith.constant 0 : i32
          %dma_start3A_232 = tpu.memref_slice %arg2[%dma_start3A_230, %dma_start3A_231] : memref<10000x256xf32, #tpu.memory_space<hbm>> -> memref<10000x256xf32, #tpu.memory_space<hbm>>
          tpu.enqueue_indirect_dma source(%dma_start3A_232 : memref<10000x256xf32, #tpu.memory_space<hbm>>) target(%arg22 : memref<16x256xf32, #tpu.memory_space<vmem>>) offsets(%dma_start3A_229 : memref<16xi32, #tpu.memory_space<vmem>>) semaphore(%arg26 : memref<!tpu.dma_semaphore, #tpu.memory_space<semaphore_mem>>)
          %mul3A_233 = arith.constant 16 : i32
          %mul3A_234 = arith.muli %add3A_226, %mul3A_233 : i32
          %dma_start3A_235 = tpu.memref_slice %arg19[%mul3A_234] : memref<6448xi32, #tpu.memory_space<vmem>> -> memref<16xi32, #tpu.memory_space<vmem>>
          %dma_start3A_236 = arith.constant 0 : i32
          %dma_start3A_237 = arith.constant 0 : i32
          %dma_start3A_238 = tpu.memref_slice %arg3[%dma_start3A_236, %dma_start3A_237] : memref<10000x256xf32, #tpu.memory_space<hbm>> -> memref<10000x256xf32, #tpu.memory_space<hbm>>
          tpu.enqueue_indirect_dma source(%dma_start3A_238 : memref<10000x256xf32, #tpu.memory_space<hbm>>) target(%arg23 : memref<16x256xf32, #tpu.memory_space<vmem>>) offsets(%dma_start3A_235 : memref<16xi32, #tpu.memory_space<vmem>>) semaphore(%arg27 : memref<!tpu.dma_semaphore, #tpu.memory_space<semaphore_mem>>)
        } else {
        }
        %dma_wait3A_195 = arith.constant 0 : i32
        %dma_wait3A_196 = tpu.memref_slice %arg18[%dma_wait3A_195] : memref<6448xi32, #tpu.memory_space<vmem>> -> memref<16xi32, #tpu.memory_space<vmem>>
        %dma_wait3A_197 = arith.constant 0 : i32
        %dma_wait3A_198 = arith.constant 0 : i32
        %dma_wait3A_199 = tpu.memref_slice %arg2[%dma_wait3A_197, %dma_wait3A_198] : memref<10000x256xf32, #tpu.memory_space<hbm>> -> memref<10000x256xf32, #tpu.memory_space<hbm>>
        tpu.wait_indirect_dma semaphore(%arg24 : memref<!tpu.dma_semaphore, #tpu.memory_space<semaphore_mem>>) src(%dma_wait3A_199 : memref<10000x256xf32, #tpu.memory_space<hbm>>) dst(%arg20 : memref<16x256xf32, #tpu.memory_space<vmem>>)
        %dma_wait3A_200 = arith.constant 0 : i32
        %dma_wait3A_201 = tpu.memref_slice %arg19[%dma_wait3A_200] : memref<6448xi32, #tpu.memory_space<vmem>> -> memref<16xi32, #tpu.memory_space<vmem>>
        %dma_wait3A_202 = arith.constant 0 : i32
        %dma_wait3A_203 = arith.constant 0 : i32
        %dma_wait3A_204 = tpu.memref_slice %arg3[%dma_wait3A_202, %dma_wait3A_203] : memref<10000x256xf32, #tpu.memory_space<hbm>> -> memref<10000x256xf32, #tpu.memory_space<hbm>>
        tpu.wait_indirect_dma semaphore(%arg25 : memref<!tpu.dma_semaphore, #tpu.memory_space<semaphore_mem>>) src(%dma_wait3A_204 : memref<10000x256xf32, #tpu.memory_space<hbm>>) dst(%arg21 : memref<16x256xf32, #tpu.memory_space<vmem>>)
        %scan3A_205 = arith.constant 0 : i32
        %scan3A_206 = arith.constant 0 : i32
        %scan3A_207 = arith.constant 16 : i32
        %scan3A_208 = arith.addi %scan3A_206, %scan3A_207 : i32
        %scan3A_209 = arith.constant 2 : i32
        %scan3A_210 = scf.for %scan3A_225 = %scan3A_206 to %scan3A_208 step %scan3A_209 iter_args(%scan3A_226 = %scan3A_205) -> (i32)  : i32 {
          %mul3A_227 = arith.constant 16 : i32
          %mul3A_228 = arith.muli %mul3A_188, %mul3A_227 : i32
          %add3A_229 = arith.addi %mul3A_228, %scan3A_225 : i32
          %get3A_230 = arith.index_cast %add3A_229 : i32 to index
          %get3A_231 = tpu.vector_load %arg19[%get3A_230] {strides = array<i32>} : memref<6448xi32, #tpu.memory_space<vmem>>, vector<16xi32>,
          %slice3A = vector.extract_strided_slice %get3A_231 {offsets = [0], sizes = [1], strides = [1]} : vector<16xi32> to vector<1xi32>
          %squeeze3A = vector.extract %slice3A[0] : i32 from vector<1xi32>
          %sub3A_232 = arith.subi %squeeze3A, %mul3A_2 : i32
          %broadcast_in_dim3A = arith.constant 0.000000e+00 : f32
          %broadcast_in_dim3A_233 = vector.broadcast %broadcast_in_dim3A : f32 to vector<16xf32>
          %get3A_234 = arith.index_cast %scan3A_225 : i32 to index
          %get3A_235 = arith.constant 0 : index
          %get3A_236 = tpu.vector_load %arg20[%get3A_234, %get3A_235] {strides = array<i32>} : memref<16x256xf32, #tpu.memory_space<vmem>>, vector<16xf32>,
          %get3A_237 = arith.index_cast %scan3A_225 : i32 to index
          %get3A_238 = arith.constant 0 : index
          %get3A_239 = tpu.vector_load %arg21[%get3A_237, %get3A_238] {strides = array<i32>} : memref<16x256xf32, #tpu.memory_space<vmem>>, vector<16xf32>,
          %add3A_240 = arith.addf %get3A_236, %get3A_239 : vector<16xf32>
          %max3A = arith.constant 0.000000e+00 : f32
          %max3A_241 = vector.broadcast %max3A : f32 to vector<16xf32>
          %max3A_242 = arith.maximumf %add3A_240, %max3A_241 : vector<16xf32>
          %get3A_243 = arith.constant 0 : index
          %get3A_244 = tpu.vector_load %arg12[%get3A_243] {strides = array<i32>} : memref<256xf32, #tpu.memory_space<vmem>>, vector<16xf32>,
          %mul3A_245 = arith.mulf %max3A_242, %get3A_244 : vector<16xf32>
          %add3A_246 = arith.addf %broadcast_in_dim3A_233, %mul3A_245 : vector<16xf32>
          %get3A_247 = arith.index_cast %scan3A_225 : i32 to index
          %get3A_248 = arith.constant 16 : index
          %get3A_249 = tpu.vector_load %arg20[%get3A_247, %get3A_248] {strides = array<i32>} : memref<16x256xf32, #tpu.memory_space<vmem>>, vector<16xf32>,
          %get3A_250 = arith.index_cast %scan3A_225 : i32 to index
          %get3A_251 = arith.constant 16 : index
          %get3A_252 = tpu.vector_load %arg21[%get3A_250, %get3A_251] {strides = array<i32>} : memref<16x256xf32, #tpu.memory_space<vmem>>, vector<16xf32>,
          %add3A_253 = arith.addf %get3A_249, %get3A_252 : vector<16xf32>
          %max3A_254 = arith.constant 0.000000e+00 : f32
          %max3A_255 = vector.broadcast %max3A_254 : f32 to vector<16xf32>
          %max3A_256 = arith.maximumf %add3A_253, %max3A_255 : vector<16xf32>
          %get3A_257 = arith.constant 16 : index
          %get3A_258 = tpu.vector_load %arg12[%get3A_257] {strides = array<i32>} : memref<256xf32, #tpu.memory_space<vmem>>, vector<16xf32>,
          %mul3A_259 = arith.mulf %max3A_256, %get3A_258 : vector<16xf32>
          %add3A_260 = arith.addf %add3A_246, %mul3A_259 : vector<16xf32>
          %get3A_261 = arith.index_cast %scan3A_225 : i32 to index
          %get3A_262 = arith.constant 32 : index
          %get3A_263 = tpu.vector_load %arg20[%get3A_261, %get3A_262] {strides = array<i32>} : memref<16x256xf32, #tpu.memory_space<vmem>>, vector<16xf32>,
          %get3A_264 = arith.index_cast %scan3A_225 : i32 to index
          %get3A_265 = arith.constant 32 : index
          %get3A_266 = tpu.vector_load %arg21[%get3A_264, %get3A_265] {strides = array<i32>} : memref<16x256xf32, #tpu.memory_space<vmem>>, vector<16xf32>,
          %add3A_267 = arith.addf %get3A_263, %get3A_266 : vector<16xf32>
          %max3A_268 = arith.constant 0.000000e+00 : f32
          %max3A_269 = vector.broadcast %max3A_268 : f32 to vector<16xf32>
          %max3A_270 = arith.maximumf %add3A_267, %max3A_269 : vector<16xf32>
          %get3A_271 = arith.constant 32 : index
          %get3A_272 = tpu.vector_load %arg12[%get3A_271] {strides = array<i32>} : memref<256xf32, #tpu.memory_space<vmem>>, vector<16xf32>,
          %mul3A_273 = arith.mulf %max3A_270, %get3A_272 : vector<16xf32>
          %add3A_274 = arith.addf %add3A_260, %mul3A_273 : vector<16xf32>
          %get3A_275 = arith.index_cast %scan3A_225 : i32 to index
          %get3A_276 = arith.constant 48 : index
          %get3A_277 = tpu.vector_load %arg20[%get3A_275, %get3A_276] {strides = array<i32>} : memref<16x256xf32, #tpu.memory_space<vmem>>, vector<16xf32>,
          %get3A_278 = arith.index_cast %scan3A_225 : i32 to index
          %get3A_279 = arith.constant 48 : index
          %get3A_280 = tpu.vector_load %arg21[%get3A_278, %get3A_279] {strides = array<i32>} : memref<16x256xf32, #tpu.memory_space<vmem>>, vector<16xf32>,
          %add3A_281 = arith.addf %get3A_277, %get3A_280 : vector<16xf32>
          %max3A_282 = arith.constant 0.000000e+00 : f32
          %max3A_283 = vector.broadcast %max3A_282 : f32 to vector<16xf32>
          %max3A_284 = arith.maximumf %add3A_281, %max3A_283 : vector<16xf32>
          %get3A_285 = arith.constant 48 : index
          %get3A_286 = tpu.vector_load %arg12[%get3A_285] {strides = array<i32>} : memref<256xf32, #tpu.memory_space<vmem>>, vector<16xf32>,
          %mul3A_287 = arith.mulf %max3A_284, %get3A_286 : vector<16xf32>
          %add3A_288 = arith.addf %add3A_274, %mul3A_287 : vector<16xf32>
          %get3A_289 = arith.index_cast %scan3A_225 : i32 to index
          %get3A_290 = arith.constant 64 : index
          %get3A_291 = tpu.vector_load %arg20[%get3A_289, %get3A_290] {strides = array<i32>} : memref<16x256xf32, #tpu.memory_space<vmem>>, vector<16xf32>,
          %get3A_292 = arith.index_cast %scan3A_225 : i32 to index
          %get3A_293 = arith.constant 64 : index
          %get3A_294 = tpu.vector_load %arg21[%get3A_292, %get3A_293] {strides = array<i32>} : memref<16x256xf32, #tpu.memory_space<vmem>>, vector<16xf32>,
          %add3A_295 = arith.addf %get3A_291, %get3A_294 : vector<16xf32>
          %max3A_296 = arith.constant 0.000000e+00 : f32
          %max3A_297 = vector.broadcast %max3A_296 : f32 to vector<16xf32>
          %max3A_298 = arith.maximumf %add3A_295, %max3A_297 : vector<16xf32>
          %get3A_299 = arith.constant 64 : index
          %get3A_300 = tpu.vector_load %arg12[%get3A_299] {strides = array<i32>} : memref<256xf32, #tpu.memory_space<vmem>>, vector<16xf32>,
          %mul3A_301 = arith.mulf %max3A_298, %get3A_300 : vector<16xf32>
          %add3A_302 = arith.addf %add3A_288, %mul3A_301 : vector<16xf32>
          %get3A_303 = arith.index_cast %scan3A_225 : i32 to index
          %get3A_304 = arith.constant 80 : index
          %get3A_305 = tpu.vector_load %arg20[%get3A_303, %get3A_304] {strides = array<i32>} : memref<16x256xf32, #tpu.memory_space<vmem>>, vector<16xf32>,
          %get3A_306 = arith.index_cast %scan3A_225 : i32 to index
          %get3A_307 = arith.constant 80 : index
          %get3A_308 = tpu.vector_load %arg21[%get3A_306, %get3A_307] {strides = array<i32>} : memref<16x256xf32, #tpu.memory_space<vmem>>, vector<16xf32>,
          %add3A_309 = arith.addf %get3A_305, %get3A_308 : vector<16xf32>
          %max3A_310 = arith.constant 0.000000e+00 : f32
          %max3A_311 = vector.broadcast %max3A_310 : f32 to vector<16xf32>
          %max3A_312 = arith.maximumf %add3A_309, %max3A_311 : vector<16xf32>
          %get3A_313 = arith.constant 80 : index
          %get3A_314 = tpu.vector_load %arg12[%get3A_313] {strides = array<i32>} : memref<256xf32, #tpu.memory_space<vmem>>, vector<16xf32>,
          %mul3A_315 = arith.mulf %max3A_312, %get3A_314 : vector<16xf32>
          %add3A_316 = arith.addf %add3A_302, %mul3A_315 : vector<16xf32>
          %get3A_317 = arith.index_cast %scan3A_225 : i32 to index
          %get3A_318 = arith.constant 96 : index
          %get3A_319 = tpu.vector_load %arg20[%get3A_317, %get3A_318] {strides = array<i32>} : memref<16x256xf32, #tpu.memory_space<vmem>>, vector<16xf32>,
          %get3A_320 = arith.index_cast %scan3A_225 : i32 to index
          %get3A_321 = arith.constant 96 : index
          %get3A_322 = tpu.vector_load %arg21[%get3A_320, %get3A_321] {strides = array<i32>} : memref<16x256xf32, #tpu.memory_space<vmem>>, vector<16xf32>,
          %add3A_323 = arith.addf %get3A_319, %get3A_322 : vector<16xf32>
          %max3A_324 = arith.constant 0.000000e+00 : f32
          %max3A_325 = vector.broadcast %max3A_324 : f32 to vector<16xf32>
          %max3A_326 = arith.maximumf %add3A_323, %max3A_325 : vector<16xf32>
          %get3A_327 = arith.constant 96 : index
          %get3A_328 = tpu.vector_load %arg12[%get3A_327] {strides = array<i32>} : memref<256xf32, #tpu.memory_space<vmem>>, vector<16xf32>,
          %mul3A_329 = arith.mulf %max3A_326, %get3A_328 : vector<16xf32>
          %add3A_330 = arith.addf %add3A_316, %mul3A_329 : vector<16xf32>
          %get3A_331 = arith.index_cast %scan3A_225 : i32 to index
          %get3A_332 = arith.constant 112 : index
          %get3A_333 = tpu.vector_load %arg20[%get3A_331, %get3A_332] {strides = array<i32>} : memref<16x256xf32, #tpu.memory_space<vmem>>, vector<16xf32>,
          %get3A_334 = arith.index_cast %scan3A_225 : i32 to index
          %get3A_335 = arith.constant 112 : index
          %get3A_336 = tpu.vector_load %arg21[%get3A_334, %get3A_335] {strides = array<i32>} : memref<16x256xf32, #tpu.memory_space<vmem>>, vector<16xf32>,
          %add3A_337 = arith.addf %get3A_333, %get3A_336 : vector<16xf32>
          %max3A_338 = arith.constant 0.000000e+00 : f32
          %max3A_339 = vector.broadcast %max3A_338 : f32 to vector<16xf32>
          %max3A_340 = arith.maximumf %add3A_337, %max3A_339 : vector<16xf32>
          %get3A_341 = arith.constant 112 : index
          %get3A_342 = tpu.vector_load %arg12[%get3A_341] {strides = array<i32>} : memref<256xf32, #tpu.memory_space<vmem>>, vector<16xf32>,
          %mul3A_343 = arith.mulf %max3A_340, %get3A_342 : vector<16xf32>
          %add3A_344 = arith.addf %add3A_330, %mul3A_343 : vector<16xf32>
          %get3A_345 = arith.index_cast %scan3A_225 : i32 to index
          %get3A_346 = arith.constant 128 : index
          %get3A_347 = tpu.vector_load %arg20[%get3A_345, %get3A_346] {strides = array<i32>} : memref<16x256xf32, #tpu.memory_space<vmem>>, vector<16xf32>,
          %get3A_348 = arith.index_cast %scan3A_225 : i32 to index
          %get3A_349 = arith.constant 128 : index
          %get3A_350 = tpu.vector_load %arg21[%get3A_348, %get3A_349] {strides = array<i32>} : memref<16x256xf32, #tpu.memory_space<vmem>>, vector<16xf32>,
          %add3A_351 = arith.addf %get3A_347, %get3A_350 : vector<16xf32>
          %max3A_352 = arith.constant 0.000000e+00 : f32
          %max3A_353 = vector.broadcast %max3A_352 : f32 to vector<16xf32>
          %max3A_354 = arith.maximumf %add3A_351, %max3A_353 : vector<16xf32>
          %get3A_355 = arith.constant 128 : index
          %get3A_356 = tpu.vector_load %arg12[%get3A_355] {strides = array<i32>} : memref<256xf32, #tpu.memory_space<vmem>>, vector<16xf32>,
          %mul3A_357 = arith.mulf %max3A_354, %get3A_356 : vector<16xf32>
          %add3A_358 = arith.addf %add3A_344, %mul3A_357 : vector<16xf32>
          %get3A_359 = arith.index_cast %scan3A_225 : i32 to index
          %get3A_360 = arith.constant 144 : index
          %get3A_361 = tpu.vector_load %arg20[%get3A_359, %get3A_360] {strides = array<i32>} : memref<16x256xf32, #tpu.memory_space<vmem>>, vector<16xf32>,
          %get3A_362 = arith.index_cast %scan3A_225 : i32 to index
          %get3A_363 = arith.constant 144 : index
          %get3A_364 = tpu.vector_load %arg21[%get3A_362, %get3A_363] {strides = array<i32>} : memref<16x256xf32, #tpu.memory_space<vmem>>, vector<16xf32>,
          %add3A_365 = arith.addf %get3A_361, %get3A_364 : vector<16xf32>
          %max3A_366 = arith.constant 0.000000e+00 : f32
          %max3A_367 = vector.broadcast %max3A_366 : f32 to vector<16xf32>
          %max3A_368 = arith.maximumf %add3A_365, %max3A_367 : vector<16xf32>
          %get3A_369 = arith.constant 144 : index
          %get3A_370 = tpu.vector_load %arg12[%get3A_369] {strides = array<i32>} : memref<256xf32, #tpu.memory_space<vmem>>, vector<16xf32>,
          %mul3A_371 = arith.mulf %max3A_368, %get3A_370 : vector<16xf32>
          %add3A_372 = arith.addf %add3A_358, %mul3A_371 : vector<16xf32>
          %get3A_373 = arith.index_cast %scan3A_225 : i32 to index
          %get3A_374 = arith.constant 160 : index
          %get3A_375 = tpu.vector_load %arg20[%get3A_373, %get3A_374] {strides = array<i32>} : memref<16x256xf32, #tpu.memory_space<vmem>>, vector<16xf32>,
          %get3A_376 = arith.index_cast %scan3A_225 : i32 to index
          %get3A_377 = arith.constant 160 : index
          %get3A_378 = tpu.vector_load %arg21[%get3A_376, %get3A_377] {strides = array<i32>} : memref<16x256xf32, #tpu.memory_space<vmem>>, vector<16xf32>,
          %add3A_379 = arith.addf %get3A_375, %get3A_378 : vector<16xf32>
          %max3A_380 = arith.constant 0.000000e+00 : f32
          %max3A_381 = vector.broadcast %max3A_380 : f32 to vector<16xf32>
          %max3A_382 = arith.maximumf %add3A_379, %max3A_381 : vector<16xf32>
          %get3A_383 = arith.constant 160 : index
          %get3A_384 = tpu.vector_load %arg12[%get3A_383] {strides = array<i32>} : memref<256xf32, #tpu.memory_space<vmem>>, vector<16xf32>,
          %mul3A_385 = arith.mulf %max3A_382, %get3A_384 : vector<16xf32>
          %add3A_386 = arith.addf %add3A_372, %mul3A_385 : vector<16xf32>
          %get3A_387 = arith.index_cast %scan3A_225 : i32 to index
          %get3A_388 = arith.constant 176 : index
          %get3A_389 = tpu.vector_load %arg20[%get3A_387, %get3A_388] {strides = array<i32>} : memref<16x256xf32, #tpu.memory_space<vmem>>, vector<16xf32>,
          %get3A_390 = arith.index_cast %scan3A_225 : i32 to index
          %get3A_391 = arith.constant 176 : index
          %get3A_392 = tpu.vector_load %arg21[%get3A_390, %get3A_391] {strides = array<i32>} : memref<16x256xf32, #tpu.memory_space<vmem>>, vector<16xf32>,
          %add3A_393 = arith.addf %get3A_389, %get3A_392 : vector<16xf32>
          %max3A_394 = arith.constant 0.000000e+00 : f32
          %max3A_395 = vector.broadcast %max3A_394 : f32 to vector<16xf32>
          %max3A_396 = arith.maximumf %add3A_393, %max3A_395 : vector<16xf32>
          %get3A_397 = arith.constant 176 : index
          %get3A_398 = tpu.vector_load %arg12[%get3A_397] {strides = array<i32>} : memref<256xf32, #tpu.memory_space<vmem>>, vector<16xf32>,
          %mul3A_399 = arith.mulf %max3A_396, %get3A_398 : vector<16xf32>
          %add3A_400 = arith.addf %add3A_386, %mul3A_399 : vector<16xf32>
          %get3A_401 = arith.index_cast %scan3A_225 : i32 to index
          %get3A_402 = arith.constant 192 : index
          %get3A_403 = tpu.vector_load %arg20[%get3A_401, %get3A_402] {strides = array<i32>} : memref<16x256xf32, #tpu.memory_space<vmem>>, vector<16xf32>,
          %get3A_404 = arith.index_cast %scan3A_225 : i32 to index
          %get3A_405 = arith.constant 192 : index
          %get3A_406 = tpu.vector_load %arg21[%get3A_404, %get3A_405] {strides = array<i32>} : memref<16x256xf32, #tpu.memory_space<vmem>>, vector<16xf32>,
          %add3A_407 = arith.addf %get3A_403, %get3A_406 : vector<16xf32>
          %max3A_408 = arith.constant 0.000000e+00 : f32
          %max3A_409 = vector.broadcast %max3A_408 : f32 to vector<16xf32>
          %max3A_410 = arith.maximumf %add3A_407, %max3A_409 : vector<16xf32>
          %get3A_411 = arith.constant 192 : index
          %get3A_412 = tpu.vector_load %arg12[%get3A_411] {strides = array<i32>} : memref<256xf32, #tpu.memory_space<vmem>>, vector<16xf32>,
          %mul3A_413 = arith.mulf %max3A_410, %get3A_412 : vector<16xf32>
          %add3A_414 = arith.addf %add3A_400, %mul3A_413 : vector<16xf32>
          %get3A_415 = arith.index_cast %scan3A_225 : i32 to index
          %get3A_416 = arith.constant 208 : index
          %get3A_417 = tpu.vector_load %arg20[%get3A_415, %get3A_416] {strides = array<i32>} : memref<16x256xf32, #tpu.memory_space<vmem>>, vector<16xf32>,
          %get3A_418 = arith.index_cast %scan3A_225 : i32 to index
          %get3A_419 = arith.constant 208 : index
          %get3A_420 = tpu.vector_load %arg21[%get3A_418, %get3A_419] {strides = array<i32>} : memref<16x256xf32, #tpu.memory_space<vmem>>, vector<16xf32>,
          %add3A_421 = arith.addf %get3A_417, %get3A_420 : vector<16xf32>
          %max3A_422 = arith.constant 0.000000e+00 : f32
          %max3A_423 = vector.broadcast %max3A_422 : f32 to vector<16xf32>
          %max3A_424 = arith.maximumf %add3A_421, %max3A_423 : vector<16xf32>
          %get3A_425 = arith.constant 208 : index
          %get3A_426 = tpu.vector_load %arg12[%get3A_425] {strides = array<i32>} : memref<256xf32, #tpu.memory_space<vmem>>, vector<16xf32>,
          %mul3A_427 = arith.mulf %max3A_424, %get3A_426 : vector<16xf32>
          %add3A_428 = arith.addf %add3A_414, %mul3A_427 : vector<16xf32>
          %get3A_429 = arith.index_cast %scan3A_225 : i32 to index
          %get3A_430 = arith.constant 224 : index
          %get3A_431 = tpu.vector_load %arg20[%get3A_429, %get3A_430] {strides = array<i32>} : memref<16x256xf32, #tpu.memory_space<vmem>>, vector<16xf32>,
          %get3A_432 = arith.index_cast %scan3A_225 : i32 to index
          %get3A_433 = arith.constant 224 : index
          %get3A_434 = tpu.vector_load %arg21[%get3A_432, %get3A_433] {strides = array<i32>} : memref<16x256xf32, #tpu.memory_space<vmem>>, vector<16xf32>,
          %add3A_435 = arith.addf %get3A_431, %get3A_434 : vector<16xf32>
          %max3A_436 = arith.constant 0.000000e+00 : f32
          %max3A_437 = vector.broadcast %max3A_436 : f32 to vector<16xf32>
          %max3A_438 = arith.maximumf %add3A_435, %max3A_437 : vector<16xf32>
          %get3A_439 = arith.constant 224 : index
          %get3A_440 = tpu.vector_load %arg12[%get3A_439] {strides = array<i32>} : memref<256xf32, #tpu.memory_space<vmem>>, vector<16xf32>,
          %mul3A_441 = arith.mulf %max3A_438, %get3A_440 : vector<16xf32>
          %add3A_442 = arith.addf %add3A_428, %mul3A_441 : vector<16xf32>
          %get3A_443 = arith.index_cast %scan3A_225 : i32 to index
          %get3A_444 = arith.constant 240 : index
          %get3A_445 = tpu.vector_load %arg20[%get3A_443, %get3A_444] {strides = array<i32>} : memref<16x256xf32, #tpu.memory_space<vmem>>, vector<16xf32>,
          %get3A_446 = arith.index_cast %scan3A_225 : i32 to index
          %get3A_447 = arith.constant 240 : index
          %get3A_448 = tpu.vector_load %arg21[%get3A_446, %get3A_447] {strides = array<i32>} : memref<16x256xf32, #tpu.memory_space<vmem>>, vector<16xf32>,
          %add3A_449 = arith.addf %get3A_445, %get3A_448 : vector<16xf32>
          %max3A_450 = arith.constant 0.000000e+00 : f32
          %max3A_451 = vector.broadcast %max3A_450 : f32 to vector<16xf32>
          %max3A_452 = arith.maximumf %add3A_449, %max3A_451 : vector<16xf32>
          %get3A_453 = arith.constant 240 : index
          %get3A_454 = tpu.vector_load %arg12[%get3A_453] {strides = array<i32>} : memref<256xf32, #tpu.memory_space<vmem>>, vector<16xf32>,
          %mul3A_455 = arith.mulf %max3A_452, %get3A_454 : vector<16xf32>
          %add3A_456 = arith.addf %add3A_442, %mul3A_455 : vector<16xf32>
          %reduce_sum3A = arith.constant true
          %reduce_sum3A_457 = vector.broadcast %reduce_sum3A : i1 to vector<16xi1>
          %reduce_sum3A_458 = tpu.scan <sum>, %add3A_456 masked %reduce_sum3A_457 : vector<16xf32>, vector<16xi1> -> vector<16xf32>
          %reduce_sum3A_459 = vector.extract %reduce_sum3A_458[15] : f32 from vector<16xf32>
          %lt3A_460 = arith.cmpi slt, %add3A_229, %scan3A_118 : i32
          %jit3A_461 = arith.constant 1.000000e+00 : f32
          %jit3A_462 = arith.constant 0.000000e+00 : f32
          %select_n3A_463 = arith.select %lt3A_460, %jit3A_461, %jit3A_462 : f32
          %broadcast_in_dim3A_464 = vector.broadcast %reduce_sum3A_459 : f32 to vector<16xf32>
          %add3A_465 = arith.addf %broadcast_in_dim3A_464, %get3A_16 : vector<16xf32>
          %exp3A = math.exp %add3A_465 : vector<16xf32>
          %mul3A_466 = vector.broadcast %select_n3A_463 : f32 to vector<16xf32>
          %mul3A_467 = arith.mulf %exp3A, %mul3A_466 : vector<16xf32>
          %mul3A_468 = arith.mulf %mul3A_467, %max3A_242 : vector<16xf32>
          %swap3A = arith.index_cast %sub3A_232 : i32 to index
          %swap3A_469 = arith.constant 0 : index
          %swap3A_470 = tpu.vector_load %arg10[%swap3A, %swap3A_469] {strides = array<i32>} : memref<320x256xf32, #tpu.memory_space<vmem>>, vector<16xf32>,
          tpu.vector_store %arg10[%swap3A, %swap3A_469], %mul3A_468 {add = true, strides = array<i32>} : memref<320x256xf32, #tpu.memory_space<vmem>>, vector<16xf32>,
          %mul3A_471 = arith.mulf %mul3A_467, %max3A_256 : vector<16xf32>
          %swap3A_472 = arith.index_cast %sub3A_232 : i32 to index
          %swap3A_473 = arith.constant 16 : index
          %swap3A_474 = tpu.vector_load %arg10[%swap3A_472, %swap3A_473] {strides = array<i32>} : memref<320x256xf32, #tpu.memory_space<vmem>>, vector<16xf32>,
          tpu.vector_store %arg10[%swap3A_472, %swap3A_473], %mul3A_471 {add = true, strides = array<i32>} : memref<320x256xf32, #tpu.memory_space<vmem>>, vector<16xf32>,
          %mul3A_475 = arith.mulf %mul3A_467, %max3A_270 : vector<16xf32>
          %swap3A_476 = arith.index_cast %sub3A_232 : i32 to index
          %swap3A_477 = arith.constant 32 : index
          %swap3A_478 = tpu.vector_load %arg10[%swap3A_476, %swap3A_477] {strides = array<i32>} : memref<320x256xf32, #tpu.memory_space<vmem>>, vector<16xf32>,
          tpu.vector_store %arg10[%swap3A_476, %swap3A_477], %mul3A_475 {add = true, strides = array<i32>} : memref<320x256xf32, #tpu.memory_space<vmem>>, vector<16xf32>,
          %mul3A_479 = arith.mulf %mul3A_467, %max3A_284 : vector<16xf32>
          %swap3A_480 = arith.index_cast %sub3A_232 : i32 to index
          %swap3A_481 = arith.constant 48 : index
          %swap3A_482 = tpu.vector_load %arg10[%swap3A_480, %swap3A_481] {strides = array<i32>} : memref<320x256xf32, #tpu.memory_space<vmem>>, vector<16xf32>,
          tpu.vector_store %arg10[%swap3A_480, %swap3A_481], %mul3A_479 {add = true, strides = array<i32>} : memref<320x256xf32, #tpu.memory_space<vmem>>, vector<16xf32>,
          %mul3A_483 = arith.mulf %mul3A_467, %max3A_298 : vector<16xf32>
          %swap3A_484 = arith.index_cast %sub3A_232 : i32 to index
          %swap3A_485 = arith.constant 64 : index
          %swap3A_486 = tpu.vector_load %arg10[%swap3A_484, %swap3A_485] {strides = array<i32>} : memref<320x256xf32, #tpu.memory_space<vmem>>, vector<16xf32>,
          tpu.vector_store %arg10[%swap3A_484, %swap3A_485], %mul3A_483 {add = true, strides = array<i32>} : memref<320x256xf32, #tpu.memory_space<vmem>>, vector<16xf32>,
          %mul3A_487 = arith.mulf %mul3A_467, %max3A_312 : vector<16xf32>
          %swap3A_488 = arith.index_cast %sub3A_232 : i32 to index
          %swap3A_489 = arith.constant 80 : index
          %swap3A_490 = tpu.vector_load %arg10[%swap3A_488, %swap3A_489] {strides = array<i32>} : memref<320x256xf32, #tpu.memory_space<vmem>>, vector<16xf32>,
          tpu.vector_store %arg10[%swap3A_488, %swap3A_489], %mul3A_487 {add = true, strides = array<i32>} : memref<320x256xf32, #tpu.memory_space<vmem>>, vector<16xf32>,
          %mul3A_491 = arith.mulf %mul3A_467, %max3A_326 : vector<16xf32>
          %swap3A_492 = arith.index_cast %sub3A_232 : i32 to index
          %swap3A_493 = arith.constant 96 : index
          %swap3A_494 = tpu.vector_load %arg10[%swap3A_492, %swap3A_493] {strides = array<i32>} : memref<320x256xf32, #tpu.memory_space<vmem>>, vector<16xf32>,
          tpu.vector_store %arg10[%swap3A_492, %swap3A_493], %mul3A_491 {add = true, strides = array<i32>} : memref<320x256xf32, #tpu.memory_space<vmem>>, vector<16xf32>,
          %mul3A_495 = arith.mulf %mul3A_467, %max3A_340 : vector<16xf32>
          %swap3A_496 = arith.index_cast %sub3A_232 : i32 to index
          %swap3A_497 = arith.constant 112 : index
          %swap3A_498 = tpu.vector_load %arg10[%swap3A_496, %swap3A_497] {strides = array<i32>} : memref<320x256xf32, #tpu.memory_space<vmem>>, vector<16xf32>,
          tpu.vector_store %arg10[%swap3A_496, %swap3A_497], %mul3A_495 {add = true, strides = array<i32>} : memref<320x256xf32, #tpu.memory_space<vmem>>, vector<16xf32>,
          %mul3A_499 = arith.mulf %mul3A_467, %max3A_354 : vector<16xf32>
          %swap3A_500 = arith.index_cast %sub3A_232 : i32 to index
          %swap3A_501 = arith.constant 128 : index
          %swap3A_502 = tpu.vector_load %arg10[%swap3A_500, %swap3A_501] {strides = array<i32>} : memref<320x256xf32, #tpu.memory_space<vmem>>, vector<16xf32>,
          tpu.vector_store %arg10[%swap3A_500, %swap3A_501], %mul3A_499 {add = true, strides = array<i32>} : memref<320x256xf32, #tpu.memory_space<vmem>>, vector<16xf32>,
          %mul3A_503 = arith.mulf %mul3A_467, %max3A_368 : vector<16xf32>
          %swap3A_504 = arith.index_cast %sub3A_232 : i32 to index
          %swap3A_505 = arith.constant 144 : index
          %swap3A_506 = tpu.vector_load %arg10[%swap3A_504, %swap3A_505] {strides = array<i32>} : memref<320x256xf32, #tpu.memory_space<vmem>>, vector<16xf32>,
          tpu.vector_store %arg10[%swap3A_504, %swap3A_505], %mul3A_503 {add = true, strides = array<i32>} : memref<320x256xf32, #tpu.memory_space<vmem>>, vector<16xf32>,
          %mul3A_507 = arith.mulf %mul3A_467, %max3A_382 : vector<16xf32>
          %swap3A_508 = arith.index_cast %sub3A_232 : i32 to index
          %swap3A_509 = arith.constant 160 : index
          %swap3A_510 = tpu.vector_load %arg10[%swap3A_508, %swap3A_509] {strides = array<i32>} : memref<320x256xf32, #tpu.memory_space<vmem>>, vector<16xf32>,
          tpu.vector_store %arg10[%swap3A_508, %swap3A_509], %mul3A_507 {add = true, strides = array<i32>} : memref<320x256xf32, #tpu.memory_space<vmem>>, vector<16xf32>,
          %mul3A_511 = arith.mulf %mul3A_467, %max3A_396 : vector<16xf32>
          %swap3A_512 = arith.index_cast %sub3A_232 : i32 to index
          %swap3A_513 = arith.constant 176 : index
          %swap3A_514 = tpu.vector_load %arg10[%swap3A_512, %swap3A_513] {strides = array<i32>} : memref<320x256xf32, #tpu.memory_space<vmem>>, vector<16xf32>,
          tpu.vector_store %arg10[%swap3A_512, %swap3A_513], %mul3A_511 {add = true, strides = array<i32>} : memref<320x256xf32, #tpu.memory_space<vmem>>, vector<16xf32>,
          %mul3A_515 = arith.mulf %mul3A_467, %max3A_410 : vector<16xf32>
          %swap3A_516 = arith.index_cast %sub3A_232 : i32 to index
          %swap3A_517 = arith.constant 192 : index
          %swap3A_518 = tpu.vector_load %arg10[%swap3A_516, %swap3A_517] {strides = array<i32>} : memref<320x256xf32, #tpu.memory_space<vmem>>, vector<16xf32>,
          tpu.vector_store %arg10[%swap3A_516, %swap3A_517], %mul3A_515 {add = true, strides = array<i32>} : memref<320x256xf32, #tpu.memory_space<vmem>>, vector<16xf32>,
          %mul3A_519 = arith.mulf %mul3A_467, %max3A_424 : vector<16xf32>
          %swap3A_520 = arith.index_cast %sub3A_232 : i32 to index
          %swap3A_521 = arith.constant 208 : index
          %swap3A_522 = tpu.vector_load %arg10[%swap3A_520, %swap3A_521] {strides = array<i32>} : memref<320x256xf32, #tpu.memory_space<vmem>>, vector<16xf32>,
          tpu.vector_store %arg10[%swap3A_520, %swap3A_521], %mul3A_519 {add = true, strides = array<i32>} : memref<320x256xf32, #tpu.memory_space<vmem>>, vector<16xf32>,
          %mul3A_523 = arith.mulf %mul3A_467, %max3A_438 : vector<16xf32>
          %swap3A_524 = arith.index_cast %sub3A_232 : i32 to index
          %swap3A_525 = arith.constant 224 : index
          %swap3A_526 = tpu.vector_load %arg10[%swap3A_524, %swap3A_525] {strides = array<i32>} : memref<320x256xf32, #tpu.memory_space<vmem>>, vector<16xf32>,
          tpu.vector_store %arg10[%swap3A_524, %swap3A_525], %mul3A_523 {add = true, strides = array<i32>} : memref<320x256xf32, #tpu.memory_space<vmem>>, vector<16xf32>,
          %mul3A_527 = arith.mulf %mul3A_467, %max3A_452 : vector<16xf32>
          %swap3A_528 = arith.index_cast %sub3A_232 : i32 to index
          %swap3A_529 = arith.constant 240 : index
          %swap3A_530 = tpu.vector_load %arg10[%swap3A_528, %swap3A_529] {strides = array<i32>} : memref<320x256xf32, #tpu.memory_space<vmem>>, vector<16xf32>,
          tpu.vector_store %arg10[%swap3A_528, %swap3A_529], %mul3A_527 {add = true, strides = array<i32>} : memref<320x256xf32, #tpu.memory_space<vmem>>, vector<16xf32>,
          %mul3A_531 = arith.constant 16 : i32
          %mul3A_532 = arith.muli %sub3A_232, %mul3A_531 : i32
          %mul3A_533 = arith.mulf %mul3A_467, %convert_element_type3A_19 : vector<16xf32>
          %swap3A_534 = arith.index_cast %mul3A_532 : i32 to index
          %swap3A_535 = tpu.vector_load %arg11[%swap3A_534] {strides = array<i32>} : memref<5120xf32, #tpu.memory_space<vmem>>, vector<16xf32>,
          tpu.vector_store %arg11[%swap3A_534], %mul3A_533 {add = true, strides = array<i32>} : memref<5120xf32, #tpu.memory_space<vmem>>, vector<16xf32>,
          %scan3A_536 = arith.constant 0 : i32
          %scan3A_537 = arith.constant 1 : i32
          %scan3A_538 = arith.addi %scan3A_225, %scan3A_537 : i32
          %mul3A_539 = arith.constant 16 : i32
          %mul3A_540 = arith.muli %mul3A_188, %mul3A_539 : i32
          %add3A_541 = arith.addi %mul3A_540, %scan3A_538 : i32
          %get3A_542 = arith.index_cast %add3A_541 : i32 to index
          %get3A_543 = tpu.vector_load %arg19[%get3A_542] {strides = array<i32>} : memref<6448xi32, #tpu.memory_space<vmem>>, vector<16xi32>,
          %slice3A_544 = vector.extract_strided_slice %get3A_543 {offsets = [0], sizes = [1], strides = [1]} : vector<16xi32> to vector<1xi32>
          %squeeze3A_545 = vector.extract %slice3A_544[0] : i32 from vector<1xi32>
          %sub3A_546 = arith.subi %squeeze3A_545, %mul3A_2 : i32
          %broadcast_in_dim3A_547 = arith.constant 0.000000e+00 : f32
          %broadcast_in_dim3A_548 = vector.broadcast %broadcast_in_dim3A_547 : f32 to vector<16xf32>
          %get3A_549 = arith.index_cast %scan3A_538 : i32 to index
          %get3A_550 = arith.constant 0 : index
          %get3A_551 = tpu.vector_load %arg20[%get3A_549, %get3A_550] {strides = array<i32>} : memref<16x256xf32, #tpu.memory_space<vmem>>, vector<16xf32>,
          %get3A_552 = arith.index_cast %scan3A_538 : i32 to index
          %get3A_553 = arith.constant 0 : index
          %get3A_554 = tpu.vector_load %arg21[%get3A_552, %get3A_553] {strides = array<i32>} : memref<16x256xf32, #tpu.memory_space<vmem>>, vector<16xf32>,
          %add3A_555 = arith.addf %get3A_551, %get3A_554 : vector<16xf32>
          %max3A_556 = arith.constant 0.000000e+00 : f32
          %max3A_557 = vector.broadcast %max3A_556 : f32 to vector<16xf32>
          %max3A_558 = arith.maximumf %add3A_555, %max3A_557 : vector<16xf32>
          %get3A_559 = arith.constant 0 : index
          %get3A_560 = tpu.vector_load %arg12[%get3A_559] {strides = array<i32>} : memref<256xf32, #tpu.memory_space<vmem>>, vector<16xf32>,
          %mul3A_561 = arith.mulf %max3A_558, %get3A_560 : vector<16xf32>
          %add3A_562 = arith.addf %broadcast_in_dim3A_548, %mul3A_561 : vector<16xf32>
          %get3A_563 = arith.index_cast %scan3A_538 : i32 to index
          %get3A_564 = arith.constant 16 : index
          %get3A_565 = tpu.vector_load %arg20[%get3A_563, %get3A_564] {strides = array<i32>} : memref<16x256xf32, #tpu.memory_space<vmem>>, vector<16xf32>,
          %get3A_566 = arith.index_cast %scan3A_538 : i32 to index
          %get3A_567 = arith.constant 16 : index
          %get3A_568 = tpu.vector_load %arg21[%get3A_566, %get3A_567] {strides = array<i32>} : memref<16x256xf32, #tpu.memory_space<vmem>>, vector<16xf32>,
          %add3A_569 = arith.addf %get3A_565, %get3A_568 : vector<16xf32>
          %max3A_570 = arith.constant 0.000000e+00 : f32
          %max3A_571 = vector.broadcast %max3A_570 : f32 to vector<16xf32>
          %max3A_572 = arith.maximumf %add3A_569, %max3A_571 : vector<16xf32>
          %get3A_573 = arith.constant 16 : index
          %get3A_574 = tpu.vector_load %arg12[%get3A_573] {strides = array<i32>} : memref<256xf32, #tpu.memory_space<vmem>>, vector<16xf32>,
          %mul3A_575 = arith.mulf %max3A_572, %get3A_574 : vector<16xf32>
          %add3A_576 = arith.addf %add3A_562, %mul3A_575 : vector<16xf32>
          %get3A_577 = arith.index_cast %scan3A_538 : i32 to index
          %get3A_578 = arith.constant 32 : index
          %get3A_579 = tpu.vector_load %arg20[%get3A_577, %get3A_578] {strides = array<i32>} : memref<16x256xf32, #tpu.memory_space<vmem>>, vector<16xf32>,
          %get3A_580 = arith.index_cast %scan3A_538 : i32 to index
          %get3A_581 = arith.constant 32 : index
          %get3A_582 = tpu.vector_load %arg21[%get3A_580, %get3A_581] {strides = array<i32>} : memref<16x256xf32, #tpu.memory_space<vmem>>, vector<16xf32>,
          %add3A_583 = arith.addf %get3A_579, %get3A_582 : vector<16xf32>
          %max3A_584 = arith.constant 0.000000e+00 : f32
          %max3A_585 = vector.broadcast %max3A_584 : f32 to vector<16xf32>
          %max3A_586 = arith.maximumf %add3A_583, %max3A_585 : vector<16xf32>
          %get3A_587 = arith.constant 32 : index
          %get3A_588 = tpu.vector_load %arg12[%get3A_587] {strides = array<i32>} : memref<256xf32, #tpu.memory_space<vmem>>, vector<16xf32>,
          %mul3A_589 = arith.mulf %max3A_586, %get3A_588 : vector<16xf32>
          %add3A_590 = arith.addf %add3A_576, %mul3A_589 : vector<16xf32>
          %get3A_591 = arith.index_cast %scan3A_538 : i32 to index
          %get3A_592 = arith.constant 48 : index
          %get3A_593 = tpu.vector_load %arg20[%get3A_591, %get3A_592] {strides = array<i32>} : memref<16x256xf32, #tpu.memory_space<vmem>>, vector<16xf32>,
          %get3A_594 = arith.index_cast %scan3A_538 : i32 to index
          %get3A_595 = arith.constant 48 : index
          %get3A_596 = tpu.vector_load %arg21[%get3A_594, %get3A_595] {strides = array<i32>} : memref<16x256xf32, #tpu.memory_space<vmem>>, vector<16xf32>,
          %add3A_597 = arith.addf %get3A_593, %get3A_596 : vector<16xf32>
          %max3A_598 = arith.constant 0.000000e+00 : f32
          %max3A_599 = vector.broadcast %max3A_598 : f32 to vector<16xf32>
          %max3A_600 = arith.maximumf %add3A_597, %max3A_599 : vector<16xf32>
          %get3A_601 = arith.constant 48 : index
          %get3A_602 = tpu.vector_load %arg12[%get3A_601] {strides = array<i32>} : memref<256xf32, #tpu.memory_space<vmem>>, vector<16xf32>,
          %mul3A_603 = arith.mulf %max3A_600, %get3A_602 : vector<16xf32>
          %add3A_604 = arith.addf %add3A_590, %mul3A_603 : vector<16xf32>
          %get3A_605 = arith.index_cast %scan3A_538 : i32 to index
          %get3A_606 = arith.constant 64 : index
          %get3A_607 = tpu.vector_load %arg20[%get3A_605, %get3A_606] {strides = array<i32>} : memref<16x256xf32, #tpu.memory_space<vmem>>, vector<16xf32>,
          %get3A_608 = arith.index_cast %scan3A_538 : i32 to index
          %get3A_609 = arith.constant 64 : index
          %get3A_610 = tpu.vector_load %arg21[%get3A_608, %get3A_609] {strides = array<i32>} : memref<16x256xf32, #tpu.memory_space<vmem>>, vector<16xf32>,
          %add3A_611 = arith.addf %get3A_607, %get3A_610 : vector<16xf32>
          %max3A_612 = arith.constant 0.000000e+00 : f32
          %max3A_613 = vector.broadcast %max3A_612 : f32 to vector<16xf32>
          %max3A_614 = arith.maximumf %add3A_611, %max3A_613 : vector<16xf32>
          %get3A_615 = arith.constant 64 : index
          %get3A_616 = tpu.vector_load %arg12[%get3A_615] {strides = array<i32>} : memref<256xf32, #tpu.memory_space<vmem>>, vector<16xf32>,
          %mul3A_617 = arith.mulf %max3A_614, %get3A_616 : vector<16xf32>
          %add3A_618 = arith.addf %add3A_604, %mul3A_617 : vector<16xf32>
          %get3A_619 = arith.index_cast %scan3A_538 : i32 to index
          %get3A_620 = arith.constant 80 : index
          %get3A_621 = tpu.vector_load %arg20[%get3A_619, %get3A_620] {strides = array<i32>} : memref<16x256xf32, #tpu.memory_space<vmem>>, vector<16xf32>,
          %get3A_622 = arith.index_cast %scan3A_538 : i32 to index
          %get3A_623 = arith.constant 80 : index
          %get3A_624 = tpu.vector_load %arg21[%get3A_622, %get3A_623] {strides = array<i32>} : memref<16x256xf32, #tpu.memory_space<vmem>>, vector<16xf32>,
          %add3A_625 = arith.addf %get3A_621, %get3A_624 : vector<16xf32>
          %max3A_626 = arith.constant 0.000000e+00 : f32
          %max3A_627 = vector.broadcast %max3A_626 : f32 to vector<16xf32>
          %max3A_628 = arith.maximumf %add3A_625, %max3A_627 : vector<16xf32>
          %get3A_629 = arith.constant 80 : index
          %get3A_630 = tpu.vector_load %arg12[%get3A_629] {strides = array<i32>} : memref<256xf32, #tpu.memory_space<vmem>>, vector<16xf32>,
          %mul3A_631 = arith.mulf %max3A_628, %get3A_630 : vector<16xf32>
          %add3A_632 = arith.addf %add3A_618, %mul3A_631 : vector<16xf32>
          %get3A_633 = arith.index_cast %scan3A_538 : i32 to index
          %get3A_634 = arith.constant 96 : index
          %get3A_635 = tpu.vector_load %arg20[%get3A_633, %get3A_634] {strides = array<i32>} : memref<16x256xf32, #tpu.memory_space<vmem>>, vector<16xf32>,
          %get3A_636 = arith.index_cast %scan3A_538 : i32 to index
          %get3A_637 = arith.constant 96 : index
          %get3A_638 = tpu.vector_load %arg21[%get3A_636, %get3A_637] {strides = array<i32>} : memref<16x256xf32, #tpu.memory_space<vmem>>, vector<16xf32>,
          %add3A_639 = arith.addf %get3A_635, %get3A_638 : vector<16xf32>
          %max3A_640 = arith.constant 0.000000e+00 : f32
          %max3A_641 = vector.broadcast %max3A_640 : f32 to vector<16xf32>
          %max3A_642 = arith.maximumf %add3A_639, %max3A_641 : vector<16xf32>
          %get3A_643 = arith.constant 96 : index
          %get3A_644 = tpu.vector_load %arg12[%get3A_643] {strides = array<i32>} : memref<256xf32, #tpu.memory_space<vmem>>, vector<16xf32>,
          %mul3A_645 = arith.mulf %max3A_642, %get3A_644 : vector<16xf32>
          %add3A_646 = arith.addf %add3A_632, %mul3A_645 : vector<16xf32>
          %get3A_647 = arith.index_cast %scan3A_538 : i32 to index
          %get3A_648 = arith.constant 112 : index
          %get3A_649 = tpu.vector_load %arg20[%get3A_647, %get3A_648] {strides = array<i32>} : memref<16x256xf32, #tpu.memory_space<vmem>>, vector<16xf32>,
          %get3A_650 = arith.index_cast %scan3A_538 : i32 to index
          %get3A_651 = arith.constant 112 : index
          %get3A_652 = tpu.vector_load %arg21[%get3A_650, %get3A_651] {strides = array<i32>} : memref<16x256xf32, #tpu.memory_space<vmem>>, vector<16xf32>,
          %add3A_653 = arith.addf %get3A_649, %get3A_652 : vector<16xf32>
          %max3A_654 = arith.constant 0.000000e+00 : f32
          %max3A_655 = vector.broadcast %max3A_654 : f32 to vector<16xf32>
          %max3A_656 = arith.maximumf %add3A_653, %max3A_655 : vector<16xf32>
          %get3A_657 = arith.constant 112 : index
          %get3A_658 = tpu.vector_load %arg12[%get3A_657] {strides = array<i32>} : memref<256xf32, #tpu.memory_space<vmem>>, vector<16xf32>,
          %mul3A_659 = arith.mulf %max3A_656, %get3A_658 : vector<16xf32>
          %add3A_660 = arith.addf %add3A_646, %mul3A_659 : vector<16xf32>
          %get3A_661 = arith.index_cast %scan3A_538 : i32 to index
          %get3A_662 = arith.constant 128 : index
          %get3A_663 = tpu.vector_load %arg20[%get3A_661, %get3A_662] {strides = array<i32>} : memref<16x256xf32, #tpu.memory_space<vmem>>, vector<16xf32>,
          %get3A_664 = arith.index_cast %scan3A_538 : i32 to index
          %get3A_665 = arith.constant 128 : index
          %get3A_666 = tpu.vector_load %arg21[%get3A_664, %get3A_665] {strides = array<i32>} : memref<16x256xf32, #tpu.memory_space<vmem>>, vector<16xf32>,
          %add3A_667 = arith.addf %get3A_663, %get3A_666 : vector<16xf32>
          %max3A_668 = arith.constant 0.000000e+00 : f32
          %max3A_669 = vector.broadcast %max3A_668 : f32 to vector<16xf32>
          %max3A_670 = arith.maximumf %add3A_667, %max3A_669 : vector<16xf32>
          %get3A_671 = arith.constant 128 : index
          %get3A_672 = tpu.vector_load %arg12[%get3A_671] {strides = array<i32>} : memref<256xf32, #tpu.memory_space<vmem>>, vector<16xf32>,
          %mul3A_673 = arith.mulf %max3A_670, %get3A_672 : vector<16xf32>
          %add3A_674 = arith.addf %add3A_660, %mul3A_673 : vector<16xf32>
          %get3A_675 = arith.index_cast %scan3A_538 : i32 to index
          %get3A_676 = arith.constant 144 : index
          %get3A_677 = tpu.vector_load %arg20[%get3A_675, %get3A_676] {strides = array<i32>} : memref<16x256xf32, #tpu.memory_space<vmem>>, vector<16xf32>,
          %get3A_678 = arith.index_cast %scan3A_538 : i32 to index
          %get3A_679 = arith.constant 144 : index
          %get3A_680 = tpu.vector_load %arg21[%get3A_678, %get3A_679] {strides = array<i32>} : memref<16x256xf32, #tpu.memory_space<vmem>>, vector<16xf32>,
          %add3A_681 = arith.addf %get3A_677, %get3A_680 : vector<16xf32>
          %max3A_682 = arith.constant 0.000000e+00 : f32
          %max3A_683 = vector.broadcast %max3A_682 : f32 to vector<16xf32>
          %max3A_684 = arith.maximumf %add3A_681, %max3A_683 : vector<16xf32>
          %get3A_685 = arith.constant 144 : index
          %get3A_686 = tpu.vector_load %arg12[%get3A_685] {strides = array<i32>} : memref<256xf32, #tpu.memory_space<vmem>>, vector<16xf32>,
          %mul3A_687 = arith.mulf %max3A_684, %get3A_686 : vector<16xf32>
          %add3A_688 = arith.addf %add3A_674, %mul3A_687 : vector<16xf32>
          %get3A_689 = arith.index_cast %scan3A_538 : i32 to index
          %get3A_690 = arith.constant 160 : index
          %get3A_691 = tpu.vector_load %arg20[%get3A_689, %get3A_690] {strides = array<i32>} : memref<16x256xf32, #tpu.memory_space<vmem>>, vector<16xf32>,
          %get3A_692 = arith.index_cast %scan3A_538 : i32 to index
          %get3A_693 = arith.constant 160 : index
          %get3A_694 = tpu.vector_load %arg21[%get3A_692, %get3A_693] {strides = array<i32>} : memref<16x256xf32, #tpu.memory_space<vmem>>, vector<16xf32>,
          %add3A_695 = arith.addf %get3A_691, %get3A_694 : vector<16xf32>
          %max3A_696 = arith.constant 0.000000e+00 : f32
          %max3A_697 = vector.broadcast %max3A_696 : f32 to vector<16xf32>
          %max3A_698 = arith.maximumf %add3A_695, %max3A_697 : vector<16xf32>
          %get3A_699 = arith.constant 160 : index
          %get3A_700 = tpu.vector_load %arg12[%get3A_699] {strides = array<i32>} : memref<256xf32, #tpu.memory_space<vmem>>, vector<16xf32>,
          %mul3A_701 = arith.mulf %max3A_698, %get3A_700 : vector<16xf32>
          %add3A_702 = arith.addf %add3A_688, %mul3A_701 : vector<16xf32>
          %get3A_703 = arith.index_cast %scan3A_538 : i32 to index
          %get3A_704 = arith.constant 176 : index
          %get3A_705 = tpu.vector_load %arg20[%get3A_703, %get3A_704] {strides = array<i32>} : memref<16x256xf32, #tpu.memory_space<vmem>>, vector<16xf32>,
          %get3A_706 = arith.index_cast %scan3A_538 : i32 to index
          %get3A_707 = arith.constant 176 : index
          %get3A_708 = tpu.vector_load %arg21[%get3A_706, %get3A_707] {strides = array<i32>} : memref<16x256xf32, #tpu.memory_space<vmem>>, vector<16xf32>,
          %add3A_709 = arith.addf %get3A_705, %get3A_708 : vector<16xf32>
          %max3A_710 = arith.constant 0.000000e+00 : f32
          %max3A_711 = vector.broadcast %max3A_710 : f32 to vector<16xf32>
          %max3A_712 = arith.maximumf %add3A_709, %max3A_711 : vector<16xf32>
          %get3A_713 = arith.constant 176 : index
          %get3A_714 = tpu.vector_load %arg12[%get3A_713] {strides = array<i32>} : memref<256xf32, #tpu.memory_space<vmem>>, vector<16xf32>,
          %mul3A_715 = arith.mulf %max3A_712, %get3A_714 : vector<16xf32>
          %add3A_716 = arith.addf %add3A_702, %mul3A_715 : vector<16xf32>
          %get3A_717 = arith.index_cast %scan3A_538 : i32 to index
          %get3A_718 = arith.constant 192 : index
          %get3A_719 = tpu.vector_load %arg20[%get3A_717, %get3A_718] {strides = array<i32>} : memref<16x256xf32, #tpu.memory_space<vmem>>, vector<16xf32>,
          %get3A_720 = arith.index_cast %scan3A_538 : i32 to index
          %get3A_721 = arith.constant 192 : index
          %get3A_722 = tpu.vector_load %arg21[%get3A_720, %get3A_721] {strides = array<i32>} : memref<16x256xf32, #tpu.memory_space<vmem>>, vector<16xf32>,
          %add3A_723 = arith.addf %get3A_719, %get3A_722 : vector<16xf32>
          %max3A_724 = arith.constant 0.000000e+00 : f32
          %max3A_725 = vector.broadcast %max3A_724 : f32 to vector<16xf32>
          %max3A_726 = arith.maximumf %add3A_723, %max3A_725 : vector<16xf32>
          %get3A_727 = arith.constant 192 : index
          %get3A_728 = tpu.vector_load %arg12[%get3A_727] {strides = array<i32>} : memref<256xf32, #tpu.memory_space<vmem>>, vector<16xf32>,
          %mul3A_729 = arith.mulf %max3A_726, %get3A_728 : vector<16xf32>
          %add3A_730 = arith.addf %add3A_716, %mul3A_729 : vector<16xf32>
          %get3A_731 = arith.index_cast %scan3A_538 : i32 to index
          %get3A_732 = arith.constant 208 : index
          %get3A_733 = tpu.vector_load %arg20[%get3A_731, %get3A_732] {strides = array<i32>} : memref<16x256xf32, #tpu.memory_space<vmem>>, vector<16xf32>,
          %get3A_734 = arith.index_cast %scan3A_538 : i32 to index
          %get3A_735 = arith.constant 208 : index
          %get3A_736 = tpu.vector_load %arg21[%get3A_734, %get3A_735] {strides = array<i32>} : memref<16x256xf32, #tpu.memory_space<vmem>>, vector<16xf32>,
          %add3A_737 = arith.addf %get3A_733, %get3A_736 : vector<16xf32>
          %max3A_738 = arith.constant 0.000000e+00 : f32
          %max3A_739 = vector.broadcast %max3A_738 : f32 to vector<16xf32>
          %max3A_740 = arith.maximumf %add3A_737, %max3A_739 : vector<16xf32>
          %get3A_741 = arith.constant 208 : index
          %get3A_742 = tpu.vector_load %arg12[%get3A_741] {strides = array<i32>} : memref<256xf32, #tpu.memory_space<vmem>>, vector<16xf32>,
          %mul3A_743 = arith.mulf %max3A_740, %get3A_742 : vector<16xf32>
          %add3A_744 = arith.addf %add3A_730, %mul3A_743 : vector<16xf32>
          %get3A_745 = arith.index_cast %scan3A_538 : i32 to index
          %get3A_746 = arith.constant 224 : index
          %get3A_747 = tpu.vector_load %arg20[%get3A_745, %get3A_746] {strides = array<i32>} : memref<16x256xf32, #tpu.memory_space<vmem>>, vector<16xf32>,
          %get3A_748 = arith.index_cast %scan3A_538 : i32 to index
          %get3A_749 = arith.constant 224 : index
          %get3A_750 = tpu.vector_load %arg21[%get3A_748, %get3A_749] {strides = array<i32>} : memref<16x256xf32, #tpu.memory_space<vmem>>, vector<16xf32>,
          %add3A_751 = arith.addf %get3A_747, %get3A_750 : vector<16xf32>
          %max3A_752 = arith.constant 0.000000e+00 : f32
          %max3A_753 = vector.broadcast %max3A_752 : f32 to vector<16xf32>
          %max3A_754 = arith.maximumf %add3A_751, %max3A_753 : vector<16xf32>
          %get3A_755 = arith.constant 224 : index
          %get3A_756 = tpu.vector_load %arg12[%get3A_755] {strides = array<i32>} : memref<256xf32, #tpu.memory_space<vmem>>, vector<16xf32>,
          %mul3A_757 = arith.mulf %max3A_754, %get3A_756 : vector<16xf32>
          %add3A_758 = arith.addf %add3A_744, %mul3A_757 : vector<16xf32>
          %get3A_759 = arith.index_cast %scan3A_538 : i32 to index
          %get3A_760 = arith.constant 240 : index
          %get3A_761 = tpu.vector_load %arg20[%get3A_759, %get3A_760] {strides = array<i32>} : memref<16x256xf32, #tpu.memory_space<vmem>>, vector<16xf32>,
          %get3A_762 = arith.index_cast %scan3A_538 : i32 to index
          %get3A_763 = arith.constant 240 : index
          %get3A_764 = tpu.vector_load %arg21[%get3A_762, %get3A_763] {strides = array<i32>} : memref<16x256xf32, #tpu.memory_space<vmem>>, vector<16xf32>,
          %add3A_765 = arith.addf %get3A_761, %get3A_764 : vector<16xf32>
          %max3A_766 = arith.constant 0.000000e+00 : f32
          %max3A_767 = vector.broadcast %max3A_766 : f32 to vector<16xf32>
          %max3A_768 = arith.maximumf %add3A_765, %max3A_767 : vector<16xf32>
          %get3A_769 = arith.constant 240 : index
          %get3A_770 = tpu.vector_load %arg12[%get3A_769] {strides = array<i32>} : memref<256xf32, #tpu.memory_space<vmem>>, vector<16xf32>,
          %mul3A_771 = arith.mulf %max3A_768, %get3A_770 : vector<16xf32>
          %add3A_772 = arith.addf %add3A_758, %mul3A_771 : vector<16xf32>
          %reduce_sum3A_773 = arith.constant true
          %reduce_sum3A_774 = vector.broadcast %reduce_sum3A_773 : i1 to vector<16xi1>
          %reduce_sum3A_775 = tpu.scan <sum>, %add3A_772 masked %reduce_sum3A_774 : vector<16xf32>, vector<16xi1> -> vector<16xf32>
          %reduce_sum3A_776 = vector.extract %reduce_sum3A_775[15] : f32 from vector<16xf32>
          %lt3A_777 = arith.cmpi slt, %add3A_541, %scan3A_118 : i32
          %jit3A_778 = arith.constant 1.000000e+00 : f32
          %jit3A_779 = arith.constant 0.000000e+00 : f32
          %select_n3A_780 = arith.select %lt3A_777, %jit3A_778, %jit3A_779 : f32
          %broadcast_in_dim3A_781 = vector.broadcast %reduce_sum3A_776 : f32 to vector<16xf32>
          %add3A_782 = arith.addf %broadcast_in_dim3A_781, %get3A_16 : vector<16xf32>
          %exp3A_783 = math.exp %add3A_782 : vector<16xf32>
          %mul3A_784 = vector.broadcast %select_n3A_780 : f32 to vector<16xf32>
          %mul3A_785 = arith.mulf %exp3A_783, %mul3A_784 : vector<16xf32>
          %mul3A_786 = arith.mulf %mul3A_785, %max3A_558 : vector<16xf32>
          %swap3A_787 = arith.index_cast %sub3A_546 : i32 to index
          %swap3A_788 = arith.constant 0 : index
          %swap3A_789 = tpu.vector_load %arg10[%swap3A_787, %swap3A_788] {strides = array<i32>} : memref<320x256xf32, #tpu.memory_space<vmem>>, vector<16xf32>,
          tpu.vector_store %arg10[%swap3A_787, %swap3A_788], %mul3A_786 {add = true, strides = array<i32>} : memref<320x256xf32, #tpu.memory_space<vmem>>, vector<16xf32>,
          %mul3A_790 = arith.mulf %mul3A_785, %max3A_572 : vector<16xf32>
          %swap3A_791 = arith.index_cast %sub3A_546 : i32 to index
          %swap3A_792 = arith.constant 16 : index
          %swap3A_793 = tpu.vector_load %arg10[%swap3A_791, %swap3A_792] {strides = array<i32>} : memref<320x256xf32, #tpu.memory_space<vmem>>, vector<16xf32>,
          tpu.vector_store %arg10[%swap3A_791, %swap3A_792], %mul3A_790 {add = true, strides = array<i32>} : memref<320x256xf32, #tpu.memory_space<vmem>>, vector<16xf32>,
          %mul3A_794 = arith.mulf %mul3A_785, %max3A_586 : vector<16xf32>
          %swap3A_795 = arith.index_cast %sub3A_546 : i32 to index
          %swap3A_796 = arith.constant 32 : index
          %swap3A_797 = tpu.vector_load %arg10[%swap3A_795, %swap3A_796] {strides = array<i32>} : memref<320x256xf32, #tpu.memory_space<vmem>>, vector<16xf32>,
          tpu.vector_store %arg10[%swap3A_795, %swap3A_796], %mul3A_794 {add = true, strides = array<i32>} : memref<320x256xf32, #tpu.memory_space<vmem>>, vector<16xf32>,
          %mul3A_798 = arith.mulf %mul3A_785, %max3A_600 : vector<16xf32>
          %swap3A_799 = arith.index_cast %sub3A_546 : i32 to index
          %swap3A_800 = arith.constant 48 : index
          %swap3A_801 = tpu.vector_load %arg10[%swap3A_799, %swap3A_800] {strides = array<i32>} : memref<320x256xf32, #tpu.memory_space<vmem>>, vector<16xf32>,
          tpu.vector_store %arg10[%swap3A_799, %swap3A_800], %mul3A_798 {add = true, strides = array<i32>} : memref<320x256xf32, #tpu.memory_space<vmem>>, vector<16xf32>,
          %mul3A_802 = arith.mulf %mul3A_785, %max3A_614 : vector<16xf32>
          %swap3A_803 = arith.index_cast %sub3A_546 : i32 to index
          %swap3A_804 = arith.constant 64 : index
          %swap3A_805 = tpu.vector_load %arg10[%swap3A_803, %swap3A_804] {strides = array<i32>} : memref<320x256xf32, #tpu.memory_space<vmem>>, vector<16xf32>,
          tpu.vector_store %arg10[%swap3A_803, %swap3A_804], %mul3A_802 {add = true, strides = array<i32>} : memref<320x256xf32, #tpu.memory_space<vmem>>, vector<16xf32>,
          %mul3A_806 = arith.mulf %mul3A_785, %max3A_628 : vector<16xf32>
          %swap3A_807 = arith.index_cast %sub3A_546 : i32 to index
          %swap3A_808 = arith.constant 80 : index
          %swap3A_809 = tpu.vector_load %arg10[%swap3A_807, %swap3A_808] {strides = array<i32>} : memref<320x256xf32, #tpu.memory_space<vmem>>, vector<16xf32>,
          tpu.vector_store %arg10[%swap3A_807, %swap3A_808], %mul3A_806 {add = true, strides = array<i32>} : memref<320x256xf32, #tpu.memory_space<vmem>>, vector<16xf32>,
          %mul3A_810 = arith.mulf %mul3A_785, %max3A_642 : vector<16xf32>
          %swap3A_811 = arith.index_cast %sub3A_546 : i32 to index
          %swap3A_812 = arith.constant 96 : index
          %swap3A_813 = tpu.vector_load %arg10[%swap3A_811, %swap3A_812] {strides = array<i32>} : memref<320x256xf32, #tpu.memory_space<vmem>>, vector<16xf32>,
          tpu.vector_store %arg10[%swap3A_811, %swap3A_812], %mul3A_810 {add = true, strides = array<i32>} : memref<320x256xf32, #tpu.memory_space<vmem>>, vector<16xf32>,
          %mul3A_814 = arith.mulf %mul3A_785, %max3A_656 : vector<16xf32>
          %swap3A_815 = arith.index_cast %sub3A_546 : i32 to index
          %swap3A_816 = arith.constant 112 : index
          %swap3A_817 = tpu.vector_load %arg10[%swap3A_815, %swap3A_816] {strides = array<i32>} : memref<320x256xf32, #tpu.memory_space<vmem>>, vector<16xf32>,
          tpu.vector_store %arg10[%swap3A_815, %swap3A_816], %mul3A_814 {add = true, strides = array<i32>} : memref<320x256xf32, #tpu.memory_space<vmem>>, vector<16xf32>,
          %mul3A_818 = arith.mulf %mul3A_785, %max3A_670 : vector<16xf32>
          %swap3A_819 = arith.index_cast %sub3A_546 : i32 to index
          %swap3A_820 = arith.constant 128 : index
          %swap3A_821 = tpu.vector_load %arg10[%swap3A_819, %swap3A_820] {strides = array<i32>} : memref<320x256xf32, #tpu.memory_space<vmem>>, vector<16xf32>,
          tpu.vector_store %arg10[%swap3A_819, %swap3A_820], %mul3A_818 {add = true, strides = array<i32>} : memref<320x256xf32, #tpu.memory_space<vmem>>, vector<16xf32>,
          %mul3A_822 = arith.mulf %mul3A_785, %max3A_684 : vector<16xf32>
          %swap3A_823 = arith.index_cast %sub3A_546 : i32 to index
          %swap3A_824 = arith.constant 144 : index
          %swap3A_825 = tpu.vector_load %arg10[%swap3A_823, %swap3A_824] {strides = array<i32>} : memref<320x256xf32, #tpu.memory_space<vmem>>, vector<16xf32>,
          tpu.vector_store %arg10[%swap3A_823, %swap3A_824], %mul3A_822 {add = true, strides = array<i32>} : memref<320x256xf32, #tpu.memory_space<vmem>>, vector<16xf32>,
          %mul3A_826 = arith.mulf %mul3A_785, %max3A_698 : vector<16xf32>
          %swap3A_827 = arith.index_cast %sub3A_546 : i32 to index
          %swap3A_828 = arith.constant 160 : index
          %swap3A_829 = tpu.vector_load %arg10[%swap3A_827, %swap3A_828] {strides = array<i32>} : memref<320x256xf32, #tpu.memory_space<vmem>>, vector<16xf32>,
          tpu.vector_store %arg10[%swap3A_827, %swap3A_828], %mul3A_826 {add = true, strides = array<i32>} : memref<320x256xf32, #tpu.memory_space<vmem>>, vector<16xf32>,
          %mul3A_830 = arith.mulf %mul3A_785, %max3A_712 : vector<16xf32>
          %swap3A_831 = arith.index_cast %sub3A_546 : i32 to index
          %swap3A_832 = arith.constant 176 : index
          %swap3A_833 = tpu.vector_load %arg10[%swap3A_831, %swap3A_832] {strides = array<i32>} : memref<320x256xf32, #tpu.memory_space<vmem>>, vector<16xf32>,
          tpu.vector_store %arg10[%swap3A_831, %swap3A_832], %mul3A_830 {add = true, strides = array<i32>} : memref<320x256xf32, #tpu.memory_space<vmem>>, vector<16xf32>,
          %mul3A_834 = arith.mulf %mul3A_785, %max3A_726 : vector<16xf32>
          %swap3A_835 = arith.index_cast %sub3A_546 : i32 to index
          %swap3A_836 = arith.constant 192 : index
          %swap3A_837 = tpu.vector_load %arg10[%swap3A_835, %swap3A_836] {strides = array<i32>} : memref<320x256xf32, #tpu.memory_space<vmem>>, vector<16xf32>,
          tpu.vector_store %arg10[%swap3A_835, %swap3A_836], %mul3A_834 {add = true, strides = array<i32>} : memref<320x256xf32, #tpu.memory_space<vmem>>, vector<16xf32>,
          %mul3A_838 = arith.mulf %mul3A_785, %max3A_740 : vector<16xf32>
          %swap3A_839 = arith.index_cast %sub3A_546 : i32 to index
          %swap3A_840 = arith.constant 208 : index
          %swap3A_841 = tpu.vector_load %arg10[%swap3A_839, %swap3A_840] {strides = array<i32>} : memref<320x256xf32, #tpu.memory_space<vmem>>, vector<16xf32>,
          tpu.vector_store %arg10[%swap3A_839, %swap3A_840], %mul3A_838 {add = true, strides = array<i32>} : memref<320x256xf32, #tpu.memory_space<vmem>>, vector<16xf32>,
          %mul3A_842 = arith.mulf %mul3A_785, %max3A_754 : vector<16xf32>
          %swap3A_843 = arith.index_cast %sub3A_546 : i32 to index
          %swap3A_844 = arith.constant 224 : index
          %swap3A_845 = tpu.vector_load %arg10[%swap3A_843, %swap3A_844] {strides = array<i32>} : memref<320x256xf32, #tpu.memory_space<vmem>>, vector<16xf32>,
          tpu.vector_store %arg10[%swap3A_843, %swap3A_844], %mul3A_842 {add = true, strides = array<i32>} : memref<320x256xf32, #tpu.memory_space<vmem>>, vector<16xf32>,
          %mul3A_846 = arith.mulf %mul3A_785, %max3A_768 : vector<16xf32>
          %swap3A_847 = arith.index_cast %sub3A_546 : i32 to index
          %swap3A_848 = arith.constant 240 : index
          %swap3A_849 = tpu.vector_load %arg10[%swap3A_847, %swap3A_848] {strides = array<i32>} : memref<320x256xf32, #tpu.memory_space<vmem>>, vector<16xf32>,
          tpu.vector_store %arg10[%swap3A_847, %swap3A_848], %mul3A_846 {add = true, strides = array<i32>} : memref<320x256xf32, #tpu.memory_space<vmem>>, vector<16xf32>,
          %mul3A_850 = arith.constant 16 : i32
          %mul3A_851 = arith.muli %sub3A_546, %mul3A_850 : i32
          %mul3A_852 = arith.mulf %mul3A_785, %convert_element_type3A_19 : vector<16xf32>
          %swap3A_853 = arith.index_cast %mul3A_851 : i32 to index
          %swap3A_854 = tpu.vector_load %arg11[%swap3A_853] {strides = array<i32>} : memref<5120xf32, #tpu.memory_space<vmem>>, vector<16xf32>,
          tpu.vector_store %arg11[%swap3A_853], %mul3A_852 {add = true, strides = array<i32>} : memref<5120xf32, #tpu.memory_space<vmem>>, vector<16xf32>,
          %scan3A_855 = arith.constant 0 : i32
          scf.yield %scan3A_855 : i32
        }
        %scan3A_211 = arith.constant 16 : i32
        %add3A_212 = arith.constant 2 : i32
        %add3A_213 = arith.addi %mul3A_188, %add3A_212 : i32
        %lt3A_214 = arith.cmpi slt, %add3A_213, %select_n3A : i32
        %convert_element_type3A_215 = arith.extui %lt3A_214 : i1 to i32
        %cond3A_216 = arith.constant 0 : i32
        %cond3A_217 = arith.cmpi ne, %convert_element_type3A_215, %cond3A_216 : i32
        scf.if %cond3A_217 {
          %add3A_225 = arith.constant 2 : i32
          %add3A_226 = arith.addi %mul3A_188, %add3A_225 : i32
          %mul3A_227 = arith.constant 16 : i32
          %mul3A_228 = arith.muli %add3A_226, %mul3A_227 : i32
          %dma_start3A_229 = tpu.memref_slice %arg18[%mul3A_228] : memref<6448xi32, #tpu.memory_space<vmem>> -> memref<16xi32, #tpu.memory_space<vmem>>
          %dma_start3A_230 = arith.constant 0 : i32
          %dma_start3A_231 = arith.constant 0 : i32
          %dma_start3A_232 = tpu.memref_slice %arg2[%dma_start3A_230, %dma_start3A_231] : memref<10000x256xf32, #tpu.memory_space<hbm>> -> memref<10000x256xf32, #tpu.memory_space<hbm>>
          tpu.enqueue_indirect_dma source(%dma_start3A_232 : memref<10000x256xf32, #tpu.memory_space<hbm>>) target(%arg20 : memref<16x256xf32, #tpu.memory_space<vmem>>) offsets(%dma_start3A_229 : memref<16xi32, #tpu.memory_space<vmem>>) semaphore(%arg24 : memref<!tpu.dma_semaphore, #tpu.memory_space<semaphore_mem>>)
          %mul3A_233 = arith.constant 16 : i32
          %mul3A_234 = arith.muli %add3A_226, %mul3A_233 : i32
          %dma_start3A_235 = tpu.memref_slice %arg19[%mul3A_234] : memref<6448xi32, #tpu.memory_space<vmem>> -> memref<16xi32, #tpu.memory_space<vmem>>
          %dma_start3A_236 = arith.constant 0 : i32
          %dma_start3A_237 = arith.constant 0 : i32
          %dma_start3A_238 = tpu.memref_slice %arg3[%dma_start3A_236, %dma_start3A_237] : memref<10000x256xf32, #tpu.memory_space<hbm>> -> memref<10000x256xf32, #tpu.memory_space<hbm>>
          tpu.enqueue_indirect_dma source(%dma_start3A_238 : memref<10000x256xf32, #tpu.memory_space<hbm>>) target(%arg21 : memref<16x256xf32, #tpu.memory_space<vmem>>) offsets(%dma_start3A_235 : memref<16xi32, #tpu.memory_space<vmem>>) semaphore(%arg25 : memref<!tpu.dma_semaphore, #tpu.memory_space<semaphore_mem>>)
        } else {
        }
        %add3A_218 = arith.constant 1 : i32
        %add3A_219 = arith.addi %mul3A_188, %add3A_218 : i32
        %lt3A_220 = arith.cmpi slt, %add3A_219, %select_n3A : i32
        %convert_element_type3A_221 = arith.extui %lt3A_220 : i1 to i32
        %cond3A_222 = arith.constant 0 : i32
        %cond3A_223 = arith.cmpi ne, %convert_element_type3A_221, %cond3A_222 : i32
        scf.if %cond3A_223 {
          %dma_wait3A_225 = arith.constant 0 : i32
          %dma_wait3A_226 = tpu.memref_slice %arg18[%dma_wait3A_225] : memref<6448xi32, #tpu.memory_space<vmem>> -> memref<16xi32, #tpu.memory_space<vmem>>
          %dma_wait3A_227 = arith.constant 0 : i32
          %dma_wait3A_228 = arith.constant 0 : i32
          %dma_wait3A_229 = tpu.memref_slice %arg2[%dma_wait3A_227, %dma_wait3A_228] : memref<10000x256xf32, #tpu.memory_space<hbm>> -> memref<10000x256xf32, #tpu.memory_space<hbm>>
          tpu.wait_indirect_dma semaphore(%arg26 : memref<!tpu.dma_semaphore, #tpu.memory_space<semaphore_mem>>) src(%dma_wait3A_229 : memref<10000x256xf32, #tpu.memory_space<hbm>>) dst(%arg22 : memref<16x256xf32, #tpu.memory_space<vmem>>)
          %dma_wait3A_230 = arith.constant 0 : i32
          %dma_wait3A_231 = tpu.memref_slice %arg19[%dma_wait3A_230] : memref<6448xi32, #tpu.memory_space<vmem>> -> memref<16xi32, #tpu.memory_space<vmem>>
          %dma_wait3A_232 = arith.constant 0 : i32
          %dma_wait3A_233 = arith.constant 0 : i32
          %dma_wait3A_234 = tpu.memref_slice %arg3[%dma_wait3A_232, %dma_wait3A_233] : memref<10000x256xf32, #tpu.memory_space<hbm>> -> memref<10000x256xf32, #tpu.memory_space<hbm>>
          tpu.wait_indirect_dma semaphore(%arg27 : memref<!tpu.dma_semaphore, #tpu.memory_space<semaphore_mem>>) src(%dma_wait3A_234 : memref<10000x256xf32, #tpu.memory_space<hbm>>) dst(%arg23 : memref<16x256xf32, #tpu.memory_space<vmem>>)
          %add3A_235 = arith.constant 1 : i32
          %add3A_236 = arith.addi %mul3A_188, %add3A_235 : i32
          %scan3A_237 = arith.constant 0 : i32
          %scan3A_238 = arith.constant 0 : i32
          %scan3A_239 = arith.constant 16 : i32
          %scan3A_240 = arith.addi %scan3A_238, %scan3A_239 : i32
          %scan3A_241 = arith.constant 2 : i32
          %scan3A_242 = scf.for %scan3A_244 = %scan3A_238 to %scan3A_240 step %scan3A_241 iter_args(%scan3A_245 = %scan3A_237) -> (i32)  : i32 {
            %mul3A_246 = arith.constant 16 : i32
            %mul3A_247 = arith.muli %add3A_236, %mul3A_246 : i32
            %add3A_248 = arith.addi %mul3A_247, %scan3A_244 : i32
            %get3A_249 = arith.index_cast %add3A_248 : i32 to index
            %get3A_250 = tpu.vector_load %arg19[%get3A_249] {strides = array<i32>} : memref<6448xi32, #tpu.memory_space<vmem>>, vector<16xi32>,
            %slice3A = vector.extract_strided_slice %get3A_250 {offsets = [0], sizes = [1], strides = [1]} : vector<16xi32> to vector<1xi32>
            %squeeze3A = vector.extract %slice3A[0] : i32 from vector<1xi32>
            %sub3A_251 = arith.subi %squeeze3A, %mul3A_2 : i32
            %broadcast_in_dim3A = arith.constant 0.000000e+00 : f32
            %broadcast_in_dim3A_252 = vector.broadcast %broadcast_in_dim3A : f32 to vector<16xf32>
            %get3A_253 = arith.index_cast %scan3A_244 : i32 to index
            %get3A_254 = arith.constant 0 : index
            %get3A_255 = tpu.vector_load %arg22[%get3A_253, %get3A_254] {strides = array<i32>} : memref<16x256xf32, #tpu.memory_space<vmem>>, vector<16xf32>,
            %get3A_256 = arith.index_cast %scan3A_244 : i32 to index
            %get3A_257 = arith.constant 0 : index
            %get3A_258 = tpu.vector_load %arg23[%get3A_256, %get3A_257] {strides = array<i32>} : memref<16x256xf32, #tpu.memory_space<vmem>>, vector<16xf32>,
            %add3A_259 = arith.addf %get3A_255, %get3A_258 : vector<16xf32>
            %max3A = arith.constant 0.000000e+00 : f32
            %max3A_260 = vector.broadcast %max3A : f32 to vector<16xf32>
            %max3A_261 = arith.maximumf %add3A_259, %max3A_260 : vector<16xf32>
            %get3A_262 = arith.constant 0 : index
            %get3A_263 = tpu.vector_load %arg12[%get3A_262] {strides = array<i32>} : memref<256xf32, #tpu.memory_space<vmem>>, vector<16xf32>,
            %mul3A_264 = arith.mulf %max3A_261, %get3A_263 : vector<16xf32>
            %add3A_265 = arith.addf %broadcast_in_dim3A_252, %mul3A_264 : vector<16xf32>
            %get3A_266 = arith.index_cast %scan3A_244 : i32 to index
            %get3A_267 = arith.constant 16 : index
            %get3A_268 = tpu.vector_load %arg22[%get3A_266, %get3A_267] {strides = array<i32>} : memref<16x256xf32, #tpu.memory_space<vmem>>, vector<16xf32>,
            %get3A_269 = arith.index_cast %scan3A_244 : i32 to index
            %get3A_270 = arith.constant 16 : index
            %get3A_271 = tpu.vector_load %arg23[%get3A_269, %get3A_270] {strides = array<i32>} : memref<16x256xf32, #tpu.memory_space<vmem>>, vector<16xf32>,
            %add3A_272 = arith.addf %get3A_268, %get3A_271 : vector<16xf32>
            %max3A_273 = arith.constant 0.000000e+00 : f32
            %max3A_274 = vector.broadcast %max3A_273 : f32 to vector<16xf32>
            %max3A_275 = arith.maximumf %add3A_272, %max3A_274 : vector<16xf32>
            %get3A_276 = arith.constant 16 : index
            %get3A_277 = tpu.vector_load %arg12[%get3A_276] {strides = array<i32>} : memref<256xf32, #tpu.memory_space<vmem>>, vector<16xf32>,
            %mul3A_278 = arith.mulf %max3A_275, %get3A_277 : vector<16xf32>
            %add3A_279 = arith.addf %add3A_265, %mul3A_278 : vector<16xf32>
            %get3A_280 = arith.index_cast %scan3A_244 : i32 to index
            %get3A_281 = arith.constant 32 : index
            %get3A_282 = tpu.vector_load %arg22[%get3A_280, %get3A_281] {strides = array<i32>} : memref<16x256xf32, #tpu.memory_space<vmem>>, vector<16xf32>,
            %get3A_283 = arith.index_cast %scan3A_244 : i32 to index
            %get3A_284 = arith.constant 32 : index
            %get3A_285 = tpu.vector_load %arg23[%get3A_283, %get3A_284] {strides = array<i32>} : memref<16x256xf32, #tpu.memory_space<vmem>>, vector<16xf32>,
            %add3A_286 = arith.addf %get3A_282, %get3A_285 : vector<16xf32>
            %max3A_287 = arith.constant 0.000000e+00 : f32
            %max3A_288 = vector.broadcast %max3A_287 : f32 to vector<16xf32>
            %max3A_289 = arith.maximumf %add3A_286, %max3A_288 : vector<16xf32>
            %get3A_290 = arith.constant 32 : index
            %get3A_291 = tpu.vector_load %arg12[%get3A_290] {strides = array<i32>} : memref<256xf32, #tpu.memory_space<vmem>>, vector<16xf32>,
            %mul3A_292 = arith.mulf %max3A_289, %get3A_291 : vector<16xf32>
            %add3A_293 = arith.addf %add3A_279, %mul3A_292 : vector<16xf32>
            %get3A_294 = arith.index_cast %scan3A_244 : i32 to index
            %get3A_295 = arith.constant 48 : index
            %get3A_296 = tpu.vector_load %arg22[%get3A_294, %get3A_295] {strides = array<i32>} : memref<16x256xf32, #tpu.memory_space<vmem>>, vector<16xf32>,
            %get3A_297 = arith.index_cast %scan3A_244 : i32 to index
            %get3A_298 = arith.constant 48 : index
            %get3A_299 = tpu.vector_load %arg23[%get3A_297, %get3A_298] {strides = array<i32>} : memref<16x256xf32, #tpu.memory_space<vmem>>, vector<16xf32>,
            %add3A_300 = arith.addf %get3A_296, %get3A_299 : vector<16xf32>
            %max3A_301 = arith.constant 0.000000e+00 : f32
            %max3A_302 = vector.broadcast %max3A_301 : f32 to vector<16xf32>
            %max3A_303 = arith.maximumf %add3A_300, %max3A_302 : vector<16xf32>
            %get3A_304 = arith.constant 48 : index
            %get3A_305 = tpu.vector_load %arg12[%get3A_304] {strides = array<i32>} : memref<256xf32, #tpu.memory_space<vmem>>, vector<16xf32>,
            %mul3A_306 = arith.mulf %max3A_303, %get3A_305 : vector<16xf32>
            %add3A_307 = arith.addf %add3A_293, %mul3A_306 : vector<16xf32>
            %get3A_308 = arith.index_cast %scan3A_244 : i32 to index
            %get3A_309 = arith.constant 64 : index
            %get3A_310 = tpu.vector_load %arg22[%get3A_308, %get3A_309] {strides = array<i32>} : memref<16x256xf32, #tpu.memory_space<vmem>>, vector<16xf32>,
            %get3A_311 = arith.index_cast %scan3A_244 : i32 to index
            %get3A_312 = arith.constant 64 : index
            %get3A_313 = tpu.vector_load %arg23[%get3A_311, %get3A_312] {strides = array<i32>} : memref<16x256xf32, #tpu.memory_space<vmem>>, vector<16xf32>,
            %add3A_314 = arith.addf %get3A_310, %get3A_313 : vector<16xf32>
            %max3A_315 = arith.constant 0.000000e+00 : f32
            %max3A_316 = vector.broadcast %max3A_315 : f32 to vector<16xf32>
            %max3A_317 = arith.maximumf %add3A_314, %max3A_316 : vector<16xf32>
            %get3A_318 = arith.constant 64 : index
            %get3A_319 = tpu.vector_load %arg12[%get3A_318] {strides = array<i32>} : memref<256xf32, #tpu.memory_space<vmem>>, vector<16xf32>,
            %mul3A_320 = arith.mulf %max3A_317, %get3A_319 : vector<16xf32>
            %add3A_321 = arith.addf %add3A_307, %mul3A_320 : vector<16xf32>
            %get3A_322 = arith.index_cast %scan3A_244 : i32 to index
            %get3A_323 = arith.constant 80 : index
            %get3A_324 = tpu.vector_load %arg22[%get3A_322, %get3A_323] {strides = array<i32>} : memref<16x256xf32, #tpu.memory_space<vmem>>, vector<16xf32>,
            %get3A_325 = arith.index_cast %scan3A_244 : i32 to index
            %get3A_326 = arith.constant 80 : index
            %get3A_327 = tpu.vector_load %arg23[%get3A_325, %get3A_326] {strides = array<i32>} : memref<16x256xf32, #tpu.memory_space<vmem>>, vector<16xf32>,
            %add3A_328 = arith.addf %get3A_324, %get3A_327 : vector<16xf32>
            %max3A_329 = arith.constant 0.000000e+00 : f32
            %max3A_330 = vector.broadcast %max3A_329 : f32 to vector<16xf32>
            %max3A_331 = arith.maximumf %add3A_328, %max3A_330 : vector<16xf32>
            %get3A_332 = arith.constant 80 : index
            %get3A_333 = tpu.vector_load %arg12[%get3A_332] {strides = array<i32>} : memref<256xf32, #tpu.memory_space<vmem>>, vector<16xf32>,
            %mul3A_334 = arith.mulf %max3A_331, %get3A_333 : vector<16xf32>
            %add3A_335 = arith.addf %add3A_321, %mul3A_334 : vector<16xf32>
            %get3A_336 = arith.index_cast %scan3A_244 : i32 to index
            %get3A_337 = arith.constant 96 : index
            %get3A_338 = tpu.vector_load %arg22[%get3A_336, %get3A_337] {strides = array<i32>} : memref<16x256xf32, #tpu.memory_space<vmem>>, vector<16xf32>,
            %get3A_339 = arith.index_cast %scan3A_244 : i32 to index
            %get3A_340 = arith.constant 96 : index
            %get3A_341 = tpu.vector_load %arg23[%get3A_339, %get3A_340] {strides = array<i32>} : memref<16x256xf32, #tpu.memory_space<vmem>>, vector<16xf32>,
            %add3A_342 = arith.addf %get3A_338, %get3A_341 : vector<16xf32>
            %max3A_343 = arith.constant 0.000000e+00 : f32
            %max3A_344 = vector.broadcast %max3A_343 : f32 to vector<16xf32>
            %max3A_345 = arith.maximumf %add3A_342, %max3A_344 : vector<16xf32>
            %get3A_346 = arith.constant 96 : index
            %get3A_347 = tpu.vector_load %arg12[%get3A_346] {strides = array<i32>} : memref<256xf32, #tpu.memory_space<vmem>>, vector<16xf32>,
            %mul3A_348 = arith.mulf %max3A_345, %get3A_347 : vector<16xf32>
            %add3A_349 = arith.addf %add3A_335, %mul3A_348 : vector<16xf32>
            %get3A_350 = arith.index_cast %scan3A_244 : i32 to index
            %get3A_351 = arith.constant 112 : index
            %get3A_352 = tpu.vector_load %arg22[%get3A_350, %get3A_351] {strides = array<i32>} : memref<16x256xf32, #tpu.memory_space<vmem>>, vector<16xf32>,
            %get3A_353 = arith.index_cast %scan3A_244 : i32 to index
            %get3A_354 = arith.constant 112 : index
            %get3A_355 = tpu.vector_load %arg23[%get3A_353, %get3A_354] {strides = array<i32>} : memref<16x256xf32, #tpu.memory_space<vmem>>, vector<16xf32>,
            %add3A_356 = arith.addf %get3A_352, %get3A_355 : vector<16xf32>
            %max3A_357 = arith.constant 0.000000e+00 : f32
            %max3A_358 = vector.broadcast %max3A_357 : f32 to vector<16xf32>
            %max3A_359 = arith.maximumf %add3A_356, %max3A_358 : vector<16xf32>
            %get3A_360 = arith.constant 112 : index
            %get3A_361 = tpu.vector_load %arg12[%get3A_360] {strides = array<i32>} : memref<256xf32, #tpu.memory_space<vmem>>, vector<16xf32>,
            %mul3A_362 = arith.mulf %max3A_359, %get3A_361 : vector<16xf32>
            %add3A_363 = arith.addf %add3A_349, %mul3A_362 : vector<16xf32>
            %get3A_364 = arith.index_cast %scan3A_244 : i32 to index
            %get3A_365 = arith.constant 128 : index
            %get3A_366 = tpu.vector_load %arg22[%get3A_364, %get3A_365] {strides = array<i32>} : memref<16x256xf32, #tpu.memory_space<vmem>>, vector<16xf32>,
            %get3A_367 = arith.index_cast %scan3A_244 : i32 to index
            %get3A_368 = arith.constant 128 : index
            %get3A_369 = tpu.vector_load %arg23[%get3A_367, %get3A_368] {strides = array<i32>} : memref<16x256xf32, #tpu.memory_space<vmem>>, vector<16xf32>,
            %add3A_370 = arith.addf %get3A_366, %get3A_369 : vector<16xf32>
            %max3A_371 = arith.constant 0.000000e+00 : f32
            %max3A_372 = vector.broadcast %max3A_371 : f32 to vector<16xf32>
            %max3A_373 = arith.maximumf %add3A_370, %max3A_372 : vector<16xf32>
            %get3A_374 = arith.constant 128 : index
            %get3A_375 = tpu.vector_load %arg12[%get3A_374] {strides = array<i32>} : memref<256xf32, #tpu.memory_space<vmem>>, vector<16xf32>,
            %mul3A_376 = arith.mulf %max3A_373, %get3A_375 : vector<16xf32>
            %add3A_377 = arith.addf %add3A_363, %mul3A_376 : vector<16xf32>
            %get3A_378 = arith.index_cast %scan3A_244 : i32 to index
            %get3A_379 = arith.constant 144 : index
            %get3A_380 = tpu.vector_load %arg22[%get3A_378, %get3A_379] {strides = array<i32>} : memref<16x256xf32, #tpu.memory_space<vmem>>, vector<16xf32>,
            %get3A_381 = arith.index_cast %scan3A_244 : i32 to index
            %get3A_382 = arith.constant 144 : index
            %get3A_383 = tpu.vector_load %arg23[%get3A_381, %get3A_382] {strides = array<i32>} : memref<16x256xf32, #tpu.memory_space<vmem>>, vector<16xf32>,
            %add3A_384 = arith.addf %get3A_380, %get3A_383 : vector<16xf32>
            %max3A_385 = arith.constant 0.000000e+00 : f32
            %max3A_386 = vector.broadcast %max3A_385 : f32 to vector<16xf32>
            %max3A_387 = arith.maximumf %add3A_384, %max3A_386 : vector<16xf32>
            %get3A_388 = arith.constant 144 : index
            %get3A_389 = tpu.vector_load %arg12[%get3A_388] {strides = array<i32>} : memref<256xf32, #tpu.memory_space<vmem>>, vector<16xf32>,
            %mul3A_390 = arith.mulf %max3A_387, %get3A_389 : vector<16xf32>
            %add3A_391 = arith.addf %add3A_377, %mul3A_390 : vector<16xf32>
            %get3A_392 = arith.index_cast %scan3A_244 : i32 to index
            %get3A_393 = arith.constant 160 : index
            %get3A_394 = tpu.vector_load %arg22[%get3A_392, %get3A_393] {strides = array<i32>} : memref<16x256xf32, #tpu.memory_space<vmem>>, vector<16xf32>,
            %get3A_395 = arith.index_cast %scan3A_244 : i32 to index
            %get3A_396 = arith.constant 160 : index
            %get3A_397 = tpu.vector_load %arg23[%get3A_395, %get3A_396] {strides = array<i32>} : memref<16x256xf32, #tpu.memory_space<vmem>>, vector<16xf32>,
            %add3A_398 = arith.addf %get3A_394, %get3A_397 : vector<16xf32>
            %max3A_399 = arith.constant 0.000000e+00 : f32
            %max3A_400 = vector.broadcast %max3A_399 : f32 to vector<16xf32>
            %max3A_401 = arith.maximumf %add3A_398, %max3A_400 : vector<16xf32>
            %get3A_402 = arith.constant 160 : index
            %get3A_403 = tpu.vector_load %arg12[%get3A_402] {strides = array<i32>} : memref<256xf32, #tpu.memory_space<vmem>>, vector<16xf32>,
            %mul3A_404 = arith.mulf %max3A_401, %get3A_403 : vector<16xf32>
            %add3A_405 = arith.addf %add3A_391, %mul3A_404 : vector<16xf32>
            %get3A_406 = arith.index_cast %scan3A_244 : i32 to index
            %get3A_407 = arith.constant 176 : index
            %get3A_408 = tpu.vector_load %arg22[%get3A_406, %get3A_407] {strides = array<i32>} : memref<16x256xf32, #tpu.memory_space<vmem>>, vector<16xf32>,
            %get3A_409 = arith.index_cast %scan3A_244 : i32 to index
            %get3A_410 = arith.constant 176 : index
            %get3A_411 = tpu.vector_load %arg23[%get3A_409, %get3A_410] {strides = array<i32>} : memref<16x256xf32, #tpu.memory_space<vmem>>, vector<16xf32>,
            %add3A_412 = arith.addf %get3A_408, %get3A_411 : vector<16xf32>
            %max3A_413 = arith.constant 0.000000e+00 : f32
            %max3A_414 = vector.broadcast %max3A_413 : f32 to vector<16xf32>
            %max3A_415 = arith.maximumf %add3A_412, %max3A_414 : vector<16xf32>
            %get3A_416 = arith.constant 176 : index
            %get3A_417 = tpu.vector_load %arg12[%get3A_416] {strides = array<i32>} : memref<256xf32, #tpu.memory_space<vmem>>, vector<16xf32>,
            %mul3A_418 = arith.mulf %max3A_415, %get3A_417 : vector<16xf32>
            %add3A_419 = arith.addf %add3A_405, %mul3A_418 : vector<16xf32>
            %get3A_420 = arith.index_cast %scan3A_244 : i32 to index
            %get3A_421 = arith.constant 192 : index
            %get3A_422 = tpu.vector_load %arg22[%get3A_420, %get3A_421] {strides = array<i32>} : memref<16x256xf32, #tpu.memory_space<vmem>>, vector<16xf32>,
            %get3A_423 = arith.index_cast %scan3A_244 : i32 to index
            %get3A_424 = arith.constant 192 : index
            %get3A_425 = tpu.vector_load %arg23[%get3A_423, %get3A_424] {strides = array<i32>} : memref<16x256xf32, #tpu.memory_space<vmem>>, vector<16xf32>,
            %add3A_426 = arith.addf %get3A_422, %get3A_425 : vector<16xf32>
            %max3A_427 = arith.constant 0.000000e+00 : f32
            %max3A_428 = vector.broadcast %max3A_427 : f32 to vector<16xf32>
            %max3A_429 = arith.maximumf %add3A_426, %max3A_428 : vector<16xf32>
            %get3A_430 = arith.constant 192 : index
            %get3A_431 = tpu.vector_load %arg12[%get3A_430] {strides = array<i32>} : memref<256xf32, #tpu.memory_space<vmem>>, vector<16xf32>,
            %mul3A_432 = arith.mulf %max3A_429, %get3A_431 : vector<16xf32>
            %add3A_433 = arith.addf %add3A_419, %mul3A_432 : vector<16xf32>
            %get3A_434 = arith.index_cast %scan3A_244 : i32 to index
            %get3A_435 = arith.constant 208 : index
            %get3A_436 = tpu.vector_load %arg22[%get3A_434, %get3A_435] {strides = array<i32>} : memref<16x256xf32, #tpu.memory_space<vmem>>, vector<16xf32>,
            %get3A_437 = arith.index_cast %scan3A_244 : i32 to index
            %get3A_438 = arith.constant 208 : index
            %get3A_439 = tpu.vector_load %arg23[%get3A_437, %get3A_438] {strides = array<i32>} : memref<16x256xf32, #tpu.memory_space<vmem>>, vector<16xf32>,
            %add3A_440 = arith.addf %get3A_436, %get3A_439 : vector<16xf32>
            %max3A_441 = arith.constant 0.000000e+00 : f32
            %max3A_442 = vector.broadcast %max3A_441 : f32 to vector<16xf32>
            %max3A_443 = arith.maximumf %add3A_440, %max3A_442 : vector<16xf32>
            %get3A_444 = arith.constant 208 : index
            %get3A_445 = tpu.vector_load %arg12[%get3A_444] {strides = array<i32>} : memref<256xf32, #tpu.memory_space<vmem>>, vector<16xf32>,
            %mul3A_446 = arith.mulf %max3A_443, %get3A_445 : vector<16xf32>
            %add3A_447 = arith.addf %add3A_433, %mul3A_446 : vector<16xf32>
            %get3A_448 = arith.index_cast %scan3A_244 : i32 to index
            %get3A_449 = arith.constant 224 : index
            %get3A_450 = tpu.vector_load %arg22[%get3A_448, %get3A_449] {strides = array<i32>} : memref<16x256xf32, #tpu.memory_space<vmem>>, vector<16xf32>,
            %get3A_451 = arith.index_cast %scan3A_244 : i32 to index
            %get3A_452 = arith.constant 224 : index
            %get3A_453 = tpu.vector_load %arg23[%get3A_451, %get3A_452] {strides = array<i32>} : memref<16x256xf32, #tpu.memory_space<vmem>>, vector<16xf32>,
            %add3A_454 = arith.addf %get3A_450, %get3A_453 : vector<16xf32>
            %max3A_455 = arith.constant 0.000000e+00 : f32
            %max3A_456 = vector.broadcast %max3A_455 : f32 to vector<16xf32>
            %max3A_457 = arith.maximumf %add3A_454, %max3A_456 : vector<16xf32>
            %get3A_458 = arith.constant 224 : index
            %get3A_459 = tpu.vector_load %arg12[%get3A_458] {strides = array<i32>} : memref<256xf32, #tpu.memory_space<vmem>>, vector<16xf32>,
            %mul3A_460 = arith.mulf %max3A_457, %get3A_459 : vector<16xf32>
            %add3A_461 = arith.addf %add3A_447, %mul3A_460 : vector<16xf32>
            %get3A_462 = arith.index_cast %scan3A_244 : i32 to index
            %get3A_463 = arith.constant 240 : index
            %get3A_464 = tpu.vector_load %arg22[%get3A_462, %get3A_463] {strides = array<i32>} : memref<16x256xf32, #tpu.memory_space<vmem>>, vector<16xf32>,
            %get3A_465 = arith.index_cast %scan3A_244 : i32 to index
            %get3A_466 = arith.constant 240 : index
            %get3A_467 = tpu.vector_load %arg23[%get3A_465, %get3A_466] {strides = array<i32>} : memref<16x256xf32, #tpu.memory_space<vmem>>, vector<16xf32>,
            %add3A_468 = arith.addf %get3A_464, %get3A_467 : vector<16xf32>
            %max3A_469 = arith.constant 0.000000e+00 : f32
            %max3A_470 = vector.broadcast %max3A_469 : f32 to vector<16xf32>
            %max3A_471 = arith.maximumf %add3A_468, %max3A_470 : vector<16xf32>
            %get3A_472 = arith.constant 240 : index
            %get3A_473 = tpu.vector_load %arg12[%get3A_472] {strides = array<i32>} : memref<256xf32, #tpu.memory_space<vmem>>, vector<16xf32>,
            %mul3A_474 = arith.mulf %max3A_471, %get3A_473 : vector<16xf32>
            %add3A_475 = arith.addf %add3A_461, %mul3A_474 : vector<16xf32>
            %reduce_sum3A = arith.constant true
            %reduce_sum3A_476 = vector.broadcast %reduce_sum3A : i1 to vector<16xi1>
            %reduce_sum3A_477 = tpu.scan <sum>, %add3A_475 masked %reduce_sum3A_476 : vector<16xf32>, vector<16xi1> -> vector<16xf32>
            %reduce_sum3A_478 = vector.extract %reduce_sum3A_477[15] : f32 from vector<16xf32>
            %lt3A_479 = arith.cmpi slt, %add3A_248, %scan3A_118 : i32
            %jit3A_480 = arith.constant 1.000000e+00 : f32
            %jit3A_481 = arith.constant 0.000000e+00 : f32
            %select_n3A_482 = arith.select %lt3A_479, %jit3A_480, %jit3A_481 : f32
            %broadcast_in_dim3A_483 = vector.broadcast %reduce_sum3A_478 : f32 to vector<16xf32>
            %add3A_484 = arith.addf %broadcast_in_dim3A_483, %get3A_16 : vector<16xf32>
            %exp3A = math.exp %add3A_484 : vector<16xf32>
            %mul3A_485 = vector.broadcast %select_n3A_482 : f32 to vector<16xf32>
            %mul3A_486 = arith.mulf %exp3A, %mul3A_485 : vector<16xf32>
            %mul3A_487 = arith.mulf %mul3A_486, %max3A_261 : vector<16xf32>
            %swap3A = arith.index_cast %sub3A_251 : i32 to index
            %swap3A_488 = arith.constant 0 : index
            %swap3A_489 = tpu.vector_load %arg10[%swap3A, %swap3A_488] {strides = array<i32>} : memref<320x256xf32, #tpu.memory_space<vmem>>, vector<16xf32>,
            tpu.vector_store %arg10[%swap3A, %swap3A_488], %mul3A_487 {add = true, strides = array<i32>} : memref<320x256xf32, #tpu.memory_space<vmem>>, vector<16xf32>,
            %mul3A_490 = arith.mulf %mul3A_486, %max3A_275 : vector<16xf32>
            %swap3A_491 = arith.index_cast %sub3A_251 : i32 to index
            %swap3A_492 = arith.constant 16 : index
            %swap3A_493 = tpu.vector_load %arg10[%swap3A_491, %swap3A_492] {strides = array<i32>} : memref<320x256xf32, #tpu.memory_space<vmem>>, vector<16xf32>,
            tpu.vector_store %arg10[%swap3A_491, %swap3A_492], %mul3A_490 {add = true, strides = array<i32>} : memref<320x256xf32, #tpu.memory_space<vmem>>, vector<16xf32>,
            %mul3A_494 = arith.mulf %mul3A_486, %max3A_289 : vector<16xf32>
            %swap3A_495 = arith.index_cast %sub3A_251 : i32 to index
            %swap3A_496 = arith.constant 32 : index
            %swap3A_497 = tpu.vector_load %arg10[%swap3A_495, %swap3A_496] {strides = array<i32>} : memref<320x256xf32, #tpu.memory_space<vmem>>, vector<16xf32>,
            tpu.vector_store %arg10[%swap3A_495, %swap3A_496], %mul3A_494 {add = true, strides = array<i32>} : memref<320x256xf32, #tpu.memory_space<vmem>>, vector<16xf32>,
            %mul3A_498 = arith.mulf %mul3A_486, %max3A_303 : vector<16xf32>
            %swap3A_499 = arith.index_cast %sub3A_251 : i32 to index
            %swap3A_500 = arith.constant 48 : index
            %swap3A_501 = tpu.vector_load %arg10[%swap3A_499, %swap3A_500] {strides = array<i32>} : memref<320x256xf32, #tpu.memory_space<vmem>>, vector<16xf32>,
            tpu.vector_store %arg10[%swap3A_499, %swap3A_500], %mul3A_498 {add = true, strides = array<i32>} : memref<320x256xf32, #tpu.memory_space<vmem>>, vector<16xf32>,
            %mul3A_502 = arith.mulf %mul3A_486, %max3A_317 : vector<16xf32>
            %swap3A_503 = arith.index_cast %sub3A_251 : i32 to index
            %swap3A_504 = arith.constant 64 : index
            %swap3A_505 = tpu.vector_load %arg10[%swap3A_503, %swap3A_504] {strides = array<i32>} : memref<320x256xf32, #tpu.memory_space<vmem>>, vector<16xf32>,
            tpu.vector_store %arg10[%swap3A_503, %swap3A_504], %mul3A_502 {add = true, strides = array<i32>} : memref<320x256xf32, #tpu.memory_space<vmem>>, vector<16xf32>,
            %mul3A_506 = arith.mulf %mul3A_486, %max3A_331 : vector<16xf32>
            %swap3A_507 = arith.index_cast %sub3A_251 : i32 to index
            %swap3A_508 = arith.constant 80 : index
            %swap3A_509 = tpu.vector_load %arg10[%swap3A_507, %swap3A_508] {strides = array<i32>} : memref<320x256xf32, #tpu.memory_space<vmem>>, vector<16xf32>,
            tpu.vector_store %arg10[%swap3A_507, %swap3A_508], %mul3A_506 {add = true, strides = array<i32>} : memref<320x256xf32, #tpu.memory_space<vmem>>, vector<16xf32>,
            %mul3A_510 = arith.mulf %mul3A_486, %max3A_345 : vector<16xf32>
            %swap3A_511 = arith.index_cast %sub3A_251 : i32 to index
            %swap3A_512 = arith.constant 96 : index
            %swap3A_513 = tpu.vector_load %arg10[%swap3A_511, %swap3A_512] {strides = array<i32>} : memref<320x256xf32, #tpu.memory_space<vmem>>, vector<16xf32>,
            tpu.vector_store %arg10[%swap3A_511, %swap3A_512], %mul3A_510 {add = true, strides = array<i32>} : memref<320x256xf32, #tpu.memory_space<vmem>>, vector<16xf32>,
            %mul3A_514 = arith.mulf %mul3A_486, %max3A_359 : vector<16xf32>
            %swap3A_515 = arith.index_cast %sub3A_251 : i32 to index
            %swap3A_516 = arith.constant 112 : index
            %swap3A_517 = tpu.vector_load %arg10[%swap3A_515, %swap3A_516] {strides = array<i32>} : memref<320x256xf32, #tpu.memory_space<vmem>>, vector<16xf32>,
            tpu.vector_store %arg10[%swap3A_515, %swap3A_516], %mul3A_514 {add = true, strides = array<i32>} : memref<320x256xf32, #tpu.memory_space<vmem>>, vector<16xf32>,
            %mul3A_518 = arith.mulf %mul3A_486, %max3A_373 : vector<16xf32>
            %swap3A_519 = arith.index_cast %sub3A_251 : i32 to index
            %swap3A_520 = arith.constant 128 : index
            %swap3A_521 = tpu.vector_load %arg10[%swap3A_519, %swap3A_520] {strides = array<i32>} : memref<320x256xf32, #tpu.memory_space<vmem>>, vector<16xf32>,
            tpu.vector_store %arg10[%swap3A_519, %swap3A_520], %mul3A_518 {add = true, strides = array<i32>} : memref<320x256xf32, #tpu.memory_space<vmem>>, vector<16xf32>,
            %mul3A_522 = arith.mulf %mul3A_486, %max3A_387 : vector<16xf32>
            %swap3A_523 = arith.index_cast %sub3A_251 : i32 to index
            %swap3A_524 = arith.constant 144 : index
            %swap3A_525 = tpu.vector_load %arg10[%swap3A_523, %swap3A_524] {strides = array<i32>} : memref<320x256xf32, #tpu.memory_space<vmem>>, vector<16xf32>,
            tpu.vector_store %arg10[%swap3A_523, %swap3A_524], %mul3A_522 {add = true, strides = array<i32>} : memref<320x256xf32, #tpu.memory_space<vmem>>, vector<16xf32>,
            %mul3A_526 = arith.mulf %mul3A_486, %max3A_401 : vector<16xf32>
            %swap3A_527 = arith.index_cast %sub3A_251 : i32 to index
            %swap3A_528 = arith.constant 160 : index
            %swap3A_529 = tpu.vector_load %arg10[%swap3A_527, %swap3A_528] {strides = array<i32>} : memref<320x256xf32, #tpu.memory_space<vmem>>, vector<16xf32>,
            tpu.vector_store %arg10[%swap3A_527, %swap3A_528], %mul3A_526 {add = true, strides = array<i32>} : memref<320x256xf32, #tpu.memory_space<vmem>>, vector<16xf32>,
            %mul3A_530 = arith.mulf %mul3A_486, %max3A_415 : vector<16xf32>
            %swap3A_531 = arith.index_cast %sub3A_251 : i32 to index
            %swap3A_532 = arith.constant 176 : index
            %swap3A_533 = tpu.vector_load %arg10[%swap3A_531, %swap3A_532] {strides = array<i32>} : memref<320x256xf32, #tpu.memory_space<vmem>>, vector<16xf32>,
            tpu.vector_store %arg10[%swap3A_531, %swap3A_532], %mul3A_530 {add = true, strides = array<i32>} : memref<320x256xf32, #tpu.memory_space<vmem>>, vector<16xf32>,
            %mul3A_534 = arith.mulf %mul3A_486, %max3A_429 : vector<16xf32>
            %swap3A_535 = arith.index_cast %sub3A_251 : i32 to index
            %swap3A_536 = arith.constant 192 : index
            %swap3A_537 = tpu.vector_load %arg10[%swap3A_535, %swap3A_536] {strides = array<i32>} : memref<320x256xf32, #tpu.memory_space<vmem>>, vector<16xf32>,
            tpu.vector_store %arg10[%swap3A_535, %swap3A_536], %mul3A_534 {add = true, strides = array<i32>} : memref<320x256xf32, #tpu.memory_space<vmem>>, vector<16xf32>,
            %mul3A_538 = arith.mulf %mul3A_486, %max3A_443 : vector<16xf32>
            %swap3A_539 = arith.index_cast %sub3A_251 : i32 to index
            %swap3A_540 = arith.constant 208 : index
            %swap3A_541 = tpu.vector_load %arg10[%swap3A_539, %swap3A_540] {strides = array<i32>} : memref<320x256xf32, #tpu.memory_space<vmem>>, vector<16xf32>,
            tpu.vector_store %arg10[%swap3A_539, %swap3A_540], %mul3A_538 {add = true, strides = array<i32>} : memref<320x256xf32, #tpu.memory_space<vmem>>, vector<16xf32>,
            %mul3A_542 = arith.mulf %mul3A_486, %max3A_457 : vector<16xf32>
            %swap3A_543 = arith.index_cast %sub3A_251 : i32 to index
            %swap3A_544 = arith.constant 224 : index
            %swap3A_545 = tpu.vector_load %arg10[%swap3A_543, %swap3A_544] {strides = array<i32>} : memref<320x256xf32, #tpu.memory_space<vmem>>, vector<16xf32>,
            tpu.vector_store %arg10[%swap3A_543, %swap3A_544], %mul3A_542 {add = true, strides = array<i32>} : memref<320x256xf32, #tpu.memory_space<vmem>>, vector<16xf32>,
            %mul3A_546 = arith.mulf %mul3A_486, %max3A_471 : vector<16xf32>
            %swap3A_547 = arith.index_cast %sub3A_251 : i32 to index
            %swap3A_548 = arith.constant 240 : index
            %swap3A_549 = tpu.vector_load %arg10[%swap3A_547, %swap3A_548] {strides = array<i32>} : memref<320x256xf32, #tpu.memory_space<vmem>>, vector<16xf32>,
            tpu.vector_store %arg10[%swap3A_547, %swap3A_548], %mul3A_546 {add = true, strides = array<i32>} : memref<320x256xf32, #tpu.memory_space<vmem>>, vector<16xf32>,
            %mul3A_550 = arith.constant 16 : i32
            %mul3A_551 = arith.muli %sub3A_251, %mul3A_550 : i32
            %mul3A_552 = arith.mulf %mul3A_486, %convert_element_type3A_19 : vector<16xf32>
            %swap3A_553 = arith.index_cast %mul3A_551 : i32 to index
            %swap3A_554 = tpu.vector_load %arg11[%swap3A_553] {strides = array<i32>} : memref<5120xf32, #tpu.memory_space<vmem>>, vector<16xf32>,
            tpu.vector_store %arg11[%swap3A_553], %mul3A_552 {add = true, strides = array<i32>} : memref<5120xf32, #tpu.memory_space<vmem>>, vector<16xf32>,
            %scan3A_555 = arith.constant 0 : i32
            %scan3A_556 = arith.constant 1 : i32
            %scan3A_557 = arith.addi %scan3A_244, %scan3A_556 : i32
            %mul3A_558 = arith.constant 16 : i32
            %mul3A_559 = arith.muli %add3A_236, %mul3A_558 : i32
            %add3A_560 = arith.addi %mul3A_559, %scan3A_557 : i32
            %get3A_561 = arith.index_cast %add3A_560 : i32 to index
            %get3A_562 = tpu.vector_load %arg19[%get3A_561] {strides = array<i32>} : memref<6448xi32, #tpu.memory_space<vmem>>, vector<16xi32>,
            %slice3A_563 = vector.extract_strided_slice %get3A_562 {offsets = [0], sizes = [1], strides = [1]} : vector<16xi32> to vector<1xi32>
            %squeeze3A_564 = vector.extract %slice3A_563[0] : i32 from vector<1xi32>
            %sub3A_565 = arith.subi %squeeze3A_564, %mul3A_2 : i32
            %broadcast_in_dim3A_566 = arith.constant 0.000000e+00 : f32
            %broadcast_in_dim3A_567 = vector.broadcast %broadcast_in_dim3A_566 : f32 to vector<16xf32>
            %get3A_568 = arith.index_cast %scan3A_557 : i32 to index
            %get3A_569 = arith.constant 0 : index
            %get3A_570 = tpu.vector_load %arg22[%get3A_568, %get3A_569] {strides = array<i32>} : memref<16x256xf32, #tpu.memory_space<vmem>>, vector<16xf32>,
            %get3A_571 = arith.index_cast %scan3A_557 : i32 to index
            %get3A_572 = arith.constant 0 : index
            %get3A_573 = tpu.vector_load %arg23[%get3A_571, %get3A_572] {strides = array<i32>} : memref<16x256xf32, #tpu.memory_space<vmem>>, vector<16xf32>,
            %add3A_574 = arith.addf %get3A_570, %get3A_573 : vector<16xf32>
            %max3A_575 = arith.constant 0.000000e+00 : f32
            %max3A_576 = vector.broadcast %max3A_575 : f32 to vector<16xf32>
            %max3A_577 = arith.maximumf %add3A_574, %max3A_576 : vector<16xf32>
            %get3A_578 = arith.constant 0 : index
            %get3A_579 = tpu.vector_load %arg12[%get3A_578] {strides = array<i32>} : memref<256xf32, #tpu.memory_space<vmem>>, vector<16xf32>,
            %mul3A_580 = arith.mulf %max3A_577, %get3A_579 : vector<16xf32>
            %add3A_581 = arith.addf %broadcast_in_dim3A_567, %mul3A_580 : vector<16xf32>
            %get3A_582 = arith.index_cast %scan3A_557 : i32 to index
            %get3A_583 = arith.constant 16 : index
            %get3A_584 = tpu.vector_load %arg22[%get3A_582, %get3A_583] {strides = array<i32>} : memref<16x256xf32, #tpu.memory_space<vmem>>, vector<16xf32>,
            %get3A_585 = arith.index_cast %scan3A_557 : i32 to index
            %get3A_586 = arith.constant 16 : index
            %get3A_587 = tpu.vector_load %arg23[%get3A_585, %get3A_586] {strides = array<i32>} : memref<16x256xf32, #tpu.memory_space<vmem>>, vector<16xf32>,
            %add3A_588 = arith.addf %get3A_584, %get3A_587 : vector<16xf32>
            %max3A_589 = arith.constant 0.000000e+00 : f32
            %max3A_590 = vector.broadcast %max3A_589 : f32 to vector<16xf32>
            %max3A_591 = arith.maximumf %add3A_588, %max3A_590 : vector<16xf32>
            %get3A_592 = arith.constant 16 : index
            %get3A_593 = tpu.vector_load %arg12[%get3A_592] {strides = array<i32>} : memref<256xf32, #tpu.memory_space<vmem>>, vector<16xf32>,
            %mul3A_594 = arith.mulf %max3A_591, %get3A_593 : vector<16xf32>
            %add3A_595 = arith.addf %add3A_581, %mul3A_594 : vector<16xf32>
            %get3A_596 = arith.index_cast %scan3A_557 : i32 to index
            %get3A_597 = arith.constant 32 : index
            %get3A_598 = tpu.vector_load %arg22[%get3A_596, %get3A_597] {strides = array<i32>} : memref<16x256xf32, #tpu.memory_space<vmem>>, vector<16xf32>,
            %get3A_599 = arith.index_cast %scan3A_557 : i32 to index
            %get3A_600 = arith.constant 32 : index
            %get3A_601 = tpu.vector_load %arg23[%get3A_599, %get3A_600] {strides = array<i32>} : memref<16x256xf32, #tpu.memory_space<vmem>>, vector<16xf32>,
            %add3A_602 = arith.addf %get3A_598, %get3A_601 : vector<16xf32>
            %max3A_603 = arith.constant 0.000000e+00 : f32
            %max3A_604 = vector.broadcast %max3A_603 : f32 to vector<16xf32>
            %max3A_605 = arith.maximumf %add3A_602, %max3A_604 : vector<16xf32>
            %get3A_606 = arith.constant 32 : index
            %get3A_607 = tpu.vector_load %arg12[%get3A_606] {strides = array<i32>} : memref<256xf32, #tpu.memory_space<vmem>>, vector<16xf32>,
            %mul3A_608 = arith.mulf %max3A_605, %get3A_607 : vector<16xf32>
            %add3A_609 = arith.addf %add3A_595, %mul3A_608 : vector<16xf32>
            %get3A_610 = arith.index_cast %scan3A_557 : i32 to index
            %get3A_611 = arith.constant 48 : index
            %get3A_612 = tpu.vector_load %arg22[%get3A_610, %get3A_611] {strides = array<i32>} : memref<16x256xf32, #tpu.memory_space<vmem>>, vector<16xf32>,
            %get3A_613 = arith.index_cast %scan3A_557 : i32 to index
            %get3A_614 = arith.constant 48 : index
            %get3A_615 = tpu.vector_load %arg23[%get3A_613, %get3A_614] {strides = array<i32>} : memref<16x256xf32, #tpu.memory_space<vmem>>, vector<16xf32>,
            %add3A_616 = arith.addf %get3A_612, %get3A_615 : vector<16xf32>
            %max3A_617 = arith.constant 0.000000e+00 : f32
            %max3A_618 = vector.broadcast %max3A_617 : f32 to vector<16xf32>
            %max3A_619 = arith.maximumf %add3A_616, %max3A_618 : vector<16xf32>
            %get3A_620 = arith.constant 48 : index
            %get3A_621 = tpu.vector_load %arg12[%get3A_620] {strides = array<i32>} : memref<256xf32, #tpu.memory_space<vmem>>, vector<16xf32>,
            %mul3A_622 = arith.mulf %max3A_619, %get3A_621 : vector<16xf32>
            %add3A_623 = arith.addf %add3A_609, %mul3A_622 : vector<16xf32>
            %get3A_624 = arith.index_cast %scan3A_557 : i32 to index
            %get3A_625 = arith.constant 64 : index
            %get3A_626 = tpu.vector_load %arg22[%get3A_624, %get3A_625] {strides = array<i32>} : memref<16x256xf32, #tpu.memory_space<vmem>>, vector<16xf32>,
            %get3A_627 = arith.index_cast %scan3A_557 : i32 to index
            %get3A_628 = arith.constant 64 : index
            %get3A_629 = tpu.vector_load %arg23[%get3A_627, %get3A_628] {strides = array<i32>} : memref<16x256xf32, #tpu.memory_space<vmem>>, vector<16xf32>,
            %add3A_630 = arith.addf %get3A_626, %get3A_629 : vector<16xf32>
            %max3A_631 = arith.constant 0.000000e+00 : f32
            %max3A_632 = vector.broadcast %max3A_631 : f32 to vector<16xf32>
            %max3A_633 = arith.maximumf %add3A_630, %max3A_632 : vector<16xf32>
            %get3A_634 = arith.constant 64 : index
            %get3A_635 = tpu.vector_load %arg12[%get3A_634] {strides = array<i32>} : memref<256xf32, #tpu.memory_space<vmem>>, vector<16xf32>,
            %mul3A_636 = arith.mulf %max3A_633, %get3A_635 : vector<16xf32>
            %add3A_637 = arith.addf %add3A_623, %mul3A_636 : vector<16xf32>
            %get3A_638 = arith.index_cast %scan3A_557 : i32 to index
            %get3A_639 = arith.constant 80 : index
            %get3A_640 = tpu.vector_load %arg22[%get3A_638, %get3A_639] {strides = array<i32>} : memref<16x256xf32, #tpu.memory_space<vmem>>, vector<16xf32>,
            %get3A_641 = arith.index_cast %scan3A_557 : i32 to index
            %get3A_642 = arith.constant 80 : index
            %get3A_643 = tpu.vector_load %arg23[%get3A_641, %get3A_642] {strides = array<i32>} : memref<16x256xf32, #tpu.memory_space<vmem>>, vector<16xf32>,
            %add3A_644 = arith.addf %get3A_640, %get3A_643 : vector<16xf32>
            %max3A_645 = arith.constant 0.000000e+00 : f32
            %max3A_646 = vector.broadcast %max3A_645 : f32 to vector<16xf32>
            %max3A_647 = arith.maximumf %add3A_644, %max3A_646 : vector<16xf32>
            %get3A_648 = arith.constant 80 : index
            %get3A_649 = tpu.vector_load %arg12[%get3A_648] {strides = array<i32>} : memref<256xf32, #tpu.memory_space<vmem>>, vector<16xf32>,
            %mul3A_650 = arith.mulf %max3A_647, %get3A_649 : vector<16xf32>
            %add3A_651 = arith.addf %add3A_637, %mul3A_650 : vector<16xf32>
            %get3A_652 = arith.index_cast %scan3A_557 : i32 to index
            %get3A_653 = arith.constant 96 : index
            %get3A_654 = tpu.vector_load %arg22[%get3A_652, %get3A_653] {strides = array<i32>} : memref<16x256xf32, #tpu.memory_space<vmem>>, vector<16xf32>,
            %get3A_655 = arith.index_cast %scan3A_557 : i32 to index
            %get3A_656 = arith.constant 96 : index
            %get3A_657 = tpu.vector_load %arg23[%get3A_655, %get3A_656] {strides = array<i32>} : memref<16x256xf32, #tpu.memory_space<vmem>>, vector<16xf32>,
            %add3A_658 = arith.addf %get3A_654, %get3A_657 : vector<16xf32>
            %max3A_659 = arith.constant 0.000000e+00 : f32
            %max3A_660 = vector.broadcast %max3A_659 : f32 to vector<16xf32>
            %max3A_661 = arith.maximumf %add3A_658, %max3A_660 : vector<16xf32>
            %get3A_662 = arith.constant 96 : index
            %get3A_663 = tpu.vector_load %arg12[%get3A_662] {strides = array<i32>} : memref<256xf32, #tpu.memory_space<vmem>>, vector<16xf32>,
            %mul3A_664 = arith.mulf %max3A_661, %get3A_663 : vector<16xf32>
            %add3A_665 = arith.addf %add3A_651, %mul3A_664 : vector<16xf32>
            %get3A_666 = arith.index_cast %scan3A_557 : i32 to index
            %get3A_667 = arith.constant 112 : index
            %get3A_668 = tpu.vector_load %arg22[%get3A_666, %get3A_667] {strides = array<i32>} : memref<16x256xf32, #tpu.memory_space<vmem>>, vector<16xf32>,
            %get3A_669 = arith.index_cast %scan3A_557 : i32 to index
            %get3A_670 = arith.constant 112 : index
            %get3A_671 = tpu.vector_load %arg23[%get3A_669, %get3A_670] {strides = array<i32>} : memref<16x256xf32, #tpu.memory_space<vmem>>, vector<16xf32>,
            %add3A_672 = arith.addf %get3A_668, %get3A_671 : vector<16xf32>
            %max3A_673 = arith.constant 0.000000e+00 : f32
            %max3A_674 = vector.broadcast %max3A_673 : f32 to vector<16xf32>
            %max3A_675 = arith.maximumf %add3A_672, %max3A_674 : vector<16xf32>
            %get3A_676 = arith.constant 112 : index
            %get3A_677 = tpu.vector_load %arg12[%get3A_676] {strides = array<i32>} : memref<256xf32, #tpu.memory_space<vmem>>, vector<16xf32>,
            %mul3A_678 = arith.mulf %max3A_675, %get3A_677 : vector<16xf32>
            %add3A_679 = arith.addf %add3A_665, %mul3A_678 : vector<16xf32>
            %get3A_680 = arith.index_cast %scan3A_557 : i32 to index
            %get3A_681 = arith.constant 128 : index
            %get3A_682 = tpu.vector_load %arg22[%get3A_680, %get3A_681] {strides = array<i32>} : memref<16x256xf32, #tpu.memory_space<vmem>>, vector<16xf32>,
            %get3A_683 = arith.index_cast %scan3A_557 : i32 to index
            %get3A_684 = arith.constant 128 : index
            %get3A_685 = tpu.vector_load %arg23[%get3A_683, %get3A_684] {strides = array<i32>} : memref<16x256xf32, #tpu.memory_space<vmem>>, vector<16xf32>,
            %add3A_686 = arith.addf %get3A_682, %get3A_685 : vector<16xf32>
            %max3A_687 = arith.constant 0.000000e+00 : f32
            %max3A_688 = vector.broadcast %max3A_687 : f32 to vector<16xf32>
            %max3A_689 = arith.maximumf %add3A_686, %max3A_688 : vector<16xf32>
            %get3A_690 = arith.constant 128 : index
            %get3A_691 = tpu.vector_load %arg12[%get3A_690] {strides = array<i32>} : memref<256xf32, #tpu.memory_space<vmem>>, vector<16xf32>,
            %mul3A_692 = arith.mulf %max3A_689, %get3A_691 : vector<16xf32>
            %add3A_693 = arith.addf %add3A_679, %mul3A_692 : vector<16xf32>
            %get3A_694 = arith.index_cast %scan3A_557 : i32 to index
            %get3A_695 = arith.constant 144 : index
            %get3A_696 = tpu.vector_load %arg22[%get3A_694, %get3A_695] {strides = array<i32>} : memref<16x256xf32, #tpu.memory_space<vmem>>, vector<16xf32>,
            %get3A_697 = arith.index_cast %scan3A_557 : i32 to index
            %get3A_698 = arith.constant 144 : index
            %get3A_699 = tpu.vector_load %arg23[%get3A_697, %get3A_698] {strides = array<i32>} : memref<16x256xf32, #tpu.memory_space<vmem>>, vector<16xf32>,
            %add3A_700 = arith.addf %get3A_696, %get3A_699 : vector<16xf32>
            %max3A_701 = arith.constant 0.000000e+00 : f32
            %max3A_702 = vector.broadcast %max3A_701 : f32 to vector<16xf32>
            %max3A_703 = arith.maximumf %add3A_700, %max3A_702 : vector<16xf32>
            %get3A_704 = arith.constant 144 : index
            %get3A_705 = tpu.vector_load %arg12[%get3A_704] {strides = array<i32>} : memref<256xf32, #tpu.memory_space<vmem>>, vector<16xf32>,
            %mul3A_706 = arith.mulf %max3A_703, %get3A_705 : vector<16xf32>
            %add3A_707 = arith.addf %add3A_693, %mul3A_706 : vector<16xf32>
            %get3A_708 = arith.index_cast %scan3A_557 : i32 to index
            %get3A_709 = arith.constant 160 : index
            %get3A_710 = tpu.vector_load %arg22[%get3A_708, %get3A_709] {strides = array<i32>} : memref<16x256xf32, #tpu.memory_space<vmem>>, vector<16xf32>,
            %get3A_711 = arith.index_cast %scan3A_557 : i32 to index
            %get3A_712 = arith.constant 160 : index
            %get3A_713 = tpu.vector_load %arg23[%get3A_711, %get3A_712] {strides = array<i32>} : memref<16x256xf32, #tpu.memory_space<vmem>>, vector<16xf32>,
            %add3A_714 = arith.addf %get3A_710, %get3A_713 : vector<16xf32>
            %max3A_715 = arith.constant 0.000000e+00 : f32
            %max3A_716 = vector.broadcast %max3A_715 : f32 to vector<16xf32>
            %max3A_717 = arith.maximumf %add3A_714, %max3A_716 : vector<16xf32>
            %get3A_718 = arith.constant 160 : index
            %get3A_719 = tpu.vector_load %arg12[%get3A_718] {strides = array<i32>} : memref<256xf32, #tpu.memory_space<vmem>>, vector<16xf32>,
            %mul3A_720 = arith.mulf %max3A_717, %get3A_719 : vector<16xf32>
            %add3A_721 = arith.addf %add3A_707, %mul3A_720 : vector<16xf32>
            %get3A_722 = arith.index_cast %scan3A_557 : i32 to index
            %get3A_723 = arith.constant 176 : index
            %get3A_724 = tpu.vector_load %arg22[%get3A_722, %get3A_723] {strides = array<i32>} : memref<16x256xf32, #tpu.memory_space<vmem>>, vector<16xf32>,
            %get3A_725 = arith.index_cast %scan3A_557 : i32 to index
            %get3A_726 = arith.constant 176 : index
            %get3A_727 = tpu.vector_load %arg23[%get3A_725, %get3A_726] {strides = array<i32>} : memref<16x256xf32, #tpu.memory_space<vmem>>, vector<16xf32>,
            %add3A_728 = arith.addf %get3A_724, %get3A_727 : vector<16xf32>
            %max3A_729 = arith.constant 0.000000e+00 : f32
            %max3A_730 = vector.broadcast %max3A_729 : f32 to vector<16xf32>
            %max3A_731 = arith.maximumf %add3A_728, %max3A_730 : vector<16xf32>
            %get3A_732 = arith.constant 176 : index
            %get3A_733 = tpu.vector_load %arg12[%get3A_732] {strides = array<i32>} : memref<256xf32, #tpu.memory_space<vmem>>, vector<16xf32>,
            %mul3A_734 = arith.mulf %max3A_731, %get3A_733 : vector<16xf32>
            %add3A_735 = arith.addf %add3A_721, %mul3A_734 : vector<16xf32>
            %get3A_736 = arith.index_cast %scan3A_557 : i32 to index
            %get3A_737 = arith.constant 192 : index
            %get3A_738 = tpu.vector_load %arg22[%get3A_736, %get3A_737] {strides = array<i32>} : memref<16x256xf32, #tpu.memory_space<vmem>>, vector<16xf32>,
            %get3A_739 = arith.index_cast %scan3A_557 : i32 to index
            %get3A_740 = arith.constant 192 : index
            %get3A_741 = tpu.vector_load %arg23[%get3A_739, %get3A_740] {strides = array<i32>} : memref<16x256xf32, #tpu.memory_space<vmem>>, vector<16xf32>,
            %add3A_742 = arith.addf %get3A_738, %get3A_741 : vector<16xf32>
            %max3A_743 = arith.constant 0.000000e+00 : f32
            %max3A_744 = vector.broadcast %max3A_743 : f32 to vector<16xf32>
            %max3A_745 = arith.maximumf %add3A_742, %max3A_744 : vector<16xf32>
            %get3A_746 = arith.constant 192 : index
            %get3A_747 = tpu.vector_load %arg12[%get3A_746] {strides = array<i32>} : memref<256xf32, #tpu.memory_space<vmem>>, vector<16xf32>,
            %mul3A_748 = arith.mulf %max3A_745, %get3A_747 : vector<16xf32>
            %add3A_749 = arith.addf %add3A_735, %mul3A_748 : vector<16xf32>
            %get3A_750 = arith.index_cast %scan3A_557 : i32 to index
            %get3A_751 = arith.constant 208 : index
            %get3A_752 = tpu.vector_load %arg22[%get3A_750, %get3A_751] {strides = array<i32>} : memref<16x256xf32, #tpu.memory_space<vmem>>, vector<16xf32>,
            %get3A_753 = arith.index_cast %scan3A_557 : i32 to index
            %get3A_754 = arith.constant 208 : index
            %get3A_755 = tpu.vector_load %arg23[%get3A_753, %get3A_754] {strides = array<i32>} : memref<16x256xf32, #tpu.memory_space<vmem>>, vector<16xf32>,
            %add3A_756 = arith.addf %get3A_752, %get3A_755 : vector<16xf32>
            %max3A_757 = arith.constant 0.000000e+00 : f32
            %max3A_758 = vector.broadcast %max3A_757 : f32 to vector<16xf32>
            %max3A_759 = arith.maximumf %add3A_756, %max3A_758 : vector<16xf32>
            %get3A_760 = arith.constant 208 : index
            %get3A_761 = tpu.vector_load %arg12[%get3A_760] {strides = array<i32>} : memref<256xf32, #tpu.memory_space<vmem>>, vector<16xf32>,
            %mul3A_762 = arith.mulf %max3A_759, %get3A_761 : vector<16xf32>
            %add3A_763 = arith.addf %add3A_749, %mul3A_762 : vector<16xf32>
            %get3A_764 = arith.index_cast %scan3A_557 : i32 to index
            %get3A_765 = arith.constant 224 : index
            %get3A_766 = tpu.vector_load %arg22[%get3A_764, %get3A_765] {strides = array<i32>} : memref<16x256xf32, #tpu.memory_space<vmem>>, vector<16xf32>,
            %get3A_767 = arith.index_cast %scan3A_557 : i32 to index
            %get3A_768 = arith.constant 224 : index
            %get3A_769 = tpu.vector_load %arg23[%get3A_767, %get3A_768] {strides = array<i32>} : memref<16x256xf32, #tpu.memory_space<vmem>>, vector<16xf32>,
            %add3A_770 = arith.addf %get3A_766, %get3A_769 : vector<16xf32>
            %max3A_771 = arith.constant 0.000000e+00 : f32
            %max3A_772 = vector.broadcast %max3A_771 : f32 to vector<16xf32>
            %max3A_773 = arith.maximumf %add3A_770, %max3A_772 : vector<16xf32>
            %get3A_774 = arith.constant 224 : index
            %get3A_775 = tpu.vector_load %arg12[%get3A_774] {strides = array<i32>} : memref<256xf32, #tpu.memory_space<vmem>>, vector<16xf32>,
            %mul3A_776 = arith.mulf %max3A_773, %get3A_775 : vector<16xf32>
            %add3A_777 = arith.addf %add3A_763, %mul3A_776 : vector<16xf32>
            %get3A_778 = arith.index_cast %scan3A_557 : i32 to index
            %get3A_779 = arith.constant 240 : index
            %get3A_780 = tpu.vector_load %arg22[%get3A_778, %get3A_779] {strides = array<i32>} : memref<16x256xf32, #tpu.memory_space<vmem>>, vector<16xf32>,
            %get3A_781 = arith.index_cast %scan3A_557 : i32 to index
            %get3A_782 = arith.constant 240 : index
            %get3A_783 = tpu.vector_load %arg23[%get3A_781, %get3A_782] {strides = array<i32>} : memref<16x256xf32, #tpu.memory_space<vmem>>, vector<16xf32>,
            %add3A_784 = arith.addf %get3A_780, %get3A_783 : vector<16xf32>
            %max3A_785 = arith.constant 0.000000e+00 : f32
            %max3A_786 = vector.broadcast %max3A_785 : f32 to vector<16xf32>
            %max3A_787 = arith.maximumf %add3A_784, %max3A_786 : vector<16xf32>
            %get3A_788 = arith.constant 240 : index
            %get3A_789 = tpu.vector_load %arg12[%get3A_788] {strides = array<i32>} : memref<256xf32, #tpu.memory_space<vmem>>, vector<16xf32>,
            %mul3A_790 = arith.mulf %max3A_787, %get3A_789 : vector<16xf32>
            %add3A_791 = arith.addf %add3A_777, %mul3A_790 : vector<16xf32>
            %reduce_sum3A_792 = arith.constant true
            %reduce_sum3A_793 = vector.broadcast %reduce_sum3A_792 : i1 to vector<16xi1>
            %reduce_sum3A_794 = tpu.scan <sum>, %add3A_791 masked %reduce_sum3A_793 : vector<16xf32>, vector<16xi1> -> vector<16xf32>
            %reduce_sum3A_795 = vector.extract %reduce_sum3A_794[15] : f32 from vector<16xf32>
            %lt3A_796 = arith.cmpi slt, %add3A_560, %scan3A_118 : i32
            %jit3A_797 = arith.constant 1.000000e+00 : f32
            %jit3A_798 = arith.constant 0.000000e+00 : f32
            %select_n3A_799 = arith.select %lt3A_796, %jit3A_797, %jit3A_798 : f32
            %broadcast_in_dim3A_800 = vector.broadcast %reduce_sum3A_795 : f32 to vector<16xf32>
            %add3A_801 = arith.addf %broadcast_in_dim3A_800, %get3A_16 : vector<16xf32>
            %exp3A_802 = math.exp %add3A_801 : vector<16xf32>
            %mul3A_803 = vector.broadcast %select_n3A_799 : f32 to vector<16xf32>
            %mul3A_804 = arith.mulf %exp3A_802, %mul3A_803 : vector<16xf32>
            %mul3A_805 = arith.mulf %mul3A_804, %max3A_577 : vector<16xf32>
            %swap3A_806 = arith.index_cast %sub3A_565 : i32 to index
            %swap3A_807 = arith.constant 0 : index
            %swap3A_808 = tpu.vector_load %arg10[%swap3A_806, %swap3A_807] {strides = array<i32>} : memref<320x256xf32, #tpu.memory_space<vmem>>, vector<16xf32>,
            tpu.vector_store %arg10[%swap3A_806, %swap3A_807], %mul3A_805 {add = true, strides = array<i32>} : memref<320x256xf32, #tpu.memory_space<vmem>>, vector<16xf32>,
            %mul3A_809 = arith.mulf %mul3A_804, %max3A_591 : vector<16xf32>
            %swap3A_810 = arith.index_cast %sub3A_565 : i32 to index
            %swap3A_811 = arith.constant 16 : index
            %swap3A_812 = tpu.vector_load %arg10[%swap3A_810, %swap3A_811] {strides = array<i32>} : memref<320x256xf32, #tpu.memory_space<vmem>>, vector<16xf32>,
            tpu.vector_store %arg10[%swap3A_810, %swap3A_811], %mul3A_809 {add = true, strides = array<i32>} : memref<320x256xf32, #tpu.memory_space<vmem>>, vector<16xf32>,
            %mul3A_813 = arith.mulf %mul3A_804, %max3A_605 : vector<16xf32>
            %swap3A_814 = arith.index_cast %sub3A_565 : i32 to index
            %swap3A_815 = arith.constant 32 : index
            %swap3A_816 = tpu.vector_load %arg10[%swap3A_814, %swap3A_815] {strides = array<i32>} : memref<320x256xf32, #tpu.memory_space<vmem>>, vector<16xf32>,
            tpu.vector_store %arg10[%swap3A_814, %swap3A_815], %mul3A_813 {add = true, strides = array<i32>} : memref<320x256xf32, #tpu.memory_space<vmem>>, vector<16xf32>,
            %mul3A_817 = arith.mulf %mul3A_804, %max3A_619 : vector<16xf32>
            %swap3A_818 = arith.index_cast %sub3A_565 : i32 to index
            %swap3A_819 = arith.constant 48 : index
            %swap3A_820 = tpu.vector_load %arg10[%swap3A_818, %swap3A_819] {strides = array<i32>} : memref<320x256xf32, #tpu.memory_space<vmem>>, vector<16xf32>,
            tpu.vector_store %arg10[%swap3A_818, %swap3A_819], %mul3A_817 {add = true, strides = array<i32>} : memref<320x256xf32, #tpu.memory_space<vmem>>, vector<16xf32>,
            %mul3A_821 = arith.mulf %mul3A_804, %max3A_633 : vector<16xf32>
            %swap3A_822 = arith.index_cast %sub3A_565 : i32 to index
            %swap3A_823 = arith.constant 64 : index
            %swap3A_824 = tpu.vector_load %arg10[%swap3A_822, %swap3A_823] {strides = array<i32>} : memref<320x256xf32, #tpu.memory_space<vmem>>, vector<16xf32>,
            tpu.vector_store %arg10[%swap3A_822, %swap3A_823], %mul3A_821 {add = true, strides = array<i32>} : memref<320x256xf32, #tpu.memory_space<vmem>>, vector<16xf32>,
            %mul3A_825 = arith.mulf %mul3A_804, %max3A_647 : vector<16xf32>
            %swap3A_826 = arith.index_cast %sub3A_565 : i32 to index
            %swap3A_827 = arith.constant 80 : index
            %swap3A_828 = tpu.vector_load %arg10[%swap3A_826, %swap3A_827] {strides = array<i32>} : memref<320x256xf32, #tpu.memory_space<vmem>>, vector<16xf32>,
            tpu.vector_store %arg10[%swap3A_826, %swap3A_827], %mul3A_825 {add = true, strides = array<i32>} : memref<320x256xf32, #tpu.memory_space<vmem>>, vector<16xf32>,
            %mul3A_829 = arith.mulf %mul3A_804, %max3A_661 : vector<16xf32>
            %swap3A_830 = arith.index_cast %sub3A_565 : i32 to index
            %swap3A_831 = arith.constant 96 : index
            %swap3A_832 = tpu.vector_load %arg10[%swap3A_830, %swap3A_831] {strides = array<i32>} : memref<320x256xf32, #tpu.memory_space<vmem>>, vector<16xf32>,
            tpu.vector_store %arg10[%swap3A_830, %swap3A_831], %mul3A_829 {add = true, strides = array<i32>} : memref<320x256xf32, #tpu.memory_space<vmem>>, vector<16xf32>,
            %mul3A_833 = arith.mulf %mul3A_804, %max3A_675 : vector<16xf32>
            %swap3A_834 = arith.index_cast %sub3A_565 : i32 to index
            %swap3A_835 = arith.constant 112 : index
            %swap3A_836 = tpu.vector_load %arg10[%swap3A_834, %swap3A_835] {strides = array<i32>} : memref<320x256xf32, #tpu.memory_space<vmem>>, vector<16xf32>,
            tpu.vector_store %arg10[%swap3A_834, %swap3A_835], %mul3A_833 {add = true, strides = array<i32>} : memref<320x256xf32, #tpu.memory_space<vmem>>, vector<16xf32>,
            %mul3A_837 = arith.mulf %mul3A_804, %max3A_689 : vector<16xf32>
            %swap3A_838 = arith.index_cast %sub3A_565 : i32 to index
            %swap3A_839 = arith.constant 128 : index
            %swap3A_840 = tpu.vector_load %arg10[%swap3A_838, %swap3A_839] {strides = array<i32>} : memref<320x256xf32, #tpu.memory_space<vmem>>, vector<16xf32>,
            tpu.vector_store %arg10[%swap3A_838, %swap3A_839], %mul3A_837 {add = true, strides = array<i32>} : memref<320x256xf32, #tpu.memory_space<vmem>>, vector<16xf32>,
            %mul3A_841 = arith.mulf %mul3A_804, %max3A_703 : vector<16xf32>
            %swap3A_842 = arith.index_cast %sub3A_565 : i32 to index
            %swap3A_843 = arith.constant 144 : index
            %swap3A_844 = tpu.vector_load %arg10[%swap3A_842, %swap3A_843] {strides = array<i32>} : memref<320x256xf32, #tpu.memory_space<vmem>>, vector<16xf32>,
            tpu.vector_store %arg10[%swap3A_842, %swap3A_843], %mul3A_841 {add = true, strides = array<i32>} : memref<320x256xf32, #tpu.memory_space<vmem>>, vector<16xf32>,
            %mul3A_845 = arith.mulf %mul3A_804, %max3A_717 : vector<16xf32>
            %swap3A_846 = arith.index_cast %sub3A_565 : i32 to index
            %swap3A_847 = arith.constant 160 : index
            %swap3A_848 = tpu.vector_load %arg10[%swap3A_846, %swap3A_847] {strides = array<i32>} : memref<320x256xf32, #tpu.memory_space<vmem>>, vector<16xf32>,
            tpu.vector_store %arg10[%swap3A_846, %swap3A_847], %mul3A_845 {add = true, strides = array<i32>} : memref<320x256xf32, #tpu.memory_space<vmem>>, vector<16xf32>,
            %mul3A_849 = arith.mulf %mul3A_804, %max3A_731 : vector<16xf32>
            %swap3A_850 = arith.index_cast %sub3A_565 : i32 to index
            %swap3A_851 = arith.constant 176 : index
            %swap3A_852 = tpu.vector_load %arg10[%swap3A_850, %swap3A_851] {strides = array<i32>} : memref<320x256xf32, #tpu.memory_space<vmem>>, vector<16xf32>,
            tpu.vector_store %arg10[%swap3A_850, %swap3A_851], %mul3A_849 {add = true, strides = array<i32>} : memref<320x256xf32, #tpu.memory_space<vmem>>, vector<16xf32>,
            %mul3A_853 = arith.mulf %mul3A_804, %max3A_745 : vector<16xf32>
            %swap3A_854 = arith.index_cast %sub3A_565 : i32 to index
            %swap3A_855 = arith.constant 192 : index
            %swap3A_856 = tpu.vector_load %arg10[%swap3A_854, %swap3A_855] {strides = array<i32>} : memref<320x256xf32, #tpu.memory_space<vmem>>, vector<16xf32>,
            tpu.vector_store %arg10[%swap3A_854, %swap3A_855], %mul3A_853 {add = true, strides = array<i32>} : memref<320x256xf32, #tpu.memory_space<vmem>>, vector<16xf32>,
            %mul3A_857 = arith.mulf %mul3A_804, %max3A_759 : vector<16xf32>
            %swap3A_858 = arith.index_cast %sub3A_565 : i32 to index
            %swap3A_859 = arith.constant 208 : index
            %swap3A_860 = tpu.vector_load %arg10[%swap3A_858, %swap3A_859] {strides = array<i32>} : memref<320x256xf32, #tpu.memory_space<vmem>>, vector<16xf32>,
            tpu.vector_store %arg10[%swap3A_858, %swap3A_859], %mul3A_857 {add = true, strides = array<i32>} : memref<320x256xf32, #tpu.memory_space<vmem>>, vector<16xf32>,
            %mul3A_861 = arith.mulf %mul3A_804, %max3A_773 : vector<16xf32>
            %swap3A_862 = arith.index_cast %sub3A_565 : i32 to index
            %swap3A_863 = arith.constant 224 : index
            %swap3A_864 = tpu.vector_load %arg10[%swap3A_862, %swap3A_863] {strides = array<i32>} : memref<320x256xf32, #tpu.memory_space<vmem>>, vector<16xf32>,
            tpu.vector_store %arg10[%swap3A_862, %swap3A_863], %mul3A_861 {add = true, strides = array<i32>} : memref<320x256xf32, #tpu.memory_space<vmem>>, vector<16xf32>,
            %mul3A_865 = arith.mulf %mul3A_804, %max3A_787 : vector<16xf32>
            %swap3A_866 = arith.index_cast %sub3A_565 : i32 to index
            %swap3A_867 = arith.constant 240 : index
            %swap3A_868 = tpu.vector_load %arg10[%swap3A_866, %swap3A_867] {strides = array<i32>} : memref<320x256xf32, #tpu.memory_space<vmem>>, vector<16xf32>,
            tpu.vector_store %arg10[%swap3A_866, %swap3A_867], %mul3A_865 {add = true, strides = array<i32>} : memref<320x256xf32, #tpu.memory_space<vmem>>, vector<16xf32>,
            %mul3A_869 = arith.constant 16 : i32
            %mul3A_870 = arith.muli %sub3A_565, %mul3A_869 : i32
            %mul3A_871 = arith.mulf %mul3A_804, %convert_element_type3A_19 : vector<16xf32>
            %swap3A_872 = arith.index_cast %mul3A_870 : i32 to index
            %swap3A_873 = tpu.vector_load %arg11[%swap3A_872] {strides = array<i32>} : memref<5120xf32, #tpu.memory_space<vmem>>, vector<16xf32>,
            tpu.vector_store %arg11[%swap3A_872], %mul3A_871 {add = true, strides = array<i32>} : memref<5120xf32, #tpu.memory_space<vmem>>, vector<16xf32>,
            %scan3A_874 = arith.constant 0 : i32
            scf.yield %scan3A_874 : i32
          }
          %scan3A_243 = arith.constant 16 : i32
        } else {
        }
        %while3A_224 = arith.constant 0 : i32
        scf.yield %while3A_224 : i32
      }
      %while3A_182 = arith.constant 1 : i32
      %while3A_183 = scf.for %while3A_185 = %while3A_179 to %while3A_175 step %while3A_182 iter_args(%while3A_186 = %while3A_181) -> (i32)  : i32 {
        %mul3A_187 = arith.constant 2 : i32
        %mul3A_188 = arith.muli %mul3A_187, %while3A_185 : i32
        %add3A_189 = arith.constant 1 : i32
        %add3A_190 = arith.addi %mul3A_188, %add3A_189 : i32
        %lt3A_191 = arith.cmpi slt, %add3A_190, %select_n3A : i32
        %convert_element_type3A_192 = arith.extui %lt3A_191 : i1 to i32
        %cond3A_193 = arith.constant 0 : i32
        %cond3A_194 = arith.cmpi ne, %convert_element_type3A_192, %cond3A_193 : i32
        scf.if %cond3A_194 {
          %add3A_225 = arith.constant 1 : i32
          %add3A_226 = arith.addi %mul3A_188, %add3A_225 : i32
          %mul3A_227 = arith.constant 16 : i32
          %mul3A_228 = arith.muli %add3A_226, %mul3A_227 : i32
          %dma_start3A_229 = tpu.memref_slice %arg18[%mul3A_228] : memref<6448xi32, #tpu.memory_space<vmem>> -> memref<16xi32, #tpu.memory_space<vmem>>
          %dma_start3A_230 = arith.constant 0 : i32
          %dma_start3A_231 = arith.constant 0 : i32
          %dma_start3A_232 = tpu.memref_slice %arg2[%dma_start3A_230, %dma_start3A_231] : memref<10000x256xf32, #tpu.memory_space<hbm>> -> memref<10000x256xf32, #tpu.memory_space<hbm>>
          tpu.enqueue_indirect_dma source(%dma_start3A_232 : memref<10000x256xf32, #tpu.memory_space<hbm>>) target(%arg22 : memref<16x256xf32, #tpu.memory_space<vmem>>) offsets(%dma_start3A_229 : memref<16xi32, #tpu.memory_space<vmem>>) semaphore(%arg26 : memref<!tpu.dma_semaphore, #tpu.memory_space<semaphore_mem>>)
          %mul3A_233 = arith.constant 16 : i32
          %mul3A_234 = arith.muli %add3A_226, %mul3A_233 : i32
          %dma_start3A_235 = tpu.memref_slice %arg19[%mul3A_234] : memref<6448xi32, #tpu.memory_space<vmem>> -> memref<16xi32, #tpu.memory_space<vmem>>
          %dma_start3A_236 = arith.constant 0 : i32
          %dma_start3A_237 = arith.constant 0 : i32
          %dma_start3A_238 = tpu.memref_slice %arg3[%dma_start3A_236, %dma_start3A_237] : memref<10000x256xf32, #tpu.memory_space<hbm>> -> memref<10000x256xf32, #tpu.memory_space<hbm>>
          tpu.enqueue_indirect_dma source(%dma_start3A_238 : memref<10000x256xf32, #tpu.memory_space<hbm>>) target(%arg23 : memref<16x256xf32, #tpu.memory_space<vmem>>) offsets(%dma_start3A_235 : memref<16xi32, #tpu.memory_space<vmem>>) semaphore(%arg27 : memref<!tpu.dma_semaphore, #tpu.memory_space<semaphore_mem>>)
        } else {
        }
        %dma_wait3A_195 = arith.constant 0 : i32
        %dma_wait3A_196 = tpu.memref_slice %arg18[%dma_wait3A_195] : memref<6448xi32, #tpu.memory_space<vmem>> -> memref<16xi32, #tpu.memory_space<vmem>>
        %dma_wait3A_197 = arith.constant 0 : i32
        %dma_wait3A_198 = arith.constant 0 : i32
        %dma_wait3A_199 = tpu.memref_slice %arg2[%dma_wait3A_197, %dma_wait3A_198] : memref<10000x256xf32, #tpu.memory_space<hbm>> -> memref<10000x256xf32, #tpu.memory_space<hbm>>
        tpu.wait_indirect_dma semaphore(%arg24 : memref<!tpu.dma_semaphore, #tpu.memory_space<semaphore_mem>>) src(%dma_wait3A_199 : memref<10000x256xf32, #tpu.memory_space<hbm>>) dst(%arg20 : memref<16x256xf32, #tpu.memory_space<vmem>>)
        %dma_wait3A_200 = arith.constant 0 : i32
        %dma_wait3A_201 = tpu.memref_slice %arg19[%dma_wait3A_200] : memref<6448xi32, #tpu.memory_space<vmem>> -> memref<16xi32, #tpu.memory_space<vmem>>
        %dma_wait3A_202 = arith.constant 0 : i32
        %dma_wait3A_203 = arith.constant 0 : i32
        %dma_wait3A_204 = tpu.memref_slice %arg3[%dma_wait3A_202, %dma_wait3A_203] : memref<10000x256xf32, #tpu.memory_space<hbm>> -> memref<10000x256xf32, #tpu.memory_space<hbm>>
        tpu.wait_indirect_dma semaphore(%arg25 : memref<!tpu.dma_semaphore, #tpu.memory_space<semaphore_mem>>) src(%dma_wait3A_204 : memref<10000x256xf32, #tpu.memory_space<hbm>>) dst(%arg21 : memref<16x256xf32, #tpu.memory_space<vmem>>)
        %scan3A_205 = arith.constant 0 : i32
        %scan3A_206 = arith.constant 0 : i32
        %scan3A_207 = arith.constant 16 : i32
        %scan3A_208 = arith.addi %scan3A_206, %scan3A_207 : i32
        %scan3A_209 = arith.constant 2 : i32
        %scan3A_210 = scf.for %scan3A_225 = %scan3A_206 to %scan3A_208 step %scan3A_209 iter_args(%scan3A_226 = %scan3A_205) -> (i32)  : i32 {
          %mul3A_227 = arith.constant 16 : i32
          %mul3A_228 = arith.muli %mul3A_188, %mul3A_227 : i32
          %add3A_229 = arith.addi %mul3A_228, %scan3A_225 : i32
          %get3A_230 = arith.index_cast %add3A_229 : i32 to index
          %get3A_231 = tpu.vector_load %arg19[%get3A_230] {strides = array<i32>} : memref<6448xi32, #tpu.memory_space<vmem>>, vector<16xi32>,
          %slice3A = vector.extract_strided_slice %get3A_231 {offsets = [0], sizes = [1], strides = [1]} : vector<16xi32> to vector<1xi32>
          %squeeze3A = vector.extract %slice3A[0] : i32 from vector<1xi32>
          %sub3A_232 = arith.subi %squeeze3A, %mul3A_2 : i32
          %broadcast_in_dim3A = arith.constant 0.000000e+00 : f32
          %broadcast_in_dim3A_233 = vector.broadcast %broadcast_in_dim3A : f32 to vector<16xf32>
          %get3A_234 = arith.index_cast %scan3A_225 : i32 to index
          %get3A_235 = arith.constant 0 : index
          %get3A_236 = tpu.vector_load %arg20[%get3A_234, %get3A_235] {strides = array<i32>} : memref<16x256xf32, #tpu.memory_space<vmem>>, vector<16xf32>,
          %get3A_237 = arith.index_cast %scan3A_225 : i32 to index
          %get3A_238 = arith.constant 0 : index
          %get3A_239 = tpu.vector_load %arg21[%get3A_237, %get3A_238] {strides = array<i32>} : memref<16x256xf32, #tpu.memory_space<vmem>>, vector<16xf32>,
          %add3A_240 = arith.addf %get3A_236, %get3A_239 : vector<16xf32>
          %max3A = arith.constant 0.000000e+00 : f32
          %max3A_241 = vector.broadcast %max3A : f32 to vector<16xf32>
          %max3A_242 = arith.maximumf %add3A_240, %max3A_241 : vector<16xf32>
          %get3A_243 = arith.constant 0 : index
          %get3A_244 = tpu.vector_load %arg12[%get3A_243] {strides = array<i32>} : memref<256xf32, #tpu.memory_space<vmem>>, vector<16xf32>,
          %mul3A_245 = arith.mulf %max3A_242, %get3A_244 : vector<16xf32>
          %add3A_246 = arith.addf %broadcast_in_dim3A_233, %mul3A_245 : vector<16xf32>
          %get3A_247 = arith.index_cast %scan3A_225 : i32 to index
          %get3A_248 = arith.constant 16 : index
          %get3A_249 = tpu.vector_load %arg20[%get3A_247, %get3A_248] {strides = array<i32>} : memref<16x256xf32, #tpu.memory_space<vmem>>, vector<16xf32>,
          %get3A_250 = arith.index_cast %scan3A_225 : i32 to index
          %get3A_251 = arith.constant 16 : index
          %get3A_252 = tpu.vector_load %arg21[%get3A_250, %get3A_251] {strides = array<i32>} : memref<16x256xf32, #tpu.memory_space<vmem>>, vector<16xf32>,
          %add3A_253 = arith.addf %get3A_249, %get3A_252 : vector<16xf32>
          %max3A_254 = arith.constant 0.000000e+00 : f32
          %max3A_255 = vector.broadcast %max3A_254 : f32 to vector<16xf32>
          %max3A_256 = arith.maximumf %add3A_253, %max3A_255 : vector<16xf32>
          %get3A_257 = arith.constant 16 : index
          %get3A_258 = tpu.vector_load %arg12[%get3A_257] {strides = array<i32>} : memref<256xf32, #tpu.memory_space<vmem>>, vector<16xf32>,
          %mul3A_259 = arith.mulf %max3A_256, %get3A_258 : vector<16xf32>
          %add3A_260 = arith.addf %add3A_246, %mul3A_259 : vector<16xf32>
          %get3A_261 = arith.index_cast %scan3A_225 : i32 to index
          %get3A_262 = arith.constant 32 : index
          %get3A_263 = tpu.vector_load %arg20[%get3A_261, %get3A_262] {strides = array<i32>} : memref<16x256xf32, #tpu.memory_space<vmem>>, vector<16xf32>,
          %get3A_264 = arith.index_cast %scan3A_225 : i32 to index
          %get3A_265 = arith.constant 32 : index
          %get3A_266 = tpu.vector_load %arg21[%get3A_264, %get3A_265] {strides = array<i32>} : memref<16x256xf32, #tpu.memory_space<vmem>>, vector<16xf32>,
          %add3A_267 = arith.addf %get3A_263, %get3A_266 : vector<16xf32>
          %max3A_268 = arith.constant 0.000000e+00 : f32
          %max3A_269 = vector.broadcast %max3A_268 : f32 to vector<16xf32>
          %max3A_270 = arith.maximumf %add3A_267, %max3A_269 : vector<16xf32>
          %get3A_271 = arith.constant 32 : index
          %get3A_272 = tpu.vector_load %arg12[%get3A_271] {strides = array<i32>} : memref<256xf32, #tpu.memory_space<vmem>>, vector<16xf32>,
          %mul3A_273 = arith.mulf %max3A_270, %get3A_272 : vector<16xf32>
          %add3A_274 = arith.addf %add3A_260, %mul3A_273 : vector<16xf32>
          %get3A_275 = arith.index_cast %scan3A_225 : i32 to index
          %get3A_276 = arith.constant 48 : index
          %get3A_277 = tpu.vector_load %arg20[%get3A_275, %get3A_276] {strides = array<i32>} : memref<16x256xf32, #tpu.memory_space<vmem>>, vector<16xf32>,
          %get3A_278 = arith.index_cast %scan3A_225 : i32 to index
          %get3A_279 = arith.constant 48 : index
          %get3A_280 = tpu.vector_load %arg21[%get3A_278, %get3A_279] {strides = array<i32>} : memref<16x256xf32, #tpu.memory_space<vmem>>, vector<16xf32>,
          %add3A_281 = arith.addf %get3A_277, %get3A_280 : vector<16xf32>
          %max3A_282 = arith.constant 0.000000e+00 : f32
          %max3A_283 = vector.broadcast %max3A_282 : f32 to vector<16xf32>
          %max3A_284 = arith.maximumf %add3A_281, %max3A_283 : vector<16xf32>
          %get3A_285 = arith.constant 48 : index
          %get3A_286 = tpu.vector_load %arg12[%get3A_285] {strides = array<i32>} : memref<256xf32, #tpu.memory_space<vmem>>, vector<16xf32>,
          %mul3A_287 = arith.mulf %max3A_284, %get3A_286 : vector<16xf32>
          %add3A_288 = arith.addf %add3A_274, %mul3A_287 : vector<16xf32>
          %get3A_289 = arith.index_cast %scan3A_225 : i32 to index
          %get3A_290 = arith.constant 64 : index
          %get3A_291 = tpu.vector_load %arg20[%get3A_289, %get3A_290] {strides = array<i32>} : memref<16x256xf32, #tpu.memory_space<vmem>>, vector<16xf32>,
          %get3A_292 = arith.index_cast %scan3A_225 : i32 to index
          %get3A_293 = arith.constant 64 : index
          %get3A_294 = tpu.vector_load %arg21[%get3A_292, %get3A_293] {strides = array<i32>} : memref<16x256xf32, #tpu.memory_space<vmem>>, vector<16xf32>,
          %add3A_295 = arith.addf %get3A_291, %get3A_294 : vector<16xf32>
          %max3A_296 = arith.constant 0.000000e+00 : f32
          %max3A_297 = vector.broadcast %max3A_296 : f32 to vector<16xf32>
          %max3A_298 = arith.maximumf %add3A_295, %max3A_297 : vector<16xf32>
          %get3A_299 = arith.constant 64 : index
          %get3A_300 = tpu.vector_load %arg12[%get3A_299] {strides = array<i32>} : memref<256xf32, #tpu.memory_space<vmem>>, vector<16xf32>,
          %mul3A_301 = arith.mulf %max3A_298, %get3A_300 : vector<16xf32>
          %add3A_302 = arith.addf %add3A_288, %mul3A_301 : vector<16xf32>
          %get3A_303 = arith.index_cast %scan3A_225 : i32 to index
          %get3A_304 = arith.constant 80 : index
          %get3A_305 = tpu.vector_load %arg20[%get3A_303, %get3A_304] {strides = array<i32>} : memref<16x256xf32, #tpu.memory_space<vmem>>, vector<16xf32>,
          %get3A_306 = arith.index_cast %scan3A_225 : i32 to index
          %get3A_307 = arith.constant 80 : index
          %get3A_308 = tpu.vector_load %arg21[%get3A_306, %get3A_307] {strides = array<i32>} : memref<16x256xf32, #tpu.memory_space<vmem>>, vector<16xf32>,
          %add3A_309 = arith.addf %get3A_305, %get3A_308 : vector<16xf32>
          %max3A_310 = arith.constant 0.000000e+00 : f32
          %max3A_311 = vector.broadcast %max3A_310 : f32 to vector<16xf32>
          %max3A_312 = arith.maximumf %add3A_309, %max3A_311 : vector<16xf32>
          %get3A_313 = arith.constant 80 : index
          %get3A_314 = tpu.vector_load %arg12[%get3A_313] {strides = array<i32>} : memref<256xf32, #tpu.memory_space<vmem>>, vector<16xf32>,
          %mul3A_315 = arith.mulf %max3A_312, %get3A_314 : vector<16xf32>
          %add3A_316 = arith.addf %add3A_302, %mul3A_315 : vector<16xf32>
          %get3A_317 = arith.index_cast %scan3A_225 : i32 to index
          %get3A_318 = arith.constant 96 : index
          %get3A_319 = tpu.vector_load %arg20[%get3A_317, %get3A_318] {strides = array<i32>} : memref<16x256xf32, #tpu.memory_space<vmem>>, vector<16xf32>,
          %get3A_320 = arith.index_cast %scan3A_225 : i32 to index
          %get3A_321 = arith.constant 96 : index
          %get3A_322 = tpu.vector_load %arg21[%get3A_320, %get3A_321] {strides = array<i32>} : memref<16x256xf32, #tpu.memory_space<vmem>>, vector<16xf32>,
          %add3A_323 = arith.addf %get3A_319, %get3A_322 : vector<16xf32>
          %max3A_324 = arith.constant 0.000000e+00 : f32
          %max3A_325 = vector.broadcast %max3A_324 : f32 to vector<16xf32>
          %max3A_326 = arith.maximumf %add3A_323, %max3A_325 : vector<16xf32>
          %get3A_327 = arith.constant 96 : index
          %get3A_328 = tpu.vector_load %arg12[%get3A_327] {strides = array<i32>} : memref<256xf32, #tpu.memory_space<vmem>>, vector<16xf32>,
          %mul3A_329 = arith.mulf %max3A_326, %get3A_328 : vector<16xf32>
          %add3A_330 = arith.addf %add3A_316, %mul3A_329 : vector<16xf32>
          %get3A_331 = arith.index_cast %scan3A_225 : i32 to index
          %get3A_332 = arith.constant 112 : index
          %get3A_333 = tpu.vector_load %arg20[%get3A_331, %get3A_332] {strides = array<i32>} : memref<16x256xf32, #tpu.memory_space<vmem>>, vector<16xf32>,
          %get3A_334 = arith.index_cast %scan3A_225 : i32 to index
          %get3A_335 = arith.constant 112 : index
          %get3A_336 = tpu.vector_load %arg21[%get3A_334, %get3A_335] {strides = array<i32>} : memref<16x256xf32, #tpu.memory_space<vmem>>, vector<16xf32>,
          %add3A_337 = arith.addf %get3A_333, %get3A_336 : vector<16xf32>
          %max3A_338 = arith.constant 0.000000e+00 : f32
          %max3A_339 = vector.broadcast %max3A_338 : f32 to vector<16xf32>
          %max3A_340 = arith.maximumf %add3A_337, %max3A_339 : vector<16xf32>
          %get3A_341 = arith.constant 112 : index
          %get3A_342 = tpu.vector_load %arg12[%get3A_341] {strides = array<i32>} : memref<256xf32, #tpu.memory_space<vmem>>, vector<16xf32>,
          %mul3A_343 = arith.mulf %max3A_340, %get3A_342 : vector<16xf32>
          %add3A_344 = arith.addf %add3A_330, %mul3A_343 : vector<16xf32>
          %get3A_345 = arith.index_cast %scan3A_225 : i32 to index
          %get3A_346 = arith.constant 128 : index
          %get3A_347 = tpu.vector_load %arg20[%get3A_345, %get3A_346] {strides = array<i32>} : memref<16x256xf32, #tpu.memory_space<vmem>>, vector<16xf32>,
          %get3A_348 = arith.index_cast %scan3A_225 : i32 to index
          %get3A_349 = arith.constant 128 : index
          %get3A_350 = tpu.vector_load %arg21[%get3A_348, %get3A_349] {strides = array<i32>} : memref<16x256xf32, #tpu.memory_space<vmem>>, vector<16xf32>,
          %add3A_351 = arith.addf %get3A_347, %get3A_350 : vector<16xf32>
          %max3A_352 = arith.constant 0.000000e+00 : f32
          %max3A_353 = vector.broadcast %max3A_352 : f32 to vector<16xf32>
          %max3A_354 = arith.maximumf %add3A_351, %max3A_353 : vector<16xf32>
          %get3A_355 = arith.constant 128 : index
          %get3A_356 = tpu.vector_load %arg12[%get3A_355] {strides = array<i32>} : memref<256xf32, #tpu.memory_space<vmem>>, vector<16xf32>,
          %mul3A_357 = arith.mulf %max3A_354, %get3A_356 : vector<16xf32>
          %add3A_358 = arith.addf %add3A_344, %mul3A_357 : vector<16xf32>
          %get3A_359 = arith.index_cast %scan3A_225 : i32 to index
          %get3A_360 = arith.constant 144 : index
          %get3A_361 = tpu.vector_load %arg20[%get3A_359, %get3A_360] {strides = array<i32>} : memref<16x256xf32, #tpu.memory_space<vmem>>, vector<16xf32>,
          %get3A_362 = arith.index_cast %scan3A_225 : i32 to index
          %get3A_363 = arith.constant 144 : index
          %get3A_364 = tpu.vector_load %arg21[%get3A_362, %get3A_363] {strides = array<i32>} : memref<16x256xf32, #tpu.memory_space<vmem>>, vector<16xf32>,
          %add3A_365 = arith.addf %get3A_361, %get3A_364 : vector<16xf32>
          %max3A_366 = arith.constant 0.000000e+00 : f32
          %max3A_367 = vector.broadcast %max3A_366 : f32 to vector<16xf32>
          %max3A_368 = arith.maximumf %add3A_365, %max3A_367 : vector<16xf32>
          %get3A_369 = arith.constant 144 : index
          %get3A_370 = tpu.vector_load %arg12[%get3A_369] {strides = array<i32>} : memref<256xf32, #tpu.memory_space<vmem>>, vector<16xf32>,
          %mul3A_371 = arith.mulf %max3A_368, %get3A_370 : vector<16xf32>
          %add3A_372 = arith.addf %add3A_358, %mul3A_371 : vector<16xf32>
          %get3A_373 = arith.index_cast %scan3A_225 : i32 to index
          %get3A_374 = arith.constant 160 : index
          %get3A_375 = tpu.vector_load %arg20[%get3A_373, %get3A_374] {strides = array<i32>} : memref<16x256xf32, #tpu.memory_space<vmem>>, vector<16xf32>,
          %get3A_376 = arith.index_cast %scan3A_225 : i32 to index
          %get3A_377 = arith.constant 160 : index
          %get3A_378 = tpu.vector_load %arg21[%get3A_376, %get3A_377] {strides = array<i32>} : memref<16x256xf32, #tpu.memory_space<vmem>>, vector<16xf32>,
          %add3A_379 = arith.addf %get3A_375, %get3A_378 : vector<16xf32>
          %max3A_380 = arith.constant 0.000000e+00 : f32
          %max3A_381 = vector.broadcast %max3A_380 : f32 to vector<16xf32>
          %max3A_382 = arith.maximumf %add3A_379, %max3A_381 : vector<16xf32>
          %get3A_383 = arith.constant 160 : index
          %get3A_384 = tpu.vector_load %arg12[%get3A_383] {strides = array<i32>} : memref<256xf32, #tpu.memory_space<vmem>>, vector<16xf32>,
          %mul3A_385 = arith.mulf %max3A_382, %get3A_384 : vector<16xf32>
          %add3A_386 = arith.addf %add3A_372, %mul3A_385 : vector<16xf32>
          %get3A_387 = arith.index_cast %scan3A_225 : i32 to index
          %get3A_388 = arith.constant 176 : index
          %get3A_389 = tpu.vector_load %arg20[%get3A_387, %get3A_388] {strides = array<i32>} : memref<16x256xf32, #tpu.memory_space<vmem>>, vector<16xf32>,
          %get3A_390 = arith.index_cast %scan3A_225 : i32 to index
          %get3A_391 = arith.constant 176 : index
          %get3A_392 = tpu.vector_load %arg21[%get3A_390, %get3A_391] {strides = array<i32>} : memref<16x256xf32, #tpu.memory_space<vmem>>, vector<16xf32>,
          %add3A_393 = arith.addf %get3A_389, %get3A_392 : vector<16xf32>
          %max3A_394 = arith.constant 0.000000e+00 : f32
          %max3A_395 = vector.broadcast %max3A_394 : f32 to vector<16xf32>
          %max3A_396 = arith.maximumf %add3A_393, %max3A_395 : vector<16xf32>
          %get3A_397 = arith.constant 176 : index
          %get3A_398 = tpu.vector_load %arg12[%get3A_397] {strides = array<i32>} : memref<256xf32, #tpu.memory_space<vmem>>, vector<16xf32>,
          %mul3A_399 = arith.mulf %max3A_396, %get3A_398 : vector<16xf32>
          %add3A_400 = arith.addf %add3A_386, %mul3A_399 : vector<16xf32>
          %get3A_401 = arith.index_cast %scan3A_225 : i32 to index
          %get3A_402 = arith.constant 192 : index
          %get3A_403 = tpu.vector_load %arg20[%get3A_401, %get3A_402] {strides = array<i32>} : memref<16x256xf32, #tpu.memory_space<vmem>>, vector<16xf32>,
          %get3A_404 = arith.index_cast %scan3A_225 : i32 to index
          %get3A_405 = arith.constant 192 : index
          %get3A_406 = tpu.vector_load %arg21[%get3A_404, %get3A_405] {strides = array<i32>} : memref<16x256xf32, #tpu.memory_space<vmem>>, vector<16xf32>,
          %add3A_407 = arith.addf %get3A_403, %get3A_406 : vector<16xf32>
          %max3A_408 = arith.constant 0.000000e+00 : f32
          %max3A_409 = vector.broadcast %max3A_408 : f32 to vector<16xf32>
          %max3A_410 = arith.maximumf %add3A_407, %max3A_409 : vector<16xf32>
          %get3A_411 = arith.constant 192 : index
          %get3A_412 = tpu.vector_load %arg12[%get3A_411] {strides = array<i32>} : memref<256xf32, #tpu.memory_space<vmem>>, vector<16xf32>,
          %mul3A_413 = arith.mulf %max3A_410, %get3A_412 : vector<16xf32>
          %add3A_414 = arith.addf %add3A_400, %mul3A_413 : vector<16xf32>
          %get3A_415 = arith.index_cast %scan3A_225 : i32 to index
          %get3A_416 = arith.constant 208 : index
          %get3A_417 = tpu.vector_load %arg20[%get3A_415, %get3A_416] {strides = array<i32>} : memref<16x256xf32, #tpu.memory_space<vmem>>, vector<16xf32>,
          %get3A_418 = arith.index_cast %scan3A_225 : i32 to index
          %get3A_419 = arith.constant 208 : index
          %get3A_420 = tpu.vector_load %arg21[%get3A_418, %get3A_419] {strides = array<i32>} : memref<16x256xf32, #tpu.memory_space<vmem>>, vector<16xf32>,
          %add3A_421 = arith.addf %get3A_417, %get3A_420 : vector<16xf32>
          %max3A_422 = arith.constant 0.000000e+00 : f32
          %max3A_423 = vector.broadcast %max3A_422 : f32 to vector<16xf32>
          %max3A_424 = arith.maximumf %add3A_421, %max3A_423 : vector<16xf32>
          %get3A_425 = arith.constant 208 : index
          %get3A_426 = tpu.vector_load %arg12[%get3A_425] {strides = array<i32>} : memref<256xf32, #tpu.memory_space<vmem>>, vector<16xf32>,
          %mul3A_427 = arith.mulf %max3A_424, %get3A_426 : vector<16xf32>
          %add3A_428 = arith.addf %add3A_414, %mul3A_427 : vector<16xf32>
          %get3A_429 = arith.index_cast %scan3A_225 : i32 to index
          %get3A_430 = arith.constant 224 : index
          %get3A_431 = tpu.vector_load %arg20[%get3A_429, %get3A_430] {strides = array<i32>} : memref<16x256xf32, #tpu.memory_space<vmem>>, vector<16xf32>,
          %get3A_432 = arith.index_cast %scan3A_225 : i32 to index
          %get3A_433 = arith.constant 224 : index
          %get3A_434 = tpu.vector_load %arg21[%get3A_432, %get3A_433] {strides = array<i32>} : memref<16x256xf32, #tpu.memory_space<vmem>>, vector<16xf32>,
          %add3A_435 = arith.addf %get3A_431, %get3A_434 : vector<16xf32>
          %max3A_436 = arith.constant 0.000000e+00 : f32
          %max3A_437 = vector.broadcast %max3A_436 : f32 to vector<16xf32>
          %max3A_438 = arith.maximumf %add3A_435, %max3A_437 : vector<16xf32>
          %get3A_439 = arith.constant 224 : index
          %get3A_440 = tpu.vector_load %arg12[%get3A_439] {strides = array<i32>} : memref<256xf32, #tpu.memory_space<vmem>>, vector<16xf32>,
          %mul3A_441 = arith.mulf %max3A_438, %get3A_440 : vector<16xf32>
          %add3A_442 = arith.addf %add3A_428, %mul3A_441 : vector<16xf32>
          %get3A_443 = arith.index_cast %scan3A_225 : i32 to index
          %get3A_444 = arith.constant 240 : index
          %get3A_445 = tpu.vector_load %arg20[%get3A_443, %get3A_444] {strides = array<i32>} : memref<16x256xf32, #tpu.memory_space<vmem>>, vector<16xf32>,
          %get3A_446 = arith.index_cast %scan3A_225 : i32 to index
          %get3A_447 = arith.constant 240 : index
          %get3A_448 = tpu.vector_load %arg21[%get3A_446, %get3A_447] {strides = array<i32>} : memref<16x256xf32, #tpu.memory_space<vmem>>, vector<16xf32>,
          %add3A_449 = arith.addf %get3A_445, %get3A_448 : vector<16xf32>
          %max3A_450 = arith.constant 0.000000e+00 : f32
          %max3A_451 = vector.broadcast %max3A_450 : f32 to vector<16xf32>
          %max3A_452 = arith.maximumf %add3A_449, %max3A_451 : vector<16xf32>
          %get3A_453 = arith.constant 240 : index
          %get3A_454 = tpu.vector_load %arg12[%get3A_453] {strides = array<i32>} : memref<256xf32, #tpu.memory_space<vmem>>, vector<16xf32>,
          %mul3A_455 = arith.mulf %max3A_452, %get3A_454 : vector<16xf32>
          %add3A_456 = arith.addf %add3A_442, %mul3A_455 : vector<16xf32>
          %reduce_sum3A = arith.constant true
          %reduce_sum3A_457 = vector.broadcast %reduce_sum3A : i1 to vector<16xi1>
          %reduce_sum3A_458 = tpu.scan <sum>, %add3A_456 masked %reduce_sum3A_457 : vector<16xf32>, vector<16xi1> -> vector<16xf32>
          %reduce_sum3A_459 = vector.extract %reduce_sum3A_458[15] : f32 from vector<16xf32>
          %lt3A_460 = arith.cmpi slt, %add3A_229, %scan3A_118 : i32
          %jit3A_461 = arith.constant 1.000000e+00 : f32
          %jit3A_462 = arith.constant 0.000000e+00 : f32
          %select_n3A_463 = arith.select %lt3A_460, %jit3A_461, %jit3A_462 : f32
          %broadcast_in_dim3A_464 = vector.broadcast %reduce_sum3A_459 : f32 to vector<16xf32>
          %add3A_465 = arith.addf %broadcast_in_dim3A_464, %get3A_16 : vector<16xf32>
          %exp3A = math.exp %add3A_465 : vector<16xf32>
          %mul3A_466 = vector.broadcast %select_n3A_463 : f32 to vector<16xf32>
          %mul3A_467 = arith.mulf %exp3A, %mul3A_466 : vector<16xf32>
          %mul3A_468 = arith.mulf %mul3A_467, %max3A_242 : vector<16xf32>
          %swap3A = arith.index_cast %sub3A_232 : i32 to index
          %swap3A_469 = arith.constant 0 : index
          %swap3A_470 = tpu.vector_load %arg10[%swap3A, %swap3A_469] {strides = array<i32>} : memref<320x256xf32, #tpu.memory_space<vmem>>, vector<16xf32>,
          tpu.vector_store %arg10[%swap3A, %swap3A_469], %mul3A_468 {add = true, strides = array<i32>} : memref<320x256xf32, #tpu.memory_space<vmem>>, vector<16xf32>,
          %mul3A_471 = arith.mulf %mul3A_467, %max3A_256 : vector<16xf32>
          %swap3A_472 = arith.index_cast %sub3A_232 : i32 to index
          %swap3A_473 = arith.constant 16 : index
          %swap3A_474 = tpu.vector_load %arg10[%swap3A_472, %swap3A_473] {strides = array<i32>} : memref<320x256xf32, #tpu.memory_space<vmem>>, vector<16xf32>,
          tpu.vector_store %arg10[%swap3A_472, %swap3A_473], %mul3A_471 {add = true, strides = array<i32>} : memref<320x256xf32, #tpu.memory_space<vmem>>, vector<16xf32>,
          %mul3A_475 = arith.mulf %mul3A_467, %max3A_270 : vector<16xf32>
          %swap3A_476 = arith.index_cast %sub3A_232 : i32 to index
          %swap3A_477 = arith.constant 32 : index
          %swap3A_478 = tpu.vector_load %arg10[%swap3A_476, %swap3A_477] {strides = array<i32>} : memref<320x256xf32, #tpu.memory_space<vmem>>, vector<16xf32>,
          tpu.vector_store %arg10[%swap3A_476, %swap3A_477], %mul3A_475 {add = true, strides = array<i32>} : memref<320x256xf32, #tpu.memory_space<vmem>>, vector<16xf32>,
          %mul3A_479 = arith.mulf %mul3A_467, %max3A_284 : vector<16xf32>
          %swap3A_480 = arith.index_cast %sub3A_232 : i32 to index
          %swap3A_481 = arith.constant 48 : index
          %swap3A_482 = tpu.vector_load %arg10[%swap3A_480, %swap3A_481] {strides = array<i32>} : memref<320x256xf32, #tpu.memory_space<vmem>>, vector<16xf32>,
          tpu.vector_store %arg10[%swap3A_480, %swap3A_481], %mul3A_479 {add = true, strides = array<i32>} : memref<320x256xf32, #tpu.memory_space<vmem>>, vector<16xf32>,
          %mul3A_483 = arith.mulf %mul3A_467, %max3A_298 : vector<16xf32>
          %swap3A_484 = arith.index_cast %sub3A_232 : i32 to index
          %swap3A_485 = arith.constant 64 : index
          %swap3A_486 = tpu.vector_load %arg10[%swap3A_484, %swap3A_485] {strides = array<i32>} : memref<320x256xf32, #tpu.memory_space<vmem>>, vector<16xf32>,
          tpu.vector_store %arg10[%swap3A_484, %swap3A_485], %mul3A_483 {add = true, strides = array<i32>} : memref<320x256xf32, #tpu.memory_space<vmem>>, vector<16xf32>,
          %mul3A_487 = arith.mulf %mul3A_467, %max3A_312 : vector<16xf32>
          %swap3A_488 = arith.index_cast %sub3A_232 : i32 to index
          %swap3A_489 = arith.constant 80 : index
          %swap3A_490 = tpu.vector_load %arg10[%swap3A_488, %swap3A_489] {strides = array<i32>} : memref<320x256xf32, #tpu.memory_space<vmem>>, vector<16xf32>,
          tpu.vector_store %arg10[%swap3A_488, %swap3A_489], %mul3A_487 {add = true, strides = array<i32>} : memref<320x256xf32, #tpu.memory_space<vmem>>, vector<16xf32>,
          %mul3A_491 = arith.mulf %mul3A_467, %max3A_326 : vector<16xf32>
          %swap3A_492 = arith.index_cast %sub3A_232 : i32 to index
          %swap3A_493 = arith.constant 96 : index
          %swap3A_494 = tpu.vector_load %arg10[%swap3A_492, %swap3A_493] {strides = array<i32>} : memref<320x256xf32, #tpu.memory_space<vmem>>, vector<16xf32>,
          tpu.vector_store %arg10[%swap3A_492, %swap3A_493], %mul3A_491 {add = true, strides = array<i32>} : memref<320x256xf32, #tpu.memory_space<vmem>>, vector<16xf32>,
          %mul3A_495 = arith.mulf %mul3A_467, %max3A_340 : vector<16xf32>
          %swap3A_496 = arith.index_cast %sub3A_232 : i32 to index
          %swap3A_497 = arith.constant 112 : index
          %swap3A_498 = tpu.vector_load %arg10[%swap3A_496, %swap3A_497] {strides = array<i32>} : memref<320x256xf32, #tpu.memory_space<vmem>>, vector<16xf32>,
          tpu.vector_store %arg10[%swap3A_496, %swap3A_497], %mul3A_495 {add = true, strides = array<i32>} : memref<320x256xf32, #tpu.memory_space<vmem>>, vector<16xf32>,
          %mul3A_499 = arith.mulf %mul3A_467, %max3A_354 : vector<16xf32>
          %swap3A_500 = arith.index_cast %sub3A_232 : i32 to index
          %swap3A_501 = arith.constant 128 : index
          %swap3A_502 = tpu.vector_load %arg10[%swap3A_500, %swap3A_501] {strides = array<i32>} : memref<320x256xf32, #tpu.memory_space<vmem>>, vector<16xf32>,
          tpu.vector_store %arg10[%swap3A_500, %swap3A_501], %mul3A_499 {add = true, strides = array<i32>} : memref<320x256xf32, #tpu.memory_space<vmem>>, vector<16xf32>,
          %mul3A_503 = arith.mulf %mul3A_467, %max3A_368 : vector<16xf32>
          %swap3A_504 = arith.index_cast %sub3A_232 : i32 to index
          %swap3A_505 = arith.constant 144 : index
          %swap3A_506 = tpu.vector_load %arg10[%swap3A_504, %swap3A_505] {strides = array<i32>} : memref<320x256xf32, #tpu.memory_space<vmem>>, vector<16xf32>,
          tpu.vector_store %arg10[%swap3A_504, %swap3A_505], %mul3A_503 {add = true, strides = array<i32>} : memref<320x256xf32, #tpu.memory_space<vmem>>, vector<16xf32>,
          %mul3A_507 = arith.mulf %mul3A_467, %max3A_382 : vector<16xf32>
          %swap3A_508 = arith.index_cast %sub3A_232 : i32 to index
          %swap3A_509 = arith.constant 160 : index
          %swap3A_510 = tpu.vector_load %arg10[%swap3A_508, %swap3A_509] {strides = array<i32>} : memref<320x256xf32, #tpu.memory_space<vmem>>, vector<16xf32>,
          tpu.vector_store %arg10[%swap3A_508, %swap3A_509], %mul3A_507 {add = true, strides = array<i32>} : memref<320x256xf32, #tpu.memory_space<vmem>>, vector<16xf32>,
          %mul3A_511 = arith.mulf %mul3A_467, %max3A_396 : vector<16xf32>
          %swap3A_512 = arith.index_cast %sub3A_232 : i32 to index
          %swap3A_513 = arith.constant 176 : index
          %swap3A_514 = tpu.vector_load %arg10[%swap3A_512, %swap3A_513] {strides = array<i32>} : memref<320x256xf32, #tpu.memory_space<vmem>>, vector<16xf32>,
          tpu.vector_store %arg10[%swap3A_512, %swap3A_513], %mul3A_511 {add = true, strides = array<i32>} : memref<320x256xf32, #tpu.memory_space<vmem>>, vector<16xf32>,
          %mul3A_515 = arith.mulf %mul3A_467, %max3A_410 : vector<16xf32>
          %swap3A_516 = arith.index_cast %sub3A_232 : i32 to index
          %swap3A_517 = arith.constant 192 : index
          %swap3A_518 = tpu.vector_load %arg10[%swap3A_516, %swap3A_517] {strides = array<i32>} : memref<320x256xf32, #tpu.memory_space<vmem>>, vector<16xf32>,
          tpu.vector_store %arg10[%swap3A_516, %swap3A_517], %mul3A_515 {add = true, strides = array<i32>} : memref<320x256xf32, #tpu.memory_space<vmem>>, vector<16xf32>,
          %mul3A_519 = arith.mulf %mul3A_467, %max3A_424 : vector<16xf32>
          %swap3A_520 = arith.index_cast %sub3A_232 : i32 to index
          %swap3A_521 = arith.constant 208 : index
          %swap3A_522 = tpu.vector_load %arg10[%swap3A_520, %swap3A_521] {strides = array<i32>} : memref<320x256xf32, #tpu.memory_space<vmem>>, vector<16xf32>,
          tpu.vector_store %arg10[%swap3A_520, %swap3A_521], %mul3A_519 {add = true, strides = array<i32>} : memref<320x256xf32, #tpu.memory_space<vmem>>, vector<16xf32>,
          %mul3A_523 = arith.mulf %mul3A_467, %max3A_438 : vector<16xf32>
          %swap3A_524 = arith.index_cast %sub3A_232 : i32 to index
          %swap3A_525 = arith.constant 224 : index
          %swap3A_526 = tpu.vector_load %arg10[%swap3A_524, %swap3A_525] {strides = array<i32>} : memref<320x256xf32, #tpu.memory_space<vmem>>, vector<16xf32>,
          tpu.vector_store %arg10[%swap3A_524, %swap3A_525], %mul3A_523 {add = true, strides = array<i32>} : memref<320x256xf32, #tpu.memory_space<vmem>>, vector<16xf32>,
          %mul3A_527 = arith.mulf %mul3A_467, %max3A_452 : vector<16xf32>
          %swap3A_528 = arith.index_cast %sub3A_232 : i32 to index
          %swap3A_529 = arith.constant 240 : index
          %swap3A_530 = tpu.vector_load %arg10[%swap3A_528, %swap3A_529] {strides = array<i32>} : memref<320x256xf32, #tpu.memory_space<vmem>>, vector<16xf32>,
          tpu.vector_store %arg10[%swap3A_528, %swap3A_529], %mul3A_527 {add = true, strides = array<i32>} : memref<320x256xf32, #tpu.memory_space<vmem>>, vector<16xf32>,
          %mul3A_531 = arith.constant 16 : i32
          %mul3A_532 = arith.muli %sub3A_232, %mul3A_531 : i32
          %mul3A_533 = arith.mulf %mul3A_467, %convert_element_type3A_19 : vector<16xf32>
          %swap3A_534 = arith.index_cast %mul3A_532 : i32 to index
          %swap3A_535 = tpu.vector_load %arg11[%swap3A_534] {strides = array<i32>} : memref<5120xf32, #tpu.memory_space<vmem>>, vector<16xf32>,
          tpu.vector_store %arg11[%swap3A_534], %mul3A_533 {add = true, strides = array<i32>} : memref<5120xf32, #tpu.memory_space<vmem>>, vector<16xf32>,
          %scan3A_536 = arith.constant 0 : i32
          %scan3A_537 = arith.constant 1 : i32
          %scan3A_538 = arith.addi %scan3A_225, %scan3A_537 : i32
          %mul3A_539 = arith.constant 16 : i32
          %mul3A_540 = arith.muli %mul3A_188, %mul3A_539 : i32
          %add3A_541 = arith.addi %mul3A_540, %scan3A_538 : i32
          %get3A_542 = arith.index_cast %add3A_541 : i32 to index
          %get3A_543 = tpu.vector_load %arg19[%get3A_542] {strides = array<i32>} : memref<6448xi32, #tpu.memory_space<vmem>>, vector<16xi32>,
          %slice3A_544 = vector.extract_strided_slice %get3A_543 {offsets = [0], sizes = [1], strides = [1]} : vector<16xi32> to vector<1xi32>
          %squeeze3A_545 = vector.extract %slice3A_544[0] : i32 from vector<1xi32>
          %sub3A_546 = arith.subi %squeeze3A_545, %mul3A_2 : i32
          %broadcast_in_dim3A_547 = arith.constant 0.000000e+00 : f32
          %broadcast_in_dim3A_548 = vector.broadcast %broadcast_in_dim3A_547 : f32 to vector<16xf32>
          %get3A_549 = arith.index_cast %scan3A_538 : i32 to index
          %get3A_550 = arith.constant 0 : index
          %get3A_551 = tpu.vector_load %arg20[%get3A_549, %get3A_550] {strides = array<i32>} : memref<16x256xf32, #tpu.memory_space<vmem>>, vector<16xf32>,
          %get3A_552 = arith.index_cast %scan3A_538 : i32 to index
          %get3A_553 = arith.constant 0 : index
          %get3A_554 = tpu.vector_load %arg21[%get3A_552, %get3A_553] {strides = array<i32>} : memref<16x256xf32, #tpu.memory_space<vmem>>, vector<16xf32>,
          %add3A_555 = arith.addf %get3A_551, %get3A_554 : vector<16xf32>
          %max3A_556 = arith.constant 0.000000e+00 : f32
          %max3A_557 = vector.broadcast %max3A_556 : f32 to vector<16xf32>
          %max3A_558 = arith.maximumf %add3A_555, %max3A_557 : vector<16xf32>
          %get3A_559 = arith.constant 0 : index
          %get3A_560 = tpu.vector_load %arg12[%get3A_559] {strides = array<i32>} : memref<256xf32, #tpu.memory_space<vmem>>, vector<16xf32>,
          %mul3A_561 = arith.mulf %max3A_558, %get3A_560 : vector<16xf32>
          %add3A_562 = arith.addf %broadcast_in_dim3A_548, %mul3A_561 : vector<16xf32>
          %get3A_563 = arith.index_cast %scan3A_538 : i32 to index
          %get3A_564 = arith.constant 16 : index
          %get3A_565 = tpu.vector_load %arg20[%get3A_563, %get3A_564] {strides = array<i32>} : memref<16x256xf32, #tpu.memory_space<vmem>>, vector<16xf32>,
          %get3A_566 = arith.index_cast %scan3A_538 : i32 to index
          %get3A_567 = arith.constant 16 : index
          %get3A_568 = tpu.vector_load %arg21[%get3A_566, %get3A_567] {strides = array<i32>} : memref<16x256xf32, #tpu.memory_space<vmem>>, vector<16xf32>,
          %add3A_569 = arith.addf %get3A_565, %get3A_568 : vector<16xf32>
          %max3A_570 = arith.constant 0.000000e+00 : f32
          %max3A_571 = vector.broadcast %max3A_570 : f32 to vector<16xf32>
          %max3A_572 = arith.maximumf %add3A_569, %max3A_571 : vector<16xf32>
          %get3A_573 = arith.constant 16 : index
          %get3A_574 = tpu.vector_load %arg12[%get3A_573] {strides = array<i32>} : memref<256xf32, #tpu.memory_space<vmem>>, vector<16xf32>,
          %mul3A_575 = arith.mulf %max3A_572, %get3A_574 : vector<16xf32>
          %add3A_576 = arith.addf %add3A_562, %mul3A_575 : vector<16xf32>
          %get3A_577 = arith.index_cast %scan3A_538 : i32 to index
          %get3A_578 = arith.constant 32 : index
          %get3A_579 = tpu.vector_load %arg20[%get3A_577, %get3A_578] {strides = array<i32>} : memref<16x256xf32, #tpu.memory_space<vmem>>, vector<16xf32>,
          %get3A_580 = arith.index_cast %scan3A_538 : i32 to index
          %get3A_581 = arith.constant 32 : index
          %get3A_582 = tpu.vector_load %arg21[%get3A_580, %get3A_581] {strides = array<i32>} : memref<16x256xf32, #tpu.memory_space<vmem>>, vector<16xf32>,
          %add3A_583 = arith.addf %get3A_579, %get3A_582 : vector<16xf32>
          %max3A_584 = arith.constant 0.000000e+00 : f32
          %max3A_585 = vector.broadcast %max3A_584 : f32 to vector<16xf32>
          %max3A_586 = arith.maximumf %add3A_583, %max3A_585 : vector<16xf32>
          %get3A_587 = arith.constant 32 : index
          %get3A_588 = tpu.vector_load %arg12[%get3A_587] {strides = array<i32>} : memref<256xf32, #tpu.memory_space<vmem>>, vector<16xf32>,
          %mul3A_589 = arith.mulf %max3A_586, %get3A_588 : vector<16xf32>
          %add3A_590 = arith.addf %add3A_576, %mul3A_589 : vector<16xf32>
          %get3A_591 = arith.index_cast %scan3A_538 : i32 to index
          %get3A_592 = arith.constant 48 : index
          %get3A_593 = tpu.vector_load %arg20[%get3A_591, %get3A_592] {strides = array<i32>} : memref<16x256xf32, #tpu.memory_space<vmem>>, vector<16xf32>,
          %get3A_594 = arith.index_cast %scan3A_538 : i32 to index
          %get3A_595 = arith.constant 48 : index
          %get3A_596 = tpu.vector_load %arg21[%get3A_594, %get3A_595] {strides = array<i32>} : memref<16x256xf32, #tpu.memory_space<vmem>>, vector<16xf32>,
          %add3A_597 = arith.addf %get3A_593, %get3A_596 : vector<16xf32>
          %max3A_598 = arith.constant 0.000000e+00 : f32
          %max3A_599 = vector.broadcast %max3A_598 : f32 to vector<16xf32>
          %max3A_600 = arith.maximumf %add3A_597, %max3A_599 : vector<16xf32>
          %get3A_601 = arith.constant 48 : index
          %get3A_602 = tpu.vector_load %arg12[%get3A_601] {strides = array<i32>} : memref<256xf32, #tpu.memory_space<vmem>>, vector<16xf32>,
          %mul3A_603 = arith.mulf %max3A_600, %get3A_602 : vector<16xf32>
          %add3A_604 = arith.addf %add3A_590, %mul3A_603 : vector<16xf32>
          %get3A_605 = arith.index_cast %scan3A_538 : i32 to index
          %get3A_606 = arith.constant 64 : index
          %get3A_607 = tpu.vector_load %arg20[%get3A_605, %get3A_606] {strides = array<i32>} : memref<16x256xf32, #tpu.memory_space<vmem>>, vector<16xf32>,
          %get3A_608 = arith.index_cast %scan3A_538 : i32 to index
          %get3A_609 = arith.constant 64 : index
          %get3A_610 = tpu.vector_load %arg21[%get3A_608, %get3A_609] {strides = array<i32>} : memref<16x256xf32, #tpu.memory_space<vmem>>, vector<16xf32>,
          %add3A_611 = arith.addf %get3A_607, %get3A_610 : vector<16xf32>
          %max3A_612 = arith.constant 0.000000e+00 : f32
          %max3A_613 = vector.broadcast %max3A_612 : f32 to vector<16xf32>
          %max3A_614 = arith.maximumf %add3A_611, %max3A_613 : vector<16xf32>
          %get3A_615 = arith.constant 64 : index
          %get3A_616 = tpu.vector_load %arg12[%get3A_615] {strides = array<i32>} : memref<256xf32, #tpu.memory_space<vmem>>, vector<16xf32>,
          %mul3A_617 = arith.mulf %max3A_614, %get3A_616 : vector<16xf32>
          %add3A_618 = arith.addf %add3A_604, %mul3A_617 : vector<16xf32>
          %get3A_619 = arith.index_cast %scan3A_538 : i32 to index
          %get3A_620 = arith.constant 80 : index
          %get3A_621 = tpu.vector_load %arg20[%get3A_619, %get3A_620] {strides = array<i32>} : memref<16x256xf32, #tpu.memory_space<vmem>>, vector<16xf32>,
          %get3A_622 = arith.index_cast %scan3A_538 : i32 to index
          %get3A_623 = arith.constant 80 : index
          %get3A_624 = tpu.vector_load %arg21[%get3A_622, %get3A_623] {strides = array<i32>} : memref<16x256xf32, #tpu.memory_space<vmem>>, vector<16xf32>,
          %add3A_625 = arith.addf %get3A_621, %get3A_624 : vector<16xf32>
          %max3A_626 = arith.constant 0.000000e+00 : f32
          %max3A_627 = vector.broadcast %max3A_626 : f32 to vector<16xf32>
          %max3A_628 = arith.maximumf %add3A_625, %max3A_627 : vector<16xf32>
          %get3A_629 = arith.constant 80 : index
          %get3A_630 = tpu.vector_load %arg12[%get3A_629] {strides = array<i32>} : memref<256xf32, #tpu.memory_space<vmem>>, vector<16xf32>,
          %mul3A_631 = arith.mulf %max3A_628, %get3A_630 : vector<16xf32>
          %add3A_632 = arith.addf %add3A_618, %mul3A_631 : vector<16xf32>
          %get3A_633 = arith.index_cast %scan3A_538 : i32 to index
          %get3A_634 = arith.constant 96 : index
          %get3A_635 = tpu.vector_load %arg20[%get3A_633, %get3A_634] {strides = array<i32>} : memref<16x256xf32, #tpu.memory_space<vmem>>, vector<16xf32>,
          %get3A_636 = arith.index_cast %scan3A_538 : i32 to index
          %get3A_637 = arith.constant 96 : index
          %get3A_638 = tpu.vector_load %arg21[%get3A_636, %get3A_637] {strides = array<i32>} : memref<16x256xf32, #tpu.memory_space<vmem>>, vector<16xf32>,
          %add3A_639 = arith.addf %get3A_635, %get3A_638 : vector<16xf32>
          %max3A_640 = arith.constant 0.000000e+00 : f32
          %max3A_641 = vector.broadcast %max3A_640 : f32 to vector<16xf32>
          %max3A_642 = arith.maximumf %add3A_639, %max3A_641 : vector<16xf32>
          %get3A_643 = arith.constant 96 : index
          %get3A_644 = tpu.vector_load %arg12[%get3A_643] {strides = array<i32>} : memref<256xf32, #tpu.memory_space<vmem>>, vector<16xf32>,
          %mul3A_645 = arith.mulf %max3A_642, %get3A_644 : vector<16xf32>
          %add3A_646 = arith.addf %add3A_632, %mul3A_645 : vector<16xf32>
          %get3A_647 = arith.index_cast %scan3A_538 : i32 to index
          %get3A_648 = arith.constant 112 : index
          %get3A_649 = tpu.vector_load %arg20[%get3A_647, %get3A_648] {strides = array<i32>} : memref<16x256xf32, #tpu.memory_space<vmem>>, vector<16xf32>,
          %get3A_650 = arith.index_cast %scan3A_538 : i32 to index
          %get3A_651 = arith.constant 112 : index
          %get3A_652 = tpu.vector_load %arg21[%get3A_650, %get3A_651] {strides = array<i32>} : memref<16x256xf32, #tpu.memory_space<vmem>>, vector<16xf32>,
          %add3A_653 = arith.addf %get3A_649, %get3A_652 : vector<16xf32>
          %max3A_654 = arith.constant 0.000000e+00 : f32
          %max3A_655 = vector.broadcast %max3A_654 : f32 to vector<16xf32>
          %max3A_656 = arith.maximumf %add3A_653, %max3A_655 : vector<16xf32>
          %get3A_657 = arith.constant 112 : index
          %get3A_658 = tpu.vector_load %arg12[%get3A_657] {strides = array<i32>} : memref<256xf32, #tpu.memory_space<vmem>>, vector<16xf32>,
          %mul3A_659 = arith.mulf %max3A_656, %get3A_658 : vector<16xf32>
          %add3A_660 = arith.addf %add3A_646, %mul3A_659 : vector<16xf32>
          %get3A_661 = arith.index_cast %scan3A_538 : i32 to index
          %get3A_662 = arith.constant 128 : index
          %get3A_663 = tpu.vector_load %arg20[%get3A_661, %get3A_662] {strides = array<i32>} : memref<16x256xf32, #tpu.memory_space<vmem>>, vector<16xf32>,
          %get3A_664 = arith.index_cast %scan3A_538 : i32 to index
          %get3A_665 = arith.constant 128 : index
          %get3A_666 = tpu.vector_load %arg21[%get3A_664, %get3A_665] {strides = array<i32>} : memref<16x256xf32, #tpu.memory_space<vmem>>, vector<16xf32>,
          %add3A_667 = arith.addf %get3A_663, %get3A_666 : vector<16xf32>
          %max3A_668 = arith.constant 0.000000e+00 : f32
          %max3A_669 = vector.broadcast %max3A_668 : f32 to vector<16xf32>
          %max3A_670 = arith.maximumf %add3A_667, %max3A_669 : vector<16xf32>
          %get3A_671 = arith.constant 128 : index
          %get3A_672 = tpu.vector_load %arg12[%get3A_671] {strides = array<i32>} : memref<256xf32, #tpu.memory_space<vmem>>, vector<16xf32>,
          %mul3A_673 = arith.mulf %max3A_670, %get3A_672 : vector<16xf32>
          %add3A_674 = arith.addf %add3A_660, %mul3A_673 : vector<16xf32>
          %get3A_675 = arith.index_cast %scan3A_538 : i32 to index
          %get3A_676 = arith.constant 144 : index
          %get3A_677 = tpu.vector_load %arg20[%get3A_675, %get3A_676] {strides = array<i32>} : memref<16x256xf32, #tpu.memory_space<vmem>>, vector<16xf32>,
          %get3A_678 = arith.index_cast %scan3A_538 : i32 to index
          %get3A_679 = arith.constant 144 : index
          %get3A_680 = tpu.vector_load %arg21[%get3A_678, %get3A_679] {strides = array<i32>} : memref<16x256xf32, #tpu.memory_space<vmem>>, vector<16xf32>,
          %add3A_681 = arith.addf %get3A_677, %get3A_680 : vector<16xf32>
          %max3A_682 = arith.constant 0.000000e+00 : f32
          %max3A_683 = vector.broadcast %max3A_682 : f32 to vector<16xf32>
          %max3A_684 = arith.maximumf %add3A_681, %max3A_683 : vector<16xf32>
          %get3A_685 = arith.constant 144 : index
          %get3A_686 = tpu.vector_load %arg12[%get3A_685] {strides = array<i32>} : memref<256xf32, #tpu.memory_space<vmem>>, vector<16xf32>,
          %mul3A_687 = arith.mulf %max3A_684, %get3A_686 : vector<16xf32>
          %add3A_688 = arith.addf %add3A_674, %mul3A_687 : vector<16xf32>
          %get3A_689 = arith.index_cast %scan3A_538 : i32 to index
          %get3A_690 = arith.constant 160 : index
          %get3A_691 = tpu.vector_load %arg20[%get3A_689, %get3A_690] {strides = array<i32>} : memref<16x256xf32, #tpu.memory_space<vmem>>, vector<16xf32>,
          %get3A_692 = arith.index_cast %scan3A_538 : i32 to index
          %get3A_693 = arith.constant 160 : index
          %get3A_694 = tpu.vector_load %arg21[%get3A_692, %get3A_693] {strides = array<i32>} : memref<16x256xf32, #tpu.memory_space<vmem>>, vector<16xf32>,
          %add3A_695 = arith.addf %get3A_691, %get3A_694 : vector<16xf32>
          %max3A_696 = arith.constant 0.000000e+00 : f32
          %max3A_697 = vector.broadcast %max3A_696 : f32 to vector<16xf32>
          %max3A_698 = arith.maximumf %add3A_695, %max3A_697 : vector<16xf32>
          %get3A_699 = arith.constant 160 : index
          %get3A_700 = tpu.vector_load %arg12[%get3A_699] {strides = array<i32>} : memref<256xf32, #tpu.memory_space<vmem>>, vector<16xf32>,
          %mul3A_701 = arith.mulf %max3A_698, %get3A_700 : vector<16xf32>
          %add3A_702 = arith.addf %add3A_688, %mul3A_701 : vector<16xf32>
          %get3A_703 = arith.index_cast %scan3A_538 : i32 to index
          %get3A_704 = arith.constant 176 : index
          %get3A_705 = tpu.vector_load %arg20[%get3A_703, %get3A_704] {strides = array<i32>} : memref<16x256xf32, #tpu.memory_space<vmem>>, vector<16xf32>,
          %get3A_706 = arith.index_cast %scan3A_538 : i32 to index
          %get3A_707 = arith.constant 176 : index
          %get3A_708 = tpu.vector_load %arg21[%get3A_706, %get3A_707] {strides = array<i32>} : memref<16x256xf32, #tpu.memory_space<vmem>>, vector<16xf32>,
          %add3A_709 = arith.addf %get3A_705, %get3A_708 : vector<16xf32>
          %max3A_710 = arith.constant 0.000000e+00 : f32
          %max3A_711 = vector.broadcast %max3A_710 : f32 to vector<16xf32>
          %max3A_712 = arith.maximumf %add3A_709, %max3A_711 : vector<16xf32>
          %get3A_713 = arith.constant 176 : index
          %get3A_714 = tpu.vector_load %arg12[%get3A_713] {strides = array<i32>} : memref<256xf32, #tpu.memory_space<vmem>>, vector<16xf32>,
          %mul3A_715 = arith.mulf %max3A_712, %get3A_714 : vector<16xf32>
          %add3A_716 = arith.addf %add3A_702, %mul3A_715 : vector<16xf32>
          %get3A_717 = arith.index_cast %scan3A_538 : i32 to index
          %get3A_718 = arith.constant 192 : index
          %get3A_719 = tpu.vector_load %arg20[%get3A_717, %get3A_718] {strides = array<i32>} : memref<16x256xf32, #tpu.memory_space<vmem>>, vector<16xf32>,
          %get3A_720 = arith.index_cast %scan3A_538 : i32 to index
          %get3A_721 = arith.constant 192 : index
          %get3A_722 = tpu.vector_load %arg21[%get3A_720, %get3A_721] {strides = array<i32>} : memref<16x256xf32, #tpu.memory_space<vmem>>, vector<16xf32>,
          %add3A_723 = arith.addf %get3A_719, %get3A_722 : vector<16xf32>
          %max3A_724 = arith.constant 0.000000e+00 : f32
          %max3A_725 = vector.broadcast %max3A_724 : f32 to vector<16xf32>
          %max3A_726 = arith.maximumf %add3A_723, %max3A_725 : vector<16xf32>
          %get3A_727 = arith.constant 192 : index
          %get3A_728 = tpu.vector_load %arg12[%get3A_727] {strides = array<i32>} : memref<256xf32, #tpu.memory_space<vmem>>, vector<16xf32>,
          %mul3A_729 = arith.mulf %max3A_726, %get3A_728 : vector<16xf32>
          %add3A_730 = arith.addf %add3A_716, %mul3A_729 : vector<16xf32>
          %get3A_731 = arith.index_cast %scan3A_538 : i32 to index
          %get3A_732 = arith.constant 208 : index
          %get3A_733 = tpu.vector_load %arg20[%get3A_731, %get3A_732] {strides = array<i32>} : memref<16x256xf32, #tpu.memory_space<vmem>>, vector<16xf32>,
          %get3A_734 = arith.index_cast %scan3A_538 : i32 to index
          %get3A_735 = arith.constant 208 : index
          %get3A_736 = tpu.vector_load %arg21[%get3A_734, %get3A_735] {strides = array<i32>} : memref<16x256xf32, #tpu.memory_space<vmem>>, vector<16xf32>,
          %add3A_737 = arith.addf %get3A_733, %get3A_736 : vector<16xf32>
          %max3A_738 = arith.constant 0.000000e+00 : f32
          %max3A_739 = vector.broadcast %max3A_738 : f32 to vector<16xf32>
          %max3A_740 = arith.maximumf %add3A_737, %max3A_739 : vector<16xf32>
          %get3A_741 = arith.constant 208 : index
          %get3A_742 = tpu.vector_load %arg12[%get3A_741] {strides = array<i32>} : memref<256xf32, #tpu.memory_space<vmem>>, vector<16xf32>,
          %mul3A_743 = arith.mulf %max3A_740, %get3A_742 : vector<16xf32>
          %add3A_744 = arith.addf %add3A_730, %mul3A_743 : vector<16xf32>
          %get3A_745 = arith.index_cast %scan3A_538 : i32 to index
          %get3A_746 = arith.constant 224 : index
          %get3A_747 = tpu.vector_load %arg20[%get3A_745, %get3A_746] {strides = array<i32>} : memref<16x256xf32, #tpu.memory_space<vmem>>, vector<16xf32>,
          %get3A_748 = arith.index_cast %scan3A_538 : i32 to index
          %get3A_749 = arith.constant 224 : index
          %get3A_750 = tpu.vector_load %arg21[%get3A_748, %get3A_749] {strides = array<i32>} : memref<16x256xf32, #tpu.memory_space<vmem>>, vector<16xf32>,
          %add3A_751 = arith.addf %get3A_747, %get3A_750 : vector<16xf32>
          %max3A_752 = arith.constant 0.000000e+00 : f32
          %max3A_753 = vector.broadcast %max3A_752 : f32 to vector<16xf32>
          %max3A_754 = arith.maximumf %add3A_751, %max3A_753 : vector<16xf32>
          %get3A_755 = arith.constant 224 : index
          %get3A_756 = tpu.vector_load %arg12[%get3A_755] {strides = array<i32>} : memref<256xf32, #tpu.memory_space<vmem>>, vector<16xf32>,
          %mul3A_757 = arith.mulf %max3A_754, %get3A_756 : vector<16xf32>
          %add3A_758 = arith.addf %add3A_744, %mul3A_757 : vector<16xf32>
          %get3A_759 = arith.index_cast %scan3A_538 : i32 to index
          %get3A_760 = arith.constant 240 : index
          %get3A_761 = tpu.vector_load %arg20[%get3A_759, %get3A_760] {strides = array<i32>} : memref<16x256xf32, #tpu.memory_space<vmem>>, vector<16xf32>,
          %get3A_762 = arith.index_cast %scan3A_538 : i32 to index
          %get3A_763 = arith.constant 240 : index
          %get3A_764 = tpu.vector_load %arg21[%get3A_762, %get3A_763] {strides = array<i32>} : memref<16x256xf32, #tpu.memory_space<vmem>>, vector<16xf32>,
          %add3A_765 = arith.addf %get3A_761, %get3A_764 : vector<16xf32>
          %max3A_766 = arith.constant 0.000000e+00 : f32
          %max3A_767 = vector.broadcast %max3A_766 : f32 to vector<16xf32>
          %max3A_768 = arith.maximumf %add3A_765, %max3A_767 : vector<16xf32>
          %get3A_769 = arith.constant 240 : index
          %get3A_770 = tpu.vector_load %arg12[%get3A_769] {strides = array<i32>} : memref<256xf32, #tpu.memory_space<vmem>>, vector<16xf32>,
          %mul3A_771 = arith.mulf %max3A_768, %get3A_770 : vector<16xf32>
          %add3A_772 = arith.addf %add3A_758, %mul3A_771 : vector<16xf32>
          %reduce_sum3A_773 = arith.constant true
          %reduce_sum3A_774 = vector.broadcast %reduce_sum3A_773 : i1 to vector<16xi1>
          %reduce_sum3A_775 = tpu.scan <sum>, %add3A_772 masked %reduce_sum3A_774 : vector<16xf32>, vector<16xi1> -> vector<16xf32>
          %reduce_sum3A_776 = vector.extract %reduce_sum3A_775[15] : f32 from vector<16xf32>
          %lt3A_777 = arith.cmpi slt, %add3A_541, %scan3A_118 : i32
          %jit3A_778 = arith.constant 1.000000e+00 : f32
          %jit3A_779 = arith.constant 0.000000e+00 : f32
          %select_n3A_780 = arith.select %lt3A_777, %jit3A_778, %jit3A_779 : f32
          %broadcast_in_dim3A_781 = vector.broadcast %reduce_sum3A_776 : f32 to vector<16xf32>
          %add3A_782 = arith.addf %broadcast_in_dim3A_781, %get3A_16 : vector<16xf32>
          %exp3A_783 = math.exp %add3A_782 : vector<16xf32>
          %mul3A_784 = vector.broadcast %select_n3A_780 : f32 to vector<16xf32>
          %mul3A_785 = arith.mulf %exp3A_783, %mul3A_784 : vector<16xf32>
          %mul3A_786 = arith.mulf %mul3A_785, %max3A_558 : vector<16xf32>
          %swap3A_787 = arith.index_cast %sub3A_546 : i32 to index
          %swap3A_788 = arith.constant 0 : index
          %swap3A_789 = tpu.vector_load %arg10[%swap3A_787, %swap3A_788] {strides = array<i32>} : memref<320x256xf32, #tpu.memory_space<vmem>>, vector<16xf32>,
          tpu.vector_store %arg10[%swap3A_787, %swap3A_788], %mul3A_786 {add = true, strides = array<i32>} : memref<320x256xf32, #tpu.memory_space<vmem>>, vector<16xf32>,
          %mul3A_790 = arith.mulf %mul3A_785, %max3A_572 : vector<16xf32>
          %swap3A_791 = arith.index_cast %sub3A_546 : i32 to index
          %swap3A_792 = arith.constant 16 : index
          %swap3A_793 = tpu.vector_load %arg10[%swap3A_791, %swap3A_792] {strides = array<i32>} : memref<320x256xf32, #tpu.memory_space<vmem>>, vector<16xf32>,
          tpu.vector_store %arg10[%swap3A_791, %swap3A_792], %mul3A_790 {add = true, strides = array<i32>} : memref<320x256xf32, #tpu.memory_space<vmem>>, vector<16xf32>,
          %mul3A_794 = arith.mulf %mul3A_785, %max3A_586 : vector<16xf32>
          %swap3A_795 = arith.index_cast %sub3A_546 : i32 to index
          %swap3A_796 = arith.constant 32 : index
          %swap3A_797 = tpu.vector_load %arg10[%swap3A_795, %swap3A_796] {strides = array<i32>} : memref<320x256xf32, #tpu.memory_space<vmem>>, vector<16xf32>,
          tpu.vector_store %arg10[%swap3A_795, %swap3A_796], %mul3A_794 {add = true, strides = array<i32>} : memref<320x256xf32, #tpu.memory_space<vmem>>, vector<16xf32>,
          %mul3A_798 = arith.mulf %mul3A_785, %max3A_600 : vector<16xf32>
          %swap3A_799 = arith.index_cast %sub3A_546 : i32 to index
          %swap3A_800 = arith.constant 48 : index
          %swap3A_801 = tpu.vector_load %arg10[%swap3A_799, %swap3A_800] {strides = array<i32>} : memref<320x256xf32, #tpu.memory_space<vmem>>, vector<16xf32>,
          tpu.vector_store %arg10[%swap3A_799, %swap3A_800], %mul3A_798 {add = true, strides = array<i32>} : memref<320x256xf32, #tpu.memory_space<vmem>>, vector<16xf32>,
          %mul3A_802 = arith.mulf %mul3A_785, %max3A_614 : vector<16xf32>
          %swap3A_803 = arith.index_cast %sub3A_546 : i32 to index
          %swap3A_804 = arith.constant 64 : index
          %swap3A_805 = tpu.vector_load %arg10[%swap3A_803, %swap3A_804] {strides = array<i32>} : memref<320x256xf32, #tpu.memory_space<vmem>>, vector<16xf32>,
          tpu.vector_store %arg10[%swap3A_803, %swap3A_804], %mul3A_802 {add = true, strides = array<i32>} : memref<320x256xf32, #tpu.memory_space<vmem>>, vector<16xf32>,
          %mul3A_806 = arith.mulf %mul3A_785, %max3A_628 : vector<16xf32>
          %swap3A_807 = arith.index_cast %sub3A_546 : i32 to index
          %swap3A_808 = arith.constant 80 : index
          %swap3A_809 = tpu.vector_load %arg10[%swap3A_807, %swap3A_808] {strides = array<i32>} : memref<320x256xf32, #tpu.memory_space<vmem>>, vector<16xf32>,
          tpu.vector_store %arg10[%swap3A_807, %swap3A_808], %mul3A_806 {add = true, strides = array<i32>} : memref<320x256xf32, #tpu.memory_space<vmem>>, vector<16xf32>,
          %mul3A_810 = arith.mulf %mul3A_785, %max3A_642 : vector<16xf32>
          %swap3A_811 = arith.index_cast %sub3A_546 : i32 to index
          %swap3A_812 = arith.constant 96 : index
          %swap3A_813 = tpu.vector_load %arg10[%swap3A_811, %swap3A_812] {strides = array<i32>} : memref<320x256xf32, #tpu.memory_space<vmem>>, vector<16xf32>,
          tpu.vector_store %arg10[%swap3A_811, %swap3A_812], %mul3A_810 {add = true, strides = array<i32>} : memref<320x256xf32, #tpu.memory_space<vmem>>, vector<16xf32>,
          %mul3A_814 = arith.mulf %mul3A_785, %max3A_656 : vector<16xf32>
          %swap3A_815 = arith.index_cast %sub3A_546 : i32 to index
          %swap3A_816 = arith.constant 112 : index
          %swap3A_817 = tpu.vector_load %arg10[%swap3A_815, %swap3A_816] {strides = array<i32>} : memref<320x256xf32, #tpu.memory_space<vmem>>, vector<16xf32>,
          tpu.vector_store %arg10[%swap3A_815, %swap3A_816], %mul3A_814 {add = true, strides = array<i32>} : memref<320x256xf32, #tpu.memory_space<vmem>>, vector<16xf32>,
          %mul3A_818 = arith.mulf %mul3A_785, %max3A_670 : vector<16xf32>
          %swap3A_819 = arith.index_cast %sub3A_546 : i32 to index
          %swap3A_820 = arith.constant 128 : index
          %swap3A_821 = tpu.vector_load %arg10[%swap3A_819, %swap3A_820] {strides = array<i32>} : memref<320x256xf32, #tpu.memory_space<vmem>>, vector<16xf32>,
          tpu.vector_store %arg10[%swap3A_819, %swap3A_820], %mul3A_818 {add = true, strides = array<i32>} : memref<320x256xf32, #tpu.memory_space<vmem>>, vector<16xf32>,
          %mul3A_822 = arith.mulf %mul3A_785, %max3A_684 : vector<16xf32>
          %swap3A_823 = arith.index_cast %sub3A_546 : i32 to index
          %swap3A_824 = arith.constant 144 : index
          %swap3A_825 = tpu.vector_load %arg10[%swap3A_823, %swap3A_824] {strides = array<i32>} : memref<320x256xf32, #tpu.memory_space<vmem>>, vector<16xf32>,
          tpu.vector_store %arg10[%swap3A_823, %swap3A_824], %mul3A_822 {add = true, strides = array<i32>} : memref<320x256xf32, #tpu.memory_space<vmem>>, vector<16xf32>,
          %mul3A_826 = arith.mulf %mul3A_785, %max3A_698 : vector<16xf32>
          %swap3A_827 = arith.index_cast %sub3A_546 : i32 to index
          %swap3A_828 = arith.constant 160 : index
          %swap3A_829 = tpu.vector_load %arg10[%swap3A_827, %swap3A_828] {strides = array<i32>} : memref<320x256xf32, #tpu.memory_space<vmem>>, vector<16xf32>,
          tpu.vector_store %arg10[%swap3A_827, %swap3A_828], %mul3A_826 {add = true, strides = array<i32>} : memref<320x256xf32, #tpu.memory_space<vmem>>, vector<16xf32>,
          %mul3A_830 = arith.mulf %mul3A_785, %max3A_712 : vector<16xf32>
          %swap3A_831 = arith.index_cast %sub3A_546 : i32 to index
          %swap3A_832 = arith.constant 176 : index
          %swap3A_833 = tpu.vector_load %arg10[%swap3A_831, %swap3A_832] {strides = array<i32>} : memref<320x256xf32, #tpu.memory_space<vmem>>, vector<16xf32>,
          tpu.vector_store %arg10[%swap3A_831, %swap3A_832], %mul3A_830 {add = true, strides = array<i32>} : memref<320x256xf32, #tpu.memory_space<vmem>>, vector<16xf32>,
          %mul3A_834 = arith.mulf %mul3A_785, %max3A_726 : vector<16xf32>
          %swap3A_835 = arith.index_cast %sub3A_546 : i32 to index
          %swap3A_836 = arith.constant 192 : index
          %swap3A_837 = tpu.vector_load %arg10[%swap3A_835, %swap3A_836] {strides = array<i32>} : memref<320x256xf32, #tpu.memory_space<vmem>>, vector<16xf32>,
          tpu.vector_store %arg10[%swap3A_835, %swap3A_836], %mul3A_834 {add = true, strides = array<i32>} : memref<320x256xf32, #tpu.memory_space<vmem>>, vector<16xf32>,
          %mul3A_838 = arith.mulf %mul3A_785, %max3A_740 : vector<16xf32>
          %swap3A_839 = arith.index_cast %sub3A_546 : i32 to index
          %swap3A_840 = arith.constant 208 : index
          %swap3A_841 = tpu.vector_load %arg10[%swap3A_839, %swap3A_840] {strides = array<i32>} : memref<320x256xf32, #tpu.memory_space<vmem>>, vector<16xf32>,
          tpu.vector_store %arg10[%swap3A_839, %swap3A_840], %mul3A_838 {add = true, strides = array<i32>} : memref<320x256xf32, #tpu.memory_space<vmem>>, vector<16xf32>,
          %mul3A_842 = arith.mulf %mul3A_785, %max3A_754 : vector<16xf32>
          %swap3A_843 = arith.index_cast %sub3A_546 : i32 to index
          %swap3A_844 = arith.constant 224 : index
          %swap3A_845 = tpu.vector_load %arg10[%swap3A_843, %swap3A_844] {strides = array<i32>} : memref<320x256xf32, #tpu.memory_space<vmem>>, vector<16xf32>,
          tpu.vector_store %arg10[%swap3A_843, %swap3A_844], %mul3A_842 {add = true, strides = array<i32>} : memref<320x256xf32, #tpu.memory_space<vmem>>, vector<16xf32>,
          %mul3A_846 = arith.mulf %mul3A_785, %max3A_768 : vector<16xf32>
          %swap3A_847 = arith.index_cast %sub3A_546 : i32 to index
          %swap3A_848 = arith.constant 240 : index
          %swap3A_849 = tpu.vector_load %arg10[%swap3A_847, %swap3A_848] {strides = array<i32>} : memref<320x256xf32, #tpu.memory_space<vmem>>, vector<16xf32>,
          tpu.vector_store %arg10[%swap3A_847, %swap3A_848], %mul3A_846 {add = true, strides = array<i32>} : memref<320x256xf32, #tpu.memory_space<vmem>>, vector<16xf32>,
          %mul3A_850 = arith.constant 16 : i32
          %mul3A_851 = arith.muli %sub3A_546, %mul3A_850 : i32
          %mul3A_852 = arith.mulf %mul3A_785, %convert_element_type3A_19 : vector<16xf32>
          %swap3A_853 = arith.index_cast %mul3A_851 : i32 to index
          %swap3A_854 = tpu.vector_load %arg11[%swap3A_853] {strides = array<i32>} : memref<5120xf32, #tpu.memory_space<vmem>>, vector<16xf32>,
          tpu.vector_store %arg11[%swap3A_853], %mul3A_852 {add = true, strides = array<i32>} : memref<5120xf32, #tpu.memory_space<vmem>>, vector<16xf32>,
          %scan3A_855 = arith.constant 0 : i32
          scf.yield %scan3A_855 : i32
        }
        %scan3A_211 = arith.constant 16 : i32
        %add3A_212 = arith.constant 2 : i32
        %add3A_213 = arith.addi %mul3A_188, %add3A_212 : i32
        %lt3A_214 = arith.cmpi slt, %add3A_213, %select_n3A : i32
        %convert_element_type3A_215 = arith.extui %lt3A_214 : i1 to i32
        %cond3A_216 = arith.constant 0 : i32
        %cond3A_217 = arith.cmpi ne, %convert_element_type3A_215, %cond3A_216 : i32
        scf.if %cond3A_217 {
          %add3A_225 = arith.constant 2 : i32
          %add3A_226 = arith.addi %mul3A_188, %add3A_225 : i32
          %mul3A_227 = arith.constant 16 : i32
          %mul3A_228 = arith.muli %add3A_226, %mul3A_227 : i32
          %dma_start3A_229 = tpu.memref_slice %arg18[%mul3A_228] : memref<6448xi32, #tpu.memory_space<vmem>> -> memref<16xi32, #tpu.memory_space<vmem>>
          %dma_start3A_230 = arith.constant 0 : i32
          %dma_start3A_231 = arith.constant 0 : i32
          %dma_start3A_232 = tpu.memref_slice %arg2[%dma_start3A_230, %dma_start3A_231] : memref<10000x256xf32, #tpu.memory_space<hbm>> -> memref<10000x256xf32, #tpu.memory_space<hbm>>
          tpu.enqueue_indirect_dma source(%dma_start3A_232 : memref<10000x256xf32, #tpu.memory_space<hbm>>) target(%arg20 : memref<16x256xf32, #tpu.memory_space<vmem>>) offsets(%dma_start3A_229 : memref<16xi32, #tpu.memory_space<vmem>>) semaphore(%arg24 : memref<!tpu.dma_semaphore, #tpu.memory_space<semaphore_mem>>)
          %mul3A_233 = arith.constant 16 : i32
          %mul3A_234 = arith.muli %add3A_226, %mul3A_233 : i32
          %dma_start3A_235 = tpu.memref_slice %arg19[%mul3A_234] : memref<6448xi32, #tpu.memory_space<vmem>> -> memref<16xi32, #tpu.memory_space<vmem>>
          %dma_start3A_236 = arith.constant 0 : i32
          %dma_start3A_237 = arith.constant 0 : i32
          %dma_start3A_238 = tpu.memref_slice %arg3[%dma_start3A_236, %dma_start3A_237] : memref<10000x256xf32, #tpu.memory_space<hbm>> -> memref<10000x256xf32, #tpu.memory_space<hbm>>
          tpu.enqueue_indirect_dma source(%dma_start3A_238 : memref<10000x256xf32, #tpu.memory_space<hbm>>) target(%arg21 : memref<16x256xf32, #tpu.memory_space<vmem>>) offsets(%dma_start3A_235 : memref<16xi32, #tpu.memory_space<vmem>>) semaphore(%arg25 : memref<!tpu.dma_semaphore, #tpu.memory_space<semaphore_mem>>)
        } else {
        }
        %add3A_218 = arith.constant 1 : i32
        %add3A_219 = arith.addi %mul3A_188, %add3A_218 : i32
        %lt3A_220 = arith.cmpi slt, %add3A_219, %select_n3A : i32
        %convert_element_type3A_221 = arith.extui %lt3A_220 : i1 to i32
        %cond3A_222 = arith.constant 0 : i32
        %cond3A_223 = arith.cmpi ne, %convert_element_type3A_221, %cond3A_222 : i32
        scf.if %cond3A_223 {
          %dma_wait3A_225 = arith.constant 0 : i32
          %dma_wait3A_226 = tpu.memref_slice %arg18[%dma_wait3A_225] : memref<6448xi32, #tpu.memory_space<vmem>> -> memref<16xi32, #tpu.memory_space<vmem>>
          %dma_wait3A_227 = arith.constant 0 : i32
          %dma_wait3A_228 = arith.constant 0 : i32
          %dma_wait3A_229 = tpu.memref_slice %arg2[%dma_wait3A_227, %dma_wait3A_228] : memref<10000x256xf32, #tpu.memory_space<hbm>> -> memref<10000x256xf32, #tpu.memory_space<hbm>>
          tpu.wait_indirect_dma semaphore(%arg26 : memref<!tpu.dma_semaphore, #tpu.memory_space<semaphore_mem>>) src(%dma_wait3A_229 : memref<10000x256xf32, #tpu.memory_space<hbm>>) dst(%arg22 : memref<16x256xf32, #tpu.memory_space<vmem>>)
          %dma_wait3A_230 = arith.constant 0 : i32
          %dma_wait3A_231 = tpu.memref_slice %arg19[%dma_wait3A_230] : memref<6448xi32, #tpu.memory_space<vmem>> -> memref<16xi32, #tpu.memory_space<vmem>>
          %dma_wait3A_232 = arith.constant 0 : i32
          %dma_wait3A_233 = arith.constant 0 : i32
          %dma_wait3A_234 = tpu.memref_slice %arg3[%dma_wait3A_232, %dma_wait3A_233] : memref<10000x256xf32, #tpu.memory_space<hbm>> -> memref<10000x256xf32, #tpu.memory_space<hbm>>
          tpu.wait_indirect_dma semaphore(%arg27 : memref<!tpu.dma_semaphore, #tpu.memory_space<semaphore_mem>>) src(%dma_wait3A_234 : memref<10000x256xf32, #tpu.memory_space<hbm>>) dst(%arg23 : memref<16x256xf32, #tpu.memory_space<vmem>>)
          %add3A_235 = arith.constant 1 : i32
          %add3A_236 = arith.addi %mul3A_188, %add3A_235 : i32
          %scan3A_237 = arith.constant 0 : i32
          %scan3A_238 = arith.constant 0 : i32
          %scan3A_239 = arith.constant 16 : i32
          %scan3A_240 = arith.addi %scan3A_238, %scan3A_239 : i32
          %scan3A_241 = arith.constant 2 : i32
          %scan3A_242 = scf.for %scan3A_244 = %scan3A_238 to %scan3A_240 step %scan3A_241 iter_args(%scan3A_245 = %scan3A_237) -> (i32)  : i32 {
            %mul3A_246 = arith.constant 16 : i32
            %mul3A_247 = arith.muli %add3A_236, %mul3A_246 : i32
            %add3A_248 = arith.addi %mul3A_247, %scan3A_244 : i32
            %get3A_249 = arith.index_cast %add3A_248 : i32 to index
            %get3A_250 = tpu.vector_load %arg19[%get3A_249] {strides = array<i32>} : memref<6448xi32, #tpu.memory_space<vmem>>, vector<16xi32>,
            %slice3A = vector.extract_strided_slice %get3A_250 {offsets = [0], sizes = [1], strides = [1]} : vector<16xi32> to vector<1xi32>
            %squeeze3A = vector.extract %slice3A[0] : i32 from vector<1xi32>
            %sub3A_251 = arith.subi %squeeze3A, %mul3A_2 : i32
            %broadcast_in_dim3A = arith.constant 0.000000e+00 : f32
            %broadcast_in_dim3A_252 = vector.broadcast %broadcast_in_dim3A : f32 to vector<16xf32>
            %get3A_253 = arith.index_cast %scan3A_244 : i32 to index
            %get3A_254 = arith.constant 0 : index
            %get3A_255 = tpu.vector_load %arg22[%get3A_253, %get3A_254] {strides = array<i32>} : memref<16x256xf32, #tpu.memory_space<vmem>>, vector<16xf32>,
            %get3A_256 = arith.index_cast %scan3A_244 : i32 to index
            %get3A_257 = arith.constant 0 : index
            %get3A_258 = tpu.vector_load %arg23[%get3A_256, %get3A_257] {strides = array<i32>} : memref<16x256xf32, #tpu.memory_space<vmem>>, vector<16xf32>,
            %add3A_259 = arith.addf %get3A_255, %get3A_258 : vector<16xf32>
            %max3A = arith.constant 0.000000e+00 : f32
            %max3A_260 = vector.broadcast %max3A : f32 to vector<16xf32>
            %max3A_261 = arith.maximumf %add3A_259, %max3A_260 : vector<16xf32>
            %get3A_262 = arith.constant 0 : index
            %get3A_263 = tpu.vector_load %arg12[%get3A_262] {strides = array<i32>} : memref<256xf32, #tpu.memory_space<vmem>>, vector<16xf32>,
            %mul3A_264 = arith.mulf %max3A_261, %get3A_263 : vector<16xf32>
            %add3A_265 = arith.addf %broadcast_in_dim3A_252, %mul3A_264 : vector<16xf32>
            %get3A_266 = arith.index_cast %scan3A_244 : i32 to index
            %get3A_267 = arith.constant 16 : index
            %get3A_268 = tpu.vector_load %arg22[%get3A_266, %get3A_267] {strides = array<i32>} : memref<16x256xf32, #tpu.memory_space<vmem>>, vector<16xf32>,
            %get3A_269 = arith.index_cast %scan3A_244 : i32 to index
            %get3A_270 = arith.constant 16 : index
            %get3A_271 = tpu.vector_load %arg23[%get3A_269, %get3A_270] {strides = array<i32>} : memref<16x256xf32, #tpu.memory_space<vmem>>, vector<16xf32>,
            %add3A_272 = arith.addf %get3A_268, %get3A_271 : vector<16xf32>
            %max3A_273 = arith.constant 0.000000e+00 : f32
            %max3A_274 = vector.broadcast %max3A_273 : f32 to vector<16xf32>
            %max3A_275 = arith.maximumf %add3A_272, %max3A_274 : vector<16xf32>
            %get3A_276 = arith.constant 16 : index
            %get3A_277 = tpu.vector_load %arg12[%get3A_276] {strides = array<i32>} : memref<256xf32, #tpu.memory_space<vmem>>, vector<16xf32>,
            %mul3A_278 = arith.mulf %max3A_275, %get3A_277 : vector<16xf32>
            %add3A_279 = arith.addf %add3A_265, %mul3A_278 : vector<16xf32>
            %get3A_280 = arith.index_cast %scan3A_244 : i32 to index
            %get3A_281 = arith.constant 32 : index
            %get3A_282 = tpu.vector_load %arg22[%get3A_280, %get3A_281] {strides = array<i32>} : memref<16x256xf32, #tpu.memory_space<vmem>>, vector<16xf32>,
            %get3A_283 = arith.index_cast %scan3A_244 : i32 to index
            %get3A_284 = arith.constant 32 : index
            %get3A_285 = tpu.vector_load %arg23[%get3A_283, %get3A_284] {strides = array<i32>} : memref<16x256xf32, #tpu.memory_space<vmem>>, vector<16xf32>,
            %add3A_286 = arith.addf %get3A_282, %get3A_285 : vector<16xf32>
            %max3A_287 = arith.constant 0.000000e+00 : f32
            %max3A_288 = vector.broadcast %max3A_287 : f32 to vector<16xf32>
            %max3A_289 = arith.maximumf %add3A_286, %max3A_288 : vector<16xf32>
            %get3A_290 = arith.constant 32 : index
            %get3A_291 = tpu.vector_load %arg12[%get3A_290] {strides = array<i32>} : memref<256xf32, #tpu.memory_space<vmem>>, vector<16xf32>,
            %mul3A_292 = arith.mulf %max3A_289, %get3A_291 : vector<16xf32>
            %add3A_293 = arith.addf %add3A_279, %mul3A_292 : vector<16xf32>
            %get3A_294 = arith.index_cast %scan3A_244 : i32 to index
            %get3A_295 = arith.constant 48 : index
            %get3A_296 = tpu.vector_load %arg22[%get3A_294, %get3A_295] {strides = array<i32>} : memref<16x256xf32, #tpu.memory_space<vmem>>, vector<16xf32>,
            %get3A_297 = arith.index_cast %scan3A_244 : i32 to index
            %get3A_298 = arith.constant 48 : index
            %get3A_299 = tpu.vector_load %arg23[%get3A_297, %get3A_298] {strides = array<i32>} : memref<16x256xf32, #tpu.memory_space<vmem>>, vector<16xf32>,
            %add3A_300 = arith.addf %get3A_296, %get3A_299 : vector<16xf32>
            %max3A_301 = arith.constant 0.000000e+00 : f32
            %max3A_302 = vector.broadcast %max3A_301 : f32 to vector<16xf32>
            %max3A_303 = arith.maximumf %add3A_300, %max3A_302 : vector<16xf32>
            %get3A_304 = arith.constant 48 : index
            %get3A_305 = tpu.vector_load %arg12[%get3A_304] {strides = array<i32>} : memref<256xf32, #tpu.memory_space<vmem>>, vector<16xf32>,
            %mul3A_306 = arith.mulf %max3A_303, %get3A_305 : vector<16xf32>
            %add3A_307 = arith.addf %add3A_293, %mul3A_306 : vector<16xf32>
            %get3A_308 = arith.index_cast %scan3A_244 : i32 to index
            %get3A_309 = arith.constant 64 : index
            %get3A_310 = tpu.vector_load %arg22[%get3A_308, %get3A_309] {strides = array<i32>} : memref<16x256xf32, #tpu.memory_space<vmem>>, vector<16xf32>,
            %get3A_311 = arith.index_cast %scan3A_244 : i32 to index
            %get3A_312 = arith.constant 64 : index
            %get3A_313 = tpu.vector_load %arg23[%get3A_311, %get3A_312] {strides = array<i32>} : memref<16x256xf32, #tpu.memory_space<vmem>>, vector<16xf32>,
            %add3A_314 = arith.addf %get3A_310, %get3A_313 : vector<16xf32>
            %max3A_315 = arith.constant 0.000000e+00 : f32
            %max3A_316 = vector.broadcast %max3A_315 : f32 to vector<16xf32>
            %max3A_317 = arith.maximumf %add3A_314, %max3A_316 : vector<16xf32>
            %get3A_318 = arith.constant 64 : index
            %get3A_319 = tpu.vector_load %arg12[%get3A_318] {strides = array<i32>} : memref<256xf32, #tpu.memory_space<vmem>>, vector<16xf32>,
            %mul3A_320 = arith.mulf %max3A_317, %get3A_319 : vector<16xf32>
            %add3A_321 = arith.addf %add3A_307, %mul3A_320 : vector<16xf32>
            %get3A_322 = arith.index_cast %scan3A_244 : i32 to index
            %get3A_323 = arith.constant 80 : index
            %get3A_324 = tpu.vector_load %arg22[%get3A_322, %get3A_323] {strides = array<i32>} : memref<16x256xf32, #tpu.memory_space<vmem>>, vector<16xf32>,
            %get3A_325 = arith.index_cast %scan3A_244 : i32 to index
            %get3A_326 = arith.constant 80 : index
            %get3A_327 = tpu.vector_load %arg23[%get3A_325, %get3A_326] {strides = array<i32>} : memref<16x256xf32, #tpu.memory_space<vmem>>, vector<16xf32>,
            %add3A_328 = arith.addf %get3A_324, %get3A_327 : vector<16xf32>
            %max3A_329 = arith.constant 0.000000e+00 : f32
            %max3A_330 = vector.broadcast %max3A_329 : f32 to vector<16xf32>
            %max3A_331 = arith.maximumf %add3A_328, %max3A_330 : vector<16xf32>
            %get3A_332 = arith.constant 80 : index
            %get3A_333 = tpu.vector_load %arg12[%get3A_332] {strides = array<i32>} : memref<256xf32, #tpu.memory_space<vmem>>, vector<16xf32>,
            %mul3A_334 = arith.mulf %max3A_331, %get3A_333 : vector<16xf32>
            %add3A_335 = arith.addf %add3A_321, %mul3A_334 : vector<16xf32>
            %get3A_336 = arith.index_cast %scan3A_244 : i32 to index
            %get3A_337 = arith.constant 96 : index
            %get3A_338 = tpu.vector_load %arg22[%get3A_336, %get3A_337] {strides = array<i32>} : memref<16x256xf32, #tpu.memory_space<vmem>>, vector<16xf32>,
            %get3A_339 = arith.index_cast %scan3A_244 : i32 to index
            %get3A_340 = arith.constant 96 : index
            %get3A_341 = tpu.vector_load %arg23[%get3A_339, %get3A_340] {strides = array<i32>} : memref<16x256xf32, #tpu.memory_space<vmem>>, vector<16xf32>,
            %add3A_342 = arith.addf %get3A_338, %get3A_341 : vector<16xf32>
            %max3A_343 = arith.constant 0.000000e+00 : f32
            %max3A_344 = vector.broadcast %max3A_343 : f32 to vector<16xf32>
            %max3A_345 = arith.maximumf %add3A_342, %max3A_344 : vector<16xf32>
            %get3A_346 = arith.constant 96 : index
            %get3A_347 = tpu.vector_load %arg12[%get3A_346] {strides = array<i32>} : memref<256xf32, #tpu.memory_space<vmem>>, vector<16xf32>,
            %mul3A_348 = arith.mulf %max3A_345, %get3A_347 : vector<16xf32>
            %add3A_349 = arith.addf %add3A_335, %mul3A_348 : vector<16xf32>
            %get3A_350 = arith.index_cast %scan3A_244 : i32 to index
            %get3A_351 = arith.constant 112 : index
            %get3A_352 = tpu.vector_load %arg22[%get3A_350, %get3A_351] {strides = array<i32>} : memref<16x256xf32, #tpu.memory_space<vmem>>, vector<16xf32>,
            %get3A_353 = arith.index_cast %scan3A_244 : i32 to index
            %get3A_354 = arith.constant 112 : index
            %get3A_355 = tpu.vector_load %arg23[%get3A_353, %get3A_354] {strides = array<i32>} : memref<16x256xf32, #tpu.memory_space<vmem>>, vector<16xf32>,
            %add3A_356 = arith.addf %get3A_352, %get3A_355 : vector<16xf32>
            %max3A_357 = arith.constant 0.000000e+00 : f32
            %max3A_358 = vector.broadcast %max3A_357 : f32 to vector<16xf32>
            %max3A_359 = arith.maximumf %add3A_356, %max3A_358 : vector<16xf32>
            %get3A_360 = arith.constant 112 : index
            %get3A_361 = tpu.vector_load %arg12[%get3A_360] {strides = array<i32>} : memref<256xf32, #tpu.memory_space<vmem>>, vector<16xf32>,
            %mul3A_362 = arith.mulf %max3A_359, %get3A_361 : vector<16xf32>
            %add3A_363 = arith.addf %add3A_349, %mul3A_362 : vector<16xf32>
            %get3A_364 = arith.index_cast %scan3A_244 : i32 to index
            %get3A_365 = arith.constant 128 : index
            %get3A_366 = tpu.vector_load %arg22[%get3A_364, %get3A_365] {strides = array<i32>} : memref<16x256xf32, #tpu.memory_space<vmem>>, vector<16xf32>,
            %get3A_367 = arith.index_cast %scan3A_244 : i32 to index
            %get3A_368 = arith.constant 128 : index
            %get3A_369 = tpu.vector_load %arg23[%get3A_367, %get3A_368] {strides = array<i32>} : memref<16x256xf32, #tpu.memory_space<vmem>>, vector<16xf32>,
            %add3A_370 = arith.addf %get3A_366, %get3A_369 : vector<16xf32>
            %max3A_371 = arith.constant 0.000000e+00 : f32
            %max3A_372 = vector.broadcast %max3A_371 : f32 to vector<16xf32>
            %max3A_373 = arith.maximumf %add3A_370, %max3A_372 : vector<16xf32>
            %get3A_374 = arith.constant 128 : index
            %get3A_375 = tpu.vector_load %arg12[%get3A_374] {strides = array<i32>} : memref<256xf32, #tpu.memory_space<vmem>>, vector<16xf32>,
            %mul3A_376 = arith.mulf %max3A_373, %get3A_375 : vector<16xf32>
            %add3A_377 = arith.addf %add3A_363, %mul3A_376 : vector<16xf32>
            %get3A_378 = arith.index_cast %scan3A_244 : i32 to index
            %get3A_379 = arith.constant 144 : index
            %get3A_380 = tpu.vector_load %arg22[%get3A_378, %get3A_379] {strides = array<i32>} : memref<16x256xf32, #tpu.memory_space<vmem>>, vector<16xf32>,
            %get3A_381 = arith.index_cast %scan3A_244 : i32 to index
            %get3A_382 = arith.constant 144 : index
            %get3A_383 = tpu.vector_load %arg23[%get3A_381, %get3A_382] {strides = array<i32>} : memref<16x256xf32, #tpu.memory_space<vmem>>, vector<16xf32>,
            %add3A_384 = arith.addf %get3A_380, %get3A_383 : vector<16xf32>
            %max3A_385 = arith.constant 0.000000e+00 : f32
            %max3A_386 = vector.broadcast %max3A_385 : f32 to vector<16xf32>
            %max3A_387 = arith.maximumf %add3A_384, %max3A_386 : vector<16xf32>
            %get3A_388 = arith.constant 144 : index
            %get3A_389 = tpu.vector_load %arg12[%get3A_388] {strides = array<i32>} : memref<256xf32, #tpu.memory_space<vmem>>, vector<16xf32>,
            %mul3A_390 = arith.mulf %max3A_387, %get3A_389 : vector<16xf32>
            %add3A_391 = arith.addf %add3A_377, %mul3A_390 : vector<16xf32>
            %get3A_392 = arith.index_cast %scan3A_244 : i32 to index
            %get3A_393 = arith.constant 160 : index
            %get3A_394 = tpu.vector_load %arg22[%get3A_392, %get3A_393] {strides = array<i32>} : memref<16x256xf32, #tpu.memory_space<vmem>>, vector<16xf32>,
            %get3A_395 = arith.index_cast %scan3A_244 : i32 to index
            %get3A_396 = arith.constant 160 : index
            %get3A_397 = tpu.vector_load %arg23[%get3A_395, %get3A_396] {strides = array<i32>} : memref<16x256xf32, #tpu.memory_space<vmem>>, vector<16xf32>,
            %add3A_398 = arith.addf %get3A_394, %get3A_397 : vector<16xf32>
            %max3A_399 = arith.constant 0.000000e+00 : f32
            %max3A_400 = vector.broadcast %max3A_399 : f32 to vector<16xf32>
            %max3A_401 = arith.maximumf %add3A_398, %max3A_400 : vector<16xf32>
            %get3A_402 = arith.constant 160 : index
            %get3A_403 = tpu.vector_load %arg12[%get3A_402] {strides = array<i32>} : memref<256xf32, #tpu.memory_space<vmem>>, vector<16xf32>,
            %mul3A_404 = arith.mulf %max3A_401, %get3A_403 : vector<16xf32>
            %add3A_405 = arith.addf %add3A_391, %mul3A_404 : vector<16xf32>
            %get3A_406 = arith.index_cast %scan3A_244 : i32 to index
            %get3A_407 = arith.constant 176 : index
            %get3A_408 = tpu.vector_load %arg22[%get3A_406, %get3A_407] {strides = array<i32>} : memref<16x256xf32, #tpu.memory_space<vmem>>, vector<16xf32>,
            %get3A_409 = arith.index_cast %scan3A_244 : i32 to index
            %get3A_410 = arith.constant 176 : index
            %get3A_411 = tpu.vector_load %arg23[%get3A_409, %get3A_410] {strides = array<i32>} : memref<16x256xf32, #tpu.memory_space<vmem>>, vector<16xf32>,
            %add3A_412 = arith.addf %get3A_408, %get3A_411 : vector<16xf32>
            %max3A_413 = arith.constant 0.000000e+00 : f32
            %max3A_414 = vector.broadcast %max3A_413 : f32 to vector<16xf32>
            %max3A_415 = arith.maximumf %add3A_412, %max3A_414 : vector<16xf32>
            %get3A_416 = arith.constant 176 : index
            %get3A_417 = tpu.vector_load %arg12[%get3A_416] {strides = array<i32>} : memref<256xf32, #tpu.memory_space<vmem>>, vector<16xf32>,
            %mul3A_418 = arith.mulf %max3A_415, %get3A_417 : vector<16xf32>
            %add3A_419 = arith.addf %add3A_405, %mul3A_418 : vector<16xf32>
            %get3A_420 = arith.index_cast %scan3A_244 : i32 to index
            %get3A_421 = arith.constant 192 : index
            %get3A_422 = tpu.vector_load %arg22[%get3A_420, %get3A_421] {strides = array<i32>} : memref<16x256xf32, #tpu.memory_space<vmem>>, vector<16xf32>,
            %get3A_423 = arith.index_cast %scan3A_244 : i32 to index
            %get3A_424 = arith.constant 192 : index
            %get3A_425 = tpu.vector_load %arg23[%get3A_423, %get3A_424] {strides = array<i32>} : memref<16x256xf32, #tpu.memory_space<vmem>>, vector<16xf32>,
            %add3A_426 = arith.addf %get3A_422, %get3A_425 : vector<16xf32>
            %max3A_427 = arith.constant 0.000000e+00 : f32
            %max3A_428 = vector.broadcast %max3A_427 : f32 to vector<16xf32>
            %max3A_429 = arith.maximumf %add3A_426, %max3A_428 : vector<16xf32>
            %get3A_430 = arith.constant 192 : index
            %get3A_431 = tpu.vector_load %arg12[%get3A_430] {strides = array<i32>} : memref<256xf32, #tpu.memory_space<vmem>>, vector<16xf32>,
            %mul3A_432 = arith.mulf %max3A_429, %get3A_431 : vector<16xf32>
            %add3A_433 = arith.addf %add3A_419, %mul3A_432 : vector<16xf32>
            %get3A_434 = arith.index_cast %scan3A_244 : i32 to index
            %get3A_435 = arith.constant 208 : index
            %get3A_436 = tpu.vector_load %arg22[%get3A_434, %get3A_435] {strides = array<i32>} : memref<16x256xf32, #tpu.memory_space<vmem>>, vector<16xf32>,
            %get3A_437 = arith.index_cast %scan3A_244 : i32 to index
            %get3A_438 = arith.constant 208 : index
            %get3A_439 = tpu.vector_load %arg23[%get3A_437, %get3A_438] {strides = array<i32>} : memref<16x256xf32, #tpu.memory_space<vmem>>, vector<16xf32>,
            %add3A_440 = arith.addf %get3A_436, %get3A_439 : vector<16xf32>
            %max3A_441 = arith.constant 0.000000e+00 : f32
            %max3A_442 = vector.broadcast %max3A_441 : f32 to vector<16xf32>
            %max3A_443 = arith.maximumf %add3A_440, %max3A_442 : vector<16xf32>
            %get3A_444 = arith.constant 208 : index
            %get3A_445 = tpu.vector_load %arg12[%get3A_444] {strides = array<i32>} : memref<256xf32, #tpu.memory_space<vmem>>, vector<16xf32>,
            %mul3A_446 = arith.mulf %max3A_443, %get3A_445 : vector<16xf32>
            %add3A_447 = arith.addf %add3A_433, %mul3A_446 : vector<16xf32>
            %get3A_448 = arith.index_cast %scan3A_244 : i32 to index
            %get3A_449 = arith.constant 224 : index
            %get3A_450 = tpu.vector_load %arg22[%get3A_448, %get3A_449] {strides = array<i32>} : memref<16x256xf32, #tpu.memory_space<vmem>>, vector<16xf32>,
            %get3A_451 = arith.index_cast %scan3A_244 : i32 to index
            %get3A_452 = arith.constant 224 : index
            %get3A_453 = tpu.vector_load %arg23[%get3A_451, %get3A_452] {strides = array<i32>} : memref<16x256xf32, #tpu.memory_space<vmem>>, vector<16xf32>,
            %add3A_454 = arith.addf %get3A_450, %get3A_453 : vector<16xf32>
            %max3A_455 = arith.constant 0.000000e+00 : f32
            %max3A_456 = vector.broadcast %max3A_455 : f32 to vector<16xf32>
            %max3A_457 = arith.maximumf %add3A_454, %max3A_456 : vector<16xf32>
            %get3A_458 = arith.constant 224 : index
            %get3A_459 = tpu.vector_load %arg12[%get3A_458] {strides = array<i32>} : memref<256xf32, #tpu.memory_space<vmem>>, vector<16xf32>,
            %mul3A_460 = arith.mulf %max3A_457, %get3A_459 : vector<16xf32>
            %add3A_461 = arith.addf %add3A_447, %mul3A_460 : vector<16xf32>
            %get3A_462 = arith.index_cast %scan3A_244 : i32 to index
            %get3A_463 = arith.constant 240 : index
            %get3A_464 = tpu.vector_load %arg22[%get3A_462, %get3A_463] {strides = array<i32>} : memref<16x256xf32, #tpu.memory_space<vmem>>, vector<16xf32>,
            %get3A_465 = arith.index_cast %scan3A_244 : i32 to index
            %get3A_466 = arith.constant 240 : index
            %get3A_467 = tpu.vector_load %arg23[%get3A_465, %get3A_466] {strides = array<i32>} : memref<16x256xf32, #tpu.memory_space<vmem>>, vector<16xf32>,
            %add3A_468 = arith.addf %get3A_464, %get3A_467 : vector<16xf32>
            %max3A_469 = arith.constant 0.000000e+00 : f32
            %max3A_470 = vector.broadcast %max3A_469 : f32 to vector<16xf32>
            %max3A_471 = arith.maximumf %add3A_468, %max3A_470 : vector<16xf32>
            %get3A_472 = arith.constant 240 : index
            %get3A_473 = tpu.vector_load %arg12[%get3A_472] {strides = array<i32>} : memref<256xf32, #tpu.memory_space<vmem>>, vector<16xf32>,
            %mul3A_474 = arith.mulf %max3A_471, %get3A_473 : vector<16xf32>
            %add3A_475 = arith.addf %add3A_461, %mul3A_474 : vector<16xf32>
            %reduce_sum3A = arith.constant true
            %reduce_sum3A_476 = vector.broadcast %reduce_sum3A : i1 to vector<16xi1>
            %reduce_sum3A_477 = tpu.scan <sum>, %add3A_475 masked %reduce_sum3A_476 : vector<16xf32>, vector<16xi1> -> vector<16xf32>
            %reduce_sum3A_478 = vector.extract %reduce_sum3A_477[15] : f32 from vector<16xf32>
            %lt3A_479 = arith.cmpi slt, %add3A_248, %scan3A_118 : i32
            %jit3A_480 = arith.constant 1.000000e+00 : f32
            %jit3A_481 = arith.constant 0.000000e+00 : f32
            %select_n3A_482 = arith.select %lt3A_479, %jit3A_480, %jit3A_481 : f32
            %broadcast_in_dim3A_483 = vector.broadcast %reduce_sum3A_478 : f32 to vector<16xf32>
            %add3A_484 = arith.addf %broadcast_in_dim3A_483, %get3A_16 : vector<16xf32>
            %exp3A = math.exp %add3A_484 : vector<16xf32>
            %mul3A_485 = vector.broadcast %select_n3A_482 : f32 to vector<16xf32>
            %mul3A_486 = arith.mulf %exp3A, %mul3A_485 : vector<16xf32>
            %mul3A_487 = arith.mulf %mul3A_486, %max3A_261 : vector<16xf32>
            %swap3A = arith.index_cast %sub3A_251 : i32 to index
            %swap3A_488 = arith.constant 0 : index
            %swap3A_489 = tpu.vector_load %arg10[%swap3A, %swap3A_488] {strides = array<i32>} : memref<320x256xf32, #tpu.memory_space<vmem>>, vector<16xf32>,
            tpu.vector_store %arg10[%swap3A, %swap3A_488], %mul3A_487 {add = true, strides = array<i32>} : memref<320x256xf32, #tpu.memory_space<vmem>>, vector<16xf32>,
            %mul3A_490 = arith.mulf %mul3A_486, %max3A_275 : vector<16xf32>
            %swap3A_491 = arith.index_cast %sub3A_251 : i32 to index
            %swap3A_492 = arith.constant 16 : index
            %swap3A_493 = tpu.vector_load %arg10[%swap3A_491, %swap3A_492] {strides = array<i32>} : memref<320x256xf32, #tpu.memory_space<vmem>>, vector<16xf32>,
            tpu.vector_store %arg10[%swap3A_491, %swap3A_492], %mul3A_490 {add = true, strides = array<i32>} : memref<320x256xf32, #tpu.memory_space<vmem>>, vector<16xf32>,
            %mul3A_494 = arith.mulf %mul3A_486, %max3A_289 : vector<16xf32>
            %swap3A_495 = arith.index_cast %sub3A_251 : i32 to index
            %swap3A_496 = arith.constant 32 : index
            %swap3A_497 = tpu.vector_load %arg10[%swap3A_495, %swap3A_496] {strides = array<i32>} : memref<320x256xf32, #tpu.memory_space<vmem>>, vector<16xf32>,
            tpu.vector_store %arg10[%swap3A_495, %swap3A_496], %mul3A_494 {add = true, strides = array<i32>} : memref<320x256xf32, #tpu.memory_space<vmem>>, vector<16xf32>,
            %mul3A_498 = arith.mulf %mul3A_486, %max3A_303 : vector<16xf32>
            %swap3A_499 = arith.index_cast %sub3A_251 : i32 to index
            %swap3A_500 = arith.constant 48 : index
            %swap3A_501 = tpu.vector_load %arg10[%swap3A_499, %swap3A_500] {strides = array<i32>} : memref<320x256xf32, #tpu.memory_space<vmem>>, vector<16xf32>,
            tpu.vector_store %arg10[%swap3A_499, %swap3A_500], %mul3A_498 {add = true, strides = array<i32>} : memref<320x256xf32, #tpu.memory_space<vmem>>, vector<16xf32>,
            %mul3A_502 = arith.mulf %mul3A_486, %max3A_317 : vector<16xf32>
            %swap3A_503 = arith.index_cast %sub3A_251 : i32 to index
            %swap3A_504 = arith.constant 64 : index
            %swap3A_505 = tpu.vector_load %arg10[%swap3A_503, %swap3A_504] {strides = array<i32>} : memref<320x256xf32, #tpu.memory_space<vmem>>, vector<16xf32>,
            tpu.vector_store %arg10[%swap3A_503, %swap3A_504], %mul3A_502 {add = true, strides = array<i32>} : memref<320x256xf32, #tpu.memory_space<vmem>>, vector<16xf32>,
            %mul3A_506 = arith.mulf %mul3A_486, %max3A_331 : vector<16xf32>
            %swap3A_507 = arith.index_cast %sub3A_251 : i32 to index
            %swap3A_508 = arith.constant 80 : index
            %swap3A_509 = tpu.vector_load %arg10[%swap3A_507, %swap3A_508] {strides = array<i32>} : memref<320x256xf32, #tpu.memory_space<vmem>>, vector<16xf32>,
            tpu.vector_store %arg10[%swap3A_507, %swap3A_508], %mul3A_506 {add = true, strides = array<i32>} : memref<320x256xf32, #tpu.memory_space<vmem>>, vector<16xf32>,
            %mul3A_510 = arith.mulf %mul3A_486, %max3A_345 : vector<16xf32>
            %swap3A_511 = arith.index_cast %sub3A_251 : i32 to index
            %swap3A_512 = arith.constant 96 : index
            %swap3A_513 = tpu.vector_load %arg10[%swap3A_511, %swap3A_512] {strides = array<i32>} : memref<320x256xf32, #tpu.memory_space<vmem>>, vector<16xf32>,
            tpu.vector_store %arg10[%swap3A_511, %swap3A_512], %mul3A_510 {add = true, strides = array<i32>} : memref<320x256xf32, #tpu.memory_space<vmem>>, vector<16xf32>,
            %mul3A_514 = arith.mulf %mul3A_486, %max3A_359 : vector<16xf32>
            %swap3A_515 = arith.index_cast %sub3A_251 : i32 to index
            %swap3A_516 = arith.constant 112 : index
            %swap3A_517 = tpu.vector_load %arg10[%swap3A_515, %swap3A_516] {strides = array<i32>} : memref<320x256xf32, #tpu.memory_space<vmem>>, vector<16xf32>,
            tpu.vector_store %arg10[%swap3A_515, %swap3A_516], %mul3A_514 {add = true, strides = array<i32>} : memref<320x256xf32, #tpu.memory_space<vmem>>, vector<16xf32>,
            %mul3A_518 = arith.mulf %mul3A_486, %max3A_373 : vector<16xf32>
            %swap3A_519 = arith.index_cast %sub3A_251 : i32 to index
            %swap3A_520 = arith.constant 128 : index
            %swap3A_521 = tpu.vector_load %arg10[%swap3A_519, %swap3A_520] {strides = array<i32>} : memref<320x256xf32, #tpu.memory_space<vmem>>, vector<16xf32>,
            tpu.vector_store %arg10[%swap3A_519, %swap3A_520], %mul3A_518 {add = true, strides = array<i32>} : memref<320x256xf32, #tpu.memory_space<vmem>>, vector<16xf32>,
            %mul3A_522 = arith.mulf %mul3A_486, %max3A_387 : vector<16xf32>
            %swap3A_523 = arith.index_cast %sub3A_251 : i32 to index
            %swap3A_524 = arith.constant 144 : index
            %swap3A_525 = tpu.vector_load %arg10[%swap3A_523, %swap3A_524] {strides = array<i32>} : memref<320x256xf32, #tpu.memory_space<vmem>>, vector<16xf32>,
            tpu.vector_store %arg10[%swap3A_523, %swap3A_524], %mul3A_522 {add = true, strides = array<i32>} : memref<320x256xf32, #tpu.memory_space<vmem>>, vector<16xf32>,
            %mul3A_526 = arith.mulf %mul3A_486, %max3A_401 : vector<16xf32>
            %swap3A_527 = arith.index_cast %sub3A_251 : i32 to index
            %swap3A_528 = arith.constant 160 : index
            %swap3A_529 = tpu.vector_load %arg10[%swap3A_527, %swap3A_528] {strides = array<i32>} : memref<320x256xf32, #tpu.memory_space<vmem>>, vector<16xf32>,
            tpu.vector_store %arg10[%swap3A_527, %swap3A_528], %mul3A_526 {add = true, strides = array<i32>} : memref<320x256xf32, #tpu.memory_space<vmem>>, vector<16xf32>,
            %mul3A_530 = arith.mulf %mul3A_486, %max3A_415 : vector<16xf32>
            %swap3A_531 = arith.index_cast %sub3A_251 : i32 to index
            %swap3A_532 = arith.constant 176 : index
            %swap3A_533 = tpu.vector_load %arg10[%swap3A_531, %swap3A_532] {strides = array<i32>} : memref<320x256xf32, #tpu.memory_space<vmem>>, vector<16xf32>,
            tpu.vector_store %arg10[%swap3A_531, %swap3A_532], %mul3A_530 {add = true, strides = array<i32>} : memref<320x256xf32, #tpu.memory_space<vmem>>, vector<16xf32>,
            %mul3A_534 = arith.mulf %mul3A_486, %max3A_429 : vector<16xf32>
            %swap3A_535 = arith.index_cast %sub3A_251 : i32 to index
            %swap3A_536 = arith.constant 192 : index
            %swap3A_537 = tpu.vector_load %arg10[%swap3A_535, %swap3A_536] {strides = array<i32>} : memref<320x256xf32, #tpu.memory_space<vmem>>, vector<16xf32>,
            tpu.vector_store %arg10[%swap3A_535, %swap3A_536], %mul3A_534 {add = true, strides = array<i32>} : memref<320x256xf32, #tpu.memory_space<vmem>>, vector<16xf32>,
            %mul3A_538 = arith.mulf %mul3A_486, %max3A_443 : vector<16xf32>
            %swap3A_539 = arith.index_cast %sub3A_251 : i32 to index
            %swap3A_540 = arith.constant 208 : index
            %swap3A_541 = tpu.vector_load %arg10[%swap3A_539, %swap3A_540] {strides = array<i32>} : memref<320x256xf32, #tpu.memory_space<vmem>>, vector<16xf32>,
            tpu.vector_store %arg10[%swap3A_539, %swap3A_540], %mul3A_538 {add = true, strides = array<i32>} : memref<320x256xf32, #tpu.memory_space<vmem>>, vector<16xf32>,
            %mul3A_542 = arith.mulf %mul3A_486, %max3A_457 : vector<16xf32>
            %swap3A_543 = arith.index_cast %sub3A_251 : i32 to index
            %swap3A_544 = arith.constant 224 : index
            %swap3A_545 = tpu.vector_load %arg10[%swap3A_543, %swap3A_544] {strides = array<i32>} : memref<320x256xf32, #tpu.memory_space<vmem>>, vector<16xf32>,
            tpu.vector_store %arg10[%swap3A_543, %swap3A_544], %mul3A_542 {add = true, strides = array<i32>} : memref<320x256xf32, #tpu.memory_space<vmem>>, vector<16xf32>,
            %mul3A_546 = arith.mulf %mul3A_486, %max3A_471 : vector<16xf32>
            %swap3A_547 = arith.index_cast %sub3A_251 : i32 to index
            %swap3A_548 = arith.constant 240 : index
            %swap3A_549 = tpu.vector_load %arg10[%swap3A_547, %swap3A_548] {strides = array<i32>} : memref<320x256xf32, #tpu.memory_space<vmem>>, vector<16xf32>,
            tpu.vector_store %arg10[%swap3A_547, %swap3A_548], %mul3A_546 {add = true, strides = array<i32>} : memref<320x256xf32, #tpu.memory_space<vmem>>, vector<16xf32>,
            %mul3A_550 = arith.constant 16 : i32
            %mul3A_551 = arith.muli %sub3A_251, %mul3A_550 : i32
            %mul3A_552 = arith.mulf %mul3A_486, %convert_element_type3A_19 : vector<16xf32>
            %swap3A_553 = arith.index_cast %mul3A_551 : i32 to index
            %swap3A_554 = tpu.vector_load %arg11[%swap3A_553] {strides = array<i32>} : memref<5120xf32, #tpu.memory_space<vmem>>, vector<16xf32>,
            tpu.vector_store %arg11[%swap3A_553], %mul3A_552 {add = true, strides = array<i32>} : memref<5120xf32, #tpu.memory_space<vmem>>, vector<16xf32>,
            %scan3A_555 = arith.constant 0 : i32
            %scan3A_556 = arith.constant 1 : i32
            %scan3A_557 = arith.addi %scan3A_244, %scan3A_556 : i32
            %mul3A_558 = arith.constant 16 : i32
            %mul3A_559 = arith.muli %add3A_236, %mul3A_558 : i32
            %add3A_560 = arith.addi %mul3A_559, %scan3A_557 : i32
            %get3A_561 = arith.index_cast %add3A_560 : i32 to index
            %get3A_562 = tpu.vector_load %arg19[%get3A_561] {strides = array<i32>} : memref<6448xi32, #tpu.memory_space<vmem>>, vector<16xi32>,
            %slice3A_563 = vector.extract_strided_slice %get3A_562 {offsets = [0], sizes = [1], strides = [1]} : vector<16xi32> to vector<1xi32>
            %squeeze3A_564 = vector.extract %slice3A_563[0] : i32 from vector<1xi32>
            %sub3A_565 = arith.subi %squeeze3A_564, %mul3A_2 : i32
            %broadcast_in_dim3A_566 = arith.constant 0.000000e+00 : f32
            %broadcast_in_dim3A_567 = vector.broadcast %broadcast_in_dim3A_566 : f32 to vector<16xf32>
            %get3A_568 = arith.index_cast %scan3A_557 : i32 to index
            %get3A_569 = arith.constant 0 : index
            %get3A_570 = tpu.vector_load %arg22[%get3A_568, %get3A_569] {strides = array<i32>} : memref<16x256xf32, #tpu.memory_space<vmem>>, vector<16xf32>,
            %get3A_571 = arith.index_cast %scan3A_557 : i32 to index
            %get3A_572 = arith.constant 0 : index
            %get3A_573 = tpu.vector_load %arg23[%get3A_571, %get3A_572] {strides = array<i32>} : memref<16x256xf32, #tpu.memory_space<vmem>>, vector<16xf32>,
            %add3A_574 = arith.addf %get3A_570, %get3A_573 : vector<16xf32>
            %max3A_575 = arith.constant 0.000000e+00 : f32
            %max3A_576 = vector.broadcast %max3A_575 : f32 to vector<16xf32>
            %max3A_577 = arith.maximumf %add3A_574, %max3A_576 : vector<16xf32>
            %get3A_578 = arith.constant 0 : index
            %get3A_579 = tpu.vector_load %arg12[%get3A_578] {strides = array<i32>} : memref<256xf32, #tpu.memory_space<vmem>>, vector<16xf32>,
            %mul3A_580 = arith.mulf %max3A_577, %get3A_579 : vector<16xf32>
            %add3A_581 = arith.addf %broadcast_in_dim3A_567, %mul3A_580 : vector<16xf32>
            %get3A_582 = arith.index_cast %scan3A_557 : i32 to index
            %get3A_583 = arith.constant 16 : index
            %get3A_584 = tpu.vector_load %arg22[%get3A_582, %get3A_583] {strides = array<i32>} : memref<16x256xf32, #tpu.memory_space<vmem>>, vector<16xf32>,
            %get3A_585 = arith.index_cast %scan3A_557 : i32 to index
            %get3A_586 = arith.constant 16 : index
            %get3A_587 = tpu.vector_load %arg23[%get3A_585, %get3A_586] {strides = array<i32>} : memref<16x256xf32, #tpu.memory_space<vmem>>, vector<16xf32>,
            %add3A_588 = arith.addf %get3A_584, %get3A_587 : vector<16xf32>
            %max3A_589 = arith.constant 0.000000e+00 : f32
            %max3A_590 = vector.broadcast %max3A_589 : f32 to vector<16xf32>
            %max3A_591 = arith.maximumf %add3A_588, %max3A_590 : vector<16xf32>
            %get3A_592 = arith.constant 16 : index
            %get3A_593 = tpu.vector_load %arg12[%get3A_592] {strides = array<i32>} : memref<256xf32, #tpu.memory_space<vmem>>, vector<16xf32>,
            %mul3A_594 = arith.mulf %max3A_591, %get3A_593 : vector<16xf32>
            %add3A_595 = arith.addf %add3A_581, %mul3A_594 : vector<16xf32>
            %get3A_596 = arith.index_cast %scan3A_557 : i32 to index
            %get3A_597 = arith.constant 32 : index
            %get3A_598 = tpu.vector_load %arg22[%get3A_596, %get3A_597] {strides = array<i32>} : memref<16x256xf32, #tpu.memory_space<vmem>>, vector<16xf32>,
            %get3A_599 = arith.index_cast %scan3A_557 : i32 to index
            %get3A_600 = arith.constant 32 : index
            %get3A_601 = tpu.vector_load %arg23[%get3A_599, %get3A_600] {strides = array<i32>} : memref<16x256xf32, #tpu.memory_space<vmem>>, vector<16xf32>,
            %add3A_602 = arith.addf %get3A_598, %get3A_601 : vector<16xf32>
            %max3A_603 = arith.constant 0.000000e+00 : f32
            %max3A_604 = vector.broadcast %max3A_603 : f32 to vector<16xf32>
            %max3A_605 = arith.maximumf %add3A_602, %max3A_604 : vector<16xf32>
            %get3A_606 = arith.constant 32 : index
            %get3A_607 = tpu.vector_load %arg12[%get3A_606] {strides = array<i32>} : memref<256xf32, #tpu.memory_space<vmem>>, vector<16xf32>,
            %mul3A_608 = arith.mulf %max3A_605, %get3A_607 : vector<16xf32>
            %add3A_609 = arith.addf %add3A_595, %mul3A_608 : vector<16xf32>
            %get3A_610 = arith.index_cast %scan3A_557 : i32 to index
            %get3A_611 = arith.constant 48 : index
            %get3A_612 = tpu.vector_load %arg22[%get3A_610, %get3A_611] {strides = array<i32>} : memref<16x256xf32, #tpu.memory_space<vmem>>, vector<16xf32>,
            %get3A_613 = arith.index_cast %scan3A_557 : i32 to index
            %get3A_614 = arith.constant 48 : index
            %get3A_615 = tpu.vector_load %arg23[%get3A_613, %get3A_614] {strides = array<i32>} : memref<16x256xf32, #tpu.memory_space<vmem>>, vector<16xf32>,
            %add3A_616 = arith.addf %get3A_612, %get3A_615 : vector<16xf32>
            %max3A_617 = arith.constant 0.000000e+00 : f32
            %max3A_618 = vector.broadcast %max3A_617 : f32 to vector<16xf32>
            %max3A_619 = arith.maximumf %add3A_616, %max3A_618 : vector<16xf32>
            %get3A_620 = arith.constant 48 : index
            %get3A_621 = tpu.vector_load %arg12[%get3A_620] {strides = array<i32>} : memref<256xf32, #tpu.memory_space<vmem>>, vector<16xf32>,
            %mul3A_622 = arith.mulf %max3A_619, %get3A_621 : vector<16xf32>
            %add3A_623 = arith.addf %add3A_609, %mul3A_622 : vector<16xf32>
            %get3A_624 = arith.index_cast %scan3A_557 : i32 to index
            %get3A_625 = arith.constant 64 : index
            %get3A_626 = tpu.vector_load %arg22[%get3A_624, %get3A_625] {strides = array<i32>} : memref<16x256xf32, #tpu.memory_space<vmem>>, vector<16xf32>,
            %get3A_627 = arith.index_cast %scan3A_557 : i32 to index
            %get3A_628 = arith.constant 64 : index
            %get3A_629 = tpu.vector_load %arg23[%get3A_627, %get3A_628] {strides = array<i32>} : memref<16x256xf32, #tpu.memory_space<vmem>>, vector<16xf32>,
            %add3A_630 = arith.addf %get3A_626, %get3A_629 : vector<16xf32>
            %max3A_631 = arith.constant 0.000000e+00 : f32
            %max3A_632 = vector.broadcast %max3A_631 : f32 to vector<16xf32>
            %max3A_633 = arith.maximumf %add3A_630, %max3A_632 : vector<16xf32>
            %get3A_634 = arith.constant 64 : index
            %get3A_635 = tpu.vector_load %arg12[%get3A_634] {strides = array<i32>} : memref<256xf32, #tpu.memory_space<vmem>>, vector<16xf32>,
            %mul3A_636 = arith.mulf %max3A_633, %get3A_635 : vector<16xf32>
            %add3A_637 = arith.addf %add3A_623, %mul3A_636 : vector<16xf32>
            %get3A_638 = arith.index_cast %scan3A_557 : i32 to index
            %get3A_639 = arith.constant 80 : index
            %get3A_640 = tpu.vector_load %arg22[%get3A_638, %get3A_639] {strides = array<i32>} : memref<16x256xf32, #tpu.memory_space<vmem>>, vector<16xf32>,
            %get3A_641 = arith.index_cast %scan3A_557 : i32 to index
            %get3A_642 = arith.constant 80 : index
            %get3A_643 = tpu.vector_load %arg23[%get3A_641, %get3A_642] {strides = array<i32>} : memref<16x256xf32, #tpu.memory_space<vmem>>, vector<16xf32>,
            %add3A_644 = arith.addf %get3A_640, %get3A_643 : vector<16xf32>
            %max3A_645 = arith.constant 0.000000e+00 : f32
            %max3A_646 = vector.broadcast %max3A_645 : f32 to vector<16xf32>
            %max3A_647 = arith.maximumf %add3A_644, %max3A_646 : vector<16xf32>
            %get3A_648 = arith.constant 80 : index
            %get3A_649 = tpu.vector_load %arg12[%get3A_648] {strides = array<i32>} : memref<256xf32, #tpu.memory_space<vmem>>, vector<16xf32>,
            %mul3A_650 = arith.mulf %max3A_647, %get3A_649 : vector<16xf32>
            %add3A_651 = arith.addf %add3A_637, %mul3A_650 : vector<16xf32>
            %get3A_652 = arith.index_cast %scan3A_557 : i32 to index
            %get3A_653 = arith.constant 96 : index
            %get3A_654 = tpu.vector_load %arg22[%get3A_652, %get3A_653] {strides = array<i32>} : memref<16x256xf32, #tpu.memory_space<vmem>>, vector<16xf32>,
            %get3A_655 = arith.index_cast %scan3A_557 : i32 to index
            %get3A_656 = arith.constant 96 : index
            %get3A_657 = tpu.vector_load %arg23[%get3A_655, %get3A_656] {strides = array<i32>} : memref<16x256xf32, #tpu.memory_space<vmem>>, vector<16xf32>,
            %add3A_658 = arith.addf %get3A_654, %get3A_657 : vector<16xf32>
            %max3A_659 = arith.constant 0.000000e+00 : f32
            %max3A_660 = vector.broadcast %max3A_659 : f32 to vector<16xf32>
            %max3A_661 = arith.maximumf %add3A_658, %max3A_660 : vector<16xf32>
            %get3A_662 = arith.constant 96 : index
            %get3A_663 = tpu.vector_load %arg12[%get3A_662] {strides = array<i32>} : memref<256xf32, #tpu.memory_space<vmem>>, vector<16xf32>,
            %mul3A_664 = arith.mulf %max3A_661, %get3A_663 : vector<16xf32>
            %add3A_665 = arith.addf %add3A_651, %mul3A_664 : vector<16xf32>
            %get3A_666 = arith.index_cast %scan3A_557 : i32 to index
            %get3A_667 = arith.constant 112 : index
            %get3A_668 = tpu.vector_load %arg22[%get3A_666, %get3A_667] {strides = array<i32>} : memref<16x256xf32, #tpu.memory_space<vmem>>, vector<16xf32>,
            %get3A_669 = arith.index_cast %scan3A_557 : i32 to index
            %get3A_670 = arith.constant 112 : index
            %get3A_671 = tpu.vector_load %arg23[%get3A_669, %get3A_670] {strides = array<i32>} : memref<16x256xf32, #tpu.memory_space<vmem>>, vector<16xf32>,
            %add3A_672 = arith.addf %get3A_668, %get3A_671 : vector<16xf32>
            %max3A_673 = arith.constant 0.000000e+00 : f32
            %max3A_674 = vector.broadcast %max3A_673 : f32 to vector<16xf32>
            %max3A_675 = arith.maximumf %add3A_672, %max3A_674 : vector<16xf32>
            %get3A_676 = arith.constant 112 : index
            %get3A_677 = tpu.vector_load %arg12[%get3A_676] {strides = array<i32>} : memref<256xf32, #tpu.memory_space<vmem>>, vector<16xf32>,
            %mul3A_678 = arith.mulf %max3A_675, %get3A_677 : vector<16xf32>
            %add3A_679 = arith.addf %add3A_665, %mul3A_678 : vector<16xf32>
            %get3A_680 = arith.index_cast %scan3A_557 : i32 to index
            %get3A_681 = arith.constant 128 : index
            %get3A_682 = tpu.vector_load %arg22[%get3A_680, %get3A_681] {strides = array<i32>} : memref<16x256xf32, #tpu.memory_space<vmem>>, vector<16xf32>,
            %get3A_683 = arith.index_cast %scan3A_557 : i32 to index
            %get3A_684 = arith.constant 128 : index
            %get3A_685 = tpu.vector_load %arg23[%get3A_683, %get3A_684] {strides = array<i32>} : memref<16x256xf32, #tpu.memory_space<vmem>>, vector<16xf32>,
            %add3A_686 = arith.addf %get3A_682, %get3A_685 : vector<16xf32>
            %max3A_687 = arith.constant 0.000000e+00 : f32
            %max3A_688 = vector.broadcast %max3A_687 : f32 to vector<16xf32>
            %max3A_689 = arith.maximumf %add3A_686, %max3A_688 : vector<16xf32>
            %get3A_690 = arith.constant 128 : index
            %get3A_691 = tpu.vector_load %arg12[%get3A_690] {strides = array<i32>} : memref<256xf32, #tpu.memory_space<vmem>>, vector<16xf32>,
            %mul3A_692 = arith.mulf %max3A_689, %get3A_691 : vector<16xf32>
            %add3A_693 = arith.addf %add3A_679, %mul3A_692 : vector<16xf32>
            %get3A_694 = arith.index_cast %scan3A_557 : i32 to index
            %get3A_695 = arith.constant 144 : index
            %get3A_696 = tpu.vector_load %arg22[%get3A_694, %get3A_695] {strides = array<i32>} : memref<16x256xf32, #tpu.memory_space<vmem>>, vector<16xf32>,
            %get3A_697 = arith.index_cast %scan3A_557 : i32 to index
            %get3A_698 = arith.constant 144 : index
            %get3A_699 = tpu.vector_load %arg23[%get3A_697, %get3A_698] {strides = array<i32>} : memref<16x256xf32, #tpu.memory_space<vmem>>, vector<16xf32>,
            %add3A_700 = arith.addf %get3A_696, %get3A_699 : vector<16xf32>
            %max3A_701 = arith.constant 0.000000e+00 : f32
            %max3A_702 = vector.broadcast %max3A_701 : f32 to vector<16xf32>
            %max3A_703 = arith.maximumf %add3A_700, %max3A_702 : vector<16xf32>
            %get3A_704 = arith.constant 144 : index
            %get3A_705 = tpu.vector_load %arg12[%get3A_704] {strides = array<i32>} : memref<256xf32, #tpu.memory_space<vmem>>, vector<16xf32>,
            %mul3A_706 = arith.mulf %max3A_703, %get3A_705 : vector<16xf32>
            %add3A_707 = arith.addf %add3A_693, %mul3A_706 : vector<16xf32>
            %get3A_708 = arith.index_cast %scan3A_557 : i32 to index
            %get3A_709 = arith.constant 160 : index
            %get3A_710 = tpu.vector_load %arg22[%get3A_708, %get3A_709] {strides = array<i32>} : memref<16x256xf32, #tpu.memory_space<vmem>>, vector<16xf32>,
            %get3A_711 = arith.index_cast %scan3A_557 : i32 to index
            %get3A_712 = arith.constant 160 : index
            %get3A_713 = tpu.vector_load %arg23[%get3A_711, %get3A_712] {strides = array<i32>} : memref<16x256xf32, #tpu.memory_space<vmem>>, vector<16xf32>,
            %add3A_714 = arith.addf %get3A_710, %get3A_713 : vector<16xf32>
            %max3A_715 = arith.constant 0.000000e+00 : f32
            %max3A_716 = vector.broadcast %max3A_715 : f32 to vector<16xf32>
            %max3A_717 = arith.maximumf %add3A_714, %max3A_716 : vector<16xf32>
            %get3A_718 = arith.constant 160 : index
            %get3A_719 = tpu.vector_load %arg12[%get3A_718] {strides = array<i32>} : memref<256xf32, #tpu.memory_space<vmem>>, vector<16xf32>,
            %mul3A_720 = arith.mulf %max3A_717, %get3A_719 : vector<16xf32>
            %add3A_721 = arith.addf %add3A_707, %mul3A_720 : vector<16xf32>
            %get3A_722 = arith.index_cast %scan3A_557 : i32 to index
            %get3A_723 = arith.constant 176 : index
            %get3A_724 = tpu.vector_load %arg22[%get3A_722, %get3A_723] {strides = array<i32>} : memref<16x256xf32, #tpu.memory_space<vmem>>, vector<16xf32>,
            %get3A_725 = arith.index_cast %scan3A_557 : i32 to index
            %get3A_726 = arith.constant 176 : index
            %get3A_727 = tpu.vector_load %arg23[%get3A_725, %get3A_726] {strides = array<i32>} : memref<16x256xf32, #tpu.memory_space<vmem>>, vector<16xf32>,
            %add3A_728 = arith.addf %get3A_724, %get3A_727 : vector<16xf32>
            %max3A_729 = arith.constant 0.000000e+00 : f32
            %max3A_730 = vector.broadcast %max3A_729 : f32 to vector<16xf32>
            %max3A_731 = arith.maximumf %add3A_728, %max3A_730 : vector<16xf32>
            %get3A_732 = arith.constant 176 : index
            %get3A_733 = tpu.vector_load %arg12[%get3A_732] {strides = array<i32>} : memref<256xf32, #tpu.memory_space<vmem>>, vector<16xf32>,
            %mul3A_734 = arith.mulf %max3A_731, %get3A_733 : vector<16xf32>
            %add3A_735 = arith.addf %add3A_721, %mul3A_734 : vector<16xf32>
            %get3A_736 = arith.index_cast %scan3A_557 : i32 to index
            %get3A_737 = arith.constant 192 : index
            %get3A_738 = tpu.vector_load %arg22[%get3A_736, %get3A_737] {strides = array<i32>} : memref<16x256xf32, #tpu.memory_space<vmem>>, vector<16xf32>,
            %get3A_739 = arith.index_cast %scan3A_557 : i32 to index
            %get3A_740 = arith.constant 192 : index
            %get3A_741 = tpu.vector_load %arg23[%get3A_739, %get3A_740] {strides = array<i32>} : memref<16x256xf32, #tpu.memory_space<vmem>>, vector<16xf32>,
            %add3A_742 = arith.addf %get3A_738, %get3A_741 : vector<16xf32>
            %max3A_743 = arith.constant 0.000000e+00 : f32
            %max3A_744 = vector.broadcast %max3A_743 : f32 to vector<16xf32>
            %max3A_745 = arith.maximumf %add3A_742, %max3A_744 : vector<16xf32>
            %get3A_746 = arith.constant 192 : index
            %get3A_747 = tpu.vector_load %arg12[%get3A_746] {strides = array<i32>} : memref<256xf32, #tpu.memory_space<vmem>>, vector<16xf32>,
            %mul3A_748 = arith.mulf %max3A_745, %get3A_747 : vector<16xf32>
            %add3A_749 = arith.addf %add3A_735, %mul3A_748 : vector<16xf32>
            %get3A_750 = arith.index_cast %scan3A_557 : i32 to index
            %get3A_751 = arith.constant 208 : index
            %get3A_752 = tpu.vector_load %arg22[%get3A_750, %get3A_751] {strides = array<i32>} : memref<16x256xf32, #tpu.memory_space<vmem>>, vector<16xf32>,
            %get3A_753 = arith.index_cast %scan3A_557 : i32 to index
            %get3A_754 = arith.constant 208 : index
            %get3A_755 = tpu.vector_load %arg23[%get3A_753, %get3A_754] {strides = array<i32>} : memref<16x256xf32, #tpu.memory_space<vmem>>, vector<16xf32>,
            %add3A_756 = arith.addf %get3A_752, %get3A_755 : vector<16xf32>
            %max3A_757 = arith.constant 0.000000e+00 : f32
            %max3A_758 = vector.broadcast %max3A_757 : f32 to vector<16xf32>
            %max3A_759 = arith.maximumf %add3A_756, %max3A_758 : vector<16xf32>
            %get3A_760 = arith.constant 208 : index
            %get3A_761 = tpu.vector_load %arg12[%get3A_760] {strides = array<i32>} : memref<256xf32, #tpu.memory_space<vmem>>, vector<16xf32>,
            %mul3A_762 = arith.mulf %max3A_759, %get3A_761 : vector<16xf32>
            %add3A_763 = arith.addf %add3A_749, %mul3A_762 : vector<16xf32>
            %get3A_764 = arith.index_cast %scan3A_557 : i32 to index
            %get3A_765 = arith.constant 224 : index
            %get3A_766 = tpu.vector_load %arg22[%get3A_764, %get3A_765] {strides = array<i32>} : memref<16x256xf32, #tpu.memory_space<vmem>>, vector<16xf32>,
            %get3A_767 = arith.index_cast %scan3A_557 : i32 to index
            %get3A_768 = arith.constant 224 : index
            %get3A_769 = tpu.vector_load %arg23[%get3A_767, %get3A_768] {strides = array<i32>} : memref<16x256xf32, #tpu.memory_space<vmem>>, vector<16xf32>,
            %add3A_770 = arith.addf %get3A_766, %get3A_769 : vector<16xf32>
            %max3A_771 = arith.constant 0.000000e+00 : f32
            %max3A_772 = vector.broadcast %max3A_771 : f32 to vector<16xf32>
            %max3A_773 = arith.maximumf %add3A_770, %max3A_772 : vector<16xf32>
            %get3A_774 = arith.constant 224 : index
            %get3A_775 = tpu.vector_load %arg12[%get3A_774] {strides = array<i32>} : memref<256xf32, #tpu.memory_space<vmem>>, vector<16xf32>,
            %mul3A_776 = arith.mulf %max3A_773, %get3A_775 : vector<16xf32>
            %add3A_777 = arith.addf %add3A_763, %mul3A_776 : vector<16xf32>
            %get3A_778 = arith.index_cast %scan3A_557 : i32 to index
            %get3A_779 = arith.constant 240 : index
            %get3A_780 = tpu.vector_load %arg22[%get3A_778, %get3A_779] {strides = array<i32>} : memref<16x256xf32, #tpu.memory_space<vmem>>, vector<16xf32>,
            %get3A_781 = arith.index_cast %scan3A_557 : i32 to index
            %get3A_782 = arith.constant 240 : index
            %get3A_783 = tpu.vector_load %arg23[%get3A_781, %get3A_782] {strides = array<i32>} : memref<16x256xf32, #tpu.memory_space<vmem>>, vector<16xf32>,
            %add3A_784 = arith.addf %get3A_780, %get3A_783 : vector<16xf32>
            %max3A_785 = arith.constant 0.000000e+00 : f32
            %max3A_786 = vector.broadcast %max3A_785 : f32 to vector<16xf32>
            %max3A_787 = arith.maximumf %add3A_784, %max3A_786 : vector<16xf32>
            %get3A_788 = arith.constant 240 : index
            %get3A_789 = tpu.vector_load %arg12[%get3A_788] {strides = array<i32>} : memref<256xf32, #tpu.memory_space<vmem>>, vector<16xf32>,
            %mul3A_790 = arith.mulf %max3A_787, %get3A_789 : vector<16xf32>
            %add3A_791 = arith.addf %add3A_777, %mul3A_790 : vector<16xf32>
            %reduce_sum3A_792 = arith.constant true
            %reduce_sum3A_793 = vector.broadcast %reduce_sum3A_792 : i1 to vector<16xi1>
            %reduce_sum3A_794 = tpu.scan <sum>, %add3A_791 masked %reduce_sum3A_793 : vector<16xf32>, vector<16xi1> -> vector<16xf32>
            %reduce_sum3A_795 = vector.extract %reduce_sum3A_794[15] : f32 from vector<16xf32>
            %lt3A_796 = arith.cmpi slt, %add3A_560, %scan3A_118 : i32
            %jit3A_797 = arith.constant 1.000000e+00 : f32
            %jit3A_798 = arith.constant 0.000000e+00 : f32
            %select_n3A_799 = arith.select %lt3A_796, %jit3A_797, %jit3A_798 : f32
            %broadcast_in_dim3A_800 = vector.broadcast %reduce_sum3A_795 : f32 to vector<16xf32>
            %add3A_801 = arith.addf %broadcast_in_dim3A_800, %get3A_16 : vector<16xf32>
            %exp3A_802 = math.exp %add3A_801 : vector<16xf32>
            %mul3A_803 = vector.broadcast %select_n3A_799 : f32 to vector<16xf32>
            %mul3A_804 = arith.mulf %exp3A_802, %mul3A_803 : vector<16xf32>
            %mul3A_805 = arith.mulf %mul3A_804, %max3A_577 : vector<16xf32>
            %swap3A_806 = arith.index_cast %sub3A_565 : i32 to index
            %swap3A_807 = arith.constant 0 : index
            %swap3A_808 = tpu.vector_load %arg10[%swap3A_806, %swap3A_807] {strides = array<i32>} : memref<320x256xf32, #tpu.memory_space<vmem>>, vector<16xf32>,
            tpu.vector_store %arg10[%swap3A_806, %swap3A_807], %mul3A_805 {add = true, strides = array<i32>} : memref<320x256xf32, #tpu.memory_space<vmem>>, vector<16xf32>,
            %mul3A_809 = arith.mulf %mul3A_804, %max3A_591 : vector<16xf32>
            %swap3A_810 = arith.index_cast %sub3A_565 : i32 to index
            %swap3A_811 = arith.constant 16 : index
            %swap3A_812 = tpu.vector_load %arg10[%swap3A_810, %swap3A_811] {strides = array<i32>} : memref<320x256xf32, #tpu.memory_space<vmem>>, vector<16xf32>,
            tpu.vector_store %arg10[%swap3A_810, %swap3A_811], %mul3A_809 {add = true, strides = array<i32>} : memref<320x256xf32, #tpu.memory_space<vmem>>, vector<16xf32>,
            %mul3A_813 = arith.mulf %mul3A_804, %max3A_605 : vector<16xf32>
            %swap3A_814 = arith.index_cast %sub3A_565 : i32 to index
            %swap3A_815 = arith.constant 32 : index
            %swap3A_816 = tpu.vector_load %arg10[%swap3A_814, %swap3A_815] {strides = array<i32>} : memref<320x256xf32, #tpu.memory_space<vmem>>, vector<16xf32>,
            tpu.vector_store %arg10[%swap3A_814, %swap3A_815], %mul3A_813 {add = true, strides = array<i32>} : memref<320x256xf32, #tpu.memory_space<vmem>>, vector<16xf32>,
            %mul3A_817 = arith.mulf %mul3A_804, %max3A_619 : vector<16xf32>
            %swap3A_818 = arith.index_cast %sub3A_565 : i32 to index
            %swap3A_819 = arith.constant 48 : index
            %swap3A_820 = tpu.vector_load %arg10[%swap3A_818, %swap3A_819] {strides = array<i32>} : memref<320x256xf32, #tpu.memory_space<vmem>>, vector<16xf32>,
            tpu.vector_store %arg10[%swap3A_818, %swap3A_819], %mul3A_817 {add = true, strides = array<i32>} : memref<320x256xf32, #tpu.memory_space<vmem>>, vector<16xf32>,
            %mul3A_821 = arith.mulf %mul3A_804, %max3A_633 : vector<16xf32>
            %swap3A_822 = arith.index_cast %sub3A_565 : i32 to index
            %swap3A_823 = arith.constant 64 : index
            %swap3A_824 = tpu.vector_load %arg10[%swap3A_822, %swap3A_823] {strides = array<i32>} : memref<320x256xf32, #tpu.memory_space<vmem>>, vector<16xf32>,
            tpu.vector_store %arg10[%swap3A_822, %swap3A_823], %mul3A_821 {add = true, strides = array<i32>} : memref<320x256xf32, #tpu.memory_space<vmem>>, vector<16xf32>,
            %mul3A_825 = arith.mulf %mul3A_804, %max3A_647 : vector<16xf32>
            %swap3A_826 = arith.index_cast %sub3A_565 : i32 to index
            %swap3A_827 = arith.constant 80 : index
            %swap3A_828 = tpu.vector_load %arg10[%swap3A_826, %swap3A_827] {strides = array<i32>} : memref<320x256xf32, #tpu.memory_space<vmem>>, vector<16xf32>,
            tpu.vector_store %arg10[%swap3A_826, %swap3A_827], %mul3A_825 {add = true, strides = array<i32>} : memref<320x256xf32, #tpu.memory_space<vmem>>, vector<16xf32>,
            %mul3A_829 = arith.mulf %mul3A_804, %max3A_661 : vector<16xf32>
            %swap3A_830 = arith.index_cast %sub3A_565 : i32 to index
            %swap3A_831 = arith.constant 96 : index
            %swap3A_832 = tpu.vector_load %arg10[%swap3A_830, %swap3A_831] {strides = array<i32>} : memref<320x256xf32, #tpu.memory_space<vmem>>, vector<16xf32>,
            tpu.vector_store %arg10[%swap3A_830, %swap3A_831], %mul3A_829 {add = true, strides = array<i32>} : memref<320x256xf32, #tpu.memory_space<vmem>>, vector<16xf32>,
            %mul3A_833 = arith.mulf %mul3A_804, %max3A_675 : vector<16xf32>
            %swap3A_834 = arith.index_cast %sub3A_565 : i32 to index
            %swap3A_835 = arith.constant 112 : index
            %swap3A_836 = tpu.vector_load %arg10[%swap3A_834, %swap3A_835] {strides = array<i32>} : memref<320x256xf32, #tpu.memory_space<vmem>>, vector<16xf32>,
            tpu.vector_store %arg10[%swap3A_834, %swap3A_835], %mul3A_833 {add = true, strides = array<i32>} : memref<320x256xf32, #tpu.memory_space<vmem>>, vector<16xf32>,
            %mul3A_837 = arith.mulf %mul3A_804, %max3A_689 : vector<16xf32>
            %swap3A_838 = arith.index_cast %sub3A_565 : i32 to index
            %swap3A_839 = arith.constant 128 : index
            %swap3A_840 = tpu.vector_load %arg10[%swap3A_838, %swap3A_839] {strides = array<i32>} : memref<320x256xf32, #tpu.memory_space<vmem>>, vector<16xf32>,
            tpu.vector_store %arg10[%swap3A_838, %swap3A_839], %mul3A_837 {add = true, strides = array<i32>} : memref<320x256xf32, #tpu.memory_space<vmem>>, vector<16xf32>,
            %mul3A_841 = arith.mulf %mul3A_804, %max3A_703 : vector<16xf32>
            %swap3A_842 = arith.index_cast %sub3A_565 : i32 to index
            %swap3A_843 = arith.constant 144 : index
            %swap3A_844 = tpu.vector_load %arg10[%swap3A_842, %swap3A_843] {strides = array<i32>} : memref<320x256xf32, #tpu.memory_space<vmem>>, vector<16xf32>,
            tpu.vector_store %arg10[%swap3A_842, %swap3A_843], %mul3A_841 {add = true, strides = array<i32>} : memref<320x256xf32, #tpu.memory_space<vmem>>, vector<16xf32>,
            %mul3A_845 = arith.mulf %mul3A_804, %max3A_717 : vector<16xf32>
            %swap3A_846 = arith.index_cast %sub3A_565 : i32 to index
            %swap3A_847 = arith.constant 160 : index
            %swap3A_848 = tpu.vector_load %arg10[%swap3A_846, %swap3A_847] {strides = array<i32>} : memref<320x256xf32, #tpu.memory_space<vmem>>, vector<16xf32>,
            tpu.vector_store %arg10[%swap3A_846, %swap3A_847], %mul3A_845 {add = true, strides = array<i32>} : memref<320x256xf32, #tpu.memory_space<vmem>>, vector<16xf32>,
            %mul3A_849 = arith.mulf %mul3A_804, %max3A_731 : vector<16xf32>
            %swap3A_850 = arith.index_cast %sub3A_565 : i32 to index
            %swap3A_851 = arith.constant 176 : index
            %swap3A_852 = tpu.vector_load %arg10[%swap3A_850, %swap3A_851] {strides = array<i32>} : memref<320x256xf32, #tpu.memory_space<vmem>>, vector<16xf32>,
            tpu.vector_store %arg10[%swap3A_850, %swap3A_851], %mul3A_849 {add = true, strides = array<i32>} : memref<320x256xf32, #tpu.memory_space<vmem>>, vector<16xf32>,
            %mul3A_853 = arith.mulf %mul3A_804, %max3A_745 : vector<16xf32>
            %swap3A_854 = arith.index_cast %sub3A_565 : i32 to index
            %swap3A_855 = arith.constant 192 : index
            %swap3A_856 = tpu.vector_load %arg10[%swap3A_854, %swap3A_855] {strides = array<i32>} : memref<320x256xf32, #tpu.memory_space<vmem>>, vector<16xf32>,
            tpu.vector_store %arg10[%swap3A_854, %swap3A_855], %mul3A_853 {add = true, strides = array<i32>} : memref<320x256xf32, #tpu.memory_space<vmem>>, vector<16xf32>,
            %mul3A_857 = arith.mulf %mul3A_804, %max3A_759 : vector<16xf32>
            %swap3A_858 = arith.index_cast %sub3A_565 : i32 to index
            %swap3A_859 = arith.constant 208 : index
            %swap3A_860 = tpu.vector_load %arg10[%swap3A_858, %swap3A_859] {strides = array<i32>} : memref<320x256xf32, #tpu.memory_space<vmem>>, vector<16xf32>,
            tpu.vector_store %arg10[%swap3A_858, %swap3A_859], %mul3A_857 {add = true, strides = array<i32>} : memref<320x256xf32, #tpu.memory_space<vmem>>, vector<16xf32>,
            %mul3A_861 = arith.mulf %mul3A_804, %max3A_773 : vector<16xf32>
            %swap3A_862 = arith.index_cast %sub3A_565 : i32 to index
            %swap3A_863 = arith.constant 224 : index
            %swap3A_864 = tpu.vector_load %arg10[%swap3A_862, %swap3A_863] {strides = array<i32>} : memref<320x256xf32, #tpu.memory_space<vmem>>, vector<16xf32>,
            tpu.vector_store %arg10[%swap3A_862, %swap3A_863], %mul3A_861 {add = true, strides = array<i32>} : memref<320x256xf32, #tpu.memory_space<vmem>>, vector<16xf32>,
            %mul3A_865 = arith.mulf %mul3A_804, %max3A_787 : vector<16xf32>
            %swap3A_866 = arith.index_cast %sub3A_565 : i32 to index
            %swap3A_867 = arith.constant 240 : index
            %swap3A_868 = tpu.vector_load %arg10[%swap3A_866, %swap3A_867] {strides = array<i32>} : memref<320x256xf32, #tpu.memory_space<vmem>>, vector<16xf32>,
            tpu.vector_store %arg10[%swap3A_866, %swap3A_867], %mul3A_865 {add = true, strides = array<i32>} : memref<320x256xf32, #tpu.memory_space<vmem>>, vector<16xf32>,
            %mul3A_869 = arith.constant 16 : i32
            %mul3A_870 = arith.muli %sub3A_565, %mul3A_869 : i32
            %mul3A_871 = arith.mulf %mul3A_804, %convert_element_type3A_19 : vector<16xf32>
            %swap3A_872 = arith.index_cast %mul3A_870 : i32 to index
            %swap3A_873 = tpu.vector_load %arg11[%swap3A_872] {strides = array<i32>} : memref<5120xf32, #tpu.memory_space<vmem>>, vector<16xf32>,
            tpu.vector_store %arg11[%swap3A_872], %mul3A_871 {add = true, strides = array<i32>} : memref<5120xf32, #tpu.memory_space<vmem>>, vector<16xf32>,
            %scan3A_874 = arith.constant 0 : i32
            scf.yield %scan3A_874 : i32
          }
          %scan3A_243 = arith.constant 16 : i32
        } else {
        }
        %while3A_224 = arith.constant 0 : i32
        scf.yield %while3A_224 : i32
      }
      %scan3A_184 = arith.constant 0 : i32
      scf.yield %scan3A_184 : i32
    }
    %scan3A_41 = arith.constant 25 : i32
    "tpu.region"() ({
      %run_scoped3A = tpu.sem_alloc : memref<!tpu.dma_semaphore, #tpu.memory_space<semaphore_mem>>
      %dma_start3A_44 = arith.constant 0 : i32
      %dma_start3A_45 = tpu.memref_slice %arg8[%mul3A_2, %dma_start3A_44] : memref<10240x256xf32, #tpu.memory_space<hbm>> -> memref<320x256xf32, #tpu.memory_space<hbm>>
      %dma_start3A_46 = arith.constant 0 : i32
      %dma_start3A_47 = tpu.memref_slice %arg8[%mul3A_2, %dma_start3A_46] : memref<10240x256xf32, #tpu.memory_space<hbm>> -> memref<320x256xf32, #tpu.memory_space<hbm>>
      tpu.enqueue_dma source(%arg10 : memref<320x256xf32, #tpu.memory_space<vmem>>) target(%dma_start3A_47 : memref<320x256xf32, #tpu.memory_space<hbm>>) target_semaphore(%run_scoped3A : memref<!tpu.dma_semaphore, #tpu.memory_space<semaphore_mem>>)
      %dma_wait3A = arith.constant 0 : i32
      %dma_wait3A_48 = tpu.memref_slice %arg8[%mul3A_2, %dma_wait3A] : memref<10240x256xf32, #tpu.memory_space<hbm>> -> memref<320x256xf32, #tpu.memory_space<hbm>>
      %dma_wait3A_49 = arith.constant 0 : i32
      %dma_wait3A_50 = tpu.memref_slice %arg8[%mul3A_2, %dma_wait3A_49] : memref<10240x256xf32, #tpu.memory_space<hbm>> -> memref<320x256xf32, #tpu.memory_space<hbm>>
      tpu.wait_dma2 semaphore(%run_scoped3A : memref<!tpu.dma_semaphore, #tpu.memory_space<semaphore_mem>>) src(%arg10 : memref<320x256xf32, #tpu.memory_space<vmem>>) dst(%dma_wait3A_50 : memref<320x256xf32, #tpu.memory_space<hbm>>)
      tpu.yield
    }) : () -> ()
    %mul3A_42 = arith.constant 16 : i32
    %mul3A_43 = arith.muli %mul3A_2, %mul3A_42 : i32
    "tpu.region"() ({
      %run_scoped3A = tpu.sem_alloc : memref<!tpu.dma_semaphore, #tpu.memory_space<semaphore_mem>>
      %dma_start3A_44 = tpu.memref_slice %arg9[%mul3A_43] : memref<163840xf32, #tpu.memory_space<hbm>> -> memref<5120xf32, #tpu.memory_space<hbm>>
      %dma_start3A_45 = tpu.memref_slice %arg9[%mul3A_43] : memref<163840xf32, #tpu.memory_space<hbm>> -> memref<5120xf32, #tpu.memory_space<hbm>>
      tpu.enqueue_dma source(%arg11 : memref<5120xf32, #tpu.memory_space<vmem>>) target(%dma_start3A_45 : memref<5120xf32, #tpu.memory_space<hbm>>) target_semaphore(%run_scoped3A : memref<!tpu.dma_semaphore, #tpu.memory_space<semaphore_mem>>)
      %dma_wait3A = tpu.memref_slice %arg9[%mul3A_43] : memref<163840xf32, #tpu.memory_space<hbm>> -> memref<5120xf32, #tpu.memory_space<hbm>>
      %dma_wait3A_46 = tpu.memref_slice %arg9[%mul3A_43] : memref<163840xf32, #tpu.memory_space<hbm>> -> memref<5120xf32, #tpu.memory_space<hbm>>
      tpu.wait_dma2 semaphore(%run_scoped3A : memref<!tpu.dma_semaphore, #tpu.memory_space<semaphore_mem>>) src(%arg11 : memref<5120xf32, #tpu.memory_space<vmem>>) dst(%dma_wait3A_46 : memref<5120xf32, #tpu.memory_space<hbm>>)
      tpu.yield
    }) : () -> ()
    return
  }
}

module attributes {stable_mosaic.version = 14 : i64} {
  func.func @_mm1_body(%arg0: i32, %arg1: memref<400x256xf32, #tpu.memory_space<vmem>>, %arg2: memref<256x768xf32, #tpu.memory_space<vmem>>, %arg3: memref<1x768xf32, #tpu.memory_space<vmem>>, %arg4: memref<400x256xf32, #tpu.memory_space<vmem>>, %arg5: memref<400x256xf32, #tpu.memory_space<vmem>>, %arg6: memref<400x256xf32, #tpu.memory_space<vmem>>) attributes {dimension_semantics = [#tpu.dimension_semantics<arbitrary>], iteration_bounds = array<i64: 25>, scalar_prefetch = 0 : i64, scratch_operands = 0 : i64, tpu.core_type = #tpu.core_type<tc>, window_params = [{transform_indices = @transform_0, window_bounds = array<i64: 400, 256>}, {pipeline_mode = #tpu.pipeline_mode<synchronous>, transform_indices = @transform_1, window_bounds = array<i64: 256, 768>}, {pipeline_mode = #tpu.pipeline_mode<synchronous>, transform_indices = @transform_2, window_bounds = array<i64: 1, 768>}, {transform_indices = @transform_3, window_bounds = array<i64: 400, 256>}, {transform_indices = @transform_4, window_bounds = array<i64: 400, 256>}, {transform_indices = @transform_5, window_bounds = array<i64: 400, 256>}]} {
    %get3A = arith.constant 0 : index
    %get3A_0 = arith.constant 0 : index
    %get3A_1 = vector.load %arg1[%get3A, %get3A_0] : memref<400x256xf32, #tpu.memory_space<vmem>>, vector<400x256xf32>
    %get3A_2 = arith.constant 0 : index
    %get3A_3 = arith.constant 0 : index
    %get3A_4 = vector.load %arg2[%get3A_2, %get3A_3] : memref<256x768xf32, #tpu.memory_space<vmem>>, vector<256x768xf32>
    %dot_general3A = arith.constant dense<0.000000e+00> : vector<400x768xf32>
    %dot_general3A_5 = tpu.matmul %get3A_1, %get3A_4, %dot_general3A {dimension_numbers = #tpu.dot_dimension_numbers<[1], [0], [0], [1], [0, 0, 1, 1], [], []>, transpose_lhs_hint = false} : vector<400x256xf32>, vector<256x768xf32>, vector<400x768xf32> -> vector<400x768xf32>
    %get3A_6 = arith.constant 0 : index
    %get3A_7 = arith.constant 0 : index
    %get3A_8 = vector.load %arg3[%get3A_6, %get3A_7] : memref<1x768xf32, #tpu.memory_space<vmem>>, vector<1x768xf32>
    %add3A = vector.broadcast %get3A_8 : vector<1x768xf32> to vector<400x768xf32>
    %add3A_9 = arith.addf %dot_general3A_5, %add3A : vector<400x768xf32>
    %slice3A = vector.extract_strided_slice %add3A_9 {offsets = [0, 0], sizes = [400, 256], strides = [1, 1]} : vector<400x768xf32> to vector<400x256xf32>
    %swap3A = arith.constant 0 : index
    %swap3A_10 = arith.constant 0 : index
    %swap3A_11 = vector.load %arg4[%swap3A, %swap3A_10] : memref<400x256xf32, #tpu.memory_space<vmem>>, vector<400x256xf32>
    tpu.vector_store %arg4[%swap3A, %swap3A_10], %slice3A {strides = array<i32>} : memref<400x256xf32, #tpu.memory_space<vmem>>, vector<400x256xf32>,
    %slice3A_12 = vector.extract_strided_slice %add3A_9 {offsets = [0, 256], sizes = [400, 256], strides = [1, 1]} : vector<400x768xf32> to vector<400x256xf32>
    %swap3A_13 = arith.constant 0 : index
    %swap3A_14 = arith.constant 0 : index
    %swap3A_15 = vector.load %arg5[%swap3A_13, %swap3A_14] : memref<400x256xf32, #tpu.memory_space<vmem>>, vector<400x256xf32>
    tpu.vector_store %arg5[%swap3A_13, %swap3A_14], %slice3A_12 {strides = array<i32>} : memref<400x256xf32, #tpu.memory_space<vmem>>, vector<400x256xf32>,
    %slice3A_16 = vector.extract_strided_slice %add3A_9 {offsets = [0, 512], sizes = [400, 256], strides = [1, 1]} : vector<400x768xf32> to vector<400x256xf32>
    %swap3A_17 = arith.constant 0 : index
    %swap3A_18 = arith.constant 0 : index
    %swap3A_19 = vector.load %arg6[%swap3A_17, %swap3A_18] : memref<400x256xf32, #tpu.memory_space<vmem>>, vector<400x256xf32>
    tpu.vector_store %arg6[%swap3A_17, %swap3A_18], %slice3A_16 {strides = array<i32>} : memref<400x256xf32, #tpu.memory_space<vmem>>, vector<400x256xf32>,
    return
  }
  func.func @transform_0(%arg0: i32) -> (i32, i32) {
    %c0_i32 = arith.constant 0 : i32
    %c0_i32_0 = arith.constant 0 : i32
    return %arg0, %c0_i32 : i32, i32
  }
  func.func @transform_1(%arg0: i32) -> (i32, i32) {
    %c0_i32 = arith.constant 0 : i32
    %c0_i32_0 = arith.constant 0 : i32
    %c0_i32_1 = arith.constant 0 : i32
    return %c0_i32, %c0_i32_0 : i32, i32
  }
  func.func @transform_2(%arg0: i32) -> (i32, i32) {
    %c0_i32 = arith.constant 0 : i32
    %c0_i32_0 = arith.constant 0 : i32
    %c0_i32_1 = arith.constant 0 : i32
    return %c0_i32, %c0_i32_0 : i32, i32
  }
  func.func @transform_3(%arg0: i32) -> (i32, i32) {
    %c0_i32 = arith.constant 0 : i32
    %c0_i32_0 = arith.constant 0 : i32
    return %arg0, %c0_i32 : i32, i32
  }
  func.func @transform_4(%arg0: i32) -> (i32, i32) {
    %c0_i32 = arith.constant 0 : i32
    %c0_i32_0 = arith.constant 0 : i32
    return %arg0, %c0_i32 : i32, i32
  }
  func.func @transform_5(%arg0: i32) -> (i32, i32) {
    %c0_i32 = arith.constant 0 : i32
    %c0_i32_0 = arith.constant 0 : i32
    return %arg0, %c0_i32 : i32, i32
  }
}

module attributes {stable_mosaic.version = 14 : i64} {
  func.func @_mm2_body(%arg0: i32, %arg1: memref<400x256xf32, #tpu.memory_space<vmem>>, %arg2: memref<400x16xf32, #tpu.memory_space<vmem>>, %arg3: memref<400x256xf32, #tpu.memory_space<vmem>>, %arg4: memref<256x256xf32, #tpu.memory_space<vmem>>, %arg5: memref<400x256xf32, #tpu.memory_space<vmem>>) attributes {dimension_semantics = [#tpu.dimension_semantics<arbitrary>], iteration_bounds = array<i64: 25>, scalar_prefetch = 0 : i64, scratch_operands = 0 : i64, tpu.core_type = #tpu.core_type<tc>, window_params = [{transform_indices = @transform_0, window_bounds = array<i64: 400, 256>}, {transform_indices = @transform_1, window_bounds = array<i64: 400, 16>}, {transform_indices = @transform_2, window_bounds = array<i64: 400, 256>}, {pipeline_mode = #tpu.pipeline_mode<synchronous>, transform_indices = @transform_3, window_bounds = array<i64: 256, 256>}, {transform_indices = @transform_4, window_bounds = array<i64: 400, 256>}]} {
    %get3A = arith.constant 0 : index
    %get3A_0 = arith.constant 0 : index
    %get3A_1 = vector.load %arg1[%get3A, %get3A_0] : memref<400x256xf32, #tpu.memory_space<vmem>>, vector<400x256xf32>
    %get3A_2 = arith.constant 0 : index
    %get3A_3 = arith.constant 0 : index
    %get3A_4 = vector.load %arg2[%get3A_2, %get3A_3] : memref<400x16xf32, #tpu.memory_space<vmem>>, vector<400x1xf32>
    %add3A = arith.constant 9.99999971E-10 : f32
    %add3A_5 = vector.broadcast %add3A : f32 to vector<400x1xf32>
    %add3A_6 = arith.addf %get3A_4, %add3A_5 : vector<400x1xf32>
    %div3A = vector.broadcast %add3A_6 : vector<400x1xf32> to vector<400x256xf32>
    %div3A_7 = arith.divf %get3A_1, %div3A : vector<400x256xf32>
    %get3A_8 = arith.constant 0 : index
    %get3A_9 = arith.constant 0 : index
    %get3A_10 = vector.load %arg4[%get3A_8, %get3A_9] : memref<256x256xf32, #tpu.memory_space<vmem>>, vector<256x256xf32>
    %dot_general3A = arith.constant dense<0.000000e+00> : vector<400x256xf32>
    %dot_general3A_11 = tpu.matmul %div3A_7, %get3A_10, %dot_general3A {dimension_numbers = #tpu.dot_dimension_numbers<[1], [0], [0], [1], [0, 0, 1, 1], [], []>, transpose_lhs_hint = false} : vector<400x256xf32>, vector<256x256xf32>, vector<400x256xf32> -> vector<400x256xf32>
    %get3A_12 = arith.constant 0 : index
    %get3A_13 = arith.constant 0 : index
    %get3A_14 = vector.load %arg3[%get3A_12, %get3A_13] : memref<400x256xf32, #tpu.memory_space<vmem>>, vector<400x256xf32>
    %add3A_15 = arith.addf %dot_general3A_11, %get3A_14 : vector<400x256xf32>
    %max3A = arith.constant 0.000000e+00 : f32
    %max3A_16 = vector.broadcast %max3A : f32 to vector<400x256xf32>
    %max3A_17 = arith.maximumf %add3A_15, %max3A_16 : vector<400x256xf32>
    %swap3A = arith.constant 0 : index
    %swap3A_18 = arith.constant 0 : index
    %swap3A_19 = vector.load %arg5[%swap3A, %swap3A_18] : memref<400x256xf32, #tpu.memory_space<vmem>>, vector<400x256xf32>
    tpu.vector_store %arg5[%swap3A, %swap3A_18], %max3A_17 {strides = array<i32>} : memref<400x256xf32, #tpu.memory_space<vmem>>, vector<400x256xf32>,
    return
  }
  func.func @transform_0(%arg0: i32) -> (i32, i32) {
    %c0_i32 = arith.constant 0 : i32
    %c0_i32_0 = arith.constant 0 : i32
    return %arg0, %c0_i32 : i32, i32
  }
  func.func @transform_1(%arg0: i32) -> (i32, i32) {
    %c0_i32 = arith.constant 0 : i32
    %c0_i32_0 = arith.constant 0 : i32
    return %arg0, %c0_i32 : i32, i32
  }
  func.func @transform_2(%arg0: i32) -> (i32, i32) {
    %c0_i32 = arith.constant 0 : i32
    %c0_i32_0 = arith.constant 0 : i32
    return %arg0, %c0_i32 : i32, i32
  }
  func.func @transform_3(%arg0: i32) -> (i32, i32) {
    %c0_i32 = arith.constant 0 : i32
    %c0_i32_0 = arith.constant 0 : i32
    %c0_i32_1 = arith.constant 0 : i32
    return %c0_i32, %c0_i32_0 : i32, i32
  }
  func.func @transform_4(%arg0: i32) -> (i32, i32) {
    %c0_i32 = arith.constant 0 : i32
    %c0_i32_0 = arith.constant 0 : i32
    return %arg0, %c0_i32 : i32, i32
  }
}

</mosaic_0001>

<sc_bundles>
// kernel: kernel.5.cloned.1.call-start
scs
__scs_entry_jumppad:
0x0: {  	(pc) =	sbr.rel $0x88, $3  }
0x1: {  	(tag) =	ssettag $0x0;
	lr =	simm.s32 $0x1  }
0x2: {  	[smem:$0x3F99] =	sst lr;
	_ =	strace $0xD0000000  }
0x3: {  	_ = 	snop  }
0x4: {  	_ = 	snop  }
0x5: {  	_ = 	snop  }
0x6: {  	_ = 	snop  }
0x7: {  	_ = 	snop  }
__scs_overlays_trampoline_lowered:
0x8: {  	[smem:$0x3FA8] =	sst s0  }
0x9: {  	[smem:$0x3FA9] =	sst s1  }
0xa: {  	[smem:$0x3FAA] =	sst s2  }
0xb: {  	[smem:$0x3FAB] =	sst s3  }
0xc: {  	[smem:$0x3FAC] =	sst s4  }
0xd: {  	[smem:$0x3FAD] =	sst s5  }
0xe: {  	[smem:$0x3FAE] =	sst s6  }
0xf: {  	[smem:$0x3FAF] =	sst s7  }
0x10: {  	[smem:$0x3FB0] =	sst s8  }
0x11: {  	[smem:$0x3FB1] =	sst s9;
	s0 =	simm.s32 @!p0 $0x0  }
0x12: {  	s1 =	sld [smem:$0x3F97];
	s0 =	simm.s32 @p0 $0x1  }
0x13: {  	[smem:$0x3FB2] =	sst s0;
	s0 =	simm.s32 @!p1 $0x0  }
0x14: {  	s2 =	sld [smem:$0x3F96];
	s0 =	simm.s32 @p1 $0x1  }
0x15: {  	[smem:$0x3FB3] =	sst s0;
	s0 =	simm.s32 @!p2 $0x0  }
0x16: {  	s3 =	sld [smem:$0x3FDB];
	s0 =	simm.s32 @p2 $0x1  }
0x17: {  	s4 =	simm.s32 $0x1BF5;
	[smem:$0x3FB5] =	sst s0  }
0x18: {  	s0 =	sld [smem:$0x3F98];
	_ =	swait.ge [sflag:s4], $0x0  }
0x19: {  	s7 =	sld [smem:$0x3F99]  }
0x1a: {  	s8 =	sadd.s32 $0xFFFFE003, lr  }
0x1b: {  	s9 =	sadd.s32 $0xFFFFFEF7, lr;
	s5 =	simm.s32 $0xFFFFFFFF;
	p2 =	slt.u32 s8, $0xFFFFF086  }
0x1c: {  	p1 =	slt.u32 s9, $0xF7A;
	s5 =	simm.s32 @!p2 $0x0  }
0x1d: {  	s5 =	simm.s32 @p1 $0x1;
	p0 =	seq.s32 s7, s2  }
0x1e: {  	s7 =	smul.u32 @!p0 $0xF7A, s2;
	p2 =	seq.s32 @!p0 s5, $0x0  }
0x1f: {  	s9 =	smul.u32 $0xF7A, s1;
	s8 =	simm.s32 @!p0 $0x1BF5;
	p2 =	por !p2, p0  }
0x20: {  	[sflag:s8] =	ssyncset.s32 @!p0 $0xFFFFF086;
	s6 =	sadd.s32 @!p0 s3, s7;
	s7 =	simm.s32 @!p0 $0x108  }
0x21: {  	s3 =	sadd.s32 s3, s9;
	s6 =	sadd.s32 @!p0 $0x88, s6;
	s7 =	simm.s32 @p2 $0x1082  }
0x22: {  	[simem:s7], [sflag:s8] =	dma.local @!p0 [hbm:s6], $0xF7A  }
0x23: {  	s9 =	sor.u32 $0xD0000000, s2;
	s6 =	simm.s32 $0x108;
	_ =	swait.ge @!p0 [sflag:s8], $0x0  }
0x24: {  	s3 =	sadd.s32 $0x88, s3;
	s6 =	simm.s32 @!p1 $0x1082;
	[sflag:s4] =	ssyncset.s32 $0xFFFFF086  }
0x25: {  	[simem:s6], [sflag:s4] =	dma.local [hbm:s3], $0xF7A  }
0x26: {  	[smem:$0x3F99] =	sst s1;
	(tag) =	ssettag s2;
	_ =	strace s9  }
0x27: {  	s1 =	sld [smem:$0x3FA9]  }
0x28: {  	s2 =	sld [smem:$0x3FAA]  }
0x29: {  	s4 =	sld [smem:$0x3FAC]  }
0x2a: {  	p0 =	seq.s32 s5, $0x0;
	s5 =	sld [smem:$0x3FAD]  }
0x2b: {  	s6 =	sld [smem:$0x3FAE]  }
0x2c: {  	s7 =	sld [smem:$0x3FAF]  }
0x2d: {  	s3 =	simm.s32 $0x108;
	s8 =	sld [smem:$0x3FB0]  }
0x2e: {  	s3 =	simm.s32 @!p0 $0x1082;
	s9 =	sld [smem:$0x3FB1]  }
0x2f: {  	lr =	sadd.s32 s0, s3;
	s0 =	sld [smem:$0x3FA8]  }
0x30: {  	s3 =	sld [smem:$0x3FAB]  }
0x31: {  	[smem:$0x3FB4] =	sst s10  }
0x32: {  	s10 =	sld [smem:$0x3FB2];
	_ =	sdelay $0x3  }
0x33: {  	p0 =	seq.s32 s10, $0x1;
	s10 =	sld [smem:$0x3FB4];
	_ =	sdelay $0x3  }
0x34: {  	[smem:$0x3FB4] =	sst s10  }
0x35: {  	s10 =	sld [smem:$0x3FB3];
	_ =	sdelay $0x3  }
0x36: {  	p1 =	seq.s32 s10, $0x1;
	s10 =	sld [smem:$0x3FB4];
	_ =	sdelay $0x3  }
0x37: {  	[smem:$0x3FB4] =	sst s10  }
0x38: {  	s10 =	sld [smem:$0x3FB5]  }
0x39: {  	_ = 	snop;
	(pc) =	sbr.ind lr, $3  }
0x3a: {  	_ = 	snop  }
0x3b: {  	_ = 	snop  }
0x3c: {  	p2 =	seq.s32 s10, $0x1;
	s10 =	sld [smem:$0x3FB4]  }
0x3d: {  	_ =	shalt  }
0x3e: {  	_ =	shalt  }
0x3f: {  	_ =	shalt  }
0x40: {  	_ =	shalt  }
0x41: {  	_ =	shalt  }
0x42: {  	_ =	shalt  }
0x43: {  	_ =	shalt  }
0x44: {  	_ =	shalt  }
0x45: {  	_ =	shalt  }
0x46: {  	_ =	shalt  }
0x47: {  	_ =	shalt  }
0x48: {  	_ =	shalt  }
0x49: {  	_ =	shalt  }
0x4a: {  	_ =	shalt  }
0x4b: {  	_ =	shalt  }
0x4c: {  	_ =	shalt  }
0x4d: {  	_ =	shalt  }
0x4e: {  	_ =	shalt  }
0x4f: {  	_ =	shalt  }
0x50: {  	_ =	shalt  }
0x51: {  	_ =	shalt  }
0x52: {  	_ =	shalt  }
0x53: {  	_ =	shalt  }
0x54: {  	_ =	shalt  }
0x55: {  	_ =	shalt  }
0x56: {  	_ =	shalt  }
0x57: {  	_ =	shalt  }
0x58: {  	_ =	shalt  }
0x59: {  	_ =	shalt  }
0x5a: {  	_ =	shalt  }
0x5b: {  	_ =	shalt  }
0x5c: {  	_ =	shalt  }
0x5d: {  	_ =	shalt  }
0x5e: {  	_ =	shalt  }
0x5f: {  	_ =	shalt  }
0x60: {  	_ =	shalt  }
0x61: {  	_ =	shalt  }
0x62: {  	_ =	shalt  }
0x63: {  	_ =	shalt  }
0x64: {  	_ =	shalt  }
0x65: {  	_ =	shalt  }
0x66: {  	_ =	shalt  }
0x67: {  	_ =	shalt  }
0x68: {  	_ =	shalt  }
0x69: {  	_ =	shalt  }
0x6a: {  	_ =	shalt  }
0x6b: {  	_ =	shalt  }
0x6c: {  	_ =	shalt  }
0x6d: {  	_ =	shalt  }
0x6e: {  	_ =	shalt  }
0x6f: {  	_ =	shalt  }
0x70: {  	_ =	shalt  }
0x71: {  	_ =	shalt  }
0x72: {  	_ =	shalt  }
0x73: {  	_ =	shalt  }
0x74: {  	_ =	shalt  }
0x75: {  	_ =	shalt  }
0x76: {  	_ =	shalt  }
0x77: {  	_ =	shalt  }
0x78: {  	_ =	shalt  }
0x79: {  	_ =	shalt  }
0x7a: {  	_ =	shalt  }
0x7b: {  	_ =	shalt  }
0x7c: {  	_ =	shalt  }
0x7d: {  	_ =	shalt  }
0x7e: {  	_ =	shalt  }
0x7f: {  	_ =	shalt  }
0x80: {  	_ =	shalt  }
0x81: {  	_ =	shalt  }
0x82: {  	_ =	shalt  }
0x83: {  	_ =	shalt  }
0x84: {  	_ =	shalt  }
0x85: {  	_ =	shalt  }
0x86: {  	_ =	shalt  }
0x87: {  	_ =	shalt  }
.Lfunc_end0:
.L_simem_size_0:
called_computation_lowered:
.L_overlay_start_0:
0x88: {  	s2 =	sld [smem:$0x3FD9]  }
0x89: {  	s3 =	sld [smem:$0x3FFE];
	_ =	sdelay $0x1  }
0x8a: {  	s1 =	srdreg.scid  }
0x8b: {  	s0 =	sand.u32 $0x1, s1  }
0x8c: {  	s17 =	sshll.u32 s0, $0xA;
	s2 =	sadd.s32 s3, s2  }
0x8d: {  	s2 =	sadd.s32 s2, s17  }
0x8e: {  	[smem:$0x3FC0] =	sst s2  }
0x8f: {  	_ = 	snop  }
0x90: {  	s2 =	sld [smem:$0x3FC5]  }
0x91: {  	s18 =	sld [smem:$0x3FD0];
	(tm) =	ssettm $0x1  }
0x92: {  	s4 =	sld [smem:$0x3FFB];
	_ =	sdelay $0x3  }
0x93: {  	_ =	strace s4  }
0x94: {  	s4 =	sld [smem:$0x3FFC];
	_ =	sdelay $0x3  }
0x95: {  	_ =	strace s4  }
0x96: {  	s4 =	sld [smem:$0x3FFD];
	_ =	sdelay $0x3  }
0x97: {  	_ =	strace s4  }
0x98: {  	_ =	strace $0x8FFFFFFF  }
0x99: {  	s19 =	sld [smem:$0x3FDB];
	_ =	sdelay $0x1  }
0x9a: {  	s5 =	simm.s32 $_scs_section_size  }
0x9b: {  	s6 =	simm.s32 $_size__tile_overlayer_lowered;
	s7 =	simm.s32 $_tile_overlayer_lowered  }
0x9c: {  	s22 =	simm.s32 $0x1BFF;
	s21 =	sshll.u32 s7, $0x1;
	s4 =	sadd.s32 s5, s19  }
0x9d: {  	s8 =	simm.s32 $0x0;
	s20 =	sshll.u32 s6, $0x1;
	s6 =	sadd.s32 s21, s4  }
0x9e: {  	[timem:s8], [sflag:s22] =	dma.local [hbm:s6], s20  }
0x9f: {  	_ =	swait.ge [sflag:s22], s20  }
0xa0: {  	s5 =	ssub.s32 $0x0, s20;
	[sflag:s22] =	ssyncset.done $0x0  }
0xa1: {  	[sflag:s22] =	ssyncadd.s32 s5;
	_ =	sdelay $0x1  }
0xa2: {  	s23 =	simm.s32 $0x1B8B  }
0xa3: {  	_ =	swait.ge [sflag:s23], $0x1  }
0xa4: {  	[sflag:s23] =	ssyncset.done $0x0  }
0xa5: {  	s25 =	simm.s32 $0x1B8E;
	s24 =	sld [smem:$0x3FFE];
	[sflag:s23] =	ssyncadd.s32 $0xFFFFFFFF  }
0xa6: {  	s26 =	simm.s32 $execute0_lowered;
	[smem:$0x3FD2] =	sst s25  }
0xa7: {  	s6 =	sshll.u32 s26, $0x1;
	_ =	strace $0x80000046;
	[dreg:$0x1] =	wrdreg $0xFFFFFFFF  }
0xa8: {  	s28 =	simm.s32 $_size_execute0_lowered;
	s4 =	sadd.s32 s4, s6;
	[dreg:$0x0] =	wrdreg $0x0  }
0xa9: {  	s6 =	sshll.u32 s28, $0x1;
	[dreg:$0x2] =	wrdreg s4  }
0xaa: {  	[dreg:$0x3] =	wrdreg s6  }
0xab: {  	[dreg:$0x4] =	wrdreg $0xC0  }
0xac: {  	_ =	task [dreg:s8], $0x5FFFF  }
0xad: {  	[dreg:$0x1] =	wrdreg $0xFFFFFFFF  }
0xae: {  	[dreg:$0x0] =	wrdreg $0x60  }
0xaf: {  	[dreg:$0x2] =	wrdreg s18  }
0xb0: {  	[dreg:$0x3] =	wrdreg s24  }
0xb1: {  	[dreg:$0x4] =	wrdreg s2  }
0xb2: {  	[dreg:$0x5] =	wrdreg $0x9  }
0xb3: {  	_ =	task.clear_ibuf [dreg:s8], $0x6FFFF;
	_ =	strace $0x90000046  }
0xb4: {  	s29 =	simm.s32 $0x9;
	_ =	strace $0x80000048  }
0xb5: {  	_ =	swait.ge [sflag:s29], $0x1  }
0xb6: {  	[sflag:s29] =	ssyncadd.s32 $0xFFFFFFFF  }
0xb7: {  	_ =	strace $0x90000048  }
0xb8: {  	_ =	sfence  }
0xb9: {  	s30 =	sld [smem:$0x0];
	_ =	sdelay $0x2  }
0xba: {  	s31 =	sshll.u32 s1, $0xD;
	s1 =	sshrl.u32 s1, $0x2  }
0xbb: {  	s3 =	sand.u32 $0x4000, s31;
	s1 =	sadd.s32 s1, s30  }
0xbc: {  	s0 =	sor.u32 s3, s0;
	s1 =	sshll.u32 s1, $0x11  }
0xbd: {  	s0 =	sor.u32 s1, s0  }
0xbe: {  	s0 =	sadd.s32 $0x8F2B, s0  }
0xbf: {  	[sflag:s0] =	ssyncadd.remote.s32 $0x1  }
0xc0: {  	_ =	sfence.sel $0xFFFF  }
0xc1: {  	[dreg:$0x0] =	wrdreg $0xFFFFFFFF;
	(pc) =	sbr.abs _section_cstart, $3  }
0xc2: {  	[dreg:$0x1] =	wrdreg $0xFFFFFFFF  }
0xc3: {  	_ =	task.clear_ibuf [dreg:s8], $0x2FFFF;
	_ =	strace $0x9FFFFFFF  }
0xc4: {  	(tm) =	ssettm $0x7FFFFFFF  }
0xc5: {  	_ =	shalt  }
tec
execute0_lowered:
.L_overlay_start_1:
0x0: {  	(tag) =	ssettag $0x1  }
0x1: {  	s1 =	rddreg [dreg:$0x0]  }
0x2: {  	s0 =	rddreg [dreg:$0x1];
	s4 =	simm.s32 $0x0;
	s2 =	srdreg.scid  }
0x3: {  	s3 =	stileid.u32;
	s22 =	simm.s32 $0x5;
	s23 =	simm.s32 $0x6  }
0x4: {  	s24 =	simm.s32 $0x1;
	s28 =	simm.s32 $0x4;
	[smem:$0x7FF] =	sst s4  }
0x5: {  	s2 =	sand.u32 $0x1, s2;
	s3 =	sshll.u32 s3, $0x1;
	s5 =	sadd.s32 $0x58E00, s0  }
0x6: {  	s6 =	sadd.s32 $0x5C00, s0;
	s7 =	sadd.s32 $0xC00, s0;
	s9 =	sadd.s32 $0xA7000, s0  }
0x7: {  	s29 =	sadd.s32 $0x5CC8, s0;
	_ =	strace $0x80000047;
	s3 =	sor.u32 s2, s3  }
0x8: {  	s2 =	ssub.s32 $0x2, s2;
	[dreg:$0x4] =	wrdreg s9;
	s8 =	smul.u32 $0x2800, s3  }
0x9: {  	[dreg:$0x5] =	wrdreg s29;
	s10 =	smul.u32 $0x280, s3;
	s11 =	sshrl.u32 s2, $0x1  }
0xa: {  	s9 =	smul.u32 $0x140, s3;
	s2 =	ssub.s32 s2, s11;
	s25 =	sadd.s32 s8, s0  }
.Ltmp0:
0xb: {  	s26 =	sadd.s32 s10, s0;
	s0 =	sadd.s32 $0xCC8, s0;
	(pc) =	sbr.rel .LBB2_1-.Ltmp0, $4  }
0xc: {  	s17 =	simm.s32 $0x0;
	s2 =	smax.u32 s2, $0x1;
	[dreg:$0x6] =	wrdreg s0  }
0xd: {  	s30 =	sadd.s32 $0x140, s9;
	s3 =	sadd.s32 $0xA7200, s25;
	[dreg:$0x9] =	wrdreg s2  }
0xe: {  	v1 =	vimm.f32 $0.0e+00;
	vm0 =	vcmask $0x300;
	v3 =	vimm.s32 $0x0;
	s31 =	sadd.s32 $0xF7200, s26;
	s25 =	simm.s32 $0x2;
	[dreg:$0x7] =	wrdreg s3  }
0xf: {  	v4 =	vsel vm0, $0x3F800000, v1;
	v2 =	vmov s9;
	v0 =	vmov s30;
	s26 =	simm.s32 $0x3;
	[dreg:$0x8] =	wrdreg s31;
	s3 =	simm.s32 $0x0  }
.LBB2_24:
0x10: {  	s0 =	rddreg [dreg:$0x7];
	s2 =	simm.s32 $0x7  }
0x11: {  	[hbm4b:s0+s4] =	stream.linear.scatter [tilespmem:s4], [sflag:$0x7], $0x14000, $0x38;
	[tilespmem:$0x1E280] =	vst v63  }
0x12: {  	_ =	swait.ge [sflag:s2], $0x14000  }
0x13: {  	[sflag:s2] =	ssyncset.done $0x0  }
0x14: {  	s3 =	simm.s32 $0x14000;
	s29 =	rddreg [dreg:$0x8];
	[sflag:s2] =	ssyncadd.s32 $0xFFFEC000  }
0x15: {  	[hbm4b:s29+s4] =	stream.linear.scatter [tilespmem:s3], [sflag:$0x7], $0x1400, $0x38;
	[tilespmem:$0x1E280] =	vst v63  }
0x16: {  	_ =	swait.ge [sflag:s2], $0x1400  }
0x17: {  	s30 =	rddreg [dreg:$0xa]  }
0x18: {  	s31 =	rddreg [dreg:$0x9];
	s3 =	sadd.s32 $0x1, s30  }
0x19: {  	p0 =	sne.s32 s3, s31  }
.Ltmp1:
0x1a: {  	_ = 	snop;
	(pc) =	sbr.rel @!p0 .LBB2_25-.Ltmp1, $3  }
0x1b: {  	_ =	sdelay $0x1  }
0x1c: {  	[sflag:s2] =	ssyncset.done $0x0  }
0x1d: {  	[sflag:s2] =	ssyncadd.s32 $0xFFFFEC00  }
.LBB2_1:
0x1e: {  	s0 =	sand.u32 $0x1F800, s4;
	s2 =	sand.u32 $0x380, s4  }
0x1f: {  	s0 =	sor.u32 s2, s0  }
0x20: {  	[tilespmem:s0+$0x10] =	vst v1  }
0x21: {  	[tilespmem:s0+$0x20] =	vst v1  }
0x22: {  	[tilespmem:s0+$0x30] =	vst v1  }
0x23: {  	[tilespmem:s0+$0x40] =	vst v1  }
0x24: {  	[tilespmem:s0+$0x50] =	vst v1  }
0x25: {  	[tilespmem:s0+$0x60] =	vst v1  }
0x26: {  	[tilespmem:s0+$0x70] =	vst v1  }
0x27: {  	[tilespmem:s0+$0x400] =	vst v1  }
0x28: {  	[tilespmem:s0+$0x410] =	vst v1  }
0x29: {  	[tilespmem:s0+$0x420] =	vst v1  }
0x2a: {  	[tilespmem:s0+$0x430] =	vst v1  }
0x2b: {  	[tilespmem:s0+$0x440] =	vst v1  }
0x2c: {  	[tilespmem:s0+$0x450] =	vst v1  }
0x2d: {  	[dreg:$0xa] =	wrdreg s3;
	[tilespmem:s0+$0x460] =	vst v1  }
0x2e: {  	s3 =	simm.s32 $0x80;
	s8 =	simm.s32 $0x100;
	s2 =	simm.s32 $0x14000;
	[tilespmem:s0+$0x470] =	vst v1  }
.LBB2_2:
0x2f: {  	s10 =	sand.u32 $0x1F800, s8;
	s11 =	sand.u32 $0x380, s3;
	p0 =	sne.s32 s8, $0x13F00;
	[tilespmem:s0+$0x0] =	vst v1  }
0x30: {  	s0 =	sor.u32 s11, s10;
	[tilespmem:s2+$0x0] =	vst v1  }
0x31: {  	[tilespmem:s0+$0x10] =	vst v1  }
0x32: {  	[tilespmem:s0+$0x20] =	vst v1  }
0x33: {  	[tilespmem:s0+$0x30] =	vst v1  }
0x34: {  	[tilespmem:s0+$0x40] =	vst v1  }
0x35: {  	[tilespmem:s0+$0x50] =	vst v1  }
0x36: {  	[tilespmem:s0+$0x60] =	vst v1  }
0x37: {  	[tilespmem:s0+$0x70] =	vst v1  }
0x38: {  	[tilespmem:s0+$0x400] =	vst v1  }
0x39: {  	[tilespmem:s0+$0x410] =	vst v1  }
0x3a: {  	[tilespmem:s0+$0x420] =	vst v1  }
.Ltmp2:
0x3b: {  	[tilespmem:s0+$0x430] =	vst v1;
	(pc) =	sbr.rel @p0 .LBB2_2-.Ltmp2, $4  }
0x3c: {  	[tilespmem:s0+$0x440] =	vst v1  }
0x3d: {  	[tilespmem:s0+$0x450] =	vst v1  }
0x3e: {  	[tilespmem:s0+$0x460] =	vst v1  }
0x3f: {  	s3 =	sadd.s32 $0x80, s3;
	s8 =	sadd.s32 $0x100, s8;
	s2 =	sadd.s32 $0x10, s2;
	[tilespmem:s0+$0x470] =	vst v1  }
0x40: {  	[tilespmem:s0+$0x0] =	vst v1  }
0x41: {  	s0 =	simm.s32 $0x40;
	[tilespmem:s2+$0x0] =	vst v1;
	s2 =	simm.s32 $0x0  }
.LBB2_4:
0x42: {  	p0 =	sne.s32 s0, $0x6480;
	[tilespmem:s2+$0x16F80] =	vst v3;
	s3 =	smov.u32 s0;
	s0 =	sadd.s32 $0x40, s0  }
.Ltmp3:
0x43: {  	[tilespmem:s2+$0x18900] =	vst v2;
	(pc) =	sbr.rel @p0 .LBB2_4-.Ltmp3, $2  }
0x44: {  	_ =	sdelay $0x2  }
0x45: {  	s2 =	sshra.s32 s3, $0x2  }
0x46: {  	[tilespmem:s2+$0x16F80] =	vst v3;
	s8 =	simm.s32 $0x0  }
0x47: {  	[tilespmem:s2+$0x18900] =	vst v2;
	s0 =	rddreg [dreg:$0x2];
	s15 =	simm.s32 $0x15400;
	s16 =	simm.s32 $0x7  }
0x48: {  	[tilespmem:s15], [sflag:$0x7] =	stream.linear.gather [hbm4b:s0+s8], $0x100, $0x38;
	[tilespmem:$0x1E280] =	vst v63  }
0x49: {  	_ =	swait.ge [sflag:s16], $0x100  }
0x4a: {  	[sflag:s16] =	ssyncset.done $0x0  }
0x4b: {  	s3 =	simm.s32 $0x15500;
	s18 =	rddreg [dreg:$0x4];
	[sflag:s16] =	ssyncadd.s32 $0xFFFFFF00  }
0x4c: {  	[tilespmem:s3], [sflag:$0x7] =	stream.linear.gather [hbm4b:s18+s8], $0x80, $0x38;
	[tilespmem:$0x1E280] =	vst v63  }
0x4d: {  	_ =	swait.ge [sflag:s16], $0x80  }
0x4e: {  	[sflag:s16] =	ssyncset.done $0x0  }
0x4f: {  	s19 =	simm.s32 $0x15580;
	[sflag:s16] =	ssyncadd.s32 $0xFFFFFF80  }
0x50: {  	v5 =	vld [tilespmem:$0x15500];
	[tilespmem:s19], [sflag:$0x5] =	stream.linear.gather [hbm4b:s6+s8], $0x640, $0x38  }
0x51: {  	s20 =	simm.s32 $0x15C00  }
0x52: {  	[tilespmem:s20], [sflag:$0x5] =	stream.linear.gather [hbm4b:s7+s8], $0x640, $0x38;
	[tilespmem:$0x1E280] =	vst v63  }
.Ltmp4:
0x53: {  	_ = 	snop;
	(pc) =	sbr.rel .LBB2_6-.Ltmp4, $4  }
0x54: {  	s29 =	simm.s32 $0x16280;
	s21 =	rddreg [dreg:$0x5]  }
0x55: {  	[tilespmem:s29], [sflag:$0x6] =	stream.linear.gather [hbm4b:s21+s8], $0x640, $0x38;
	[tilespmem:$0x1E280] =	vst v63  }
0x56: {  	s31 =	simm.s32 $0x16900;
	s0 =	simm.s32 $0x0;
	s30 =	rddreg [dreg:$0x6]  }
0x57: {  	[tilespmem:s31], [sflag:$0x6] =	stream.linear.gather [hbm4b:s30+s8], $0x640, $0x38;
	[tilespmem:$0x1E280] =	vst v63  }
.LBB2_23:
0x58: {  	s0 =	sadd.s32 $0x1, s0  }
0x59: {  	p0 =	sne.s32 s0, $0x19  }
.Ltmp5:
0x5a: {  	_ = 	snop;
	(pc) =	sbr.rel @!p0 .LBB2_24-.Ltmp5, $1  }
0x5b: {  	_ =	sdelay $0x3  }
.LBB2_6:
0x5c: {  	_ =	swait.ge [sflag:s22], $0x640  }
0x5d: {  	[sflag:s22] =	ssyncset.done $0x0  }
0x5e: {  	[sflag:s22] =	ssyncadd.s32 $0xFFFFF9C0  }
0x5f: {  	_ =	swait.ge [sflag:s22], $0x640  }
0x60: {  	[sflag:s22] =	ssyncset.done $0x0  }
0x61: {  	s2 =	simm.s32 $0x15C20;
	[sflag:s22] =	ssyncadd.s32 $0xFFFFF9C0  }
0x62: {  	v6 =	vld [tilespmem:s2+$0xFFFFFFE0]  }
0x63: {  	s3 =	simm.s32 $0x155A0  }
0x64: {  	v7 =	vld [tilespmem:s3+$0xFFFFFFE0];
	_ =	sdelay $0x2  }
0x65: {  	vm0 =	vge.s32 v6, v2;
	vm1 =	vlt.s32 v6, v0  }
0x66: {  	s8 =	simm.s32 $0x0;
	vm0 =	vmand vm0, vm1  }
0x67: {  	[tilespmem:s8+$0x16F80] =	vst.msk vm0, v7;
	v7 =	vmpcnt.ones.xlane vm0  }
0x68: {  	[tilespmem:s8+$0x18900] =	vst.msk vm0, v6  }
0x69: {  	v6 =	vld [tilespmem:s2+$0xFFFFFFF0];
	(v2sf) =	vpush v7, $0x0;
	_ =	sdelay $0x4  }
0x6a: {  	vm0 =	vge.s32 v6, v2;
	vm1 =	vlt.s32 v6, v0  }
0x6b: {  	vm0 =	vmand vm0, vm1  }
0x6c: {  	v7 =	vmpcnt.ones.xlane vm0;
	_ =	sdelay $0x1  }
0x6d: {  	(v2sf) =	vpush v7, $0x0;
	_ =	sdelay $0x2  }
0x6e: {  	v7 =	vld [tilespmem:s3+$0xFFFFFFF0];
	_ =	sdelay $0x2  }
0x6f: {  	s30 =	spop (v2sf)  }
0x70: {  	s8 =	sadd.s32 $0x0, s30  }
0x71: {  	[tilespmem:s8+$0x16F80] =	vst.msk vm0, v7  }
0x72: {  	[tilespmem:s8+$0x18900] =	vst.msk vm0, v6  }
0x73: {  	v6 =	vld [tilespmem:s2+$0x0];
	_ =	sdelay $0x1  }
0x74: {  	v7 =	vld [tilespmem:s3+$0x0];
	_ =	sdelay $0x2  }
0x75: {  	vm0 =	vge.s32 v6, v2;
	vm1 =	vlt.s32 v6, v0;
	s10 =	spop (v2sf)  }
0x76: {  	s8 =	sadd.s32 s8, s10;
	vm0 =	vmand vm0, vm1  }
0x77: {  	[tilespmem:s8+$0x16F80] =	vst.msk vm0, v7;
	v7 =	vmpcnt.ones.xlane vm0  }
0x78: {  	[tilespmem:s8+$0x18900] =	vst.msk vm0, v6  }
0x79: {  	v6 =	vld [tilespmem:s2+$0x10];
	(v2sf) =	vpush v7, $0x0;
	_ =	sdelay $0x4  }
0x7a: {  	vm0 =	vge.s32 v6, v2;
	vm1 =	vlt.s32 v6, v0  }
0x7b: {  	vm0 =	vmand vm0, vm1  }
0x7c: {  	v7 =	vmpcnt.ones.xlane vm0;
	_ =	sdelay $0x1  }
0x7d: {  	(v2sf) =	vpush v7, $0x0;
	_ =	sdelay $0x2  }
0x7e: {  	v7 =	vld [tilespmem:s3+$0x10];
	_ =	sdelay $0x2  }
0x7f: {  	s31 =	spop (v2sf)  }
0x80: {  	s10 =	sadd.s32 s8, s31  }
0x81: {  	[tilespmem:s10+$0x16F80] =	vst.msk vm0, v7  }
0x82: {  	s3 =	simm.s32 $0x15C60;
	[tilespmem:s10+$0x18900] =	vst.msk vm0, v6  }
0x83: {  	v6 =	vld [tilespmem:s3+$0xFFFFFFE0]  }
0x84: {  	s2 =	simm.s32 $0x155E0  }
0x85: {  	v7 =	vld [tilespmem:s2+$0xFFFFFFE0];
	_ =	sdelay $0x2  }
0x86: {  	s8 =	simm.s32 $0x4;
	vm0 =	vge.s32 v6, v2;
	vm1 =	vlt.s32 v6, v0;
	s11 =	spop (v2sf)  }
.LBB2_7:
0x87: {  	s8 =	sadd.s32 $0x4, s8;
	vm0 =	vmand vm0, vm1;
	s10 =	sadd.s32 s10, s11  }
0x88: {  	p0 =	slt.u32 s8, $0x60;
	[tilespmem:s10+$0x16F80] =	vst.msk vm0, v7;
	v7 =	vmpcnt.ones.xlane vm0  }
0x89: {  	[tilespmem:s10+$0x18900] =	vst.msk vm0, v6  }
0x8a: {  	v6 =	vld [tilespmem:s3+$0xFFFFFFF0];
	(v2sf) =	vpush v7, $0x0;
	_ =	sdelay $0x4  }
0x8b: {  	vm0 =	vge.s32 v6, v2;
	vm1 =	vlt.s32 v6, v0  }
0x8c: {  	vm0 =	vmand vm0, vm1  }
0x8d: {  	v7 =	vmpcnt.ones.xlane vm0;
	_ =	sdelay $0x1  }
0x8e: {  	(v2sf) =	vpush v7, $0x0;
	_ =	sdelay $0x2  }
0x8f: {  	v7 =	vld [tilespmem:s2+$0xFFFFFFF0];
	_ =	sdelay $0x2  }
0x90: {  	s11 =	spop (v2sf)  }
0x91: {  	s10 =	sadd.s32 s10, s11  }
0x92: {  	[tilespmem:s10+$0x16F80] =	vst.msk vm0, v7  }
0x93: {  	[tilespmem:s10+$0x18900] =	vst.msk vm0, v6  }
0x94: {  	v6 =	vld [tilespmem:s3+$0x0];
	_ =	sdelay $0x1  }
0x95: {  	v7 =	vld [tilespmem:s2+$0x0];
	_ =	sdelay $0x2  }
0x96: {  	vm0 =	vge.s32 v6, v2;
	vm1 =	vlt.s32 v6, v0;
	s11 =	spop (v2sf)  }
0x97: {  	s10 =	sadd.s32 s10, s11;
	vm0 =	vmand vm0, vm1  }
0x98: {  	[tilespmem:s10+$0x16F80] =	vst.msk vm0, v7;
	v7 =	vmpcnt.ones.xlane vm0  }
0x99: {  	[tilespmem:s10+$0x18900] =	vst.msk vm0, v6  }
0x9a: {  	v6 =	vld [tilespmem:s3+$0x10];
	(v2sf) =	vpush v7, $0x0  }
0x9b: {  	v7 =	vld [tilespmem:s2+$0x10];
	_ =	sdelay $0x3  }
0x9c: {  	vm0 =	vge.s32 v6, v2;
	vm1 =	vlt.s32 v6, v0  }
0x9d: {  	vm0 =	vmand vm0, vm1  }
0x9e: {  	v8 =	vmpcnt.ones.xlane vm0;
	_ =	sdelay $0x1  }
0x9f: {  	(v2sf) =	vpush v8, $0x0;
	_ =	sdelay $0x5  }
0xa0: {  	s11 =	spop (v2sf)  }
0xa1: {  	s10 =	sadd.s32 s10, s11  }
0xa2: {  	[tilespmem:s10+$0x16F80] =	vst.msk vm0, v7  }
0xa3: {  	s3 =	sadd.s32 $0x40, s3;
	[tilespmem:s10+$0x18900] =	vst.msk vm0, v6  }
0xa4: {  	v6 =	vld [tilespmem:s3+$0xFFFFFFE0]  }
.Ltmp6:
0xa5: {  	s2 =	sadd.s32 $0x40, s2;
	(pc) =	sbr.rel @p0 .LBB2_7-.Ltmp6, $2  }
0xa6: {  	v7 =	vld [tilespmem:s2+$0xFFFFFFE0];
	_ =	sdelay $0x2  }
0xa7: {  	vm0 =	vge.s32 v6, v2;
	vm1 =	vlt.s32 v6, v0;
	s11 =	spop (v2sf)  }
0xa8: {  	vm0 =	vmand vm0, vm1;
	s8 =	sadd.s32 s10, s11  }
0xa9: {  	[tilespmem:s8+$0x16F80] =	vst.msk vm0, v7;
	v7 =	vmpcnt.ones.xlane vm0  }
0xaa: {  	[tilespmem:s8+$0x18900] =	vst.msk vm0, v6  }
0xab: {  	v6 =	vld [tilespmem:s3+$0xFFFFFFF0];
	(v2sf) =	vpush v7, $0x0;
	_ =	sdelay $0x4  }
0xac: {  	vm0 =	vge.s32 v6, v2;
	vm1 =	vlt.s32 v6, v0  }
0xad: {  	vm0 =	vmand vm0, vm1  }
0xae: {  	v7 =	vmpcnt.ones.xlane vm0;
	_ =	sdelay $0x1  }
0xaf: {  	(v2sf) =	vpush v7, $0x0;
	_ =	sdelay $0x2  }
0xb0: {  	v7 =	vld [tilespmem:s2+$0xFFFFFFF0];
	_ =	sdelay $0x2  }
0xb1: {  	s15 =	spop (v2sf)  }
0xb2: {  	s8 =	sadd.s32 s8, s15  }
0xb3: {  	[tilespmem:s8+$0x16F80] =	vst.msk vm0, v7  }
0xb4: {  	[tilespmem:s8+$0x18900] =	vst.msk vm0, v6  }
0xb5: {  	v6 =	vld [tilespmem:s3+$0x0];
	_ =	sdelay $0x1  }
0xb6: {  	v7 =	vld [tilespmem:s2+$0x0];
	_ =	sdelay $0x2  }
0xb7: {  	vm0 =	vge.s32 v6, v2;
	vm1 =	vlt.s32 v6, v0;
	s16 =	spop (v2sf)  }
0xb8: {  	s8 =	sadd.s32 s8, s16;
	vm0 =	vmand vm0, vm1  }
0xb9: {  	[tilespmem:s8+$0x16F80] =	vst.msk vm0, v7  }
0xba: {  	[tilespmem:s8+$0x18900] =	vst.msk vm0, v6  }
0xbb: {  	v6 =	vld [tilespmem:s3+$0x10];
	_ =	sdelay $0x3  }
0xbc: {  	v7 =	vmpcnt.ones.xlane vm0  }
0xbd: {  	vm0 =	vge.s32 v6, v2;
	vm1 =	vlt.s32 v6, v0  }
0xbe: {  	(v2sf) =	vpush v7, $0x0;
	vm0 =	vmand vm0, vm1  }
0xbf: {  	v7 =	vmpcnt.ones.xlane vm0;
	_ =	sdelay $0x1  }
0xc0: {  	(v2sf) =	vpush v7, $0x0;
	_ =	sdelay $0x8  }
0xc1: {  	v7 =	vld [tilespmem:s2+$0x10];
	_ =	sdelay $0x2  }
0xc2: {  	s18 =	spop (v2sf)  }
0xc3: {  	s2 =	sadd.s32 s8, s18  }
0xc4: {  	[tilespmem:s2+$0x16F80] =	vst.msk vm0, v7  }
0xc5: {  	[tilespmem:s2+$0x18900] =	vst.msk vm0, v6;
	s19 =	spop (v2sf)  }
0xc6: {  	_ =	swait.ge [sflag:s23], $0x640  }
0xc7: {  	[sflag:s23] =	ssyncset.done $0x0  }
0xc8: {  	[sflag:s23] =	ssyncadd.s32 $0xFFFFF9C0  }
0xc9: {  	_ =	swait.ge [sflag:s23], $0x640  }
0xca: {  	[sflag:s23] =	ssyncset.done $0x0  }
0xcb: {  	s20 =	simm.s32 $0x16920;
	[sflag:s23] =	ssyncadd.s32 $0xFFFFF9C0  }
0xcc: {  	v6 =	vld [tilespmem:s20+$0xFFFFFFE0]  }
0xcd: {  	s21 =	simm.s32 $0x162A0  }
0xce: {  	v7 =	vld [tilespmem:s21+$0xFFFFFFE0];
	_ =	sdelay $0x2  }
0xcf: {  	vm0 =	vge.s32 v6, v2;
	vm1 =	vlt.s32 v6, v0  }
0xd0: {  	s2 =	sadd.s32 s2, s19;
	vm0 =	vmand vm0, vm1  }
0xd1: {  	[tilespmem:s2+$0x16F80] =	vst.msk vm0, v7;
	v7 =	vmpcnt.ones.xlane vm0  }
0xd2: {  	[tilespmem:s2+$0x18900] =	vst.msk vm0, v6  }
0xd3: {  	v6 =	vld [tilespmem:s20+$0xFFFFFFF0];
	(v2sf) =	vpush v7, $0x0;
	_ =	sdelay $0x4  }
0xd4: {  	vm0 =	vge.s32 v6, v2;
	vm1 =	vlt.s32 v6, v0  }
0xd5: {  	vm0 =	vmand vm0, vm1  }
0xd6: {  	v7 =	vmpcnt.ones.xlane vm0;
	_ =	sdelay $0x1  }
0xd7: {  	(v2sf) =	vpush v7, $0x0;
	_ =	sdelay $0x2  }
0xd8: {  	v7 =	vld [tilespmem:s21+$0xFFFFFFF0];
	_ =	sdelay $0x2  }
0xd9: {  	s29 =	spop (v2sf)  }
0xda: {  	s2 =	sadd.s32 s2, s29  }
0xdb: {  	[tilespmem:s2+$0x16F80] =	vst.msk vm0, v7  }
0xdc: {  	[tilespmem:s2+$0x18900] =	vst.msk vm0, v6  }
0xdd: {  	v6 =	vld [tilespmem:s20+$0x0];
	_ =	sdelay $0x1  }
0xde: {  	v7 =	vld [tilespmem:s21+$0x0];
	_ =	sdelay $0x2  }
0xdf: {  	vm0 =	vge.s32 v6, v2;
	vm1 =	vlt.s32 v6, v0;
	s30 =	spop (v2sf)  }
0xe0: {  	s2 =	sadd.s32 s2, s30;
	vm0 =	vmand vm0, vm1  }
0xe1: {  	[tilespmem:s2+$0x16F80] =	vst.msk vm0, v7;
	v7 =	vmpcnt.ones.xlane vm0  }
0xe2: {  	[tilespmem:s2+$0x18900] =	vst.msk vm0, v6  }
0xe3: {  	v6 =	vld [tilespmem:s20+$0x10];
	(v2sf) =	vpush v7, $0x0;
	_ =	sdelay $0x4  }
0xe4: {  	vm0 =	vge.s32 v6, v2;
	vm1 =	vlt.s32 v6, v0  }
0xe5: {  	vm0 =	vmand vm0, vm1  }
0xe6: {  	v7 =	vmpcnt.ones.xlane vm0;
	_ =	sdelay $0x1  }
0xe7: {  	(v2sf) =	vpush v7, $0x0;
	_ =	sdelay $0x2  }
0xe8: {  	v7 =	vld [tilespmem:s21+$0x10];
	_ =	sdelay $0x2  }
0xe9: {  	s31 =	spop (v2sf)  }
0xea: {  	s10 =	sadd.s32 s2, s31  }
0xeb: {  	[tilespmem:s10+$0x16F80] =	vst.msk vm0, v7  }
0xec: {  	s3 =	simm.s32 $0x16960;
	[tilespmem:s10+$0x18900] =	vst.msk vm0, v6  }
0xed: {  	v6 =	vld [tilespmem:s3+$0xFFFFFFE0]  }
0xee: {  	s2 =	simm.s32 $0x162E0  }
0xef: {  	v7 =	vld [tilespmem:s2+$0xFFFFFFE0];
	_ =	sdelay $0x2  }
0xf0: {  	s8 =	simm.s32 $0x4;
	vm0 =	vge.s32 v6, v2;
	vm1 =	vlt.s32 v6, v0;
	s11 =	spop (v2sf)  }
.LBB2_9:
0xf1: {  	s8 =	sadd.s32 $0x4, s8;
	vm0 =	vmand vm0, vm1;
	s10 =	sadd.s32 s10, s11  }
0xf2: {  	p0 =	slt.u32 s8, $0x60;
	[tilespmem:s10+$0x16F80] =	vst.msk vm0, v7;
	v7 =	vmpcnt.ones.xlane vm0  }
0xf3: {  	[tilespmem:s10+$0x18900] =	vst.msk vm0, v6  }
0xf4: {  	v6 =	vld [tilespmem:s3+$0xFFFFFFF0];
	(v2sf) =	vpush v7, $0x0;
	_ =	sdelay $0x4  }
0xf5: {  	vm0 =	vge.s32 v6, v2;
	vm1 =	vlt.s32 v6, v0  }
0xf6: {  	vm0 =	vmand vm0, vm1  }
0xf7: {  	v7 =	vmpcnt.ones.xlane vm0;
	_ =	sdelay $0x1  }
0xf8: {  	(v2sf) =	vpush v7, $0x0;
	_ =	sdelay $0x2  }
0xf9: {  	v7 =	vld [tilespmem:s2+$0xFFFFFFF0];
	_ =	sdelay $0x2  }
0xfa: {  	s11 =	spop (v2sf)  }
0xfb: {  	s10 =	sadd.s32 s10, s11  }
0xfc: {  	[tilespmem:s10+$0x16F80] =	vst.msk vm0, v7  }
0xfd: {  	[tilespmem:s10+$0x18900] =	vst.msk vm0, v6  }
0xfe: {  	v6 =	vld [tilespmem:s3+$0x0];
	_ =	sdelay $0x1  }
0xff: {  	v7 =	vld [tilespmem:s2+$0x0];
	_ =	sdelay $0x2  }
0x100: {  	vm0 =	vge.s32 v6, v2;
	vm1 =	vlt.s32 v6, v0;
	s11 =	spop (v2sf)  }
0x101: {  	s10 =	sadd.s32 s10, s11;
	vm0 =	vmand vm0, vm1  }
0x102: {  	[tilespmem:s10+$0x16F80] =	vst.msk vm0, v7;
	v7 =	vmpcnt.ones.xlane vm0  }
0x103: {  	[tilespmem:s10+$0x18900] =	vst.msk vm0, v6  }
0x104: {  	v6 =	vld [tilespmem:s3+$0x10];
	(v2sf) =	vpush v7, $0x0  }
0x105: {  	v7 =	vld [tilespmem:s2+$0x10];
	_ =	sdelay $0x3  }
0x106: {  	vm0 =	vge.s32 v6, v2;
	vm1 =	vlt.s32 v6, v0  }
0x107: {  	vm0 =	vmand vm0, vm1  }
0x108: {  	v8 =	vmpcnt.ones.xlane vm0;
	_ =	sdelay $0x1  }
0x109: {  	(v2sf) =	vpush v8, $0x0;
	_ =	sdelay $0x5  }
0x10a: {  	s11 =	spop (v2sf)  }
0x10b: {  	s10 =	sadd.s32 s10, s11  }
0x10c: {  	[tilespmem:s10+$0x16F80] =	vst.msk vm0, v7  }
0x10d: {  	s3 =	sadd.s32 $0x40, s3;
	[tilespmem:s10+$0x18900] =	vst.msk vm0, v6  }
0x10e: {  	v6 =	vld [tilespmem:s3+$0xFFFFFFE0]  }
.Ltmp7:
0x10f: {  	s2 =	sadd.s32 $0x40, s2;
	(pc) =	sbr.rel @p0 .LBB2_9-.Ltmp7, $2  }
0x110: {  	v7 =	vld [tilespmem:s2+$0xFFFFFFE0];
	_ =	sdelay $0x2  }
0x111: {  	vm0 =	vge.s32 v6, v2;
	vm1 =	vlt.s32 v6, v0;
	s11 =	spop (v2sf)  }
0x112: {  	vm0 =	vmand vm0, vm1;
	s8 =	sadd.s32 s10, s11  }
0x113: {  	v8 =	vmpcnt.ones.xlane vm0;
	[tilespmem:s8+$0x16F80] =	vst.msk vm0, v7  }
0x114: {  	[tilespmem:s8+$0x18900] =	vst.msk vm0, v6  }
0x115: {  	(v2sf) =	vpush v8, $0x0;
	v6 =	vld [tilespmem:s3+$0xFFFFFFF0];
	_ =	sdelay $0x4  }
0x116: {  	vm0 =	vge.s32 v6, v2;
	vm1 =	vlt.s32 v6, v0  }
0x117: {  	vm0 =	vmand vm0, vm1  }
0x118: {  	v7 =	vmpcnt.ones.xlane vm0;
	_ =	sdelay $0x1  }
0x119: {  	(v2sf) =	vpush v7, $0x0;
	_ =	sdelay $0x2  }
0x11a: {  	v7 =	vld [tilespmem:s2+$0xFFFFFFF0];
	_ =	sdelay $0x2  }
0x11b: {  	s20 =	spop (v2sf)  }
0x11c: {  	s8 =	sadd.s32 s8, s20  }
0x11d: {  	[tilespmem:s8+$0x16F80] =	vst.msk vm0, v7  }
0x11e: {  	[tilespmem:s8+$0x18900] =	vst.msk vm0, v6  }
0x11f: {  	v6 =	vld [tilespmem:s3+$0x0];
	_ =	sdelay $0x1  }
0x120: {  	v7 =	vld [tilespmem:s2+$0x0];
	_ =	sdelay $0x2  }
0x121: {  	vm0 =	vge.s32 v6, v2;
	vm1 =	vlt.s32 v6, v0;
	s21 =	spop (v2sf)  }
0x122: {  	vm0 =	vmand vm0, vm1;
	s8 =	sadd.s32 s8, s21  }
0x123: {  	v8 =	vmpcnt.ones.xlane vm0;
	[tilespmem:s8+$0x16F80] =	vst.msk vm0, v7  }
0x124: {  	[tilespmem:s8+$0x18900] =	vst.msk vm0, v6  }
0x125: {  	(v2sf) =	vpush v8, $0x0;
	v6 =	vld [tilespmem:s3+$0x10];
	_ =	sdelay $0x4  }
0x126: {  	vm0 =	vge.s32 v6, v2;
	vm1 =	vlt.s32 v6, v0  }
0x127: {  	vm0 =	vmand vm0, vm1  }
0x128: {  	v7 =	vmpcnt.ones.xlane vm0;
	_ =	sdelay $0x1  }
0x129: {  	(v2sf) =	vpush v7, $0x0;
	_ =	sdelay $0x2  }
0x12a: {  	v7 =	vld [tilespmem:s2+$0x10];
	_ =	sdelay $0x1  }
0x12b: {  	s2 =	smul.u32 $0x1900, s0  }
0x12c: {  	s29 =	spop (v2sf)  }
0x12d: {  	s30 =	sshrl.u32 s2, $0x3;
	s3 =	sadd.s32 s8, s29  }
0x12e: {  	s31 =	sadd.s32 $0x190, s30;
	[tilespmem:s3+$0x16F80] =	vst.msk vm0, v7  }
0x12f: {  	s12 =	simm.s32 $0x15580;
	s13 =	sadd.s32 s6, s31;
	[tilespmem:s3+$0x18900] =	vst.msk vm0, v6  }
0x130: {  	[tilespmem:s12], [sflag:$0x5] =	stream.linear.gather [hbm4b:s13+s4], $0x640, $0x38;
	[tilespmem:$0x1E280] =	vst v63  }
0x131: {  	s14 =	simm.s32 $0x15C00;
	s10 =	sadd.s32 s7, s31;
	s8 =	sadd.s32 $0x258, s30  }
0x132: {  	[tilespmem:s14], [sflag:$0x5] =	stream.linear.gather [hbm4b:s10+s4], $0x640, $0x38;
	[tilespmem:$0x1E280] =	vst v63  }
0x133: {  	s16 =	simm.s32 $0x16280;
	s15 =	sadd.s32 s6, s8  }
0x134: {  	[tilespmem:s16], [sflag:$0x6] =	stream.linear.gather [hbm4b:s15+s4], $0x640, $0x38;
	[tilespmem:$0x1E280] =	vst v63  }
0x135: {  	s19 =	simm.s32 $0x16900;
	s8 =	sadd.s32 s7, s8;
	s18 =	spop (v2sf)  }
0x136: {  	[tilespmem:s19], [sflag:$0x6] =	stream.linear.gather [hbm4b:s8+s4], $0x640, $0x38;
	[tilespmem:$0x1E280] =	vst v63  }
0x137: {  	_ =	swait.ge [sflag:s22], $0x640  }
0x138: {  	[sflag:s22] =	ssyncset.done $0x0  }
0x139: {  	[sflag:s22] =	ssyncadd.s32 $0xFFFFF9C0  }
0x13a: {  	_ =	swait.ge [sflag:s22], $0x640  }
0x13b: {  	[sflag:s22] =	ssyncset.done $0x0  }
0x13c: {  	s20 =	simm.s32 $0x15C20;
	[sflag:s22] =	ssyncadd.s32 $0xFFFFF9C0  }
0x13d: {  	v6 =	vld [tilespmem:s20+$0xFFFFFFE0]  }
0x13e: {  	s21 =	simm.s32 $0x155A0  }
0x13f: {  	v7 =	vld [tilespmem:s21+$0xFFFFFFE0];
	_ =	sdelay $0x2  }
0x140: {  	vm0 =	vge.s32 v6, v2;
	vm1 =	vlt.s32 v6, v0  }
0x141: {  	s3 =	sadd.s32 s3, s18;
	vm0 =	vmand vm0, vm1  }
0x142: {  	[tilespmem:s3+$0x16F80] =	vst.msk vm0, v7;
	v7 =	vmpcnt.ones.xlane vm0  }
0x143: {  	[tilespmem:s3+$0x18900] =	vst.msk vm0, v6  }
0x144: {  	v6 =	vld [tilespmem:s20+$0xFFFFFFF0];
	(v2sf) =	vpush v7, $0x0;
	_ =	sdelay $0x4  }
0x145: {  	vm0 =	vge.s32 v6, v2;
	vm1 =	vlt.s32 v6, v0  }
0x146: {  	vm0 =	vmand vm0, vm1  }
0x147: {  	v7 =	vmpcnt.ones.xlane vm0;
	_ =	sdelay $0x1  }
0x148: {  	(v2sf) =	vpush v7, $0x0;
	_ =	sdelay $0x2  }
0x149: {  	v7 =	vld [tilespmem:s21+$0xFFFFFFF0];
	_ =	sdelay $0x2  }
0x14a: {  	s29 =	spop (v2sf)  }
0x14b: {  	s3 =	sadd.s32 s3, s29  }
0x14c: {  	[tilespmem:s3+$0x16F80] =	vst.msk vm0, v7  }
0x14d: {  	[tilespmem:s3+$0x18900] =	vst.msk vm0, v6  }
0x14e: {  	v6 =	vld [tilespmem:s20+$0x0];
	_ =	sdelay $0x1  }
0x14f: {  	v7 =	vld [tilespmem:s21+$0x0];
	_ =	sdelay $0x2  }
0x150: {  	vm0 =	vge.s32 v6, v2;
	vm1 =	vlt.s32 v6, v0;
	s30 =	spop (v2sf)  }
0x151: {  	s3 =	sadd.s32 s3, s30;
	vm0 =	vmand vm0, vm1  }
0x152: {  	[tilespmem:s3+$0x16F80] =	vst.msk vm0, v7;
	v7 =	vmpcnt.ones.xlane vm0  }
0x153: {  	[tilespmem:s3+$0x18900] =	vst.msk vm0, v6  }
0x154: {  	v6 =	vld [tilespmem:s20+$0x10];
	(v2sf) =	vpush v7, $0x0;
	_ =	sdelay $0x4  }
0x155: {  	vm0 =	vge.s32 v6, v2;
	vm1 =	vlt.s32 v6, v0  }
0x156: {  	vm0 =	vmand vm0, vm1  }
0x157: {  	v7 =	vmpcnt.ones.xlane vm0;
	_ =	sdelay $0x1  }
0x158: {  	(v2sf) =	vpush v7, $0x0;
	_ =	sdelay $0x2  }
0x159: {  	v7 =	vld [tilespmem:s21+$0x10];
	_ =	sdelay $0x2  }
0x15a: {  	s31 =	spop (v2sf)  }
0x15b: {  	s11 =	sadd.s32 s3, s31  }
0x15c: {  	[tilespmem:s11+$0x16F80] =	vst.msk vm0, v7  }
0x15d: {  	s8 =	simm.s32 $0x15C60;
	[tilespmem:s11+$0x18900] =	vst.msk vm0, v6  }
0x15e: {  	v6 =	vld [tilespmem:s8+$0xFFFFFFE0]  }
0x15f: {  	s3 =	simm.s32 $0x155E0  }
0x160: {  	v7 =	vld [tilespmem:s3+$0xFFFFFFE0];
	_ =	sdelay $0x2  }
0x161: {  	s10 =	simm.s32 $0x4;
	vm0 =	vge.s32 v6, v2;
	vm1 =	vlt.s32 v6, v0;
	s12 =	spop (v2sf)  }
.LBB2_11:
0x162: {  	s10 =	sadd.s32 $0x4, s10;
	vm0 =	vmand vm0, vm1;
	s11 =	sadd.s32 s11, s12  }
0x163: {  	p0 =	slt.u32 s10, $0x60;
	[tilespmem:s11+$0x16F80] =	vst.msk vm0, v7;
	v7 =	vmpcnt.ones.xlane vm0  }
0x164: {  	[tilespmem:s11+$0x18900] =	vst.msk vm0, v6  }
0x165: {  	v6 =	vld [tilespmem:s8+$0xFFFFFFF0];
	(v2sf) =	vpush v7, $0x0;
	_ =	sdelay $0x4  }
0x166: {  	vm0 =	vge.s32 v6, v2;
	vm1 =	vlt.s32 v6, v0  }
0x167: {  	vm0 =	vmand vm0, vm1  }
0x168: {  	v7 =	vmpcnt.ones.xlane vm0;
	_ =	sdelay $0x1  }
0x169: {  	(v2sf) =	vpush v7, $0x0;
	_ =	sdelay $0x2  }
0x16a: {  	v7 =	vld [tilespmem:s3+$0xFFFFFFF0];
	_ =	sdelay $0x2  }
0x16b: {  	s12 =	spop (v2sf)  }
0x16c: {  	s11 =	sadd.s32 s11, s12  }
0x16d: {  	[tilespmem:s11+$0x16F80] =	vst.msk vm0, v7  }
0x16e: {  	[tilespmem:s11+$0x18900] =	vst.msk vm0, v6  }
0x16f: {  	v6 =	vld [tilespmem:s8+$0x0];
	_ =	sdelay $0x1  }
0x170: {  	v7 =	vld [tilespmem:s3+$0x0];
	_ =	sdelay $0x2  }
0x171: {  	vm0 =	vge.s32 v6, v2;
	vm1 =	vlt.s32 v6, v0;
	s12 =	spop (v2sf)  }
0x172: {  	s11 =	sadd.s32 s11, s12;
	vm0 =	vmand vm0, vm1  }
0x173: {  	[tilespmem:s11+$0x16F80] =	vst.msk vm0, v7;
	v7 =	vmpcnt.ones.xlane vm0  }
0x174: {  	[tilespmem:s11+$0x18900] =	vst.msk vm0, v6  }
0x175: {  	v6 =	vld [tilespmem:s8+$0x10];
	(v2sf) =	vpush v7, $0x0  }
0x176: {  	v7 =	vld [tilespmem:s3+$0x10];
	_ =	sdelay $0x3  }
0x177: {  	vm0 =	vge.s32 v6, v2;
	vm1 =	vlt.s32 v6, v0  }
0x178: {  	vm0 =	vmand vm0, vm1  }
0x179: {  	v8 =	vmpcnt.ones.xlane vm0;
	_ =	sdelay $0x1  }
0x17a: {  	(v2sf) =	vpush v8, $0x0;
	_ =	sdelay $0x5  }
0x17b: {  	s12 =	spop (v2sf)  }
0x17c: {  	s11 =	sadd.s32 s11, s12  }
0x17d: {  	[tilespmem:s11+$0x16F80] =	vst.msk vm0, v7  }
0x17e: {  	s8 =	sadd.s32 $0x40, s8;
	[tilespmem:s11+$0x18900] =	vst.msk vm0, v6  }
0x17f: {  	v6 =	vld [tilespmem:s8+$0xFFFFFFE0]  }
.Ltmp8:
0x180: {  	s3 =	sadd.s32 $0x40, s3;
	(pc) =	sbr.rel @p0 .LBB2_11-.Ltmp8, $2  }
0x181: {  	v7 =	vld [tilespmem:s3+$0xFFFFFFE0];
	_ =	sdelay $0x2  }
0x182: {  	vm0 =	vge.s32 v6, v2;
	vm1 =	vlt.s32 v6, v0;
	s12 =	spop (v2sf)  }
0x183: {  	vm0 =	vmand vm0, vm1;
	s10 =	sadd.s32 s11, s12  }
0x184: {  	[tilespmem:s10+$0x16F80] =	vst.msk vm0, v7;
	v7 =	vmpcnt.ones.xlane vm0  }
0x185: {  	[tilespmem:s10+$0x18900] =	vst.msk vm0, v6  }
0x186: {  	v6 =	vld [tilespmem:s8+$0xFFFFFFF0];
	(v2sf) =	vpush v7, $0x0;
	_ =	sdelay $0x4  }
0x187: {  	vm0 =	vge.s32 v6, v2;
	vm1 =	vlt.s32 v6, v0  }
0x188: {  	vm0 =	vmand vm0, vm1  }
0x189: {  	v7 =	vmpcnt.ones.xlane vm0;
	_ =	sdelay $0x1  }
0x18a: {  	(v2sf) =	vpush v7, $0x0;
	_ =	sdelay $0x2  }
0x18b: {  	v7 =	vld [tilespmem:s3+$0xFFFFFFF0];
	_ =	sdelay $0x2  }
0x18c: {  	s15 =	spop (v2sf)  }
0x18d: {  	s10 =	sadd.s32 s10, s15  }
0x18e: {  	[tilespmem:s10+$0x16F80] =	vst.msk vm0, v7  }
0x18f: {  	[tilespmem:s10+$0x18900] =	vst.msk vm0, v6  }
0x190: {  	v6 =	vld [tilespmem:s8+$0x0];
	_ =	sdelay $0x1  }
0x191: {  	v7 =	vld [tilespmem:s3+$0x0];
	_ =	sdelay $0x2  }
0x192: {  	vm0 =	vge.s32 v6, v2;
	vm1 =	vlt.s32 v6, v0;
	s16 =	spop (v2sf)  }
0x193: {  	s10 =	sadd.s32 s10, s16;
	vm0 =	vmand vm0, vm1  }
0x194: {  	[tilespmem:s10+$0x16F80] =	vst.msk vm0, v7  }
0x195: {  	[tilespmem:s10+$0x18900] =	vst.msk vm0, v6  }
0x196: {  	v6 =	vld [tilespmem:s8+$0x10];
	_ =	sdelay $0x3  }
0x197: {  	v7 =	vmpcnt.ones.xlane vm0  }
0x198: {  	vm0 =	vge.s32 v6, v2;
	vm1 =	vlt.s32 v6, v0  }
0x199: {  	(v2sf) =	vpush v7, $0x0;
	vm0 =	vmand vm0, vm1  }
0x19a: {  	v7 =	vmpcnt.ones.xlane vm0;
	_ =	sdelay $0x1  }
0x19b: {  	(v2sf) =	vpush v7, $0x0;
	_ =	sdelay $0x8  }
0x19c: {  	v7 =	vld [tilespmem:s3+$0x10];
	_ =	sdelay $0x2  }
0x19d: {  	s18 =	spop (v2sf)  }
0x19e: {  	s3 =	sadd.s32 s10, s18  }
0x19f: {  	[tilespmem:s3+$0x16F80] =	vst.msk vm0, v7  }
0x1a0: {  	[tilespmem:s3+$0x18900] =	vst.msk vm0, v6;
	s19 =	spop (v2sf)  }
0x1a1: {  	_ =	swait.ge [sflag:s23], $0x640  }
0x1a2: {  	[sflag:s23] =	ssyncset.done $0x0  }
0x1a3: {  	[sflag:s23] =	ssyncadd.s32 $0xFFFFF9C0  }
0x1a4: {  	_ =	swait.ge [sflag:s23], $0x640  }
0x1a5: {  	[sflag:s23] =	ssyncset.done $0x0  }
0x1a6: {  	s20 =	simm.s32 $0x16920;
	[sflag:s23] =	ssyncadd.s32 $0xFFFFF9C0  }
0x1a7: {  	v6 =	vld [tilespmem:s20+$0xFFFFFFE0]  }
0x1a8: {  	s21 =	simm.s32 $0x162A0  }
0x1a9: {  	v7 =	vld [tilespmem:s21+$0xFFFFFFE0];
	_ =	sdelay $0x2  }
0x1aa: {  	vm0 =	vge.s32 v6, v2;
	vm1 =	vlt.s32 v6, v0  }
0x1ab: {  	s3 =	sadd.s32 s3, s19;
	vm0 =	vmand vm0, vm1  }
0x1ac: {  	[tilespmem:s3+$0x16F80] =	vst.msk vm0, v7;
	v7 =	vmpcnt.ones.xlane vm0  }
0x1ad: {  	[tilespmem:s3+$0x18900] =	vst.msk vm0, v6  }
0x1ae: {  	v6 =	vld [tilespmem:s20+$0xFFFFFFF0];
	(v2sf) =	vpush v7, $0x0;
	_ =	sdelay $0x4  }
0x1af: {  	vm0 =	vge.s32 v6, v2;
	vm1 =	vlt.s32 v6, v0  }
0x1b0: {  	vm0 =	vmand vm0, vm1  }
0x1b1: {  	v7 =	vmpcnt.ones.xlane vm0;
	_ =	sdelay $0x1  }
0x1b2: {  	(v2sf) =	vpush v7, $0x0;
	_ =	sdelay $0x2  }
0x1b3: {  	v7 =	vld [tilespmem:s21+$0xFFFFFFF0];
	_ =	sdelay $0x2  }
0x1b4: {  	s29 =	spop (v2sf)  }
0x1b5: {  	s3 =	sadd.s32 s3, s29  }
0x1b6: {  	[tilespmem:s3+$0x16F80] =	vst.msk vm0, v7  }
0x1b7: {  	[tilespmem:s3+$0x18900] =	vst.msk vm0, v6  }
0x1b8: {  	v6 =	vld [tilespmem:s20+$0x0];
	_ =	sdelay $0x1  }
0x1b9: {  	v7 =	vld [tilespmem:s21+$0x0];
	_ =	sdelay $0x2  }
0x1ba: {  	vm0 =	vge.s32 v6, v2;
	vm1 =	vlt.s32 v6, v0;
	s30 =	spop (v2sf)  }
0x1bb: {  	s3 =	sadd.s32 s3, s30;
	vm0 =	vmand vm0, vm1  }
0x1bc: {  	[tilespmem:s3+$0x16F80] =	vst.msk vm0, v7;
	v7 =	vmpcnt.ones.xlane vm0  }
0x1bd: {  	[tilespmem:s3+$0x18900] =	vst.msk vm0, v6  }
0x1be: {  	v6 =	vld [tilespmem:s20+$0x10];
	(v2sf) =	vpush v7, $0x0;
	_ =	sdelay $0x4  }
0x1bf: {  	vm0 =	vge.s32 v6, v2;
	vm1 =	vlt.s32 v6, v0  }
0x1c0: {  	vm0 =	vmand vm0, vm1  }
0x1c1: {  	v7 =	vmpcnt.ones.xlane vm0;
	_ =	sdelay $0x1  }
0x1c2: {  	(v2sf) =	vpush v7, $0x0;
	_ =	sdelay $0x2  }
0x1c3: {  	v7 =	vld [tilespmem:s21+$0x10];
	_ =	sdelay $0x2  }
0x1c4: {  	s31 =	spop (v2sf)  }
0x1c5: {  	s11 =	sadd.s32 s3, s31  }
0x1c6: {  	[tilespmem:s11+$0x16F80] =	vst.msk vm0, v7  }
0x1c7: {  	s8 =	simm.s32 $0x16960;
	[tilespmem:s11+$0x18900] =	vst.msk vm0, v6  }
0x1c8: {  	v6 =	vld [tilespmem:s8+$0xFFFFFFE0]  }
0x1c9: {  	s3 =	simm.s32 $0x162E0  }
0x1ca: {  	v7 =	vld [tilespmem:s3+$0xFFFFFFE0];
	_ =	sdelay $0x2  }
0x1cb: {  	s10 =	simm.s32 $0x4;
	vm0 =	vge.s32 v6, v2;
	vm1 =	vlt.s32 v6, v0;
	s12 =	spop (v2sf)  }
.LBB2_13:
0x1cc: {  	s10 =	sadd.s32 $0x4, s10;
	vm0 =	vmand vm0, vm1;
	s11 =	sadd.s32 s11, s12  }
0x1cd: {  	p0 =	slt.u32 s10, $0x60;
	[tilespmem:s11+$0x16F80] =	vst.msk vm0, v7;
	v7 =	vmpcnt.ones.xlane vm0  }
0x1ce: {  	[tilespmem:s11+$0x18900] =	vst.msk vm0, v6  }
0x1cf: {  	v6 =	vld [tilespmem:s8+$0xFFFFFFF0];
	(v2sf) =	vpush v7, $0x0;
	_ =	sdelay $0x4  }
0x1d0: {  	vm0 =	vge.s32 v6, v2;
	vm1 =	vlt.s32 v6, v0  }
0x1d1: {  	vm0 =	vmand vm0, vm1  }
0x1d2: {  	v7 =	vmpcnt.ones.xlane vm0;
	_ =	sdelay $0x1  }
0x1d3: {  	(v2sf) =	vpush v7, $0x0;
	_ =	sdelay $0x2  }
0x1d4: {  	v7 =	vld [tilespmem:s3+$0xFFFFFFF0];
	_ =	sdelay $0x2  }
0x1d5: {  	s12 =	spop (v2sf)  }
0x1d6: {  	s11 =	sadd.s32 s11, s12  }
0x1d7: {  	[tilespmem:s11+$0x16F80] =	vst.msk vm0, v7  }
0x1d8: {  	[tilespmem:s11+$0x18900] =	vst.msk vm0, v6  }
0x1d9: {  	v6 =	vld [tilespmem:s8+$0x0];
	_ =	sdelay $0x1  }
0x1da: {  	v7 =	vld [tilespmem:s3+$0x0];
	_ =	sdelay $0x2  }
0x1db: {  	vm0 =	vge.s32 v6, v2;
	vm1 =	vlt.s32 v6, v0;
	s12 =	spop (v2sf)  }
0x1dc: {  	s11 =	sadd.s32 s11, s12;
	vm0 =	vmand vm0, vm1  }
0x1dd: {  	[tilespmem:s11+$0x16F80] =	vst.msk vm0, v7;
	v7 =	vmpcnt.ones.xlane vm0  }
0x1de: {  	[tilespmem:s11+$0x18900] =	vst.msk vm0, v6  }
0x1df: {  	v6 =	vld [tilespmem:s8+$0x10];
	(v2sf) =	vpush v7, $0x0  }
0x1e0: {  	v7 =	vld [tilespmem:s3+$0x10];
	_ =	sdelay $0x3  }
0x1e1: {  	vm0 =	vge.s32 v6, v2;
	vm1 =	vlt.s32 v6, v0  }
0x1e2: {  	vm0 =	vmand vm0, vm1  }
0x1e3: {  	v8 =	vmpcnt.ones.xlane vm0;
	_ =	sdelay $0x1  }
0x1e4: {  	(v2sf) =	vpush v8, $0x0;
	_ =	sdelay $0x5  }
0x1e5: {  	s12 =	spop (v2sf)  }
0x1e6: {  	s11 =	sadd.s32 s11, s12  }
0x1e7: {  	[tilespmem:s11+$0x16F80] =	vst.msk vm0, v7  }
0x1e8: {  	s8 =	sadd.s32 $0x40, s8;
	[tilespmem:s11+$0x18900] =	vst.msk vm0, v6  }
0x1e9: {  	v6 =	vld [tilespmem:s8+$0xFFFFFFE0]  }
.Ltmp9:
0x1ea: {  	s3 =	sadd.s32 $0x40, s3;
	(pc) =	sbr.rel @p0 .LBB2_13-.Ltmp9, $2  }
0x1eb: {  	v7 =	vld [tilespmem:s3+$0xFFFFFFE0];
	_ =	sdelay $0x2  }
0x1ec: {  	vm0 =	vge.s32 v6, v2;
	vm1 =	vlt.s32 v6, v0;
	s12 =	spop (v2sf)  }
0x1ed: {  	vm0 =	vmand vm0, vm1;
	s10 =	sadd.s32 s11, s12  }
0x1ee: {  	[tilespmem:s10+$0x16F80] =	vst.msk vm0, v7;
	v7 =	vmpcnt.ones.xlane vm0  }
0x1ef: {  	[tilespmem:s10+$0x18900] =	vst.msk vm0, v6  }
0x1f0: {  	v6 =	vld [tilespmem:s8+$0xFFFFFFF0];
	(v2sf) =	vpush v7, $0x0;
	_ =	sdelay $0x4  }
0x1f1: {  	vm10 =	vge.s32 v6, v2;
	vm11 =	vlt.s32 v6, v0  }
0x1f2: {  	vm0 =	vmand vm10, vm11  }
0x1f3: {  	v7 =	vmpcnt.ones.xlane vm0;
	_ =	sdelay $0x1  }
0x1f4: {  	(v2sf) =	vpush v7, $0x0;
	_ =	sdelay $0x2  }
0x1f5: {  	v7 =	vld [tilespmem:s3+$0xFFFFFFF0];
	_ =	sdelay $0x2  }
0x1f6: {  	s13 =	spop (v2sf)  }
0x1f7: {  	s10 =	sadd.s32 s10, s13  }
0x1f8: {  	[tilespmem:s10+$0x16F80] =	vst.msk vm0, v7  }
0x1f9: {  	[tilespmem:s10+$0x18900] =	vst.msk vm0, v6  }
0x1fa: {  	v6 =	vld [tilespmem:s8+$0x0];
	_ =	sdelay $0x1  }
0x1fb: {  	v7 =	vld [tilespmem:s3+$0x0];
	_ =	sdelay $0x2  }
0x1fc: {  	vm12 =	vge.s32 v6, v2;
	vm13 =	vlt.s32 v6, v0;
	s14 =	spop (v2sf)  }
0x1fd: {  	s10 =	sadd.s32 s10, s14;
	vm0 =	vmand vm12, vm13  }
0x1fe: {  	[tilespmem:s10+$0x16F80] =	vst.msk vm0, v7;
	v7 =	vmpcnt.ones.xlane vm0;
	_ =	sdelay $0x1  }
0x1ff: {  	[tilespmem:s10+$0x18900] =	vst.msk vm0, v6;
	(v2sf) =	vpush v7, $0x0  }
0x200: {  	v6 =	vld [tilespmem:s8+$0x10];
	_ =	sdelay $0x4  }
0x201: {  	vm14 =	vge.s32 v6, v2;
	vm15 =	vlt.s32 v6, v0  }
0x202: {  	vm0 =	vmand vm14, vm15  }
0x203: {  	v7 =	vmpcnt.ones.xlane vm0;
	_ =	sdelay $0x1  }
0x204: {  	(v2sf) =	vpush v7, $0x0;
	_ =	sdelay $0x1  }
0x205: {  	v7 =	vld [tilespmem:s3+$0x10];
	_ =	sdelay $0x2  }
0x206: {  	p0 =	seq.s32 s0, $0x18;
	s15 =	spop (v2sf)  }
0x207: {  	s2 =	sshrl.u32 @!p0 s2, $0x3;
	s3 =	sadd.s32 s10, s15  }
0x208: {  	s8 =	sadd.s32 @!p0 $0x320, s2;
	[tilespmem:s3+$0x16F80] =	vst.msk vm0, v7  }
0x209: {  	s11 =	simm.s32 @!p0 $0x0;
	s12 =	simm.s32 @!p0 $0x15580;
	s10 =	sadd.s32 @!p0 s6, s8;
	[tilespmem:s3+$0x18900] =	vst.msk vm0, v6  }
0x20a: {  	[tilespmem:s12], [sflag:$0x5] =	stream.linear.gather @!p0 [hbm4b:s10+s11], $0x640, $0x38;
	[tilespmem:$0x1E280] =	vst v63  }
0x20b: {  	s8 =	sadd.s32 @!p0 s7, s8;
	s10 =	simm.s32 @!p0 $0x15C00  }
0x20c: {  	[tilespmem:s10], [sflag:$0x5] =	stream.linear.gather @!p0 [hbm4b:s8+s11], $0x640, $0x38;
	[tilespmem:$0x1E280] =	vst v63  }
0x20d: {  	s8 =	sadd.s32 @!p0 $0x3E8, s2  }
0x20e: {  	s12 =	simm.s32 @!p0 $0x16280;
	s10 =	sadd.s32 @!p0 s6, s8  }
0x20f: {  	[tilespmem:s12], [sflag:$0x6] =	stream.linear.gather @!p0 [hbm4b:s10+s11], $0x640, $0x38;
	[tilespmem:$0x1E280] =	vst v63  }
0x210: {  	s16 =	spop (v2sf)  }
0x211: {  	s2 =	sadd.s32 s3, s16;
	s3 =	sadd.s32 @!p0 s7, s8;
	s8 =	simm.s32 @!p0 $0x16900  }
0x212: {  	[tilespmem:s8], [sflag:$0x6] =	stream.linear.gather @!p0 [hbm4b:s3+s11], $0x640, $0x38;
	[tilespmem:$0x1E280] =	vst v63  }
0x213: {  	s18 =	sadd.s32 $0xF, s2  }
0x214: {  	s19 =	sand.u32 $0xF, s18  }
0x215: {  	s20 =	sshra.s32 s18, $0x1F;
	p4 =	slt.s32 s18, $0x1;
	p1 =	sne.s32 s19, $0x0  }
0x216: {  	s21 =	sshrl.u32 s20, $0x1C;
	p0 =	por !p4, !p1  }
0x217: {  	s8 =	simm.s32 $0x1;
	s3 =	sadd.s32 s21, s18;
	p0 =	por !p0, !p0  }
0x218: {  	s3 =	sshra.s32 s3, $0x4;
	s8 =	simm.s32 @!p0 $0x0  }
0x219: {  	s3 =	ssub.s32 s3, s8  }
0x21a: {  	p0 =	slt.s32 s3, $0x1  }
0x21b: {  	v6 =	vld @!p0 [tilespmem:$0x16F80];
	_ =	sdelay $0x4  }
0x21c: {  	v7 =	vshll.u32 @!p0 v6, $0x1  }
0x21d: {  	v8 =	vlaneseq.u32 @!p0;
	v6 =	vand.u32 @!p0 $0x7, v6;
	v7 =	vand.u32 @!p0 $0xFFFFFFF0, v7  }
0x21e: {  	v9 =	vshrl.u32 @!p0 v8, $0x3;
	v6 =	vor.u32 @!p0 v6, v7;
	v7 =	vand.u32 @!p0 $0x7, v8  }
0x21f: {  	v9 =	vmul.u32 @!p0 $0x8, v9;
	v10 =	vperm.xlane @!p0 v6, v7  }
0x220: {  	v8 =	vor.u32 @!p0 $0x8, v8  }
0x221: {  	v6 =	vperm.xlane @!p0 v6, v8;
	v10 =	vadd.s32 @!p0 v9, v10;
	_ =	sdelay $0x1  }
0x222: {  	v6 =	vadd.s32 @!p0 v9, v6;
	_ =	sdelay $0x1  }
0x223: {  	vm0 =	vmmov @!p0 $0xffff;
	s8 =	simm.s32 @!p0 $0x0;
	s10 =	simm.s32 @!p0 $0x1A280  }
0x224: {  	[tilespmem:s10], [sflag:$0x1] =	stream.indirect_vreg.gather @!p0 [hbm4b:s1+s8], $0x80, v10, vm0, $0xb8;
	[tilespmem:$0x1E280] =	vst v63  }
0x225: {  	s10 =	simm.s32 @!p0 $0x1AA80  }
0x226: {  	[tilespmem:s10], [sflag:$0x1] =	stream.indirect_vreg.gather @!p0 [hbm4b:s1+s8], $0x80, v6, vm0, $0xb8;
	[tilespmem:$0x1E280] =	vst v63  }
0x227: {  	v6 =	vld @!p0 [tilespmem:$0x18900];
	_ =	sdelay $0x4  }
0x228: {  	v10 =	vshll.u32 @!p0 v6, $0x1  }
0x229: {  	v6 =	vand.u32 @!p0 $0x7, v6;
	v10 =	vand.u32 @!p0 $0xFFFFFFF0, v10  }
0x22a: {  	v6 =	vor.u32 @!p0 v6, v10  }
0x22b: {  	v7 =	vperm.xlane @!p0 v6, v7;
	_ =	sdelay $0x1  }
0x22c: {  	v6 =	vperm.xlane @!p0 v6, v8;
	v7 =	vadd.s32 @!p0 v9, v7;
	_ =	sdelay $0x1  }
0x22d: {  	v6 =	vadd.s32 @!p0 v9, v6  }
0x22e: {  	s29 =	sadd.s32 $0x1, s3  }
0x22f: {  	s30 =	sand.u32 $0x1, s29;
	s10 =	simm.s32 @!p0 $0x1B280  }
0x230: {  	[tilespmem:s10], [sflag:$0x2] =	stream.indirect_vreg.gather @!p0 [hbm4b:s5+s8], $0x80, v7, vm0, $0xb8;
	[tilespmem:$0x1E280] =	vst v63  }
0x231: {  	p5 =	slt.s32 s3, $0x0;
	p6 =	seq.s32 s30, $0x1;
	s10 =	simm.s32 @!p0 $0x1BA80  }
0x232: {  	[tilespmem:s10], [sflag:$0x2] =	stream.indirect_vreg.gather @!p0 [hbm4b:s5+s8], $0x80, v6, vm0, $0xb8;
	[tilespmem:$0x1E280] =	vst v63  }
0x233: {  	s31 =	sshrl.u32 s29, $0x1F;
	p0 =	por !p5, !p6  }
0x234: {  	s8 =	sadd.s32 s31, s29;
	s10 =	simm.s32 $0x1;
	p0 =	por !p0, !p0  }
0x235: {  	s8 =	sshra.s32 s8, $0x1;
	s10 =	simm.s32 @!p0 $0x0  }
0x236: {  	s15 =	ssub.s32 s8, s10  }
0x237: {  	p0 =	slt.s32 s15, $0x1  }
.Ltmp10:
0x238: {  	_ = 	snop;
	(pc) =	sbr.rel @p0 .LBB2_23-.Ltmp10, $1  }
0x239: {  	_ =	sdelay $0x3  }
.Ltmp11:
0x23a: {  	(pc) =	sbr.rel .LBB2_16-.Ltmp11, $3  }
0x23b: {  	_ =	sdelay $0x1  }
0x23c: {  	s30 =	simm.s32 $0x18901  }
0x23d: {  	s8 =	simm.s32 $0x18911;
	s10 =	simm.s32 $0x0;
	s11 =	simm.s32 $0x0  }
.LBB2_21:
0x23e: {  	s12 =	sand.u32 $0xFFFFF800, s18;
	v8 =	vmul.f32 v22, v8  }
0x23f: {  	v7 =	vmul.f32 v22, v7;
	s12 =	sor.u32 s20, s12  }
0x240: {  	v11 =	vmul.f32 v22, v11;
	s13 =	sor.u32 $0x10, s12;
	[tilespmem:s12+$0x0] =	vst.add.f32.msk $0xffff, v8  }
0x241: {  	v59 =	vmul.f32 v22, v13;
	s14 =	sor.u32 $0x20, s12;
	[tilespmem:s13+$0x0] =	vst.add.f32.msk $0xffff, v7  }
0x242: {  	v6 =	vmul.f32 v22, v6;
	s31 =	sor.u32 $0x30, s12;
	[tilespmem:s14+$0x0] =	vst.add.f32.msk $0xffff, v11  }
0x243: {  	s16 =	sor.u32 $0x40, s12;
	v7 =	vmul.f32 v22, v9;
	[tilespmem:s31+$0x0] =	vst.add.f32.msk $0xffff, v59  }
0x244: {  	v60 =	vmul.f32 v22, v10;
	s18 =	sor.u32 $0x50, s12;
	[tilespmem:s16+$0x0] =	vst.add.f32.msk $0xffff, v6  }
0x245: {  	s20 =	sor.u32 $0x60, s12;
	v6 =	vmul.f32 v22, v12;
	[tilespmem:s18+$0x0] =	vst.add.f32.msk $0xffff, v7  }
0x246: {  	s21 =	sor.u32 $0x70, s12;
	v7 =	vmul.f32 v22, v14;
	[tilespmem:s20+$0x0] =	vst.add.f32.msk $0xffff, v60  }
0x247: {  	v61 =	vmul.f32 v22, v15;
	s29 =	sor.u32 $0x400, s12;
	[tilespmem:s21+$0x0] =	vst.add.f32.msk $0xffff, v6  }
0x248: {  	s31 =	sor.u32 $0x410, s12;
	v6 =	vmul.f32 v22, v16;
	[tilespmem:s29+$0x0] =	vst.add.f32.msk $0xffff, v7  }
0x249: {  	s16 =	sor.u32 $0x420, s12;
	v7 =	vmul.f32 v22, v17;
	[tilespmem:s31+$0x0] =	vst.add.f32.msk $0xffff, v61  }
0x24a: {  	v62 =	vmul.f32 v22, v18;
	s18 =	sor.u32 $0x430, s12;
	[tilespmem:s16+$0x0] =	vst.add.f32.msk $0xffff, v6  }
0x24b: {  	s20 =	sor.u32 $0x440, s12;
	v6 =	vmul.f32 v22, v19;
	[tilespmem:s18+$0x0] =	vst.add.f32.msk $0xffff, v7  }
0x24c: {  	s21 =	sor.u32 $0x450, s12;
	v7 =	vmul.f32 v22, v20;
	[tilespmem:s20+$0x0] =	vst.add.f32.msk $0xffff, v62  }
0x24d: {  	v63 =	vmul.f32 v22, v21;
	s29 =	sor.u32 $0x460, s12;
	[tilespmem:s21+$0x0] =	vst.add.f32.msk $0xffff, v6  }
0x24e: {  	s12 =	sor.u32 $0x470, s12;
	v6 =	vmul.f32 v4, v22;
	[tilespmem:s29+$0x0] =	vst.add.f32.msk $0xffff, v7  }
0x24f: {  	s31 =	sshra.s32 s19, $0x2;
	[tilespmem:s12+$0x0] =	vst.add.f32.msk $0xffff, v63  }
0x250: {  	[tilespmem:s31+$0x14000] =	vst.add.f32.msk $0xffff, v6  }
.LBB2_22:
0x251: {  	s11 =	sadd.s32 $0x1, s11  }
0x252: {  	p0 =	sne.s32 s11, s15  }
.Ltmp12:
0x253: {  	_ = 	snop;
	(pc) =	sbr.rel @!p0 .LBB2_23-.Ltmp12, $2  }
0x254: {  	_ =	sdelay $0x2  }
0x255: {  	s10 =	sadd.s32 $0x20, s10;
	s30 =	sadd.s32 $0x20, s30;
	s8 =	sadd.s32 $0x20, s8  }
.LBB2_16:
0x256: {  	s12 =	sshllo.u32 s11, $0x1  }
0x257: {  	p0 =	sge.s32 s12, s3  }
0x258: {  	s12 =	sshll.u32 @!p0 s12, $0x4  }
0x259: {  	v6 =	vld @!p0 [tilespmem:s12+$0x16F80];
	_ =	sdelay $0x4  }
0x25a: {  	v7 =	vshll.u32 @!p0 v6, $0x1  }
0x25b: {  	v8 =	vlaneseq.u32 @!p0;
	v6 =	vand.u32 @!p0 $0x7, v6;
	v7 =	vand.u32 @!p0 $0xFFFFFFF0, v7  }
0x25c: {  	v9 =	vshrl.u32 @!p0 v8, $0x3;
	v6 =	vor.u32 @!p0 v6, v7;
	v7 =	vand.u32 @!p0 $0x7, v8  }
0x25d: {  	v9 =	vmul.u32 @!p0 $0x8, v9;
	v10 =	vperm.xlane @!p0 v6, v7  }
0x25e: {  	v8 =	vor.u32 @!p0 $0x8, v8  }
0x25f: {  	v6 =	vperm.xlane @!p0 v6, v8;
	v10 =	vadd.s32 @!p0 v9, v10;
	_ =	sdelay $0x1  }
0x260: {  	v6 =	vadd.s32 @!p0 v9, v6;
	_ =	sdelay $0x1  }
0x261: {  	vm0 =	vmmov @!p0 $0xffff;
	s13 =	simm.s32 @!p0 $0x0;
	s14 =	simm.s32 @!p0 $0x1C280  }
0x262: {  	[tilespmem:s14], [sflag:$0x3] =	stream.indirect_vreg.gather @!p0 [hbm4b:s1+s13], $0x80, v10, vm0, $0xb8;
	[tilespmem:$0x1E280] =	vst v63  }
0x263: {  	s14 =	simm.s32 @!p0 $0x1CA80  }
0x264: {  	[tilespmem:s14], [sflag:$0x3] =	stream.indirect_vreg.gather @!p0 [hbm4b:s1+s13], $0x80, v6, vm0, $0xb8;
	[tilespmem:$0x1E280] =	vst v63  }
0x265: {  	v6 =	vld @!p0 [tilespmem:s12+$0x18900];
	_ =	sdelay $0x4  }
0x266: {  	v10 =	vshll.u32 @!p0 v6, $0x1  }
0x267: {  	v6 =	vand.u32 @!p0 $0x7, v6;
	v10 =	vand.u32 @!p0 $0xFFFFFFF0, v10  }
0x268: {  	v6 =	vor.u32 @!p0 v6, v10  }
0x269: {  	v7 =	vperm.xlane @!p0 v6, v7;
	_ =	sdelay $0x1  }
0x26a: {  	v6 =	vperm.xlane @!p0 v6, v8;
	v7 =	vadd.s32 @!p0 v9, v7;
	_ =	sdelay $0x1  }
0x26b: {  	v6 =	vadd.s32 @!p0 v9, v6;
	_ =	sdelay $0x1  }
0x26c: {  	s12 =	simm.s32 @!p0 $0x1D280  }
0x26d: {  	[tilespmem:s12], [sflag:$0x4] =	stream.indirect_vreg.gather @!p0 [hbm4b:s5+s13], $0x80, v7, vm0, $0xb8;
	[tilespmem:$0x1E280] =	vst v63  }
0x26e: {  	s12 =	simm.s32 @!p0 $0x1DA80  }
0x26f: {  	[tilespmem:s12], [sflag:$0x4] =	stream.indirect_vreg.gather @!p0 [hbm4b:s5+s13], $0x80, v6, vm0, $0xb8;
	[tilespmem:$0x1E280] =	vst v63  }
0x270: {  	_ =	swait.ge [sflag:s24], $0x1000  }
0x271: {  	[sflag:s24] =	ssyncset.done $0x0  }
0x272: {  	[sflag:s24] =	ssyncadd.s32 $0xFFFFF000  }
0x273: {  	_ =	swait.ge [sflag:s25], $0x1000  }
0x274: {  	[sflag:s25] =	ssyncset.done $0x0  }
0x275: {  	[sflag:s25] =	ssyncadd.s32 $0xFFFFF000  }
0x276: {  	v6 =	vld [tilespmem:$0x154D0]  }
0x277: {  	v7 =	vld [tilespmem:$0x154C0]  }
0x278: {  	v8 =	vld [tilespmem:$0x154B0]  }
0x279: {  	v9 =	vld [tilespmem:$0x154A0]  }
0x27a: {  	v10 =	vld [tilespmem:$0x15490]  }
0x27b: {  	v11 =	vld [tilespmem:$0x15480]  }
0x27c: {  	v12 =	vld [tilespmem:$0x15470]  }
0x27d: {  	v13 =	vld [tilespmem:$0x15460]  }
0x27e: {  	v14 =	vld [tilespmem:$0x15450]  }
0x27f: {  	s18 =	simm.s32 $0x0;
	v15 =	vld [tilespmem:$0x15440]  }
0x280: {  	s12 =	sand.u32 $0x800, s17;
	s13 =	sand.u32 $0x300, s18;
	v16 =	vld [tilespmem:$0x15430]  }
0x281: {  	s13 =	sor.u32 s13, s12;
	v17 =	vld [tilespmem:$0x15420]  }
0x282: {  	v18 =	vld [tilespmem:s13+$0x1A290]  }
0x283: {  	v19 =	vld [tilespmem:s13+$0x1B290]  }
0x284: {  	v20 =	vld [tilespmem:s13+$0x1A280]  }
0x285: {  	v21 =	vld [tilespmem:s13+$0x1B280]  }
0x286: {  	v22 =	vld [tilespmem:$0x15400]  }
0x287: {  	v23 =	vld [tilespmem:$0x15410]  }
0x288: {  	v24 =	vld [tilespmem:s13+$0x1B2A0]  }
0x289: {  	v25 =	vld [tilespmem:s13+$0x1A2A0]  }
0x28a: {  	v26 =	vld [tilespmem:s13+$0x1A2B0];
	v20 =	vadd.f32 v21, v20  }
0x28b: {  	v21 =	vld [tilespmem:s13+$0x1B2B0]  }
0x28c: {  	v27 =	vld [tilespmem:s13+$0x1A2C0];
	v18 =	vadd.f32 v19, v18;
	v19 =	vmax.f32 v20, $0.0e+00  }
0x28d: {  	v20 =	vld [tilespmem:s13+$0x1B2C0];
	v22 =	vmul.f32 v19, v22  }
0x28e: {  	v33 =	vld [tilespmem:s13+$0x1B2D0];
	v24 =	vadd.f32 v24, v25;
	v18 =	vmax.f32 v18, $0.0e+00  }
0x28f: {  	v28 =	vld [tilespmem:s13+$0x1A2D0];
	v23 =	vmul.f32 v18, v23;
	v22 =	vadd.f32 $0.0e+00, v22  }
0x290: {  	v34 =	vld [tilespmem:s13+$0x1B2E0];
	v24 =	vmax.f32 v24, $0.0e+00;
	v21 =	vadd.f32 v21, v26  }
0x291: {  	v17 =	vmul.f32 v24, v17;
	v22 =	vadd.f32 v23, v22;
	v23 =	vld [tilespmem:s13+$0x1A2E0]  }
0x292: {  	v35 =	vld [tilespmem:s13+$0x1B2F0];
	v21 =	vmax.f32 v21, $0.0e+00;
	v20 =	vadd.f32 v20, v27  }
0x293: {  	v16 =	vmul.f32 v21, v16;
	v17 =	vadd.f32 v17, v22;
	v22 =	vld [tilespmem:s13+$0x1A2F0]  }
0x294: {  	v36 =	vld [tilespmem:s13+$0x1B680];
	v25 =	vadd.f32 v33, v28;
	v20 =	vmax.f32 v20, $0.0e+00  }
0x295: {  	v15 =	vmul.f32 v20, v15;
	v16 =	vadd.f32 v16, v17;
	v17 =	vld [tilespmem:s13+$0x1A680]  }
0x296: {  	v37 =	vld [tilespmem:s13+$0x1B690];
	v25 =	vmax.f32 v25, $0.0e+00;
	v23 =	vadd.f32 v34, v23  }
0x297: {  	v14 =	vmul.f32 v25, v14;
	v15 =	vadd.f32 v15, v16;
	v16 =	vld [tilespmem:s13+$0x1A690]  }
0x298: {  	v38 =	vld [tilespmem:s13+$0x1B6A0];
	v23 =	vmax.f32 v23, $0.0e+00;
	v22 =	vadd.f32 v35, v22  }
0x299: {  	v14 =	vadd.f32 v14, v15;
	v13 =	vmul.f32 v23, v13;
	v15 =	vld [tilespmem:s13+$0x1A6A0]  }
0x29a: {  	v39 =	vld [tilespmem:s13+$0x1B6B0];
	v22 =	vmax.f32 v22, $0.0e+00;
	v17 =	vadd.f32 v36, v17  }
0x29b: {  	v13 =	vadd.f32 v13, v14;
	v12 =	vmul.f32 v22, v12;
	v14 =	vld [tilespmem:s13+$0x1A6B0]  }
0x29c: {  	v40 =	vld [tilespmem:s13+$0x1B6C0];
	v17 =	vmax.f32 v17, $0.0e+00;
	v16 =	vadd.f32 v37, v16  }
0x29d: {  	v12 =	vadd.f32 v12, v13;
	v11 =	vmul.f32 v17, v11;
	v13 =	vld [tilespmem:s13+$0x1A6C0]  }
0x29e: {  	v41 =	vld [tilespmem:s13+$0x1B6D0];
	v16 =	vmax.f32 v16, $0.0e+00;
	v15 =	vadd.f32 v38, v15  }
0x29f: {  	v11 =	vadd.f32 v11, v12;
	v10 =	vmul.f32 v16, v10;
	v12 =	vld [tilespmem:s13+$0x1A6D0]  }
0x2a0: {  	v42 =	vld [tilespmem:s13+$0x1B6E0];
	v15 =	vmax.f32 v15, $0.0e+00;
	v14 =	vadd.f32 v39, v14  }
0x2a1: {  	v10 =	vadd.f32 v10, v11;
	v9 =	vmul.f32 v15, v9;
	v11 =	vld [tilespmem:s13+$0x1A6E0]  }
0x2a2: {  	v43 =	vld [tilespmem:s13+$0x1B6F0];
	v14 =	vmax.f32 v14, $0.0e+00;
	v13 =	vadd.f32 v40, v13  }
0x2a3: {  	v9 =	vadd.f32 v9, v10;
	v8 =	vmul.f32 v14, v8;
	v10 =	vld [tilespmem:s13+$0x1A6F0]  }
0x2a4: {  	v44 =	vld [tilespmem:$0x154E0];
	v13 =	vmax.f32 v13, $0.0e+00;
	v12 =	vadd.f32 v41, v12  }
0x2a5: {  	v8 =	vadd.f32 v8, v9;
	v7 =	vmul.f32 v13, v7  }
0x2a6: {  	v9 =	vmax.f32 v12, $0.0e+00;
	v11 =	vadd.f32 v42, v11;
	v12 =	vld [tilespmem:$0x154F0]  }
0x2a7: {  	v7 =	vadd.f32 v7, v8;
	v6 =	vmul.f32 v9, v6  }
0x2a8: {  	v8 =	vmax.f32 v11, $0.0e+00;
	v10 =	vadd.f32 v43, v10  }
0x2a9: {  	v6 =	vadd.f32 v6, v7;
	v7 =	vmul.f32 v8, v44  }
0x2aa: {  	v10 =	vmax.f32 v10, $0.0e+00  }
0x2ab: {  	v6 =	vadd.f32 v7, v6;
	v7 =	vmul.f32 v10, v12;
	_ =	sdelay $0x1  }
0x2ac: {  	v6 =	vadd.f32 v7, v6;
	_ =	sdelay $0x1  }
0x2ad: {  	(xrf2) =	vadd.scan.msk.f32 $0xffff, v6;
	_ =	sdelay $0x5  }
0x2ae: {  	v6 =	vld [tilespmem:s30+$0xFFFFFFFF];
	_ =	sdelay $0x3  }
0x2af: {  	v7, _, _ =	vpop (xrf2)  }
0x2b0: {  	(v2sf) =	vpush v6, $0x0;
	v7 =	vbroadcast v7, $0xF;
	_ =	sdelay $0x1  }
0x2b1: {  	v6 =	vadd.f32 v7, v5;
	_ =	sdelay $0x1  }
0x2b2: {  	v6 =	vmul.f32 $1.442695020e+00, v6;
	_ =	sdelay $0x1  }
0x2b3: {  	(erf) = vpow2.f32 v6;
	_ =	sdelay $0x5  }
0x2b4: {  	s13 =	sadd.s32 $0xFFFFFFFE, s10  }
0x2b5: {  	s19 =	sadd.s32 $0x2, s13  }
0x2b6: {  	s14 =	simm.f32 $1.000000000e+00;
	p1 =	slt.s32 s19, s2  }
0x2b7: {  	s14 =	simm.s32 @!p1 $0x0;
	s16 =	spop (v2sf);
	v6 =	vpop (erf)  }
0x2b8: {  	s18 =	ssub.s32 s16, s9;
	v6 =	vmul.f32 s14, v6  }
0x2b9: {  	s20 =	sshll.u32 s16, $0x7;
	s21 =	sshll.u32 s18, $0x8  }
0x2ba: {  	s16 =	sand.u32 $0xFFFFF800, s21;
	s14 =	sand.u32 $0x380, s20;
	v7 =	vmul.f32 v6, v19  }
0x2bb: {  	s14 =	sor.u32 s14, s16;
	v11 =	vmul.f32 v6, v18  }
0x2bc: {  	s16 =	sor.u32 $0x10, s14;
	[tilespmem:s14+$0x0] =	vst.add.f32.msk $0xffff, v7;
	v7 =	vmul.f32 v6, v24  }
0x2bd: {  	s31 =	sor.u32 $0x20, s14;
	[tilespmem:s16+$0x0] =	vst.add.f32.msk $0xffff, v11;
	v11 =	vmul.f32 v6, v21  }
0x2be: {  	s19 =	sor.u32 $0x30, s14;
	[tilespmem:s31+$0x0] =	vst.add.f32.msk $0xffff, v7;
	v7 =	vmul.f32 v6, v20  }
0x2bf: {  	s20 =	sor.u32 $0x40, s14;
	[tilespmem:s19+$0x0] =	vst.add.f32.msk $0xffff, v11;
	v11 =	vmul.f32 v6, v25  }
0x2c0: {  	s21 =	sor.u32 $0x50, s14;
	[tilespmem:s20+$0x0] =	vst.add.f32.msk $0xffff, v7;
	v7 =	vmul.f32 v6, v23  }
0x2c1: {  	s31 =	sor.u32 $0x60, s14;
	[tilespmem:s21+$0x0] =	vst.add.f32.msk $0xffff, v11;
	v11 =	vmul.f32 v6, v22  }
0x2c2: {  	s19 =	sor.u32 $0x70, s14;
	[tilespmem:s31+$0x0] =	vst.add.f32.msk $0xffff, v7;
	v7 =	vmul.f32 v6, v17  }
0x2c3: {  	s20 =	sor.u32 $0x400, s14;
	[tilespmem:s19+$0x0] =	vst.add.f32.msk $0xffff, v11;
	v11 =	vmul.f32 v6, v16  }
0x2c4: {  	s21 =	sor.u32 $0x410, s14;
	[tilespmem:s20+$0x0] =	vst.add.f32.msk $0xffff, v7;
	v7 =	vmul.f32 v6, v15  }
0x2c5: {  	s31 =	sor.u32 $0x420, s14;
	[tilespmem:s21+$0x0] =	vst.add.f32.msk $0xffff, v11;
	v11 =	vmul.f32 v6, v14  }
0x2c6: {  	s19 =	sor.u32 $0x430, s14;
	[tilespmem:s31+$0x0] =	vst.add.f32.msk $0xffff, v7;
	v7 =	vmul.f32 v6, v13  }
0x2c7: {  	v9 =	vmul.f32 v6, v9;
	s20 =	sor.u32 $0x440, s14;
	[tilespmem:s19+$0x0] =	vst.add.f32.msk $0xffff, v11  }
0x2c8: {  	s21 =	sor.u32 $0x450, s14;
	[tilespmem:s20+$0x0] =	vst.add.f32.msk $0xffff, v7;
	v7 =	vmul.f32 v6, v8  }
0x2c9: {  	s31 =	sor.u32 $0x460, s14;
	v8 =	vmul.f32 v6, v10;
	[tilespmem:s21+$0x0] =	vst.add.f32.msk $0xffff, v9  }
0x2ca: {  	s18 =	sshll.u32 s18, $0x6;
	s14 =	sor.u32 $0x470, s14;
	s19 =	simm.s32 $0x80;
	v6 =	vmul.f32 v4, v6;
	[tilespmem:s31+$0x0] =	vst.add.f32.msk $0xffff, v7  }
0x2cb: {  	s18 =	sshra.s32 s18, $0x2;
	s19 =	sand.u32 $0x380, s19;
	[tilespmem:s14+$0x0] =	vst.add.f32.msk $0xffff, v8  }
0x2cc: {  	s12 =	sor.u32 s12, s19;
	[tilespmem:s18+$0x14000] =	vst.add.f32.msk $0xffff, v6  }
0x2cd: {  	v9 =	vld [tilespmem:s12+$0x1A2D0]  }
0x2ce: {  	v10 =	vld [tilespmem:s12+$0x1B2D0]  }
0x2cf: {  	v6 =	vld [tilespmem:s12+$0x1A2C0]  }
0x2d0: {  	v12 =	vld [tilespmem:$0x15460]  }
0x2d1: {  	v13 =	vld [tilespmem:s12+$0x1B2C0]  }
0x2d2: {  	v14 =	vld [tilespmem:s12+$0x1B2E0]  }
0x2d3: {  	v11 =	vld [tilespmem:$0x15410]  }
0x2d4: {  	v7 =	vld [tilespmem:$0x15400]  }
0x2d5: {  	v15 =	vld [tilespmem:s12+$0x1B2F0]  }
0x2d6: {  	v16 =	vld [tilespmem:s12+$0x1A2B0]  }
0x2d7: {  	v17 =	vld [tilespmem:s12+$0x1A2A0]  }
0x2d8: {  	v18 =	vld [tilespmem:s12+$0x1B2B0]  }
0x2d9: {  	v19 =	vld [tilespmem:s12+$0x1B2A0]  }
0x2da: {  	v8 =	vld [tilespmem:s12+$0x1A290]  }
0x2db: {  	v20 =	vld [tilespmem:s12+$0x1A280]  }
0x2dc: {  	v21 =	vld [tilespmem:s12+$0x1B280]  }
0x2dd: {  	v22 =	vld [tilespmem:s12+$0x1B290]  }
0x2de: {  	v23 =	vld [tilespmem:$0x15440]  }
0x2df: {  	v45 =	vld [tilespmem:s12+$0x1A2E0]  }
0x2e0: {  	v46 =	vld [tilespmem:$0x15450]  }
0x2e1: {  	v47 =	vld [tilespmem:s12+$0x1A2F0];
	v20 =	vadd.f32 v21, v20  }
0x2e2: {  	v48 =	vld [tilespmem:$0x15420]  }
0x2e3: {  	v29 =	vld [tilespmem:s12+$0x1B6E0];
	v22 =	vadd.f32 v22, v8;
	v8 =	vmax.f32 v20, $0.0e+00  }
0x2e4: {  	v30 =	vld [tilespmem:s12+$0x1B6D0];
	v49 =	vmul.f32 v8, v7  }
0x2e5: {  	v21 =	vld [tilespmem:$0x15430];
	v17 =	vadd.f32 v19, v17;
	v7 =	vmax.f32 v22, $0.0e+00  }
0x2e6: {  	v50 =	vld [tilespmem:s12+$0x1B6B0];
	v19 =	vmul.f32 v7, v11;
	v28 =	vadd.f32 $0.0e+00, v49  }
0x2e7: {  	v52 =	vld [tilespmem:s12+$0x1A690];
	v16 =	vadd.f32 v18, v16;
	v11 =	vmax.f32 v17, $0.0e+00  }
0x2e8: {  	v54 =	vld [tilespmem:s12+$0x1A6A0];
	v6 =	vadd.f32 v13, v6;
	v17 =	vmul.f32 v11, v48;
	v19 =	vadd.f32 v19, v28  }
0x2e9: {  	v55 =	vld [tilespmem:$0x154A0];
	v13 =	vmax.f32 v16, $0.0e+00  }
0x2ea: {  	v57 =	vld [tilespmem:s12+$0x1A6C0];
	v6 =	vmax.f32 v6, $0.0e+00;
	v16 =	vmul.f32 v13, v21;
	v17 =	vadd.f32 v17, v19  }
0x2eb: {  	v9 =	vadd.f32 v10, v9;
	v10 =	vmul.f32 v6, v23;
	v23 =	vld [tilespmem:s12+$0x1A680]  }
0x2ec: {  	v19 =	vld [tilespmem:s12+$0x1B680];
	v16 =	vadd.f32 v16, v17  }
0x2ed: {  	v14 =	vadd.f32 v14, v45;
	v20 =	vld [tilespmem:$0x15470];
	v9 =	vmax.f32 v9, $0.0e+00  }
0x2ee: {  	v51 =	vmul.f32 v9, v46;
	v17 =	vld [tilespmem:s12+$0x1B690];
	v16 =	vadd.f32 v10, v16  }
0x2ef: {  	v10 =	vmax.f32 v14, $0.0e+00;
	v14 =	vadd.f32 v15, v47;
	v15 =	vld [tilespmem:$0x15480]  }
0x2f0: {  	v21 =	vld [tilespmem:s12+$0x1B6A0];
	v53 =	vmul.f32 v10, v12;
	v16 =	vadd.f32 v51, v16  }
0x2f1: {  	v12 =	vmax.f32 v14, $0.0e+00;
	v14 =	vadd.f32 v19, v23;
	v19 =	vld [tilespmem:$0x15490]  }
0x2f2: {  	v23 =	vld [tilespmem:s12+$0x1A6B0];
	v20 =	vmul.f32 v12, v20;
	v16 =	vadd.f32 v53, v16  }
0x2f3: {  	v58 =	vld [tilespmem:s12+$0x1A6E0];
	v17 =	vadd.f32 v17, v52;
	v14 =	vmax.f32 v14, $0.0e+00  }
0x2f4: {  	v18 =	vld [tilespmem:s12+$0x1B6C0];
	v56 =	vmul.f32 v14, v15;
	v16 =	vadd.f32 v20, v16  }
0x2f5: {  	v15 =	vmax.f32 v17, $0.0e+00;
	v17 =	vadd.f32 v21, v54;
	v20 =	vld [tilespmem:$0x154B0]  }
0x2f6: {  	v21 =	vld [tilespmem:s12+$0x1A6D0];
	v19 =	vmul.f32 v15, v19;
	v25 =	vadd.f32 v56, v16  }
0x2f7: {  	v16 =	vmax.f32 v17, $0.0e+00;
	v17 =	vadd.f32 v50, v23;
	v23 =	vld [tilespmem:$0x154C0]  }
0x2f8: {  	v59 =	vld [tilespmem:$0x154D0];
	v24 =	vmul.f32 v16, v55;
	v19 =	vadd.f32 v19, v25  }
0x2f9: {  	v60 =	vld [tilespmem:s12+$0x1A6F0];
	v18 =	vadd.f32 v18, v57;
	v17 =	vmax.f32 v17, $0.0e+00  }
0x2fa: {  	v22 =	vld [tilespmem:s12+$0x1B6F0];
	v20 =	vmul.f32 v17, v20;
	v19 =	vadd.f32 v24, v19  }
0x2fb: {  	v61 =	vld [tilespmem:$0x154E0];
	v18 =	vmax.f32 v18, $0.0e+00;
	v21 =	vadd.f32 v30, v21  }
0x2fc: {  	v23 =	vmul.f32 v18, v23;
	v20 =	vadd.f32 v20, v19  }
0x2fd: {  	v62 =	vld [tilespmem:$0x154F0];
	v19 =	vmax.f32 v21, $0.0e+00;
	v21 =	vadd.f32 v29, v58  }
0x2fe: {  	v25 =	vmul.f32 v19, v59;
	v23 =	vadd.f32 v23, v20  }
0x2ff: {  	v20 =	vmax.f32 v21, $0.0e+00;
	v21 =	vadd.f32 v22, v60  }
0x300: {  	v22 =	vmul.f32 v20, v61;
	v23 =	vadd.f32 v25, v23  }
0x301: {  	v21 =	vmax.f32 v21, $0.0e+00  }
0x302: {  	v63 =	vmul.f32 v21, v62;
	v22 =	vadd.f32 v22, v23;
	_ =	sdelay $0x1  }
0x303: {  	v22 =	vadd.f32 v63, v22;
	_ =	sdelay $0x1  }
0x304: {  	(xrf2) =	vadd.scan.msk.f32 $0xffff, v22;
	_ =	sdelay $0x4  }
0x305: {  	v22 =	vld [tilespmem:s30+$0x0];
	_ =	sdelay $0x4  }
0x306: {  	(v2sf) =	vpush v22, $0x0;
	v22, _, _ =	vpop (xrf2)  }
0x307: {  	v22 =	vbroadcast v22, $0xF;
	_ =	sdelay $0x1  }
0x308: {  	v22 =	vadd.f32 v22, v5;
	_ =	sdelay $0x1  }
0x309: {  	v22 =	vmul.f32 $1.442695020e+00, v22;
	_ =	sdelay $0x1  }
0x30a: {  	(erf) = vpow2.f32 v22;
	_ =	sdelay $0x5  }
0x30b: {  	s29 =	smov.u32 s30;
	s16 =	simm.s32 $0x180;
	s20 =	sadd.s32 $0x3, s13  }
0x30c: {  	s13 =	simm.s32 $0x0;
	p1 =	slt.s32 s20, s2;
	s18 =	simm.f32 $1.000000000e+00  }
0x30d: {  	s14 =	simm.s32 $0x200;
	s18 =	simm.s32 @!p1 $0x0;
	s21 =	spop (v2sf)  }
0x30e: {  	s12 =	sshll.u32 s11, $0x1;
	s31 =	ssub.s32 s21, s9;
	s20 =	sshll.u32 s21, $0x7;
	v22 =	vpop (erf)  }
0x30f: {  	s20 =	sand.u32 $0x380, s20;
	s19 =	sshll.u32 s31, $0x6;
	v22 =	vmul.f32 s18, v22;
	s18 =	sshll.u32 s31, $0x8  }
.LBB2_17:
0x310: {  	s21 =	sand.u32 $0xFFFFF800, s18  }
0x311: {  	s29 =	sadd.s32 $0x2, s29;
	s18 =	smov.u32 s13;
	s13 =	sadd.s32 $0x2, s13  }
0x312: {  	p1 =	slt.u32 s13, $0xE;
	v8 =	vmul.f32 v22, v8;
	s20 =	sor.u32 s20, s21;
	v7 =	vmul.f32 v22, v7  }
0x313: {  	v11 =	vmul.f32 v22, v11;
	v13 =	vmul.f32 v22, v13;
	s21 =	sor.u32 $0x10, s20  }
0x314: {  	v6 =	vmul.f32 v22, v6;
	s31 =	sor.u32 $0x20, s20;
	[tilespmem:s20+$0x0] =	vst.add.f32.msk $0xffff, v8;
	v8 =	vmul.f32 v22, v9  }
0x315: {  	v9 =	vmul.f32 v22, v12;
	[tilespmem:s21+$0x0] =	vst.add.f32.msk $0xffff, v7;
	s21 =	sor.u32 $0x30, s20;
	v7 =	vmul.f32 v22, v10  }
0x316: {  	[tilespmem:s31+$0x0] =	vst.add.f32.msk $0xffff, v11;
	s31 =	sor.u32 $0x40, s20  }
0x317: {  	[tilespmem:s21+$0x0] =	vst.add.f32.msk $0xffff, v13;
	s21 =	sor.u32 $0x50, s20  }
0x318: {  	[tilespmem:s31+$0x0] =	vst.add.f32.msk $0xffff, v6;
	s31 =	sor.u32 $0x60, s20  }
0x319: {  	v6 =	vmul.f32 v22, v14;
	[tilespmem:s21+$0x0] =	vst.add.f32.msk $0xffff, v8;
	s21 =	sor.u32 $0x70, s20  }
0x31a: {  	[tilespmem:s31+$0x0] =	vst.add.f32.msk $0xffff, v7;
	s31 =	sor.u32 $0x400, s20;
	v7 =	vmul.f32 v22, v15  }
0x31b: {  	v8 =	vmul.f32 v22, v16;
	[tilespmem:s21+$0x0] =	vst.add.f32.msk $0xffff, v9;
	s21 =	sor.u32 $0x410, s20  }
0x31c: {  	[tilespmem:s31+$0x0] =	vst.add.f32.msk $0xffff, v6;
	s31 =	sor.u32 $0x420, s20;
	v6 =	vmul.f32 v22, v17  }
0x31d: {  	[tilespmem:s21+$0x0] =	vst.add.f32.msk $0xffff, v7;
	s21 =	sor.u32 $0x430, s20;
	v7 =	vmul.f32 v22, v18  }
0x31e: {  	[tilespmem:s31+$0x0] =	vst.add.f32.msk $0xffff, v8;
	s31 =	sor.u32 $0x440, s20;
	v8 =	vmul.f32 v22, v19  }
0x31f: {  	[tilespmem:s21+$0x0] =	vst.add.f32.msk $0xffff, v6;
	s21 =	sor.u32 $0x450, s20;
	v6 =	vmul.f32 v22, v20  }
0x320: {  	[tilespmem:s31+$0x0] =	vst.add.f32.msk $0xffff, v7;
	s31 =	sor.u32 $0x460, s20;
	v7 =	vmul.f32 v22, v21  }
0x321: {  	s20 =	sor.u32 $0x470, s20;
	[tilespmem:s21+$0x0] =	vst.add.f32.msk $0xffff, v8;
	v8 =	vmul.f32 v4, v22  }
0x322: {  	s19 =	sshra.s32 s19, $0x2;
	[tilespmem:s31+$0x0] =	vst.add.f32.msk $0xffff, v6  }
0x323: {  	[tilespmem:s20+$0x0] =	vst.add.f32.msk $0xffff, v7  }
0x324: {  	[tilespmem:s19+$0x14000] =	vst.add.f32.msk $0xffff, v8  }
0x325: {  	v12 =	vld [tilespmem:$0x154D0]  }
0x326: {  	v15 =	vld [tilespmem:$0x154C0]  }
0x327: {  	v19 =	vld [tilespmem:$0x154B0]  }
0x328: {  	v20 =	vld [tilespmem:$0x154A0]  }
0x329: {  	v18 =	vld [tilespmem:$0x15490]  }
0x32a: {  	v17 =	vld [tilespmem:$0x15480]  }
0x32b: {  	v16 =	vld [tilespmem:$0x15470]  }
0x32c: {  	v14 =	vld [tilespmem:$0x15460]  }
0x32d: {  	v13 =	vld [tilespmem:$0x15450]  }
0x32e: {  	s20 =	sadd.s32 $0xFFFFFF80, s16;
	v11 =	vld [tilespmem:$0x15440]  }
0x32f: {  	s19 =	sand.u32 $0x800, s14;
	s20 =	sand.u32 $0x300, s20;
	v10 =	vld [tilespmem:$0x15430]  }
0x330: {  	s20 =	sor.u32 s20, s19;
	v9 =	vld [tilespmem:$0x15420]  }
0x331: {  	v6 =	vld [tilespmem:s20+$0x1A290]  }
0x332: {  	v7 =	vld [tilespmem:s20+$0x1B290]  }
0x333: {  	v8 =	vld [tilespmem:s20+$0x1A280]  }
0x334: {  	v21 =	vld [tilespmem:s20+$0x1B280]  }
0x335: {  	v22 =	vld [tilespmem:$0x15400]  }
0x336: {  	v23 =	vld [tilespmem:$0x15410]  }
0x337: {  	v24 =	vld [tilespmem:s20+$0x1B2A0]  }
0x338: {  	v6 =	vadd.f32 v7, v6;
	v25 =	vld [tilespmem:s20+$0x1A2A0]  }
0x339: {  	v7 =	vadd.f32 v21, v8;
	v21 =	vld [tilespmem:s20+$0x1B2B0]  }
0x33a: {  	v6 =	vmax.f32 v6, $0.0e+00;
	v26 =	vld [tilespmem:s20+$0x1A2B0]  }
0x33b: {  	v7 =	vmax.f32 v7, $0.0e+00;
	v23 =	vmul.f32 v6, v23;
	v27 =	vld [tilespmem:s20+$0x1B2C0]  }
0x33c: {  	v8 =	vmul.f32 v7, v22;
	v22 =	vld [tilespmem:s20+$0x1A2C0]  }
0x33d: {  	v24 =	vadd.f32 v24, v25;
	v25 =	vld [tilespmem:s20+$0x1B2D0]  }
0x33e: {  	v28 =	vadd.f32 $0.0e+00, v8;
	v29 =	vld [tilespmem:s20+$0x1A2D0]  }
0x33f: {  	v8 =	vmax.f32 v24, $0.0e+00;
	v21 =	vadd.f32 v21, v26;
	v24 =	vld [tilespmem:s20+$0x1B2E0]  }
0x340: {  	v23 =	vadd.f32 v23, v28;
	v26 =	vmul.f32 v8, v9;
	v28 =	vld [tilespmem:s20+$0x1A2E0]  }
0x341: {  	v9 =	vmax.f32 v21, $0.0e+00;
	v21 =	vadd.f32 v27, v22;
	v22 =	vld [tilespmem:s20+$0x1B2F0]  }
0x342: {  	v23 =	vadd.f32 v26, v23;
	v26 =	vmul.f32 v9, v10;
	v27 =	vld [tilespmem:s20+$0x1A2F0]  }
0x343: {  	v10 =	vmax.f32 v21, $0.0e+00;
	v21 =	vadd.f32 v25, v29;
	v25 =	vld [tilespmem:s20+$0x1B680]  }
0x344: {  	v23 =	vadd.f32 v26, v23;
	v26 =	vmul.f32 v10, v11;
	v29 =	vld [tilespmem:s20+$0x1A680]  }
0x345: {  	v11 =	vmax.f32 v21, $0.0e+00;
	v21 =	vadd.f32 v24, v28;
	v24 =	vld [tilespmem:s20+$0x1B690]  }
0x346: {  	v23 =	vadd.f32 v26, v23;
	v26 =	vmul.f32 v11, v13;
	v28 =	vld [tilespmem:s20+$0x1A690]  }
0x347: {  	v13 =	vmax.f32 v21, $0.0e+00;
	v21 =	vadd.f32 v22, v27;
	v22 =	vld [tilespmem:s20+$0x1B6A0]  }
0x348: {  	v23 =	vadd.f32 v26, v23;
	v26 =	vmul.f32 v13, v14;
	v27 =	vld [tilespmem:s20+$0x1A6A0]  }
0x349: {  	v14 =	vmax.f32 v21, $0.0e+00;
	v21 =	vadd.f32 v25, v29;
	v25 =	vld [tilespmem:s20+$0x1B6B0]  }
0x34a: {  	v23 =	vadd.f32 v26, v23;
	v26 =	vmul.f32 v14, v16;
	v29 =	vld [tilespmem:s20+$0x1A6B0]  }
0x34b: {  	v16 =	vmax.f32 v21, $0.0e+00;
	v21 =	vadd.f32 v24, v28;
	v24 =	vld [tilespmem:s20+$0x1B6C0]  }
0x34c: {  	v23 =	vadd.f32 v26, v23;
	v26 =	vmul.f32 v16, v17;
	v28 =	vld [tilespmem:s20+$0x1A6C0]  }
0x34d: {  	v17 =	vmax.f32 v21, $0.0e+00;
	v21 =	vadd.f32 v22, v27;
	v22 =	vld [tilespmem:s20+$0x1B6D0]  }
0x34e: {  	v23 =	vadd.f32 v26, v23;
	v26 =	vmul.f32 v17, v18;
	v27 =	vld [tilespmem:s20+$0x1A6D0]  }
0x34f: {  	v18 =	vmax.f32 v21, $0.0e+00;
	v21 =	vadd.f32 v25, v29;
	v25 =	vld [tilespmem:s20+$0x1B6E0]  }
0x350: {  	v23 =	vadd.f32 v26, v23;
	v26 =	vmul.f32 v18, v20;
	v29 =	vld [tilespmem:s20+$0x1A6E0]  }
0x351: {  	v20 =	vmax.f32 v21, $0.0e+00;
	v21 =	vadd.f32 v24, v28;
	v24 =	vld [tilespmem:s20+$0x1B6F0]  }
0x352: {  	v23 =	vadd.f32 v26, v23;
	v26 =	vmul.f32 v20, v19;
	v28 =	vld [tilespmem:s20+$0x1A6F0]  }
0x353: {  	v19 =	vmax.f32 v21, $0.0e+00;
	v21 =	vadd.f32 v22, v27;
	v22 =	vld [tilespmem:$0x154E0]  }
0x354: {  	v23 =	vadd.f32 v26, v23;
	v15 =	vmul.f32 v19, v15  }
0x355: {  	v21 =	vmax.f32 v21, $0.0e+00;
	v25 =	vadd.f32 v25, v29;
	v26 =	vld [tilespmem:$0x154F0]  }
0x356: {  	v15 =	vadd.f32 v15, v23;
	v12 =	vmul.f32 v21, v12  }
0x357: {  	v23 =	vmax.f32 v25, $0.0e+00;
	v24 =	vadd.f32 v24, v28  }
0x358: {  	v12 =	vadd.f32 v12, v15;
	v15 =	vmul.f32 v23, v22  }
0x359: {  	v22 =	vmax.f32 v24, $0.0e+00  }
0x35a: {  	v12 =	vadd.f32 v15, v12;
	v15 =	vmul.f32 v22, v26;
	_ =	sdelay $0x1  }
0x35b: {  	v12 =	vadd.f32 v15, v12;
	_ =	sdelay $0x1  }
0x35c: {  	(xrf2) =	vadd.scan.msk.f32 $0xffff, v12;
	_ =	sdelay $0x5  }
0x35d: {  	v12 =	vld [tilespmem:s29+$0xFFFFFFFF];
	_ =	sdelay $0x3  }
0x35e: {  	v15, _, _ =	vpop (xrf2)  }
0x35f: {  	v15 =	vbroadcast v15, $0xF;
	(v2sf) =	vpush v12, $0x0;
	_ =	sdelay $0x1  }
0x360: {  	v12 =	vadd.f32 v15, v5;
	_ =	sdelay $0x1  }
0x361: {  	v12 =	vmul.f32 $1.442695020e+00, v12;
	_ =	sdelay $0x1  }
0x362: {  	(erf) = vpow2.f32 v12;
	_ =	sdelay $0x5  }
0x363: {  	s18 =	sadd.s32 s18, s10  }
0x364: {  	s20 =	sadd.s32 $0x2, s18;
	s18 =	sadd.s32 $0x3, s18  }
0x365: {  	p3 =	slt.s32 s20, s2;
	p2 =	slt.s32 s18, s2;
	s18 =	simm.f32 $1.000000000e+00  }
0x366: {  	s18 =	simm.s32 @!p3 $0x0;
	s20 =	spop (v2sf);
	v12 =	vpop (erf)  }
0x367: {  	s21 =	ssub.s32 s20, s9;
	v12 =	vmul.f32 s18, v12;
	s20 =	sshll.u32 s20, $0x7  }
0x368: {  	s31 =	sshll.u32 s21, $0x8;
	s18 =	sshll.u32 s21, $0x6  }
0x369: {  	s20 =	sand.u32 $0x380, s20;
	v7 =	vmul.f32 v12, v7;
	s21 =	sand.u32 $0xFFFFF800, s31;
	v6 =	vmul.f32 v12, v6  }
0x36a: {  	s20 =	sor.u32 s20, s21  }
0x36b: {  	[tilespmem:s20+$0x0] =	vst.add.f32.msk $0xffff, v7;
	s21 =	sor.u32 $0x10, s20;
	v7 =	vmul.f32 v12, v8  }
0x36c: {  	[tilespmem:s21+$0x0] =	vst.add.f32.msk $0xffff, v6;
	s21 =	sor.u32 $0x20, s20;
	v6 =	vmul.f32 v12, v9  }
0x36d: {  	[tilespmem:s21+$0x0] =	vst.add.f32.msk $0xffff, v7;
	s21 =	sor.u32 $0x30, s20;
	v7 =	vmul.f32 v12, v10  }
0x36e: {  	[tilespmem:s21+$0x0] =	vst.add.f32.msk $0xffff, v6;
	s21 =	sor.u32 $0x40, s20;
	v6 =	vmul.f32 v12, v11  }
0x36f: {  	[tilespmem:s21+$0x0] =	vst.add.f32.msk $0xffff, v7;
	s21 =	sor.u32 $0x50, s20;
	v7 =	vmul.f32 v12, v13  }
0x370: {  	[tilespmem:s21+$0x0] =	vst.add.f32.msk $0xffff, v6;
	s21 =	sor.u32 $0x60, s20;
	v6 =	vmul.f32 v12, v14  }
0x371: {  	[tilespmem:s21+$0x0] =	vst.add.f32.msk $0xffff, v7;
	s21 =	sor.u32 $0x70, s20;
	v7 =	vmul.f32 v12, v16  }
0x372: {  	[tilespmem:s21+$0x0] =	vst.add.f32.msk $0xffff, v6;
	s21 =	sor.u32 $0x400, s20;
	v6 =	vmul.f32 v12, v17  }
0x373: {  	[tilespmem:s21+$0x0] =	vst.add.f32.msk $0xffff, v7;
	s21 =	sor.u32 $0x410, s20;
	v7 =	vmul.f32 v12, v18  }
0x374: {  	[tilespmem:s21+$0x0] =	vst.add.f32.msk $0xffff, v6;
	s21 =	sor.u32 $0x420, s20;
	v6 =	vmul.f32 v12, v20  }
0x375: {  	[tilespmem:s21+$0x0] =	vst.add.f32.msk $0xffff, v7;
	s21 =	sor.u32 $0x430, s20;
	v7 =	vmul.f32 v12, v19  }
0x376: {  	[tilespmem:s21+$0x0] =	vst.add.f32.msk $0xffff, v6;
	s21 =	sor.u32 $0x440, s20;
	v6 =	vmul.f32 v12, v21  }
0x377: {  	[tilespmem:s21+$0x0] =	vst.add.f32.msk $0xffff, v7;
	s21 =	sor.u32 $0x450, s20;
	v7 =	vmul.f32 v12, v23  }
0x378: {  	[tilespmem:s21+$0x0] =	vst.add.f32.msk $0xffff, v6;
	s21 =	sor.u32 $0x460, s20;
	v6 =	vmul.f32 v12, v22  }
0x379: {  	s20 =	sor.u32 $0x470, s20;
	[tilespmem:s21+$0x0] =	vst.add.f32.msk $0xffff, v7;
	v7 =	vmul.f32 v4, v12  }
0x37a: {  	s18 =	sshra.s32 s18, $0x2;
	[tilespmem:s20+$0x0] =	vst.add.f32.msk $0xffff, v6;
	s20 =	sand.u32 $0x380, s16  }
0x37b: {  	[tilespmem:s18+$0x14000] =	vst.add.f32.msk $0xffff, v7;
	s18 =	sor.u32 s19, s20  }
0x37c: {  	v7 =	vld [tilespmem:s18+$0x1A2D0]  }
0x37d: {  	v8 =	vld [tilespmem:s18+$0x1B2D0]  }
0x37e: {  	v6 =	vld [tilespmem:s18+$0x1A2C0]  }
0x37f: {  	v12 =	vld [tilespmem:$0x15460]  }
0x380: {  	v9 =	vld [tilespmem:s18+$0x1B2C0]  }
0x381: {  	v10 =	vld [tilespmem:s18+$0x1B2E0]  }
0x382: {  	v11 =	vld [tilespmem:$0x15410]  }
0x383: {  	v13 =	vld [tilespmem:$0x15400]  }
0x384: {  	v14 =	vld [tilespmem:s18+$0x1B2F0]  }
0x385: {  	v15 =	vld [tilespmem:s18+$0x1A2B0]  }
0x386: {  	v16 =	vld [tilespmem:s18+$0x1A2A0]  }
0x387: {  	v17 =	vld [tilespmem:s18+$0x1B2B0]  }
0x388: {  	v18 =	vld [tilespmem:s18+$0x1B2A0]  }
0x389: {  	v19 =	vld [tilespmem:s18+$0x1A290]  }
0x38a: {  	v20 =	vld [tilespmem:s18+$0x1A280]  }
0x38b: {  	v21 =	vld [tilespmem:s18+$0x1B290]  }
0x38c: {  	v22 =	vld [tilespmem:s18+$0x1B280];
	v15 =	vadd.f32 v17, v15  }
0x38d: {  	v16 =	vadd.f32 v18, v16;
	v17 =	vld [tilespmem:$0x15440]  }
0x38e: {  	v18 =	vld [tilespmem:s18+$0x1A2E0]  }
0x38f: {  	v6 =	vadd.f32 v9, v6;
	v23 =	vld [tilespmem:$0x15450]  }
0x390: {  	v9 =	vadd.f32 v21, v19;
	v19 =	vld [tilespmem:s18+$0x1A2F0]  }
0x391: {  	v6 =	vmax.f32 v6, $0.0e+00;
	v20 =	vadd.f32 v22, v20;
	v21 =	vld [tilespmem:$0x15430];
	v22 =	vadd.f32 v8, v7  }
0x392: {  	v7 =	vmax.f32 v9, $0.0e+00;
	v24 =	vld [tilespmem:$0x15420];
	v17 =	vmul.f32 v6, v17  }
0x393: {  	v8 =	vmax.f32 v20, $0.0e+00;
	v9 =	vmax.f32 v22, $0.0e+00;
	v10 =	vadd.f32 v10, v18;
	v18 =	vld [tilespmem:$0x15470]  }
0x394: {  	v13 =	vmul.f32 v8, v13;
	v20 =	vmul.f32 v9, v23;
	v22 =	vld [tilespmem:s18+$0x1B6F0]  }
0x395: {  	v23 =	vmul.f32 v7, v11;
	v10 =	vmax.f32 v10, $0.0e+00;
	v14 =	vadd.f32 v14, v19;
	v25 =	vld [tilespmem:s18+$0x1B6E0]  }
0x396: {  	v11 =	vmax.f32 v16, $0.0e+00;
	v13 =	vadd.f32 $0.0e+00, v13;
	v16 =	vmul.f32 v10, v12;
	v19 =	vld [tilespmem:s18+$0x1B6D0]  }
0x397: {  	v24 =	vmul.f32 v11, v24;
	v12 =	vmax.f32 v14, $0.0e+00;
	v26 =	vld [tilespmem:s18+$0x1B6C0]  }
0x398: {  	v14 =	vadd.f32 v23, v13;
	v13 =	vmax.f32 v15, $0.0e+00;
	v15 =	vmul.f32 v12, v18;
	v18 =	vld [tilespmem:s18+$0x1B6B0]  }
0x399: {  	v21 =	vmul.f32 v13, v21;
	v23 =	vld [tilespmem:s18+$0x1B6A0]  }
0x39a: {  	v14 =	vadd.f32 v24, v14;
	v24 =	vld [tilespmem:s18+$0x1B680]  }
0x39b: {  	v27 =	vld [tilespmem:s18+$0x1A680]  }
0x39c: {  	v14 =	vadd.f32 v21, v14;
	v21 =	vld [tilespmem:s18+$0x1B690]  }
0x39d: {  	v28 =	vld [tilespmem:s18+$0x1A690]  }
0x39e: {  	v14 =	vadd.f32 v17, v14;
	v17 =	vld [tilespmem:$0x15480]  }
0x39f: {  	v29 =	vld [tilespmem:s18+$0x1A6A0]  }
0x3a0: {  	v14 =	vadd.f32 v20, v14;
	v20 =	vadd.f32 v24, v27;
	v24 =	vld [tilespmem:$0x15490]  }
0x3a1: {  	v27 =	vld [tilespmem:s18+$0x1A6B0]  }
0x3a2: {  	v16 =	vadd.f32 v16, v14;
	v14 =	vmax.f32 v20, $0.0e+00;
	v20 =	vadd.f32 v21, v28;
	v21 =	vld [tilespmem:$0x154A0]  }
0x3a3: {  	v17 =	vmul.f32 v14, v17;
	v28 =	vld [tilespmem:s18+$0x1A6C0]  }
0x3a4: {  	v16 =	vadd.f32 v15, v16;
	v15 =	vmax.f32 v20, $0.0e+00;
	v20 =	vadd.f32 v23, v29;
	v23 =	vld [tilespmem:$0x154B0]  }
0x3a5: {  	v24 =	vmul.f32 v15, v24;
	v29 =	vld [tilespmem:s18+$0x1A6D0]  }
0x3a6: {  	v17 =	vadd.f32 v17, v16;
	v16 =	vmax.f32 v20, $0.0e+00;
	v18 =	vadd.f32 v18, v27;
	v20 =	vld [tilespmem:$0x154C0]  }
0x3a7: {  	v21 =	vmul.f32 v16, v21;
	v27 =	vld [tilespmem:s18+$0x1A6E0]  }
0x3a8: {  	v24 =	vadd.f32 v24, v17;
	v17 =	vmax.f32 v18, $0.0e+00;
	v18 =	vadd.f32 v26, v28;
	v26 =	vld [tilespmem:$0x154D0]  }
0x3a9: {  	v23 =	vmul.f32 v17, v23;
	v28 =	vld [tilespmem:s18+$0x1A6F0]  }
0x3aa: {  	v21 =	vadd.f32 v21, v24;
	v18 =	vmax.f32 v18, $0.0e+00;
	v19 =	vadd.f32 v19, v29;
	v24 =	vld [tilespmem:$0x154E0]  }
0x3ab: {  	v20 =	vmul.f32 v18, v20  }
0x3ac: {  	v21 =	vadd.f32 v23, v21;
	v19 =	vmax.f32 v19, $0.0e+00;
	v23 =	vadd.f32 v25, v27;
	v25 =	vld [tilespmem:$0x154F0]  }
0x3ad: {  	v26 =	vmul.f32 v19, v26  }
0x3ae: {  	v21 =	vadd.f32 v20, v21;
	v20 =	vmax.f32 v23, $0.0e+00;
	v22 =	vadd.f32 v22, v28  }
0x3af: {  	v23 =	vmul.f32 v20, v24  }
0x3b0: {  	v24 =	vadd.f32 v26, v21;
	v21 =	vmax.f32 v22, $0.0e+00  }
0x3b1: {  	v22 =	vmul.f32 v21, v25  }
0x3b2: {  	v23 =	vadd.f32 v23, v24;
	_ =	sdelay $0x1  }
0x3b3: {  	v22 =	vadd.f32 v22, v23;
	_ =	sdelay $0x1  }
0x3b4: {  	(xrf2) =	vadd.scan.msk.f32 $0xffff, v22;
	_ =	sdelay $0x4  }
0x3b5: {  	v22 =	vld [tilespmem:s29+$0x0];
	_ =	sdelay $0x4  }
0x3b6: {  	(v2sf) =	vpush v22, $0x0;
	v22, _, _ =	vpop (xrf2)  }
0x3b7: {  	v22 =	vbroadcast v22, $0xF;
	_ =	sdelay $0x1  }
0x3b8: {  	v22 =	vadd.f32 v22, v5;
	_ =	sdelay $0x1  }
0x3b9: {  	v22 =	vmul.f32 $1.442695020e+00, v22;
	_ =	sdelay $0x1  }
0x3ba: {  	(erf) = vpow2.f32 v22;
	_ =	sdelay $0x5  }
.Ltmp13:
0x3bb: {  	(pc) =	sbr.rel @p1 .LBB2_17-.Ltmp13, $4  }
0x3bc: {  	s18 =	simm.f32 $1.000000000e+00  }
0x3bd: {  	s14 =	sadd.s32 $0x200, s14;
	s18 =	simm.s32 @!p2 $0x0;
	s19 =	spop (v2sf)  }
0x3be: {  	s16 =	sadd.s32 $0x100, s16;
	s21 =	ssub.s32 s19, s9;
	s19 =	sshll.u32 s19, $0x7;
	v22 =	vpop (erf)  }
0x3bf: {  	v22 =	vmul.f32 s18, v22;
	s18 =	sshll.u32 s21, $0x8;
	s20 =	sand.u32 $0x380, s19;
	s19 =	sshll.u32 s21, $0x6  }
0x3c0: {  	_ = 	snop  }
0x3c1: {  	s13 =	sand.u32 $0xFFFFF800, s18;
	v8 =	vmul.f32 v22, v8  }
0x3c2: {  	s13 =	sor.u32 s20, s13;
	v7 =	vmul.f32 v22, v7  }
0x3c3: {  	v11 =	vmul.f32 v22, v11;
	s14 =	sor.u32 $0x10, s13;
	[tilespmem:s13+$0x0] =	vst.add.f32.msk $0xffff, v8  }
0x3c4: {  	v59 =	vmul.f32 v22, v13;
	s16 =	sor.u32 $0x20, s13;
	[tilespmem:s14+$0x0] =	vst.add.f32.msk $0xffff, v7  }
0x3c5: {  	v6 =	vmul.f32 v22, v6;
	s21 =	sor.u32 $0x30, s13;
	[tilespmem:s16+$0x0] =	vst.add.f32.msk $0xffff, v11  }
0x3c6: {  	s29 =	sor.u32 $0x40, s13;
	v7 =	vmul.f32 v22, v9;
	[tilespmem:s21+$0x0] =	vst.add.f32.msk $0xffff, v59  }
0x3c7: {  	v60 =	vmul.f32 v22, v10;
	s31 =	sor.u32 $0x50, s13;
	[tilespmem:s29+$0x0] =	vst.add.f32.msk $0xffff, v6  }
0x3c8: {  	s18 =	sor.u32 $0x60, s13;
	v6 =	vmul.f32 v22, v12;
	[tilespmem:s31+$0x0] =	vst.add.f32.msk $0xffff, v7  }
0x3c9: {  	s20 =	sor.u32 $0x70, s13;
	v7 =	vmul.f32 v22, v14;
	[tilespmem:s18+$0x0] =	vst.add.f32.msk $0xffff, v60  }
0x3ca: {  	v61 =	vmul.f32 v22, v15;
	s21 =	sor.u32 $0x400, s13;
	[tilespmem:s20+$0x0] =	vst.add.f32.msk $0xffff, v6  }
0x3cb: {  	s29 =	sor.u32 $0x410, s13;
	v6 =	vmul.f32 v22, v16;
	[tilespmem:s21+$0x0] =	vst.add.f32.msk $0xffff, v7  }
0x3cc: {  	s31 =	sor.u32 $0x420, s13;
	v7 =	vmul.f32 v22, v17;
	[tilespmem:s29+$0x0] =	vst.add.f32.msk $0xffff, v61  }
0x3cd: {  	v62 =	vmul.f32 v22, v18;
	s18 =	sor.u32 $0x430, s13;
	[tilespmem:s31+$0x0] =	vst.add.f32.msk $0xffff, v6  }
0x3ce: {  	s20 =	sor.u32 $0x440, s13;
	v6 =	vmul.f32 v22, v19;
	[tilespmem:s18+$0x0] =	vst.add.f32.msk $0xffff, v7  }
0x3cf: {  	s21 =	sor.u32 $0x450, s13;
	v7 =	vmul.f32 v22, v20;
	[tilespmem:s20+$0x0] =	vst.add.f32.msk $0xffff, v62  }
0x3d0: {  	v63 =	vmul.f32 v22, v21;
	s29 =	sor.u32 $0x460, s13;
	[tilespmem:s21+$0x0] =	vst.add.f32.msk $0xffff, v6  }
0x3d1: {  	s12 =	sadd.s32 $0x2, s12;
	s13 =	sor.u32 $0x470, s13;
	v6 =	vmul.f32 v4, v22;
	[tilespmem:s29+$0x0] =	vst.add.f32.msk $0xffff, v7  }
0x3d2: {  	p1 =	sge.s32 s12, s3;
	s31 =	sshra.s32 s19, $0x2;
	[tilespmem:s13+$0x0] =	vst.add.f32.msk $0xffff, v63  }
0x3d3: {  	s12 =	sshll.u32 @!p1 s12, $0x4;
	[tilespmem:s31+$0x14000] =	vst.add.f32.msk $0xffff, v6  }
0x3d4: {  	v6 =	vld @!p1 [tilespmem:s12+$0x16F80];
	_ =	sdelay $0x4  }
0x3d5: {  	v7 =	vshll.u32 @!p1 v6, $0x1  }
0x3d6: {  	v8 =	vlaneseq.u32 @!p1;
	v6 =	vand.u32 @!p1 $0x7, v6;
	v7 =	vand.u32 @!p1 $0xFFFFFFF0, v7  }
0x3d7: {  	v9 =	vshrl.u32 @!p1 v8, $0x3;
	v6 =	vor.u32 @!p1 v6, v7;
	v7 =	vand.u32 @!p1 $0x7, v8  }
0x3d8: {  	v9 =	vmul.u32 @!p1 $0x8, v9;
	v10 =	vperm.xlane @!p1 v6, v7  }
0x3d9: {  	v8 =	vor.u32 @!p1 $0x8, v8  }
0x3da: {  	v6 =	vperm.xlane @!p1 v6, v8;
	v10 =	vadd.s32 @!p1 v9, v10;
	_ =	sdelay $0x1  }
0x3db: {  	v6 =	vadd.s32 @!p1 v9, v6;
	_ =	sdelay $0x1  }
0x3dc: {  	vm0 =	vmmov @!p1 $0xffff;
	s14 =	simm.s32 @!p1 $0x1A280;
	s13 =	simm.s32 @!p1 $0x0  }
0x3dd: {  	[tilespmem:s14], [sflag:$0x1] =	stream.indirect_vreg.gather @!p1 [hbm4b:s1+s13], $0x80, v10, vm0, $0xb8;
	[tilespmem:$0x1E280] =	vst v63  }
0x3de: {  	s14 =	simm.s32 @!p1 $0x1AA80  }
0x3df: {  	[tilespmem:s14], [sflag:$0x1] =	stream.indirect_vreg.gather @!p1 [hbm4b:s1+s13], $0x80, v6, vm0, $0xb8;
	[tilespmem:$0x1E280] =	vst v63  }
0x3e0: {  	v6 =	vld @!p1 [tilespmem:s12+$0x18900];
	_ =	sdelay $0x4  }
0x3e1: {  	v10 =	vshll.u32 @!p1 v6, $0x1  }
0x3e2: {  	v6 =	vand.u32 @!p1 $0x7, v6;
	v10 =	vand.u32 @!p1 $0xFFFFFFF0, v10  }
0x3e3: {  	v6 =	vor.u32 @!p1 v6, v10  }
0x3e4: {  	v7 =	vperm.xlane @!p1 v6, v7;
	_ =	sdelay $0x1  }
0x3e5: {  	v6 =	vperm.xlane @!p1 v6, v8;
	v7 =	vadd.s32 @!p1 v9, v7;
	_ =	sdelay $0x1  }
0x3e6: {  	v6 =	vadd.s32 @!p1 v9, v6  }
.Ltmp14:
0x3e7: {  	_ = 	snop;
	(pc) =	sbr.rel @p0 .LBB2_22-.Ltmp14, $4  }
0x3e8: {  	s12 =	simm.s32 @!p1 $0x1B280  }
0x3e9: {  	[tilespmem:s12], [sflag:$0x2] =	stream.indirect_vreg.gather @!p1 [hbm4b:s5+s13], $0x80, v7, vm0, $0xb8;
	[tilespmem:$0x1E280] =	vst v63  }
0x3ea: {  	s12 =	simm.s32 @!p1 $0x1BA80  }
0x3eb: {  	[tilespmem:s12], [sflag:$0x2] =	stream.indirect_vreg.gather @!p1 [hbm4b:s5+s13], $0x80, v6, vm0, $0xb8;
	[tilespmem:$0x1E280] =	vst v63  }
0x3ec: {  	_ =	swait.ge [sflag:s26], $0x1000  }
0x3ed: {  	[sflag:s26] =	ssyncset.done $0x0  }
0x3ee: {  	[sflag:s26] =	ssyncadd.s32 $0xFFFFF000  }
0x3ef: {  	_ =	swait.ge [sflag:s28], $0x1000  }
0x3f0: {  	[sflag:s28] =	ssyncset.done $0x0  }
0x3f1: {  	[sflag:s28] =	ssyncadd.s32 $0xFFFFF000  }
0x3f2: {  	v6 =	vld [tilespmem:$0x154D0]  }
0x3f3: {  	v7 =	vld [tilespmem:$0x154C0]  }
0x3f4: {  	v8 =	vld [tilespmem:$0x154B0]  }
0x3f5: {  	v9 =	vld [tilespmem:$0x154A0]  }
0x3f6: {  	v10 =	vld [tilespmem:$0x15490]  }
0x3f7: {  	v11 =	vld [tilespmem:$0x15480]  }
0x3f8: {  	v12 =	vld [tilespmem:$0x15470]  }
0x3f9: {  	v13 =	vld [tilespmem:$0x15460]  }
0x3fa: {  	v14 =	vld [tilespmem:$0x15450]  }
0x3fb: {  	s12 =	simm.s32 $0x0;
	s14 =	simm.s32 $0x0;
	v15 =	vld [tilespmem:$0x15440]  }
0x3fc: {  	s13 =	sand.u32 $0x800, s12;
	s16 =	sand.u32 $0x300, s14;
	v16 =	vld [tilespmem:$0x15430]  }
0x3fd: {  	s12 =	sor.u32 s16, s13;
	v17 =	vld [tilespmem:$0x15420]  }
0x3fe: {  	v18 =	vld [tilespmem:s12+$0x1C290]  }
0x3ff: {  	v19 =	vld [tilespmem:s12+$0x1D290]  }
0x400: {  	v20 =	vld [tilespmem:s12+$0x1C280]  }
0x401: {  	v21 =	vld [tilespmem:s12+$0x1D280]  }
0x402: {  	v22 =	vld [tilespmem:$0x15400]  }
0x403: {  	v23 =	vld [tilespmem:$0x15410]  }
0x404: {  	v24 =	vld [tilespmem:s12+$0x1D2A0]  }
0x405: {  	v25 =	vld [tilespmem:s12+$0x1C2A0]  }
0x406: {  	v26 =	vld [tilespmem:s12+$0x1C2B0];
	v20 =	vadd.f32 v21, v20  }
0x407: {  	v21 =	vld [tilespmem:s12+$0x1D2B0]  }
0x408: {  	v27 =	vld [tilespmem:s12+$0x1C2C0];
	v18 =	vadd.f32 v19, v18;
	v19 =	vmax.f32 v20, $0.0e+00  }
0x409: {  	v20 =	vld [tilespmem:s12+$0x1D2C0];
	v22 =	vmul.f32 v19, v22  }
0x40a: {  	v33 =	vld [tilespmem:s12+$0x1D2D0];
	v24 =	vadd.f32 v24, v25;
	v18 =	vmax.f32 v18, $0.0e+00  }
0x40b: {  	v28 =	vld [tilespmem:s12+$0x1C2D0];
	v23 =	vmul.f32 v18, v23;
	v22 =	vadd.f32 $0.0e+00, v22  }
0x40c: {  	v34 =	vld [tilespmem:s12+$0x1D2E0];
	v24 =	vmax.f32 v24, $0.0e+00;
	v21 =	vadd.f32 v21, v26  }
0x40d: {  	v17 =	vmul.f32 v24, v17;
	v22 =	vadd.f32 v23, v22;
	v23 =	vld [tilespmem:s12+$0x1C2E0]  }
0x40e: {  	v35 =	vld [tilespmem:s12+$0x1D2F0];
	v21 =	vmax.f32 v21, $0.0e+00;
	v20 =	vadd.f32 v20, v27  }
0x40f: {  	v16 =	vmul.f32 v21, v16;
	v17 =	vadd.f32 v17, v22;
	v22 =	vld [tilespmem:s12+$0x1C2F0]  }
0x410: {  	v36 =	vld [tilespmem:s12+$0x1D680];
	v25 =	vadd.f32 v33, v28;
	v20 =	vmax.f32 v20, $0.0e+00  }
0x411: {  	v15 =	vmul.f32 v20, v15;
	v16 =	vadd.f32 v16, v17;
	v17 =	vld [tilespmem:s12+$0x1C680]  }
0x412: {  	v37 =	vld [tilespmem:s12+$0x1D690];
	v25 =	vmax.f32 v25, $0.0e+00;
	v23 =	vadd.f32 v34, v23  }
0x413: {  	v14 =	vmul.f32 v25, v14;
	v15 =	vadd.f32 v15, v16;
	v16 =	vld [tilespmem:s12+$0x1C690]  }
0x414: {  	v38 =	vld [tilespmem:s12+$0x1D6A0];
	v23 =	vmax.f32 v23, $0.0e+00;
	v22 =	vadd.f32 v35, v22  }
0x415: {  	v14 =	vadd.f32 v14, v15;
	v13 =	vmul.f32 v23, v13;
	v15 =	vld [tilespmem:s12+$0x1C6A0]  }
0x416: {  	v39 =	vld [tilespmem:s12+$0x1D6B0];
	v22 =	vmax.f32 v22, $0.0e+00;
	v17 =	vadd.f32 v36, v17  }
0x417: {  	v13 =	vadd.f32 v13, v14;
	v12 =	vmul.f32 v22, v12;
	v14 =	vld [tilespmem:s12+$0x1C6B0]  }
0x418: {  	v40 =	vld [tilespmem:s12+$0x1D6C0];
	v17 =	vmax.f32 v17, $0.0e+00;
	v16 =	vadd.f32 v37, v16  }
0x419: {  	v12 =	vadd.f32 v12, v13;
	v11 =	vmul.f32 v17, v11;
	v13 =	vld [tilespmem:s12+$0x1C6C0]  }
0x41a: {  	v41 =	vld [tilespmem:s12+$0x1D6D0];
	v16 =	vmax.f32 v16, $0.0e+00;
	v15 =	vadd.f32 v38, v15  }
0x41b: {  	v11 =	vadd.f32 v11, v12;
	v10 =	vmul.f32 v16, v10;
	v12 =	vld [tilespmem:s12+$0x1C6D0]  }
0x41c: {  	v42 =	vld [tilespmem:s12+$0x1D6E0];
	v15 =	vmax.f32 v15, $0.0e+00;
	v14 =	vadd.f32 v39, v14  }
0x41d: {  	v10 =	vadd.f32 v10, v11;
	v9 =	vmul.f32 v15, v9;
	v11 =	vld [tilespmem:s12+$0x1C6E0]  }
0x41e: {  	v43 =	vld [tilespmem:s12+$0x1D6F0];
	v14 =	vmax.f32 v14, $0.0e+00;
	v13 =	vadd.f32 v40, v13  }
0x41f: {  	v9 =	vadd.f32 v9, v10;
	v8 =	vmul.f32 v14, v8;
	v10 =	vld [tilespmem:s12+$0x1C6F0]  }
0x420: {  	v44 =	vld [tilespmem:$0x154E0];
	v13 =	vmax.f32 v13, $0.0e+00;
	v12 =	vadd.f32 v41, v12  }
0x421: {  	v8 =	vadd.f32 v8, v9;
	v7 =	vmul.f32 v13, v7  }
0x422: {  	v9 =	vmax.f32 v12, $0.0e+00;
	v11 =	vadd.f32 v42, v11;
	v12 =	vld [tilespmem:$0x154F0]  }
0x423: {  	v7 =	vadd.f32 v7, v8;
	v6 =	vmul.f32 v9, v6  }
0x424: {  	v8 =	vmax.f32 v11, $0.0e+00;
	v10 =	vadd.f32 v43, v10  }
0x425: {  	v6 =	vadd.f32 v6, v7;
	v7 =	vmul.f32 v8, v44  }
0x426: {  	v10 =	vmax.f32 v10, $0.0e+00  }
0x427: {  	v6 =	vadd.f32 v7, v6;
	v7 =	vmul.f32 v10, v12;
	_ =	sdelay $0x1  }
0x428: {  	v6 =	vadd.f32 v7, v6;
	_ =	sdelay $0x1  }
0x429: {  	(xrf2) =	vadd.scan.msk.f32 $0xffff, v6;
	_ =	sdelay $0x5  }
0x42a: {  	v6 =	vld [tilespmem:s8+$0xFFFFFFFF];
	_ =	sdelay $0x3  }
0x42b: {  	v7, _, _ =	vpop (xrf2)  }
0x42c: {  	(v2sf) =	vpush v6, $0x0;
	v7 =	vbroadcast v7, $0xF;
	_ =	sdelay $0x1  }
0x42d: {  	v6 =	vadd.f32 v7, v5;
	_ =	sdelay $0x1  }
0x42e: {  	v6 =	vmul.f32 $1.442695020e+00, v6;
	_ =	sdelay $0x1  }
0x42f: {  	(erf) = vpow2.f32 v6;
	_ =	sdelay $0x5  }
0x430: {  	s12 =	sadd.s32 $0xFFFFFFFE, s10  }
0x431: {  	s18 =	sadd.s32 $0x12, s12  }
0x432: {  	s14 =	simm.f32 $1.000000000e+00;
	p0 =	slt.s32 s18, s2  }
0x433: {  	s14 =	simm.s32 @!p0 $0x0;
	s16 =	spop (v2sf);
	v6 =	vpop (erf)  }
0x434: {  	s18 =	ssub.s32 s16, s9;
	v6 =	vmul.f32 s14, v6  }
0x435: {  	s19 =	sshll.u32 s16, $0x7;
	s20 =	sshll.u32 s18, $0x8  }
0x436: {  	s16 =	sand.u32 $0xFFFFF800, s20;
	s14 =	sand.u32 $0x380, s19;
	v7 =	vmul.f32 v6, v19  }
0x437: {  	s14 =	sor.u32 s14, s16;
	v11 =	vmul.f32 v6, v18  }
0x438: {  	s16 =	sor.u32 $0x10, s14;
	[tilespmem:s14+$0x0] =	vst.add.f32.msk $0xffff, v7;
	v7 =	vmul.f32 v6, v24  }
0x439: {  	s21 =	sor.u32 $0x20, s14;
	[tilespmem:s16+$0x0] =	vst.add.f32.msk $0xffff, v11;
	v11 =	vmul.f32 v6, v21  }
0x43a: {  	s29 =	sor.u32 $0x30, s14;
	[tilespmem:s21+$0x0] =	vst.add.f32.msk $0xffff, v7;
	v7 =	vmul.f32 v6, v20  }
0x43b: {  	s31 =	sor.u32 $0x40, s14;
	[tilespmem:s29+$0x0] =	vst.add.f32.msk $0xffff, v11;
	v11 =	vmul.f32 v6, v25  }
0x43c: {  	s19 =	sor.u32 $0x50, s14;
	[tilespmem:s31+$0x0] =	vst.add.f32.msk $0xffff, v7;
	v7 =	vmul.f32 v6, v23  }
0x43d: {  	s20 =	sor.u32 $0x60, s14;
	[tilespmem:s19+$0x0] =	vst.add.f32.msk $0xffff, v11;
	v11 =	vmul.f32 v6, v22  }
0x43e: {  	s21 =	sor.u32 $0x70, s14;
	[tilespmem:s20+$0x0] =	vst.add.f32.msk $0xffff, v7;
	v7 =	vmul.f32 v6, v17  }
0x43f: {  	s29 =	sor.u32 $0x400, s14;
	[tilespmem:s21+$0x0] =	vst.add.f32.msk $0xffff, v11;
	v11 =	vmul.f32 v6, v16  }
0x440: {  	s31 =	sor.u32 $0x410, s14;
	[tilespmem:s29+$0x0] =	vst.add.f32.msk $0xffff, v7;
	v7 =	vmul.f32 v6, v15  }
0x441: {  	s19 =	sor.u32 $0x420, s14;
	[tilespmem:s31+$0x0] =	vst.add.f32.msk $0xffff, v11;
	v11 =	vmul.f32 v6, v14  }
0x442: {  	s20 =	sor.u32 $0x430, s14;
	[tilespmem:s19+$0x0] =	vst.add.f32.msk $0xffff, v7;
	v7 =	vmul.f32 v6, v13  }
0x443: {  	v9 =	vmul.f32 v6, v9;
	s21 =	sor.u32 $0x440, s14;
	[tilespmem:s20+$0x0] =	vst.add.f32.msk $0xffff, v11  }
0x444: {  	s29 =	sor.u32 $0x450, s14;
	[tilespmem:s21+$0x0] =	vst.add.f32.msk $0xffff, v7;
	v7 =	vmul.f32 v6, v8  }
0x445: {  	s31 =	sor.u32 $0x460, s14;
	v8 =	vmul.f32 v6, v10;
	[tilespmem:s29+$0x0] =	vst.add.f32.msk $0xffff, v9  }
0x446: {  	s18 =	sshll.u32 s18, $0x6;
	s14 =	sor.u32 $0x470, s14;
	s19 =	simm.s32 $0x80;
	v6 =	vmul.f32 v4, v6;
	[tilespmem:s31+$0x0] =	vst.add.f32.msk $0xffff, v7  }
0x447: {  	s18 =	sshra.s32 s18, $0x2;
	s20 =	sand.u32 $0x380, s19;
	[tilespmem:s14+$0x0] =	vst.add.f32.msk $0xffff, v8  }
0x448: {  	s13 =	sor.u32 s13, s20;
	[tilespmem:s18+$0x14000] =	vst.add.f32.msk $0xffff, v6  }
0x449: {  	v9 =	vld [tilespmem:s13+$0x1C2D0]  }
0x44a: {  	v10 =	vld [tilespmem:s13+$0x1D2D0]  }
0x44b: {  	v6 =	vld [tilespmem:s13+$0x1C2C0]  }
0x44c: {  	v12 =	vld [tilespmem:$0x15460]  }
0x44d: {  	v13 =	vld [tilespmem:s13+$0x1D2C0]  }
0x44e: {  	v14 =	vld [tilespmem:s13+$0x1D2E0]  }
0x44f: {  	v11 =	vld [tilespmem:$0x15410]  }
0x450: {  	v7 =	vld [tilespmem:$0x15400]  }
0x451: {  	v15 =	vld [tilespmem:s13+$0x1D2F0]  }
0x452: {  	v16 =	vld [tilespmem:s13+$0x1C2B0]  }
0x453: {  	v17 =	vld [tilespmem:s13+$0x1C2A0]  }
0x454: {  	v18 =	vld [tilespmem:s13+$0x1D2B0]  }
0x455: {  	v19 =	vld [tilespmem:s13+$0x1D2A0]  }
0x456: {  	v8 =	vld [tilespmem:s13+$0x1C290]  }
0x457: {  	v20 =	vld [tilespmem:s13+$0x1C280]  }
0x458: {  	v21 =	vld [tilespmem:s13+$0x1D280]  }
0x459: {  	v22 =	vld [tilespmem:s13+$0x1D290]  }
0x45a: {  	v23 =	vld [tilespmem:$0x15440]  }
0x45b: {  	v45 =	vld [tilespmem:s13+$0x1C2E0]  }
0x45c: {  	v46 =	vld [tilespmem:$0x15450]  }
0x45d: {  	v47 =	vld [tilespmem:s13+$0x1C2F0];
	v20 =	vadd.f32 v21, v20  }
0x45e: {  	v48 =	vld [tilespmem:$0x15420]  }
0x45f: {  	v29 =	vld [tilespmem:s13+$0x1D6E0];
	v22 =	vadd.f32 v22, v8;
	v8 =	vmax.f32 v20, $0.0e+00  }
0x460: {  	v30 =	vld [tilespmem:s13+$0x1D6D0];
	v49 =	vmul.f32 v8, v7  }
0x461: {  	v21 =	vld [tilespmem:$0x15430];
	v17 =	vadd.f32 v19, v17;
	v7 =	vmax.f32 v22, $0.0e+00  }
0x462: {  	v50 =	vld [tilespmem:s13+$0x1D6B0];
	v19 =	vmul.f32 v7, v11;
	v28 =	vadd.f32 $0.0e+00, v49  }
0x463: {  	v52 =	vld [tilespmem:s13+$0x1C690];
	v16 =	vadd.f32 v18, v16;
	v11 =	vmax.f32 v17, $0.0e+00  }
0x464: {  	v54 =	vld [tilespmem:s13+$0x1C6A0];
	v6 =	vadd.f32 v13, v6;
	v17 =	vmul.f32 v11, v48;
	v19 =	vadd.f32 v19, v28  }
0x465: {  	v55 =	vld [tilespmem:$0x154A0];
	v13 =	vmax.f32 v16, $0.0e+00  }
0x466: {  	v57 =	vld [tilespmem:s13+$0x1C6C0];
	v6 =	vmax.f32 v6, $0.0e+00;
	v16 =	vmul.f32 v13, v21;
	v17 =	vadd.f32 v17, v19  }
0x467: {  	v9 =	vadd.f32 v10, v9;
	v10 =	vmul.f32 v6, v23;
	v23 =	vld [tilespmem:s13+$0x1C680]  }
0x468: {  	v19 =	vld [tilespmem:s13+$0x1D680];
	v16 =	vadd.f32 v16, v17  }
0x469: {  	v14 =	vadd.f32 v14, v45;
	v20 =	vld [tilespmem:$0x15470];
	v9 =	vmax.f32 v9, $0.0e+00  }
0x46a: {  	v51 =	vmul.f32 v9, v46;
	v17 =	vld [tilespmem:s13+$0x1D690];
	v16 =	vadd.f32 v10, v16  }
0x46b: {  	v10 =	vmax.f32 v14, $0.0e+00;
	v14 =	vadd.f32 v15, v47;
	v15 =	vld [tilespmem:$0x15480]  }
0x46c: {  	v21 =	vld [tilespmem:s13+$0x1D6A0];
	v53 =	vmul.f32 v10, v12;
	v16 =	vadd.f32 v51, v16  }
0x46d: {  	v12 =	vmax.f32 v14, $0.0e+00;
	v14 =	vadd.f32 v19, v23;
	v19 =	vld [tilespmem:$0x15490]  }
0x46e: {  	v23 =	vld [tilespmem:s13+$0x1C6B0];
	v20 =	vmul.f32 v12, v20;
	v16 =	vadd.f32 v53, v16  }
0x46f: {  	v58 =	vld [tilespmem:s13+$0x1C6E0];
	v17 =	vadd.f32 v17, v52;
	v14 =	vmax.f32 v14, $0.0e+00  }
0x470: {  	v18 =	vld [tilespmem:s13+$0x1D6C0];
	v56 =	vmul.f32 v14, v15;
	v16 =	vadd.f32 v20, v16  }
0x471: {  	v15 =	vmax.f32 v17, $0.0e+00;
	v17 =	vadd.f32 v21, v54;
	v20 =	vld [tilespmem:$0x154B0]  }
0x472: {  	v21 =	vld [tilespmem:s13+$0x1C6D0];
	v19 =	vmul.f32 v15, v19;
	v25 =	vadd.f32 v56, v16  }
0x473: {  	v16 =	vmax.f32 v17, $0.0e+00;
	v17 =	vadd.f32 v50, v23;
	v23 =	vld [tilespmem:$0x154C0]  }
0x474: {  	v59 =	vld [tilespmem:$0x154D0];
	v24 =	vmul.f32 v16, v55;
	v19 =	vadd.f32 v19, v25  }
0x475: {  	v60 =	vld [tilespmem:s13+$0x1C6F0];
	v18 =	vadd.f32 v18, v57;
	v17 =	vmax.f32 v17, $0.0e+00  }
0x476: {  	v22 =	vld [tilespmem:s13+$0x1D6F0];
	v20 =	vmul.f32 v17, v20;
	v19 =	vadd.f32 v24, v19  }
0x477: {  	v61 =	vld [tilespmem:$0x154E0];
	v18 =	vmax.f32 v18, $0.0e+00;
	v21 =	vadd.f32 v30, v21  }
0x478: {  	v23 =	vmul.f32 v18, v23;
	v20 =	vadd.f32 v20, v19  }
0x479: {  	v62 =	vld [tilespmem:$0x154F0];
	v19 =	vmax.f32 v21, $0.0e+00;
	v21 =	vadd.f32 v29, v58  }
0x47a: {  	v25 =	vmul.f32 v19, v59;
	v23 =	vadd.f32 v23, v20  }
0x47b: {  	v20 =	vmax.f32 v21, $0.0e+00;
	v21 =	vadd.f32 v22, v60  }
0x47c: {  	v22 =	vmul.f32 v20, v61;
	v23 =	vadd.f32 v25, v23  }
0x47d: {  	v21 =	vmax.f32 v21, $0.0e+00  }
0x47e: {  	v63 =	vmul.f32 v21, v62;
	v22 =	vadd.f32 v22, v23;
	_ =	sdelay $0x1  }
0x47f: {  	v22 =	vadd.f32 v63, v22;
	_ =	sdelay $0x1  }
0x480: {  	(xrf2) =	vadd.scan.msk.f32 $0xffff, v22;
	_ =	sdelay $0x3  }
0x481: {  	v22 =	vld [tilespmem:s8+$0x0];
	_ =	sdelay $0x4  }
0x482: {  	(v2sf) =	vpush v22, $0x0  }
0x483: {  	v22, _, _ =	vpop (xrf2)  }
0x484: {  	v22 =	vbroadcast v22, $0xF;
	_ =	sdelay $0x1  }
0x485: {  	v22 =	vadd.f32 v22, v5;
	_ =	sdelay $0x1  }
0x486: {  	v22 =	vmul.f32 $1.442695020e+00, v22;
	_ =	sdelay $0x1  }
0x487: {  	(erf) = vpow2.f32 v22;
	_ =	sdelay $0x5  }
0x488: {  	s16 =	simm.f32 $1.000000000e+00;
	s21 =	sadd.s32 $0x13, s12  }
0x489: {  	s12 =	simm.s32 $0x0;
	p0 =	slt.s32 s21, s2;
	s29 =	spop (v2sf)  }
0x48a: {  	s16 =	simm.s32 @!p0 $0x0;
	s14 =	simm.s32 $0x180;
	s31 =	ssub.s32 s29, s9  }
0x48b: {  	s13 =	simm.s32 $0x200;
	s20 =	sshll.u32 s29, $0x7;
	s18 =	sshll.u32 s31, $0x8;
	v22 =	vpop (erf)  }
0x48c: {  	s20 =	sand.u32 $0x380, s20;
	s19 =	sshll.u32 s31, $0x6;
	v22 =	vmul.f32 s16, v22;
	s16 =	smov.u32 s8  }
.LBB2_20:
0x48d: {  	s21 =	sand.u32 $0xFFFFF800, s18  }
0x48e: {  	s16 =	sadd.s32 $0x2, s16;
	s18 =	smov.u32 s12;
	s12 =	sadd.s32 $0x2, s12  }
0x48f: {  	v8 =	vmul.f32 v22, v8;
	v7 =	vmul.f32 v22, v7;
	p0 =	slt.u32 s12, $0xE;
	s20 =	sor.u32 s20, s21  }
0x490: {  	v11 =	vmul.f32 v22, v11;
	v13 =	vmul.f32 v22, v13;
	s21 =	sor.u32 $0x10, s20  }
0x491: {  	v6 =	vmul.f32 v22, v6;
	s29 =	sor.u32 $0x20, s20;
	[tilespmem:s20+$0x0] =	vst.add.f32.msk $0xffff, v8;
	v8 =	vmul.f32 v22, v9  }
0x492: {  	v9 =	vmul.f32 v22, v12;
	[tilespmem:s21+$0x0] =	vst.add.f32.msk $0xffff, v7;
	s21 =	sor.u32 $0x30, s20;
	v7 =	vmul.f32 v22, v10  }
0x493: {  	[tilespmem:s29+$0x0] =	vst.add.f32.msk $0xffff, v11;
	s29 =	sor.u32 $0x40, s20  }
0x494: {  	[tilespmem:s21+$0x0] =	vst.add.f32.msk $0xffff, v13;
	s21 =	sor.u32 $0x50, s20  }
0x495: {  	[tilespmem:s29+$0x0] =	vst.add.f32.msk $0xffff, v6;
	s29 =	sor.u32 $0x60, s20  }
0x496: {  	v6 =	vmul.f32 v22, v14;
	[tilespmem:s21+$0x0] =	vst.add.f32.msk $0xffff, v8;
	s21 =	sor.u32 $0x70, s20  }
0x497: {  	[tilespmem:s29+$0x0] =	vst.add.f32.msk $0xffff, v7;
	s29 =	sor.u32 $0x400, s20;
	v7 =	vmul.f32 v22, v15  }
0x498: {  	v8 =	vmul.f32 v22, v16;
	[tilespmem:s21+$0x0] =	vst.add.f32.msk $0xffff, v9;
	s21 =	sor.u32 $0x410, s20  }
0x499: {  	[tilespmem:s29+$0x0] =	vst.add.f32.msk $0xffff, v6;
	s29 =	sor.u32 $0x420, s20;
	v6 =	vmul.f32 v22, v17  }
0x49a: {  	[tilespmem:s21+$0x0] =	vst.add.f32.msk $0xffff, v7;
	s21 =	sor.u32 $0x430, s20;
	v7 =	vmul.f32 v22, v18  }
0x49b: {  	[tilespmem:s29+$0x0] =	vst.add.f32.msk $0xffff, v8;
	s29 =	sor.u32 $0x440, s20;
	v8 =	vmul.f32 v22, v19  }
0x49c: {  	[tilespmem:s21+$0x0] =	vst.add.f32.msk $0xffff, v6;
	s21 =	sor.u32 $0x450, s20;
	v6 =	vmul.f32 v22, v20  }
0x49d: {  	[tilespmem:s29+$0x0] =	vst.add.f32.msk $0xffff, v7;
	s29 =	sor.u32 $0x460, s20;
	v7 =	vmul.f32 v22, v21  }
0x49e: {  	s20 =	sor.u32 $0x470, s20;
	[tilespmem:s21+$0x0] =	vst.add.f32.msk $0xffff, v8;
	v8 =	vmul.f32 v4, v22  }
0x49f: {  	s19 =	sshra.s32 s19, $0x2;
	[tilespmem:s29+$0x0] =	vst.add.f32.msk $0xffff, v6  }
0x4a0: {  	[tilespmem:s20+$0x0] =	vst.add.f32.msk $0xffff, v7  }
0x4a1: {  	[tilespmem:s19+$0x14000] =	vst.add.f32.msk $0xffff, v8  }
0x4a2: {  	v12 =	vld [tilespmem:$0x154D0]  }
0x4a3: {  	v15 =	vld [tilespmem:$0x154C0]  }
0x4a4: {  	v19 =	vld [tilespmem:$0x154B0]  }
0x4a5: {  	v20 =	vld [tilespmem:$0x154A0]  }
0x4a6: {  	v18 =	vld [tilespmem:$0x15490]  }
0x4a7: {  	v17 =	vld [tilespmem:$0x15480]  }
0x4a8: {  	v16 =	vld [tilespmem:$0x15470]  }
0x4a9: {  	v14 =	vld [tilespmem:$0x15460]  }
0x4aa: {  	v13 =	vld [tilespmem:$0x15450]  }
0x4ab: {  	s20 =	sadd.s32 $0xFFFFFF80, s14;
	v11 =	vld [tilespmem:$0x15440]  }
0x4ac: {  	s19 =	sand.u32 $0x800, s13;
	s20 =	sand.u32 $0x300, s20;
	v10 =	vld [tilespmem:$0x15430]  }
0x4ad: {  	s20 =	sor.u32 s20, s19;
	v9 =	vld [tilespmem:$0x15420]  }
0x4ae: {  	v6 =	vld [tilespmem:s20+$0x1C290]  }
0x4af: {  	v7 =	vld [tilespmem:s20+$0x1D290]  }
0x4b0: {  	v8 =	vld [tilespmem:s20+$0x1C280]  }
0x4b1: {  	v21 =	vld [tilespmem:s20+$0x1D280]  }
0x4b2: {  	v22 =	vld [tilespmem:$0x15400]  }
0x4b3: {  	v23 =	vld [tilespmem:$0x15410]  }
0x4b4: {  	v24 =	vld [tilespmem:s20+$0x1D2A0]  }
0x4b5: {  	v6 =	vadd.f32 v7, v6;
	v25 =	vld [tilespmem:s20+$0x1C2A0]  }
0x4b6: {  	v7 =	vadd.f32 v21, v8;
	v21 =	vld [tilespmem:s20+$0x1D2B0]  }
0x4b7: {  	v6 =	vmax.f32 v6, $0.0e+00;
	v26 =	vld [tilespmem:s20+$0x1C2B0]  }
0x4b8: {  	v7 =	vmax.f32 v7, $0.0e+00;
	v23 =	vmul.f32 v6, v23;
	v27 =	vld [tilespmem:s20+$0x1D2C0]  }
0x4b9: {  	v8 =	vmul.f32 v7, v22;
	v22 =	vld [tilespmem:s20+$0x1C2C0]  }
0x4ba: {  	v24 =	vadd.f32 v24, v25;
	v25 =	vld [tilespmem:s20+$0x1D2D0]  }
0x4bb: {  	v28 =	vadd.f32 $0.0e+00, v8;
	v29 =	vld [tilespmem:s20+$0x1C2D0]  }
0x4bc: {  	v8 =	vmax.f32 v24, $0.0e+00;
	v21 =	vadd.f32 v21, v26;
	v24 =	vld [tilespmem:s20+$0x1D2E0]  }
0x4bd: {  	v23 =	vadd.f32 v23, v28;
	v26 =	vmul.f32 v8, v9;
	v28 =	vld [tilespmem:s20+$0x1C2E0]  }
0x4be: {  	v9 =	vmax.f32 v21, $0.0e+00;
	v21 =	vadd.f32 v27, v22;
	v22 =	vld [tilespmem:s20+$0x1D2F0]  }
0x4bf: {  	v23 =	vadd.f32 v26, v23;
	v26 =	vmul.f32 v9, v10;
	v27 =	vld [tilespmem:s20+$0x1C2F0]  }
0x4c0: {  	v10 =	vmax.f32 v21, $0.0e+00;
	v21 =	vadd.f32 v25, v29;
	v25 =	vld [tilespmem:s20+$0x1D680]  }
0x4c1: {  	v23 =	vadd.f32 v26, v23;
	v26 =	vmul.f32 v10, v11;
	v29 =	vld [tilespmem:s20+$0x1C680]  }
0x4c2: {  	v11 =	vmax.f32 v21, $0.0e+00;
	v21 =	vadd.f32 v24, v28;
	v24 =	vld [tilespmem:s20+$0x1D690]  }
0x4c3: {  	v23 =	vadd.f32 v26, v23;
	v26 =	vmul.f32 v11, v13;
	v28 =	vld [tilespmem:s20+$0x1C690]  }
0x4c4: {  	v13 =	vmax.f32 v21, $0.0e+00;
	v21 =	vadd.f32 v22, v27;
	v22 =	vld [tilespmem:s20+$0x1D6A0]  }
0x4c5: {  	v23 =	vadd.f32 v26, v23;
	v26 =	vmul.f32 v13, v14;
	v27 =	vld [tilespmem:s20+$0x1C6A0]  }
0x4c6: {  	v14 =	vmax.f32 v21, $0.0e+00;
	v21 =	vadd.f32 v25, v29;
	v25 =	vld [tilespmem:s20+$0x1D6B0]  }
0x4c7: {  	v23 =	vadd.f32 v26, v23;
	v26 =	vmul.f32 v14, v16;
	v29 =	vld [tilespmem:s20+$0x1C6B0]  }
0x4c8: {  	v16 =	vmax.f32 v21, $0.0e+00;
	v21 =	vadd.f32 v24, v28;
	v24 =	vld [tilespmem:s20+$0x1D6C0]  }
0x4c9: {  	v23 =	vadd.f32 v26, v23;
	v26 =	vmul.f32 v16, v17;
	v28 =	vld [tilespmem:s20+$0x1C6C0]  }
0x4ca: {  	v17 =	vmax.f32 v21, $0.0e+00;
	v21 =	vadd.f32 v22, v27;
	v22 =	vld [tilespmem:s20+$0x1D6D0]  }
0x4cb: {  	v23 =	vadd.f32 v26, v23;
	v26 =	vmul.f32 v17, v18;
	v27 =	vld [tilespmem:s20+$0x1C6D0]  }
0x4cc: {  	v18 =	vmax.f32 v21, $0.0e+00;
	v21 =	vadd.f32 v25, v29;
	v25 =	vld [tilespmem:s20+$0x1D6E0]  }
0x4cd: {  	v23 =	vadd.f32 v26, v23;
	v26 =	vmul.f32 v18, v20;
	v29 =	vld [tilespmem:s20+$0x1C6E0]  }
0x4ce: {  	v20 =	vmax.f32 v21, $0.0e+00;
	v21 =	vadd.f32 v24, v28;
	v24 =	vld [tilespmem:s20+$0x1D6F0]  }
0x4cf: {  	v23 =	vadd.f32 v26, v23;
	v26 =	vmul.f32 v20, v19;
	v28 =	vld [tilespmem:s20+$0x1C6F0]  }
0x4d0: {  	v19 =	vmax.f32 v21, $0.0e+00;
	v21 =	vadd.f32 v22, v27;
	v22 =	vld [tilespmem:$0x154E0]  }
0x4d1: {  	v23 =	vadd.f32 v26, v23;
	v15 =	vmul.f32 v19, v15  }
0x4d2: {  	v21 =	vmax.f32 v21, $0.0e+00;
	v25 =	vadd.f32 v25, v29;
	v26 =	vld [tilespmem:$0x154F0]  }
0x4d3: {  	v15 =	vadd.f32 v15, v23;
	v12 =	vmul.f32 v21, v12  }
0x4d4: {  	v23 =	vmax.f32 v25, $0.0e+00;
	v24 =	vadd.f32 v24, v28  }
0x4d5: {  	v12 =	vadd.f32 v12, v15;
	v15 =	vmul.f32 v23, v22  }
0x4d6: {  	v22 =	vmax.f32 v24, $0.0e+00  }
0x4d7: {  	v12 =	vadd.f32 v15, v12;
	v15 =	vmul.f32 v22, v26;
	_ =	sdelay $0x1  }
0x4d8: {  	v12 =	vadd.f32 v15, v12;
	_ =	sdelay $0x1  }
0x4d9: {  	(xrf2) =	vadd.scan.msk.f32 $0xffff, v12;
	_ =	sdelay $0x5  }
0x4da: {  	v12 =	vld [tilespmem:s16+$0xFFFFFFFF];
	_ =	sdelay $0x3  }
0x4db: {  	v15, _, _ =	vpop (xrf2)  }
0x4dc: {  	v15 =	vbroadcast v15, $0xF;
	(v2sf) =	vpush v12, $0x0;
	_ =	sdelay $0x1  }
0x4dd: {  	v12 =	vadd.f32 v15, v5;
	_ =	sdelay $0x1  }
0x4de: {  	v12 =	vmul.f32 $1.442695020e+00, v12;
	_ =	sdelay $0x1  }
0x4df: {  	(erf) = vpow2.f32 v12;
	_ =	sdelay $0x5  }
0x4e0: {  	s18 =	sadd.s32 s18, s10  }
0x4e1: {  	s20 =	sadd.s32 $0x12, s18;
	s18 =	sadd.s32 $0x13, s18  }
0x4e2: {  	p2 =	slt.s32 s20, s2;
	p1 =	slt.s32 s18, s2;
	s18 =	simm.f32 $1.000000000e+00  }
0x4e3: {  	s18 =	simm.s32 @!p2 $0x0;
	s20 =	spop (v2sf);
	v12 =	vpop (erf)  }
0x4e4: {  	s21 =	ssub.s32 s20, s9;
	v12 =	vmul.f32 s18, v12;
	s20 =	sshll.u32 s20, $0x7  }
0x4e5: {  	s29 =	sshll.u32 s21, $0x8;
	s18 =	sshll.u32 s21, $0x6  }
0x4e6: {  	s20 =	sand.u32 $0x380, s20;
	v7 =	vmul.f32 v12, v7;
	s21 =	sand.u32 $0xFFFFF800, s29;
	v6 =	vmul.f32 v12, v6  }
0x4e7: {  	s20 =	sor.u32 s20, s21  }
0x4e8: {  	[tilespmem:s20+$0x0] =	vst.add.f32.msk $0xffff, v7;
	s21 =	sor.u32 $0x10, s20;
	v7 =	vmul.f32 v12, v8  }
0x4e9: {  	[tilespmem:s21+$0x0] =	vst.add.f32.msk $0xffff, v6;
	s21 =	sor.u32 $0x20, s20;
	v6 =	vmul.f32 v12, v9  }
0x4ea: {  	[tilespmem:s21+$0x0] =	vst.add.f32.msk $0xffff, v7;
	s21 =	sor.u32 $0x30, s20;
	v7 =	vmul.f32 v12, v10  }
0x4eb: {  	[tilespmem:s21+$0x0] =	vst.add.f32.msk $0xffff, v6;
	s21 =	sor.u32 $0x40, s20;
	v6 =	vmul.f32 v12, v11  }
0x4ec: {  	[tilespmem:s21+$0x0] =	vst.add.f32.msk $0xffff, v7;
	s21 =	sor.u32 $0x50, s20;
	v7 =	vmul.f32 v12, v13  }
0x4ed: {  	[tilespmem:s21+$0x0] =	vst.add.f32.msk $0xffff, v6;
	s21 =	sor.u32 $0x60, s20;
	v6 =	vmul.f32 v12, v14  }
0x4ee: {  	[tilespmem:s21+$0x0] =	vst.add.f32.msk $0xffff, v7;
	s21 =	sor.u32 $0x70, s20;
	v7 =	vmul.f32 v12, v16  }
0x4ef: {  	[tilespmem:s21+$0x0] =	vst.add.f32.msk $0xffff, v6;
	s21 =	sor.u32 $0x400, s20;
	v6 =	vmul.f32 v12, v17  }
0x4f0: {  	[tilespmem:s21+$0x0] =	vst.add.f32.msk $0xffff, v7;
	s21 =	sor.u32 $0x410, s20;
	v7 =	vmul.f32 v12, v18  }
0x4f1: {  	[tilespmem:s21+$0x0] =	vst.add.f32.msk $0xffff, v6;
	s21 =	sor.u32 $0x420, s20;
	v6 =	vmul.f32 v12, v20  }
0x4f2: {  	[tilespmem:s21+$0x0] =	vst.add.f32.msk $0xffff, v7;
	s21 =	sor.u32 $0x430, s20;
	v7 =	vmul.f32 v12, v19  }
0x4f3: {  	[tilespmem:s21+$0x0] =	vst.add.f32.msk $0xffff, v6;
	s21 =	sor.u32 $0x440, s20;
	v6 =	vmul.f32 v12, v21  }
0x4f4: {  	[tilespmem:s21+$0x0] =	vst.add.f32.msk $0xffff, v7;
	s21 =	sor.u32 $0x450, s20;
	v7 =	vmul.f32 v12, v23  }
0x4f5: {  	[tilespmem:s21+$0x0] =	vst.add.f32.msk $0xffff, v6;
	s21 =	sor.u32 $0x460, s20;
	v6 =	vmul.f32 v12, v22  }
0x4f6: {  	s20 =	sor.u32 $0x470, s20;
	[tilespmem:s21+$0x0] =	vst.add.f32.msk $0xffff, v7;
	v7 =	vmul.f32 v4, v12  }
0x4f7: {  	s18 =	sshra.s32 s18, $0x2;
	[tilespmem:s20+$0x0] =	vst.add.f32.msk $0xffff, v6;
	s20 =	sand.u32 $0x380, s14  }
0x4f8: {  	[tilespmem:s18+$0x14000] =	vst.add.f32.msk $0xffff, v7;
	s18 =	sor.u32 s19, s20  }
0x4f9: {  	v7 =	vld [tilespmem:s18+$0x1C2D0]  }
0x4fa: {  	v8 =	vld [tilespmem:s18+$0x1D2D0]  }
0x4fb: {  	v6 =	vld [tilespmem:s18+$0x1C2C0]  }
0x4fc: {  	v12 =	vld [tilespmem:$0x15460]  }
0x4fd: {  	v9 =	vld [tilespmem:s18+$0x1D2C0]  }
0x4fe: {  	v10 =	vld [tilespmem:s18+$0x1D2E0]  }
0x4ff: {  	v11 =	vld [tilespmem:$0x15410]  }
0x500: {  	v13 =	vld [tilespmem:$0x15400]  }
0x501: {  	v14 =	vld [tilespmem:s18+$0x1D2F0]  }
0x502: {  	v15 =	vld [tilespmem:s18+$0x1C2B0]  }
0x503: {  	v16 =	vld [tilespmem:s18+$0x1C2A0]  }
0x504: {  	v17 =	vld [tilespmem:s18+$0x1D2B0]  }
0x505: {  	v18 =	vld [tilespmem:s18+$0x1D2A0]  }
0x506: {  	v19 =	vld [tilespmem:s18+$0x1C290]  }
0x507: {  	v20 =	vld [tilespmem:s18+$0x1C280]  }
0x508: {  	v21 =	vld [tilespmem:s18+$0x1D290]  }
0x509: {  	v22 =	vld [tilespmem:s18+$0x1D280];
	v15 =	vadd.f32 v17, v15  }
0x50a: {  	v16 =	vadd.f32 v18, v16;
	v17 =	vld [tilespmem:$0x15440]  }
0x50b: {  	v18 =	vld [tilespmem:s18+$0x1C2E0]  }
0x50c: {  	v6 =	vadd.f32 v9, v6;
	v23 =	vld [tilespmem:$0x15450]  }
0x50d: {  	v9 =	vadd.f32 v21, v19;
	v19 =	vld [tilespmem:s18+$0x1C2F0]  }
0x50e: {  	v6 =	vmax.f32 v6, $0.0e+00;
	v20 =	vadd.f32 v22, v20;
	v21 =	vld [tilespmem:$0x15430];
	v22 =	vadd.f32 v8, v7  }
0x50f: {  	v7 =	vmax.f32 v9, $0.0e+00;
	v24 =	vld [tilespmem:$0x15420];
	v17 =	vmul.f32 v6, v17  }
0x510: {  	v8 =	vmax.f32 v20, $0.0e+00;
	v9 =	vmax.f32 v22, $0.0e+00;
	v10 =	vadd.f32 v10, v18;
	v18 =	vld [tilespmem:$0x15470]  }
0x511: {  	v13 =	vmul.f32 v8, v13;
	v20 =	vmul.f32 v9, v23;
	v22 =	vld [tilespmem:s18+$0x1D6F0]  }
0x512: {  	v23 =	vmul.f32 v7, v11;
	v10 =	vmax.f32 v10, $0.0e+00;
	v14 =	vadd.f32 v14, v19;
	v25 =	vld [tilespmem:s18+$0x1D6E0]  }
0x513: {  	v11 =	vmax.f32 v16, $0.0e+00;
	v13 =	vadd.f32 $0.0e+00, v13;
	v16 =	vmul.f32 v10, v12;
	v19 =	vld [tilespmem:s18+$0x1D6D0]  }
0x514: {  	v24 =	vmul.f32 v11, v24;
	v12 =	vmax.f32 v14, $0.0e+00;
	v26 =	vld [tilespmem:s18+$0x1D6C0]  }
0x515: {  	v14 =	vadd.f32 v23, v13;
	v13 =	vmax.f32 v15, $0.0e+00;
	v15 =	vmul.f32 v12, v18;
	v18 =	vld [tilespmem:s18+$0x1D6B0]  }
0x516: {  	v21 =	vmul.f32 v13, v21;
	v23 =	vld [tilespmem:s18+$0x1D6A0]  }
0x517: {  	v14 =	vadd.f32 v24, v14;
	v24 =	vld [tilespmem:s18+$0x1D680]  }
0x518: {  	v27 =	vld [tilespmem:s18+$0x1C680]  }
0x519: {  	v14 =	vadd.f32 v21, v14;
	v21 =	vld [tilespmem:s18+$0x1D690]  }
0x51a: {  	v28 =	vld [tilespmem:s18+$0x1C690]  }
0x51b: {  	v14 =	vadd.f32 v17, v14;
	v17 =	vld [tilespmem:$0x15480]  }
0x51c: {  	v29 =	vld [tilespmem:s18+$0x1C6A0]  }
0x51d: {  	v14 =	vadd.f32 v20, v14;
	v20 =	vadd.f32 v24, v27;
	v24 =	vld [tilespmem:$0x15490]  }
0x51e: {  	v27 =	vld [tilespmem:s18+$0x1C6B0]  }
0x51f: {  	v16 =	vadd.f32 v16, v14;
	v14 =	vmax.f32 v20, $0.0e+00;
	v20 =	vadd.f32 v21, v28;
	v21 =	vld [tilespmem:$0x154A0]  }
0x520: {  	v17 =	vmul.f32 v14, v17;
	v28 =	vld [tilespmem:s18+$0x1C6C0]  }
0x521: {  	v16 =	vadd.f32 v15, v16;
	v15 =	vmax.f32 v20, $0.0e+00;
	v20 =	vadd.f32 v23, v29;
	v23 =	vld [tilespmem:$0x154B0]  }
0x522: {  	v24 =	vmul.f32 v15, v24;
	v29 =	vld [tilespmem:s18+$0x1C6D0]  }
0x523: {  	v17 =	vadd.f32 v17, v16;
	v16 =	vmax.f32 v20, $0.0e+00;
	v18 =	vadd.f32 v18, v27;
	v20 =	vld [tilespmem:$0x154C0]  }
0x524: {  	v21 =	vmul.f32 v16, v21;
	v27 =	vld [tilespmem:s18+$0x1C6E0]  }
0x525: {  	v24 =	vadd.f32 v24, v17;
	v17 =	vmax.f32 v18, $0.0e+00;
	v18 =	vadd.f32 v26, v28;
	v26 =	vld [tilespmem:$0x154D0]  }
0x526: {  	v23 =	vmul.f32 v17, v23;
	v28 =	vld [tilespmem:s18+$0x1C6F0]  }
0x527: {  	v21 =	vadd.f32 v21, v24;
	v18 =	vmax.f32 v18, $0.0e+00;
	v19 =	vadd.f32 v19, v29;
	v24 =	vld [tilespmem:$0x154E0]  }
0x528: {  	v20 =	vmul.f32 v18, v20  }
0x529: {  	v21 =	vadd.f32 v23, v21;
	v19 =	vmax.f32 v19, $0.0e+00;
	v23 =	vadd.f32 v25, v27;
	v25 =	vld [tilespmem:$0x154F0]  }
0x52a: {  	v26 =	vmul.f32 v19, v26  }
0x52b: {  	v21 =	vadd.f32 v20, v21;
	v20 =	vmax.f32 v23, $0.0e+00;
	v22 =	vadd.f32 v22, v28  }
0x52c: {  	v23 =	vmul.f32 v20, v24  }
0x52d: {  	v24 =	vadd.f32 v26, v21;
	v21 =	vmax.f32 v22, $0.0e+00  }
0x52e: {  	v22 =	vmul.f32 v21, v25  }
0x52f: {  	v23 =	vadd.f32 v23, v24;
	_ =	sdelay $0x1  }
0x530: {  	v22 =	vadd.f32 v22, v23;
	_ =	sdelay $0x1  }
0x531: {  	(xrf2) =	vadd.scan.msk.f32 $0xffff, v22;
	_ =	sdelay $0x4  }
0x532: {  	v22 =	vld [tilespmem:s16+$0x0];
	_ =	sdelay $0x4  }
0x533: {  	(v2sf) =	vpush v22, $0x0;
	v22, _, _ =	vpop (xrf2)  }
0x534: {  	v22 =	vbroadcast v22, $0xF;
	_ =	sdelay $0x1  }
0x535: {  	v22 =	vadd.f32 v22, v5;
	_ =	sdelay $0x1  }
0x536: {  	v22 =	vmul.f32 $1.442695020e+00, v22;
	_ =	sdelay $0x1  }
0x537: {  	(erf) = vpow2.f32 v22;
	_ =	sdelay $0x5  }
.Ltmp15:
0x538: {  	(pc) =	sbr.rel @p0 .LBB2_20-.Ltmp15, $4  }
0x539: {  	s18 =	simm.f32 $1.000000000e+00  }
0x53a: {  	s13 =	sadd.s32 $0x200, s13;
	s18 =	simm.s32 @!p1 $0x0;
	s19 =	spop (v2sf)  }
0x53b: {  	s14 =	sadd.s32 $0x100, s14;
	s21 =	ssub.s32 s19, s9;
	s19 =	sshll.u32 s19, $0x7;
	v22 =	vpop (erf)  }
0x53c: {  	v22 =	vmul.f32 s18, v22;
	s18 =	sshll.u32 s21, $0x8;
	s20 =	sand.u32 $0x380, s19;
	s19 =	sshll.u32 s21, $0x6  }
.Ltmp16:
0x53d: {  	_ = 	snop;
	(pc) =	sbr.rel .LBB2_21-.Ltmp16, $1  }
0x53e: {  	_ =	sdelay $0x3  }
.LBB2_25:
0x53f: {  	_ =	sfence.sel $0x180000  }
0x540: {  	[bflag:$0x0] =	sbarrier.arrive $0xFFFF  }
0x541: {  	_ =	strace $0x90000047  }
0x542: {  	s0 =	stileid.u32;
	[bflag:$0x2] =	sbarrier.arrive $0xFFFF  }
0x543: {  	p0 =	sne.s32 s0, $0x0;
	s0 =	rddreg [dreg:$0x3]  }
0x544: {  	s0 =	sadd.s32 @!p0 $0x100000, s0  }
0x545: {  	[sflag:s0] =	ssyncadd.tile.s32 @!p0 $0x1;
	_ =	shalt  }
.Lfunc_end2:
_tile_overlayer_lowered:
.L_overlay_start_2:
0x546: {  	(tag) =	ssettag $0x2  }
0x547: {  	s0 =	rddreg [dreg:$0x0];
	s2 =	stileid.u32  }
0x548: {  	s1 =	rddreg [dreg:$0x1];
	p0 =	sne.s32 s2, $0x0  }
0x549: {  	s3 =	rddreg [dreg:$0x2];
	[bflag:$0x3] =	sbarrier.arrive $0xFFFF;
	s2 =	simm.s32 @!p0 $0x1C07  }
0x54a: {  	[timem:s3], [sflag:s2] =	dma.local @!p0 [hbm:s0], s1  }
0x54b: {  	s0 =	simm.s32 @!p0 $0x7  }
0x54c: {  	_ =	swait.ge @!p0 [sflag:s0], s1  }
0x54d: {  	s1 =	ssub.s32 @!p0 $0x0, s1;
	[sflag:s0] =	ssyncset.done @!p0 $0x0  }
0x54e: {  	[sflag:s0] =	ssyncadd.s32 @!p0 s1  }
0x54f: {  	[bflag:$0x3] =	sbarrier.arrive $0xFFFF  }
0x550: {  	_ =	shalt  }

</sc_bundles>
